<compile_context>
chip_gen: v7x
topology: tpu7x:2x2x1
jax: 0.10.2.dev20260603
libtpu: 0.0.44.dev20260713+nightly
codegen_flags: <defaults>
</compile_context>

<pallas_src>
import math

import jax
import jax.numpy as jnp
from jax import lax
from jax.experimental import pallas as pl
from jax.experimental.pallas import tpu as pltpu
from jax.experimental.pallas import tpu_sc as plsc

D_MODEL = 512
LANES = 16
NUM_CORES = 2
NUM_SUBCORES = 16
NUM_WORKERS = NUM_CORES * NUM_SUBCORES
SCALE = math.sqrt(D_MODEL)

CHUNK = 16
NBUF = 8


def _scale_rows(buf_v):
    def row_body(r, carry):
        for g in range(D_MODEL // LANES):
            sl = pl.ds(g * LANES, LANES)
            buf_v[r, sl] = buf_v[r, sl] * SCALE
        return carry

    lax.fori_loop(0, buf_v.shape[0], row_body, 0)


def _emb_body(idx_hbm, table_hbm, out_hbm, idx_v, *scratch):
    bufs = scratch[:NBUF]
    gsems = scratch[NBUF : 2 * NBUF]
    osems = scratch[2 * NBUF :]

    cid = lax.axis_index("c")
    sid = lax.axis_index("s")
    wid = cid * NUM_SUBCORES + sid

    seq = idx_hbm.shape[1]
    cpw = idx_v.shape[0]
    n_chunks = cpw // CHUNK
    n_rounds = n_chunks // NBUF
    wpb = seq // cpw

    bat = wid // wpb
    soff = (wid % wpb) * cpw
    obase = wid * cpw

    pltpu.sync_copy(idx_hbm.at[bat, pl.ds(soff, cpw)], idx_v)

    def gather(ch, b):
        return pltpu.async_copy(
            table_hbm.at[idx_v.at[pl.ds(ch * CHUNK, CHUNK)]], bufs[b], gsems[b]
        )

    def out_copy(ch, b):
        return pltpu.async_copy(
            bufs[b], out_hbm.at[pl.ds(obase + ch * CHUNK, CHUNK)], osems[b]
        )

    for b in range(NBUF):
        gather(b, b)

    def round_body(r, carry):
        base = r * NBUF
        for b in range(NBUF):
            ch = base + b
            pltpu.make_async_copy(
                table_hbm.at[idx_v.at[pl.ds(0, CHUNK)]], bufs[b], gsems[b]
            ).wait()
            _scale_rows(bufs[b])
            out_copy(ch, b)

            @pl.when(r < n_rounds - 1)
            def _():
                pltpu.make_async_copy(
                    bufs[b], out_hbm.at[pl.ds(0, CHUNK)], osems[b]
                ).wait()
                gather(ch + NBUF, b)

        return carry

    lax.fori_loop(0, n_rounds, round_body, 0)

    for b in range(NBUF):
        pltpu.make_async_copy(bufs[b], out_hbm.at[pl.ds(0, CHUNK)], osems[b]).wait()


def kernel(x, table):
    b, s = x.shape
    n_total = b * s
    assert n_total % (NUM_WORKERS * CHUNK) == 0
    idx = x.astype(jnp.int32)

    mesh = plsc.VectorSubcoreMesh(
        core_axis_name="c",
        subcore_axis_name="s",
        num_cores=NUM_CORES,
        num_subcores=NUM_SUBCORES,
    )
    out = pl.kernel(
        _emb_body,
        out_type=jax.ShapeDtypeStruct((n_total, D_MODEL), jnp.float32),
        mesh=mesh,
        scratch_types=(
            [pltpu.VMEM((n_total // NUM_WORKERS,), jnp.int32)]
            + [pltpu.VMEM((CHUNK, D_MODEL), jnp.float32)] * NBUF
            + [pltpu.SemaphoreType.DMA] * (2 * NBUF)
        ),
    )(idx, table)
    return out.reshape(b, s, D_MODEL)

# --- scband reference (transcript-rebuilt; emitter-appended) ---
"""Pipeline reference for scband-embeddings-19258633355329 (READ-ONLY COPY).

The authoritative reference and input builder live on the scoring server;
editing this copy changes nothing except your own understanding.
"""

import math
import jax, jax.numpy as jnp
import numpy as np

VOCAB = 100000
D_MODEL = 512
BATCH = 4
SEQ = 4096

def setup_inputs(seed: int = 0) -> dict:
    key = jax.random.key(seed)
    k1, k2 = jax.random.split(key)
    x = jax.random.randint(k1, (BATCH, SEQ), 0, VOCAB, dtype=jnp.int64 if jax.config.jax_enable_x64 else jnp.int32)
    table = jax.random.normal(k2, (VOCAB, D_MODEL), dtype=jnp.float32) * 0.02
    return {"x": x, "table": table}

def reference(x, table):
    # Embedding lookup followed by sqrt(d_model) scaling, faithful to nn.Embedding(x) * sqrt(d_model)
    emb = jnp.take(table, x, axis=0)
    return emb * math.sqrt(D_MODEL)

if __name__ == "__main__":
    import jax
    _d = setup_inputs()
    print(jax.jit(kernel)(*tuple(_d.values())))

</pallas_src>

<mosaic_0001>
#map = affine_map<(d0, d1) -> (0, 0)>
module attributes {stable_mosaic.version = 14 : i64} {
  func.func @_emb_body(%arg0: i32, %arg1: i32, %arg2: memref<4x4096xi32, #tpu.memory_space<hbm>>, %arg3: memref<100000x512xf32, #tpu.memory_space<hbm>>, %arg4: memref<16384x512xf32, #tpu.memory_space<hbm>>, %arg5: memref<512xi32, #tpu.memory_space<vmem>>, %arg6: memref<16x512xf32, #tpu.memory_space<vmem>>, %arg7: memref<16x512xf32, #tpu.memory_space<vmem>>, %arg8: memref<16x512xf32, #tpu.memory_space<vmem>>, %arg9: memref<16x512xf32, #tpu.memory_space<vmem>>, %arg10: memref<16x512xf32, #tpu.memory_space<vmem>>, %arg11: memref<16x512xf32, #tpu.memory_space<vmem>>, %arg12: memref<16x512xf32, #tpu.memory_space<vmem>>, %arg13: memref<16x512xf32, #tpu.memory_space<vmem>>, %arg14: memref<!tpu.dma_semaphore, #tpu.memory_space<semaphore_mem>>, %arg15: memref<!tpu.dma_semaphore, #tpu.memory_space<semaphore_mem>>, %arg16: memref<!tpu.dma_semaphore, #tpu.memory_space<semaphore_mem>>, %arg17: memref<!tpu.dma_semaphore, #tpu.memory_space<semaphore_mem>>, %arg18: memref<!tpu.dma_semaphore, #tpu.memory_space<semaphore_mem>>, %arg19: memref<!tpu.dma_semaphore, #tpu.memory_space<semaphore_mem>>, %arg20: memref<!tpu.dma_semaphore, #tpu.memory_space<semaphore_mem>>, %arg21: memref<!tpu.dma_semaphore, #tpu.memory_space<semaphore_mem>>, %arg22: memref<!tpu.dma_semaphore, #tpu.memory_space<semaphore_mem>>, %arg23: memref<!tpu.dma_semaphore, #tpu.memory_space<semaphore_mem>>, %arg24: memref<!tpu.dma_semaphore, #tpu.memory_space<semaphore_mem>>, %arg25: memref<!tpu.dma_semaphore, #tpu.memory_space<semaphore_mem>>, %arg26: memref<!tpu.dma_semaphore, #tpu.memory_space<semaphore_mem>>, %arg27: memref<!tpu.dma_semaphore, #tpu.memory_space<semaphore_mem>>, %arg28: memref<!tpu.dma_semaphore, #tpu.memory_space<semaphore_mem>>, %arg29: memref<!tpu.dma_semaphore, #tpu.memory_space<semaphore_mem>>) attributes {dimension_semantics = [#tpu.dimension_semantics<core_parallel>, #tpu.dimension_semantics<subcore_parallel>], iteration_bounds = array<i64: 2, 16>, scalar_prefetch = 0 : i64, scratch_operands = 25 : i64, tpu.core_type = #tpu.core_type<sc_vector_subcore>, window_params = [{transform_indices = #map}, {transform_indices = #map}, {transform_indices = #map}]} {
    %mul3A = arith.constant 16 : i32
    %mul3A_0 = arith.muli %arg0, %mul3A : i32
    %add3A = arith.addi %mul3A_0, %arg1 : i32
    %jit3A = arith.constant 8 : i32
    %div3A = arith.divsi %add3A, %jit3A : i32
    %sign3A = arith.constant 0 : i32
    %sign3A_1 = arith.cmpi sgt, %add3A, %sign3A : i32
    %sign3A_2 = arith.extui %sign3A_1 : i1 to i32
    %sign3A_3 = arith.constant 0 : i32
    %sign3A_4 = arith.cmpi slt, %add3A, %sign3A_3 : i32
    %sign3A_5 = arith.extui %sign3A_4 : i1 to i32
    %sign3A_6 = arith.subi %sign3A_2, %sign3A_5 : i32
    %sign3A_7 = arith.constant 0 : i32
    %sign3A_8 = arith.cmpi sgt, %jit3A, %sign3A_7 : i32
    %sign3A_9 = arith.extui %sign3A_8 : i1 to i32
    %sign3A_10 = arith.constant 0 : i32
    %sign3A_11 = arith.cmpi slt, %jit3A, %sign3A_10 : i32
    %sign3A_12 = arith.extui %sign3A_11 : i1 to i32
    %sign3A_13 = arith.subi %sign3A_9, %sign3A_12 : i32
    %ne3A = arith.cmpi ne, %sign3A_6, %sign3A_13 : i32
    %rem3A = arith.remsi %add3A, %jit3A : i32
    %ne3A_14 = arith.constant 0 : i32
    %ne3A_15 = arith.cmpi ne, %rem3A, %ne3A_14 : i32
    %and3A = arith.andi %ne3A, %ne3A_15 : i1
    %sub3A = arith.constant 1 : i32
    %sub3A_16 = arith.subi %div3A, %sub3A : i32
    %select_n3A = arith.select %and3A, %sub3A_16, %div3A : i32
    %jit3A_17 = arith.constant 8 : i32
    %eq3A = arith.constant 0 : i32
    %eq3A_18 = arith.cmpi eq, %jit3A_17, %eq3A : i32
    %jit3A_19 = arith.constant 1 : i32
    %select_n3A_20 = arith.select %eq3A_18, %jit3A_19, %jit3A_17 : i32
    %rem3A_21 = arith.remsi %add3A, %select_n3A_20 : i32
    %ne3A_22 = arith.constant 0 : i32
    %ne3A_23 = arith.cmpi ne, %rem3A_21, %ne3A_22 : i32
    %lt3A = arith.constant 0 : i32
    %lt3A_24 = arith.cmpi slt, %rem3A_21, %lt3A : i32
    %lt3A_25 = arith.constant 0 : i32
    %lt3A_26 = arith.cmpi slt, %select_n3A_20, %lt3A_25 : i32
    %ne3A_27 = arith.xori %lt3A_24, %lt3A_26 : i1
    %and3A_28 = arith.andi %ne3A_27, %ne3A_23 : i1
    %add3A_29 = arith.addi %rem3A_21, %select_n3A_20 : i32
    %select_n3A_30 = arith.select %and3A_28, %add3A_29, %rem3A_21 : i32
    %mul3A_31 = arith.constant 512 : i32
    %mul3A_32 = arith.muli %select_n3A_30, %mul3A_31 : i32
    %mul3A_33 = arith.constant 512 : i32
    %mul3A_34 = arith.muli %add3A, %mul3A_33 : i32
    "tpu.region"() ({
      %run_scoped3A = tpu.sem_alloc : memref<!tpu.dma_semaphore, #tpu.memory_space<semaphore_mem>>
      %dma_start3A_126 = tpu.memref_slice %arg2[%select_n3A, %mul3A_32] : memref<4x4096xi32, #tpu.memory_space<hbm>> -> memref<1x512xi32, #tpu.memory_space<hbm>>
      %dma_start3A_127 = tpu.memref_squeeze %dma_start3A_126 : memref<1x512xi32, #tpu.memory_space<hbm>> -> memref<512xi32, #tpu.memory_space<hbm>>
      %dma_start3A_128 = tpu.memref_slice %arg2[%select_n3A, %mul3A_32] : memref<4x4096xi32, #tpu.memory_space<hbm>> -> memref<1x512xi32, #tpu.memory_space<hbm>>
      %dma_start3A_129 = tpu.memref_squeeze %dma_start3A_128 : memref<1x512xi32, #tpu.memory_space<hbm>> -> memref<512xi32, #tpu.memory_space<hbm>>
      tpu.enqueue_dma source(%dma_start3A_129 : memref<512xi32, #tpu.memory_space<hbm>>) target(%arg5 : memref<512xi32, #tpu.memory_space<vmem>>) target_semaphore(%run_scoped3A : memref<!tpu.dma_semaphore, #tpu.memory_space<semaphore_mem>>)
      %dma_wait3A_130 = tpu.memref_slice %arg2[%select_n3A, %mul3A_32] : memref<4x4096xi32, #tpu.memory_space<hbm>> -> memref<1x512xi32, #tpu.memory_space<hbm>>
      %dma_wait3A_131 = tpu.memref_squeeze %dma_wait3A_130 : memref<1x512xi32, #tpu.memory_space<hbm>> -> memref<512xi32, #tpu.memory_space<hbm>>
      %dma_wait3A_132 = tpu.memref_slice %arg2[%select_n3A, %mul3A_32] : memref<4x4096xi32, #tpu.memory_space<hbm>> -> memref<1x512xi32, #tpu.memory_space<hbm>>
      %dma_wait3A_133 = tpu.memref_squeeze %dma_wait3A_132 : memref<1x512xi32, #tpu.memory_space<hbm>> -> memref<512xi32, #tpu.memory_space<hbm>>
      tpu.wait_dma2 semaphore(%run_scoped3A : memref<!tpu.dma_semaphore, #tpu.memory_space<semaphore_mem>>) src(%dma_wait3A_133 : memref<512xi32, #tpu.memory_space<hbm>>) dst(%arg5 : memref<512xi32, #tpu.memory_space<vmem>>)
      tpu.yield
    }) : () -> ()
    %dma_start3A = arith.constant 0 : i32
    %dma_start3A_35 = tpu.memref_slice %arg5[%dma_start3A] : memref<512xi32, #tpu.memory_space<vmem>> -> memref<16xi32, #tpu.memory_space<vmem>>
    %dma_start3A_36 = arith.constant 0 : i32
    %dma_start3A_37 = arith.constant 0 : i32
    %dma_start3A_38 = tpu.memref_slice %arg3[%dma_start3A_36, %dma_start3A_37] : memref<100000x512xf32, #tpu.memory_space<hbm>> -> memref<100000x512xf32, #tpu.memory_space<hbm>>
    tpu.enqueue_indirect_dma source(%dma_start3A_38 : memref<100000x512xf32, #tpu.memory_space<hbm>>) target(%arg6 : memref<16x512xf32, #tpu.memory_space<vmem>>) offsets(%dma_start3A_35 : memref<16xi32, #tpu.memory_space<vmem>>) semaphore(%arg14 : memref<!tpu.dma_semaphore, #tpu.memory_space<semaphore_mem>>)
    %dma_start3A_39 = arith.constant 16 : i32
    %dma_start3A_40 = tpu.memref_slice %arg5[%dma_start3A_39] : memref<512xi32, #tpu.memory_space<vmem>> -> memref<16xi32, #tpu.memory_space<vmem>>
    %dma_start3A_41 = arith.constant 0 : i32
    %dma_start3A_42 = arith.constant 0 : i32
    %dma_start3A_43 = tpu.memref_slice %arg3[%dma_start3A_41, %dma_start3A_42] : memref<100000x512xf32, #tpu.memory_space<hbm>> -> memref<100000x512xf32, #tpu.memory_space<hbm>>
    tpu.enqueue_indirect_dma source(%dma_start3A_43 : memref<100000x512xf32, #tpu.memory_space<hbm>>) target(%arg7 : memref<16x512xf32, #tpu.memory_space<vmem>>) offsets(%dma_start3A_40 : memref<16xi32, #tpu.memory_space<vmem>>) semaphore(%arg15 : memref<!tpu.dma_semaphore, #tpu.memory_space<semaphore_mem>>)
    %dma_start3A_44 = arith.constant 32 : i32
    %dma_start3A_45 = tpu.memref_slice %arg5[%dma_start3A_44] : memref<512xi32, #tpu.memory_space<vmem>> -> memref<16xi32, #tpu.memory_space<vmem>>
    %dma_start3A_46 = arith.constant 0 : i32
    %dma_start3A_47 = arith.constant 0 : i32
    %dma_start3A_48 = tpu.memref_slice %arg3[%dma_start3A_46, %dma_start3A_47] : memref<100000x512xf32, #tpu.memory_space<hbm>> -> memref<100000x512xf32, #tpu.memory_space<hbm>>
    tpu.enqueue_indirect_dma source(%dma_start3A_48 : memref<100000x512xf32, #tpu.memory_space<hbm>>) target(%arg8 : memref<16x512xf32, #tpu.memory_space<vmem>>) offsets(%dma_start3A_45 : memref<16xi32, #tpu.memory_space<vmem>>) semaphore(%arg16 : memref<!tpu.dma_semaphore, #tpu.memory_space<semaphore_mem>>)
    %dma_start3A_49 = arith.constant 48 : i32
    %dma_start3A_50 = tpu.memref_slice %arg5[%dma_start3A_49] : memref<512xi32, #tpu.memory_space<vmem>> -> memref<16xi32, #tpu.memory_space<vmem>>
    %dma_start3A_51 = arith.constant 0 : i32
    %dma_start3A_52 = arith.constant 0 : i32
    %dma_start3A_53 = tpu.memref_slice %arg3[%dma_start3A_51, %dma_start3A_52] : memref<100000x512xf32, #tpu.memory_space<hbm>> -> memref<100000x512xf32, #tpu.memory_space<hbm>>
    tpu.enqueue_indirect_dma source(%dma_start3A_53 : memref<100000x512xf32, #tpu.memory_space<hbm>>) target(%arg9 : memref<16x512xf32, #tpu.memory_space<vmem>>) offsets(%dma_start3A_50 : memref<16xi32, #tpu.memory_space<vmem>>) semaphore(%arg17 : memref<!tpu.dma_semaphore, #tpu.memory_space<semaphore_mem>>)
    %dma_start3A_54 = arith.constant 64 : i32
    %dma_start3A_55 = tpu.memref_slice %arg5[%dma_start3A_54] : memref<512xi32, #tpu.memory_space<vmem>> -> memref<16xi32, #tpu.memory_space<vmem>>
    %dma_start3A_56 = arith.constant 0 : i32
    %dma_start3A_57 = arith.constant 0 : i32
    %dma_start3A_58 = tpu.memref_slice %arg3[%dma_start3A_56, %dma_start3A_57] : memref<100000x512xf32, #tpu.memory_space<hbm>> -> memref<100000x512xf32, #tpu.memory_space<hbm>>
    tpu.enqueue_indirect_dma source(%dma_start3A_58 : memref<100000x512xf32, #tpu.memory_space<hbm>>) target(%arg10 : memref<16x512xf32, #tpu.memory_space<vmem>>) offsets(%dma_start3A_55 : memref<16xi32, #tpu.memory_space<vmem>>) semaphore(%arg18 : memref<!tpu.dma_semaphore, #tpu.memory_space<semaphore_mem>>)
    %dma_start3A_59 = arith.constant 80 : i32
    %dma_start3A_60 = tpu.memref_slice %arg5[%dma_start3A_59] : memref<512xi32, #tpu.memory_space<vmem>> -> memref<16xi32, #tpu.memory_space<vmem>>
    %dma_start3A_61 = arith.constant 0 : i32
    %dma_start3A_62 = arith.constant 0 : i32
    %dma_start3A_63 = tpu.memref_slice %arg3[%dma_start3A_61, %dma_start3A_62] : memref<100000x512xf32, #tpu.memory_space<hbm>> -> memref<100000x512xf32, #tpu.memory_space<hbm>>
    tpu.enqueue_indirect_dma source(%dma_start3A_63 : memref<100000x512xf32, #tpu.memory_space<hbm>>) target(%arg11 : memref<16x512xf32, #tpu.memory_space<vmem>>) offsets(%dma_start3A_60 : memref<16xi32, #tpu.memory_space<vmem>>) semaphore(%arg19 : memref<!tpu.dma_semaphore, #tpu.memory_space<semaphore_mem>>)
    %dma_start3A_64 = arith.constant 96 : i32
    %dma_start3A_65 = tpu.memref_slice %arg5[%dma_start3A_64] : memref<512xi32, #tpu.memory_space<vmem>> -> memref<16xi32, #tpu.memory_space<vmem>>
    %dma_start3A_66 = arith.constant 0 : i32
    %dma_start3A_67 = arith.constant 0 : i32
    %dma_start3A_68 = tpu.memref_slice %arg3[%dma_start3A_66, %dma_start3A_67] : memref<100000x512xf32, #tpu.memory_space<hbm>> -> memref<100000x512xf32, #tpu.memory_space<hbm>>
    tpu.enqueue_indirect_dma source(%dma_start3A_68 : memref<100000x512xf32, #tpu.memory_space<hbm>>) target(%arg12 : memref<16x512xf32, #tpu.memory_space<vmem>>) offsets(%dma_start3A_65 : memref<16xi32, #tpu.memory_space<vmem>>) semaphore(%arg20 : memref<!tpu.dma_semaphore, #tpu.memory_space<semaphore_mem>>)
    %dma_start3A_69 = arith.constant 112 : i32
    %dma_start3A_70 = tpu.memref_slice %arg5[%dma_start3A_69] : memref<512xi32, #tpu.memory_space<vmem>> -> memref<16xi32, #tpu.memory_space<vmem>>
    %dma_start3A_71 = arith.constant 0 : i32
    %dma_start3A_72 = arith.constant 0 : i32
    %dma_start3A_73 = tpu.memref_slice %arg3[%dma_start3A_71, %dma_start3A_72] : memref<100000x512xf32, #tpu.memory_space<hbm>> -> memref<100000x512xf32, #tpu.memory_space<hbm>>
    tpu.enqueue_indirect_dma source(%dma_start3A_73 : memref<100000x512xf32, #tpu.memory_space<hbm>>) target(%arg13 : memref<16x512xf32, #tpu.memory_space<vmem>>) offsets(%dma_start3A_70 : memref<16xi32, #tpu.memory_space<vmem>>) semaphore(%arg21 : memref<!tpu.dma_semaphore, #tpu.memory_space<semaphore_mem>>)
    %scan3A = arith.constant 0 : i32
    %scan3A_74 = arith.constant 0 : i32
    %scan3A_75 = arith.constant 4 : i32
    %scan3A_76 = arith.addi %scan3A_74, %scan3A_75 : i32
    %scan3A_77 = arith.constant 1 : i32
    scf.for %scan3A_126 = %scan3A_74 to %scan3A_76 step %scan3A_77  : i32 {
      %mul3A_127 = arith.constant 8 : i32
      %mul3A_128 = arith.muli %scan3A_126, %mul3A_127 : i32
      %add3A_129 = arith.constant 0 : i32
      %add3A_130 = arith.addi %mul3A_128, %add3A_129 : i32
      %dma_wait3A_131 = arith.constant 0 : i32
      %dma_wait3A_132 = tpu.memref_slice %arg5[%dma_wait3A_131] : memref<512xi32, #tpu.memory_space<vmem>> -> memref<16xi32, #tpu.memory_space<vmem>>
      %dma_wait3A_133 = arith.constant 0 : i32
      %dma_wait3A_134 = arith.constant 0 : i32
      %dma_wait3A_135 = tpu.memref_slice %arg3[%dma_wait3A_133, %dma_wait3A_134] : memref<100000x512xf32, #tpu.memory_space<hbm>> -> memref<100000x512xf32, #tpu.memory_space<hbm>>
      tpu.wait_indirect_dma semaphore(%arg14 : memref<!tpu.dma_semaphore, #tpu.memory_space<semaphore_mem>>) src(%dma_wait3A_135 : memref<100000x512xf32, #tpu.memory_space<hbm>>) dst(%arg6 : memref<16x512xf32, #tpu.memory_space<vmem>>)
      %scan3A_136 = arith.constant 0 : i32
      %scan3A_137 = arith.constant 0 : i32
      %scan3A_138 = arith.constant 16 : i32
      %scan3A_139 = arith.addi %scan3A_137, %scan3A_138 : i32
      %scan3A_140 = arith.constant 1 : i32
      scf.for %scan3A_327 = %scan3A_137 to %scan3A_139 step %scan3A_140  : i32 {
        %get3A = arith.index_cast %scan3A_327 : i32 to index
        %get3A_328 = arith.constant 0 : index
        %get3A_329 = tpu.vector_load %arg6[%get3A, %get3A_328] {strides = array<i32>} : memref<16x512xf32, #tpu.memory_space<vmem>>, vector<1x16xf32>,
        %get3A_330 = vector.shape_cast %get3A_329 : vector<1x16xf32> to vector<16xf32>
        %mul3A_331 = arith.constant 22.6274166 : f32
        %mul3A_332 = vector.broadcast %mul3A_331 : f32 to vector<16xf32>
        %mul3A_333 = arith.mulf %get3A_330, %mul3A_332 : vector<16xf32>
        %swap3A = arith.index_cast %scan3A_327 : i32 to index
        %swap3A_334 = arith.constant 0 : index
        %swap3A_335 = tpu.vector_load %arg6[%swap3A, %swap3A_334] {strides = array<i32>} : memref<16x512xf32, #tpu.memory_space<vmem>>, vector<1x16xf32>,
        %swap3A_336 = vector.shape_cast %swap3A_335 : vector<1x16xf32> to vector<16xf32>
        %swap3A_337 = vector.shape_cast %mul3A_333 : vector<16xf32> to vector<1x16xf32>
        tpu.vector_store %arg6[%swap3A, %swap3A_334], %swap3A_337 {strides = array<i32>} : memref<16x512xf32, #tpu.memory_space<vmem>>, vector<1x16xf32>,
        %get3A_338 = arith.index_cast %scan3A_327 : i32 to index
        %get3A_339 = arith.constant 16 : index
        %get3A_340 = tpu.vector_load %arg6[%get3A_338, %get3A_339] {strides = array<i32>} : memref<16x512xf32, #tpu.memory_space<vmem>>, vector<1x16xf32>,
        %get3A_341 = vector.shape_cast %get3A_340 : vector<1x16xf32> to vector<16xf32>
        %mul3A_342 = arith.constant 22.6274166 : f32
        %mul3A_343 = vector.broadcast %mul3A_342 : f32 to vector<16xf32>
        %mul3A_344 = arith.mulf %get3A_341, %mul3A_343 : vector<16xf32>
        %swap3A_345 = arith.index_cast %scan3A_327 : i32 to index
        %swap3A_346 = arith.constant 16 : index
        %swap3A_347 = tpu.vector_load %arg6[%swap3A_345, %swap3A_346] {strides = array<i32>} : memref<16x512xf32, #tpu.memory_space<vmem>>, vector<1x16xf32>,
        %swap3A_348 = vector.shape_cast %swap3A_347 : vector<1x16xf32> to vector<16xf32>
        %swap3A_349 = vector.shape_cast %mul3A_344 : vector<16xf32> to vector<1x16xf32>
        tpu.vector_store %arg6[%swap3A_345, %swap3A_346], %swap3A_349 {strides = array<i32>} : memref<16x512xf32, #tpu.memory_space<vmem>>, vector<1x16xf32>,
        %get3A_350 = arith.index_cast %scan3A_327 : i32 to index
        %get3A_351 = arith.constant 32 : index
        %get3A_352 = tpu.vector_load %arg6[%get3A_350, %get3A_351] {strides = array<i32>} : memref<16x512xf32, #tpu.memory_space<vmem>>, vector<1x16xf32>,
        %get3A_353 = vector.shape_cast %get3A_352 : vector<1x16xf32> to vector<16xf32>
        %mul3A_354 = arith.constant 22.6274166 : f32
        %mul3A_355 = vector.broadcast %mul3A_354 : f32 to vector<16xf32>
        %mul3A_356 = arith.mulf %get3A_353, %mul3A_355 : vector<16xf32>
        %swap3A_357 = arith.index_cast %scan3A_327 : i32 to index
        %swap3A_358 = arith.constant 32 : index
        %swap3A_359 = tpu.vector_load %arg6[%swap3A_357, %swap3A_358] {strides = array<i32>} : memref<16x512xf32, #tpu.memory_space<vmem>>, vector<1x16xf32>,
        %swap3A_360 = vector.shape_cast %swap3A_359 : vector<1x16xf32> to vector<16xf32>
        %swap3A_361 = vector.shape_cast %mul3A_356 : vector<16xf32> to vector<1x16xf32>
        tpu.vector_store %arg6[%swap3A_357, %swap3A_358], %swap3A_361 {strides = array<i32>} : memref<16x512xf32, #tpu.memory_space<vmem>>, vector<1x16xf32>,
        %get3A_362 = arith.index_cast %scan3A_327 : i32 to index
        %get3A_363 = arith.constant 48 : index
        %get3A_364 = tpu.vector_load %arg6[%get3A_362, %get3A_363] {strides = array<i32>} : memref<16x512xf32, #tpu.memory_space<vmem>>, vector<1x16xf32>,
        %get3A_365 = vector.shape_cast %get3A_364 : vector<1x16xf32> to vector<16xf32>
        %mul3A_366 = arith.constant 22.6274166 : f32
        %mul3A_367 = vector.broadcast %mul3A_366 : f32 to vector<16xf32>
        %mul3A_368 = arith.mulf %get3A_365, %mul3A_367 : vector<16xf32>
        %swap3A_369 = arith.index_cast %scan3A_327 : i32 to index
        %swap3A_370 = arith.constant 48 : index
        %swap3A_371 = tpu.vector_load %arg6[%swap3A_369, %swap3A_370] {strides = array<i32>} : memref<16x512xf32, #tpu.memory_space<vmem>>, vector<1x16xf32>,
        %swap3A_372 = vector.shape_cast %swap3A_371 : vector<1x16xf32> to vector<16xf32>
        %swap3A_373 = vector.shape_cast %mul3A_368 : vector<16xf32> to vector<1x16xf32>
        tpu.vector_store %arg6[%swap3A_369, %swap3A_370], %swap3A_373 {strides = array<i32>} : memref<16x512xf32, #tpu.memory_space<vmem>>, vector<1x16xf32>,
        %get3A_374 = arith.index_cast %scan3A_327 : i32 to index
        %get3A_375 = arith.constant 64 : index
        %get3A_376 = tpu.vector_load %arg6[%get3A_374, %get3A_375] {strides = array<i32>} : memref<16x512xf32, #tpu.memory_space<vmem>>, vector<1x16xf32>,
        %get3A_377 = vector.shape_cast %get3A_376 : vector<1x16xf32> to vector<16xf32>
        %mul3A_378 = arith.constant 22.6274166 : f32
        %mul3A_379 = vector.broadcast %mul3A_378 : f32 to vector<16xf32>
        %mul3A_380 = arith.mulf %get3A_377, %mul3A_379 : vector<16xf32>
        %swap3A_381 = arith.index_cast %scan3A_327 : i32 to index
        %swap3A_382 = arith.constant 64 : index
        %swap3A_383 = tpu.vector_load %arg6[%swap3A_381, %swap3A_382] {strides = array<i32>} : memref<16x512xf32, #tpu.memory_space<vmem>>, vector<1x16xf32>,
        %swap3A_384 = vector.shape_cast %swap3A_383 : vector<1x16xf32> to vector<16xf32>
        %swap3A_385 = vector.shape_cast %mul3A_380 : vector<16xf32> to vector<1x16xf32>
        tpu.vector_store %arg6[%swap3A_381, %swap3A_382], %swap3A_385 {strides = array<i32>} : memref<16x512xf32, #tpu.memory_space<vmem>>, vector<1x16xf32>,
        %get3A_386 = arith.index_cast %scan3A_327 : i32 to index
        %get3A_387 = arith.constant 80 : index
        %get3A_388 = tpu.vector_load %arg6[%get3A_386, %get3A_387] {strides = array<i32>} : memref<16x512xf32, #tpu.memory_space<vmem>>, vector<1x16xf32>,
        %get3A_389 = vector.shape_cast %get3A_388 : vector<1x16xf32> to vector<16xf32>
        %mul3A_390 = arith.constant 22.6274166 : f32
        %mul3A_391 = vector.broadcast %mul3A_390 : f32 to vector<16xf32>
        %mul3A_392 = arith.mulf %get3A_389, %mul3A_391 : vector<16xf32>
        %swap3A_393 = arith.index_cast %scan3A_327 : i32 to index
        %swap3A_394 = arith.constant 80 : index
        %swap3A_395 = tpu.vector_load %arg6[%swap3A_393, %swap3A_394] {strides = array<i32>} : memref<16x512xf32, #tpu.memory_space<vmem>>, vector<1x16xf32>,
        %swap3A_396 = vector.shape_cast %swap3A_395 : vector<1x16xf32> to vector<16xf32>
        %swap3A_397 = vector.shape_cast %mul3A_392 : vector<16xf32> to vector<1x16xf32>
        tpu.vector_store %arg6[%swap3A_393, %swap3A_394], %swap3A_397 {strides = array<i32>} : memref<16x512xf32, #tpu.memory_space<vmem>>, vector<1x16xf32>,
        %get3A_398 = arith.index_cast %scan3A_327 : i32 to index
        %get3A_399 = arith.constant 96 : index
        %get3A_400 = tpu.vector_load %arg6[%get3A_398, %get3A_399] {strides = array<i32>} : memref<16x512xf32, #tpu.memory_space<vmem>>, vector<1x16xf32>,
        %get3A_401 = vector.shape_cast %get3A_400 : vector<1x16xf32> to vector<16xf32>
        %mul3A_402 = arith.constant 22.6274166 : f32
        %mul3A_403 = vector.broadcast %mul3A_402 : f32 to vector<16xf32>
        %mul3A_404 = arith.mulf %get3A_401, %mul3A_403 : vector<16xf32>
        %swap3A_405 = arith.index_cast %scan3A_327 : i32 to index
        %swap3A_406 = arith.constant 96 : index
        %swap3A_407 = tpu.vector_load %arg6[%swap3A_405, %swap3A_406] {strides = array<i32>} : memref<16x512xf32, #tpu.memory_space<vmem>>, vector<1x16xf32>,
        %swap3A_408 = vector.shape_cast %swap3A_407 : vector<1x16xf32> to vector<16xf32>
        %swap3A_409 = vector.shape_cast %mul3A_404 : vector<16xf32> to vector<1x16xf32>
        tpu.vector_store %arg6[%swap3A_405, %swap3A_406], %swap3A_409 {strides = array<i32>} : memref<16x512xf32, #tpu.memory_space<vmem>>, vector<1x16xf32>,
        %get3A_410 = arith.index_cast %scan3A_327 : i32 to index
        %get3A_411 = arith.constant 112 : index
        %get3A_412 = tpu.vector_load %arg6[%get3A_410, %get3A_411] {strides = array<i32>} : memref<16x512xf32, #tpu.memory_space<vmem>>, vector<1x16xf32>,
        %get3A_413 = vector.shape_cast %get3A_412 : vector<1x16xf32> to vector<16xf32>
        %mul3A_414 = arith.constant 22.6274166 : f32
        %mul3A_415 = vector.broadcast %mul3A_414 : f32 to vector<16xf32>
        %mul3A_416 = arith.mulf %get3A_413, %mul3A_415 : vector<16xf32>
        %swap3A_417 = arith.index_cast %scan3A_327 : i32 to index
        %swap3A_418 = arith.constant 112 : index
        %swap3A_419 = tpu.vector_load %arg6[%swap3A_417, %swap3A_418] {strides = array<i32>} : memref<16x512xf32, #tpu.memory_space<vmem>>, vector<1x16xf32>,
        %swap3A_420 = vector.shape_cast %swap3A_419 : vector<1x16xf32> to vector<16xf32>
        %swap3A_421 = vector.shape_cast %mul3A_416 : vector<16xf32> to vector<1x16xf32>
        tpu.vector_store %arg6[%swap3A_417, %swap3A_418], %swap3A_421 {strides = array<i32>} : memref<16x512xf32, #tpu.memory_space<vmem>>, vector<1x16xf32>,
        %get3A_422 = arith.index_cast %scan3A_327 : i32 to index
        %get3A_423 = arith.constant 128 : index
        %get3A_424 = tpu.vector_load %arg6[%get3A_422, %get3A_423] {strides = array<i32>} : memref<16x512xf32, #tpu.memory_space<vmem>>, vector<1x16xf32>,
        %get3A_425 = vector.shape_cast %get3A_424 : vector<1x16xf32> to vector<16xf32>
        %mul3A_426 = arith.constant 22.6274166 : f32
        %mul3A_427 = vector.broadcast %mul3A_426 : f32 to vector<16xf32>
        %mul3A_428 = arith.mulf %get3A_425, %mul3A_427 : vector<16xf32>
        %swap3A_429 = arith.index_cast %scan3A_327 : i32 to index
        %swap3A_430 = arith.constant 128 : index
        %swap3A_431 = tpu.vector_load %arg6[%swap3A_429, %swap3A_430] {strides = array<i32>} : memref<16x512xf32, #tpu.memory_space<vmem>>, vector<1x16xf32>,
        %swap3A_432 = vector.shape_cast %swap3A_431 : vector<1x16xf32> to vector<16xf32>
        %swap3A_433 = vector.shape_cast %mul3A_428 : vector<16xf32> to vector<1x16xf32>
        tpu.vector_store %arg6[%swap3A_429, %swap3A_430], %swap3A_433 {strides = array<i32>} : memref<16x512xf32, #tpu.memory_space<vmem>>, vector<1x16xf32>,
        %get3A_434 = arith.index_cast %scan3A_327 : i32 to index
        %get3A_435 = arith.constant 144 : index
        %get3A_436 = tpu.vector_load %arg6[%get3A_434, %get3A_435] {strides = array<i32>} : memref<16x512xf32, #tpu.memory_space<vmem>>, vector<1x16xf32>,
        %get3A_437 = vector.shape_cast %get3A_436 : vector<1x16xf32> to vector<16xf32>
        %mul3A_438 = arith.constant 22.6274166 : f32
        %mul3A_439 = vector.broadcast %mul3A_438 : f32 to vector<16xf32>
        %mul3A_440 = arith.mulf %get3A_437, %mul3A_439 : vector<16xf32>
        %swap3A_441 = arith.index_cast %scan3A_327 : i32 to index
        %swap3A_442 = arith.constant 144 : index
        %swap3A_443 = tpu.vector_load %arg6[%swap3A_441, %swap3A_442] {strides = array<i32>} : memref<16x512xf32, #tpu.memory_space<vmem>>, vector<1x16xf32>,
        %swap3A_444 = vector.shape_cast %swap3A_443 : vector<1x16xf32> to vector<16xf32>
        %swap3A_445 = vector.shape_cast %mul3A_440 : vector<16xf32> to vector<1x16xf32>
        tpu.vector_store %arg6[%swap3A_441, %swap3A_442], %swap3A_445 {strides = array<i32>} : memref<16x512xf32, #tpu.memory_space<vmem>>, vector<1x16xf32>,
        %get3A_446 = arith.index_cast %scan3A_327 : i32 to index
        %get3A_447 = arith.constant 160 : index
        %get3A_448 = tpu.vector_load %arg6[%get3A_446, %get3A_447] {strides = array<i32>} : memref<16x512xf32, #tpu.memory_space<vmem>>, vector<1x16xf32>,
        %get3A_449 = vector.shape_cast %get3A_448 : vector<1x16xf32> to vector<16xf32>
        %mul3A_450 = arith.constant 22.6274166 : f32
        %mul3A_451 = vector.broadcast %mul3A_450 : f32 to vector<16xf32>
        %mul3A_452 = arith.mulf %get3A_449, %mul3A_451 : vector<16xf32>
        %swap3A_453 = arith.index_cast %scan3A_327 : i32 to index
        %swap3A_454 = arith.constant 160 : index
        %swap3A_455 = tpu.vector_load %arg6[%swap3A_453, %swap3A_454] {strides = array<i32>} : memref<16x512xf32, #tpu.memory_space<vmem>>, vector<1x16xf32>,
        %swap3A_456 = vector.shape_cast %swap3A_455 : vector<1x16xf32> to vector<16xf32>
        %swap3A_457 = vector.shape_cast %mul3A_452 : vector<16xf32> to vector<1x16xf32>
        tpu.vector_store %arg6[%swap3A_453, %swap3A_454], %swap3A_457 {strides = array<i32>} : memref<16x512xf32, #tpu.memory_space<vmem>>, vector<1x16xf32>,
        %get3A_458 = arith.index_cast %scan3A_327 : i32 to index
        %get3A_459 = arith.constant 176 : index
        %get3A_460 = tpu.vector_load %arg6[%get3A_458, %get3A_459] {strides = array<i32>} : memref<16x512xf32, #tpu.memory_space<vmem>>, vector<1x16xf32>,
        %get3A_461 = vector.shape_cast %get3A_460 : vector<1x16xf32> to vector<16xf32>
        %mul3A_462 = arith.constant 22.6274166 : f32
        %mul3A_463 = vector.broadcast %mul3A_462 : f32 to vector<16xf32>
        %mul3A_464 = arith.mulf %get3A_461, %mul3A_463 : vector<16xf32>
        %swap3A_465 = arith.index_cast %scan3A_327 : i32 to index
        %swap3A_466 = arith.constant 176 : index
        %swap3A_467 = tpu.vector_load %arg6[%swap3A_465, %swap3A_466] {strides = array<i32>} : memref<16x512xf32, #tpu.memory_space<vmem>>, vector<1x16xf32>,
        %swap3A_468 = vector.shape_cast %swap3A_467 : vector<1x16xf32> to vector<16xf32>
        %swap3A_469 = vector.shape_cast %mul3A_464 : vector<16xf32> to vector<1x16xf32>
        tpu.vector_store %arg6[%swap3A_465, %swap3A_466], %swap3A_469 {strides = array<i32>} : memref<16x512xf32, #tpu.memory_space<vmem>>, vector<1x16xf32>,
        %get3A_470 = arith.index_cast %scan3A_327 : i32 to index
        %get3A_471 = arith.constant 192 : index
        %get3A_472 = tpu.vector_load %arg6[%get3A_470, %get3A_471] {strides = array<i32>} : memref<16x512xf32, #tpu.memory_space<vmem>>, vector<1x16xf32>,
        %get3A_473 = vector.shape_cast %get3A_472 : vector<1x16xf32> to vector<16xf32>
        %mul3A_474 = arith.constant 22.6274166 : f32
        %mul3A_475 = vector.broadcast %mul3A_474 : f32 to vector<16xf32>
        %mul3A_476 = arith.mulf %get3A_473, %mul3A_475 : vector<16xf32>
        %swap3A_477 = arith.index_cast %scan3A_327 : i32 to index
        %swap3A_478 = arith.constant 192 : index
        %swap3A_479 = tpu.vector_load %arg6[%swap3A_477, %swap3A_478] {strides = array<i32>} : memref<16x512xf32, #tpu.memory_space<vmem>>, vector<1x16xf32>,
        %swap3A_480 = vector.shape_cast %swap3A_479 : vector<1x16xf32> to vector<16xf32>
        %swap3A_481 = vector.shape_cast %mul3A_476 : vector<16xf32> to vector<1x16xf32>
        tpu.vector_store %arg6[%swap3A_477, %swap3A_478], %swap3A_481 {strides = array<i32>} : memref<16x512xf32, #tpu.memory_space<vmem>>, vector<1x16xf32>,
        %get3A_482 = arith.index_cast %scan3A_327 : i32 to index
        %get3A_483 = arith.constant 208 : index
        %get3A_484 = tpu.vector_load %arg6[%get3A_482, %get3A_483] {strides = array<i32>} : memref<16x512xf32, #tpu.memory_space<vmem>>, vector<1x16xf32>,
        %get3A_485 = vector.shape_cast %get3A_484 : vector<1x16xf32> to vector<16xf32>
        %mul3A_486 = arith.constant 22.6274166 : f32
        %mul3A_487 = vector.broadcast %mul3A_486 : f32 to vector<16xf32>
        %mul3A_488 = arith.mulf %get3A_485, %mul3A_487 : vector<16xf32>
        %swap3A_489 = arith.index_cast %scan3A_327 : i32 to index
        %swap3A_490 = arith.constant 208 : index
        %swap3A_491 = tpu.vector_load %arg6[%swap3A_489, %swap3A_490] {strides = array<i32>} : memref<16x512xf32, #tpu.memory_space<vmem>>, vector<1x16xf32>,
        %swap3A_492 = vector.shape_cast %swap3A_491 : vector<1x16xf32> to vector<16xf32>
        %swap3A_493 = vector.shape_cast %mul3A_488 : vector<16xf32> to vector<1x16xf32>
        tpu.vector_store %arg6[%swap3A_489, %swap3A_490], %swap3A_493 {strides = array<i32>} : memref<16x512xf32, #tpu.memory_space<vmem>>, vector<1x16xf32>,
        %get3A_494 = arith.index_cast %scan3A_327 : i32 to index
        %get3A_495 = arith.constant 224 : index
        %get3A_496 = tpu.vector_load %arg6[%get3A_494, %get3A_495] {strides = array<i32>} : memref<16x512xf32, #tpu.memory_space<vmem>>, vector<1x16xf32>,
        %get3A_497 = vector.shape_cast %get3A_496 : vector<1x16xf32> to vector<16xf32>
        %mul3A_498 = arith.constant 22.6274166 : f32
        %mul3A_499 = vector.broadcast %mul3A_498 : f32 to vector<16xf32>
        %mul3A_500 = arith.mulf %get3A_497, %mul3A_499 : vector<16xf32>
        %swap3A_501 = arith.index_cast %scan3A_327 : i32 to index
        %swap3A_502 = arith.constant 224 : index
        %swap3A_503 = tpu.vector_load %arg6[%swap3A_501, %swap3A_502] {strides = array<i32>} : memref<16x512xf32, #tpu.memory_space<vmem>>, vector<1x16xf32>,
        %swap3A_504 = vector.shape_cast %swap3A_503 : vector<1x16xf32> to vector<16xf32>
        %swap3A_505 = vector.shape_cast %mul3A_500 : vector<16xf32> to vector<1x16xf32>
        tpu.vector_store %arg6[%swap3A_501, %swap3A_502], %swap3A_505 {strides = array<i32>} : memref<16x512xf32, #tpu.memory_space<vmem>>, vector<1x16xf32>,
        %get3A_506 = arith.index_cast %scan3A_327 : i32 to index
        %get3A_507 = arith.constant 240 : index
        %get3A_508 = tpu.vector_load %arg6[%get3A_506, %get3A_507] {strides = array<i32>} : memref<16x512xf32, #tpu.memory_space<vmem>>, vector<1x16xf32>,
        %get3A_509 = vector.shape_cast %get3A_508 : vector<1x16xf32> to vector<16xf32>
        %mul3A_510 = arith.constant 22.6274166 : f32
        %mul3A_511 = vector.broadcast %mul3A_510 : f32 to vector<16xf32>
        %mul3A_512 = arith.mulf %get3A_509, %mul3A_511 : vector<16xf32>
        %swap3A_513 = arith.index_cast %scan3A_327 : i32 to index
        %swap3A_514 = arith.constant 240 : index
        %swap3A_515 = tpu.vector_load %arg6[%swap3A_513, %swap3A_514] {strides = array<i32>} : memref<16x512xf32, #tpu.memory_space<vmem>>, vector<1x16xf32>,
        %swap3A_516 = vector.shape_cast %swap3A_515 : vector<1x16xf32> to vector<16xf32>
        %swap3A_517 = vector.shape_cast %mul3A_512 : vector<16xf32> to vector<1x16xf32>
        tpu.vector_store %arg6[%swap3A_513, %swap3A_514], %swap3A_517 {strides = array<i32>} : memref<16x512xf32, #tpu.memory_space<vmem>>, vector<1x16xf32>,
        %get3A_518 = arith.index_cast %scan3A_327 : i32 to index
        %get3A_519 = arith.constant 256 : index
        %get3A_520 = tpu.vector_load %arg6[%get3A_518, %get3A_519] {strides = array<i32>} : memref<16x512xf32, #tpu.memory_space<vmem>>, vector<1x16xf32>,
        %get3A_521 = vector.shape_cast %get3A_520 : vector<1x16xf32> to vector<16xf32>
        %mul3A_522 = arith.constant 22.6274166 : f32
        %mul3A_523 = vector.broadcast %mul3A_522 : f32 to vector<16xf32>
        %mul3A_524 = arith.mulf %get3A_521, %mul3A_523 : vector<16xf32>
        %swap3A_525 = arith.index_cast %scan3A_327 : i32 to index
        %swap3A_526 = arith.constant 256 : index
        %swap3A_527 = tpu.vector_load %arg6[%swap3A_525, %swap3A_526] {strides = array<i32>} : memref<16x512xf32, #tpu.memory_space<vmem>>, vector<1x16xf32>,
        %swap3A_528 = vector.shape_cast %swap3A_527 : vector<1x16xf32> to vector<16xf32>
        %swap3A_529 = vector.shape_cast %mul3A_524 : vector<16xf32> to vector<1x16xf32>
        tpu.vector_store %arg6[%swap3A_525, %swap3A_526], %swap3A_529 {strides = array<i32>} : memref<16x512xf32, #tpu.memory_space<vmem>>, vector<1x16xf32>,
        %get3A_530 = arith.index_cast %scan3A_327 : i32 to index
        %get3A_531 = arith.constant 272 : index
        %get3A_532 = tpu.vector_load %arg6[%get3A_530, %get3A_531] {strides = array<i32>} : memref<16x512xf32, #tpu.memory_space<vmem>>, vector<1x16xf32>,
        %get3A_533 = vector.shape_cast %get3A_532 : vector<1x16xf32> to vector<16xf32>
        %mul3A_534 = arith.constant 22.6274166 : f32
        %mul3A_535 = vector.broadcast %mul3A_534 : f32 to vector<16xf32>
        %mul3A_536 = arith.mulf %get3A_533, %mul3A_535 : vector<16xf32>
        %swap3A_537 = arith.index_cast %scan3A_327 : i32 to index
        %swap3A_538 = arith.constant 272 : index
        %swap3A_539 = tpu.vector_load %arg6[%swap3A_537, %swap3A_538] {strides = array<i32>} : memref<16x512xf32, #tpu.memory_space<vmem>>, vector<1x16xf32>,
        %swap3A_540 = vector.shape_cast %swap3A_539 : vector<1x16xf32> to vector<16xf32>
        %swap3A_541 = vector.shape_cast %mul3A_536 : vector<16xf32> to vector<1x16xf32>
        tpu.vector_store %arg6[%swap3A_537, %swap3A_538], %swap3A_541 {strides = array<i32>} : memref<16x512xf32, #tpu.memory_space<vmem>>, vector<1x16xf32>,
        %get3A_542 = arith.index_cast %scan3A_327 : i32 to index
        %get3A_543 = arith.constant 288 : index
        %get3A_544 = tpu.vector_load %arg6[%get3A_542, %get3A_543] {strides = array<i32>} : memref<16x512xf32, #tpu.memory_space<vmem>>, vector<1x16xf32>,
        %get3A_545 = vector.shape_cast %get3A_544 : vector<1x16xf32> to vector<16xf32>
        %mul3A_546 = arith.constant 22.6274166 : f32
        %mul3A_547 = vector.broadcast %mul3A_546 : f32 to vector<16xf32>
        %mul3A_548 = arith.mulf %get3A_545, %mul3A_547 : vector<16xf32>
        %swap3A_549 = arith.index_cast %scan3A_327 : i32 to index
        %swap3A_550 = arith.constant 288 : index
        %swap3A_551 = tpu.vector_load %arg6[%swap3A_549, %swap3A_550] {strides = array<i32>} : memref<16x512xf32, #tpu.memory_space<vmem>>, vector<1x16xf32>,
        %swap3A_552 = vector.shape_cast %swap3A_551 : vector<1x16xf32> to vector<16xf32>
        %swap3A_553 = vector.shape_cast %mul3A_548 : vector<16xf32> to vector<1x16xf32>
        tpu.vector_store %arg6[%swap3A_549, %swap3A_550], %swap3A_553 {strides = array<i32>} : memref<16x512xf32, #tpu.memory_space<vmem>>, vector<1x16xf32>,
        %get3A_554 = arith.index_cast %scan3A_327 : i32 to index
        %get3A_555 = arith.constant 304 : index
        %get3A_556 = tpu.vector_load %arg6[%get3A_554, %get3A_555] {strides = array<i32>} : memref<16x512xf32, #tpu.memory_space<vmem>>, vector<1x16xf32>,
        %get3A_557 = vector.shape_cast %get3A_556 : vector<1x16xf32> to vector<16xf32>
        %mul3A_558 = arith.constant 22.6274166 : f32
        %mul3A_559 = vector.broadcast %mul3A_558 : f32 to vector<16xf32>
        %mul3A_560 = arith.mulf %get3A_557, %mul3A_559 : vector<16xf32>
        %swap3A_561 = arith.index_cast %scan3A_327 : i32 to index
        %swap3A_562 = arith.constant 304 : index
        %swap3A_563 = tpu.vector_load %arg6[%swap3A_561, %swap3A_562] {strides = array<i32>} : memref<16x512xf32, #tpu.memory_space<vmem>>, vector<1x16xf32>,
        %swap3A_564 = vector.shape_cast %swap3A_563 : vector<1x16xf32> to vector<16xf32>
        %swap3A_565 = vector.shape_cast %mul3A_560 : vector<16xf32> to vector<1x16xf32>
        tpu.vector_store %arg6[%swap3A_561, %swap3A_562], %swap3A_565 {strides = array<i32>} : memref<16x512xf32, #tpu.memory_space<vmem>>, vector<1x16xf32>,
        %get3A_566 = arith.index_cast %scan3A_327 : i32 to index
        %get3A_567 = arith.constant 320 : index
        %get3A_568 = tpu.vector_load %arg6[%get3A_566, %get3A_567] {strides = array<i32>} : memref<16x512xf32, #tpu.memory_space<vmem>>, vector<1x16xf32>,
        %get3A_569 = vector.shape_cast %get3A_568 : vector<1x16xf32> to vector<16xf32>
        %mul3A_570 = arith.constant 22.6274166 : f32
        %mul3A_571 = vector.broadcast %mul3A_570 : f32 to vector<16xf32>
        %mul3A_572 = arith.mulf %get3A_569, %mul3A_571 : vector<16xf32>
        %swap3A_573 = arith.index_cast %scan3A_327 : i32 to index
        %swap3A_574 = arith.constant 320 : index
        %swap3A_575 = tpu.vector_load %arg6[%swap3A_573, %swap3A_574] {strides = array<i32>} : memref<16x512xf32, #tpu.memory_space<vmem>>, vector<1x16xf32>,
        %swap3A_576 = vector.shape_cast %swap3A_575 : vector<1x16xf32> to vector<16xf32>
        %swap3A_577 = vector.shape_cast %mul3A_572 : vector<16xf32> to vector<1x16xf32>
        tpu.vector_store %arg6[%swap3A_573, %swap3A_574], %swap3A_577 {strides = array<i32>} : memref<16x512xf32, #tpu.memory_space<vmem>>, vector<1x16xf32>,
        %get3A_578 = arith.index_cast %scan3A_327 : i32 to index
        %get3A_579 = arith.constant 336 : index
        %get3A_580 = tpu.vector_load %arg6[%get3A_578, %get3A_579] {strides = array<i32>} : memref<16x512xf32, #tpu.memory_space<vmem>>, vector<1x16xf32>,
        %get3A_581 = vector.shape_cast %get3A_580 : vector<1x16xf32> to vector<16xf32>
        %mul3A_582 = arith.constant 22.6274166 : f32
        %mul3A_583 = vector.broadcast %mul3A_582 : f32 to vector<16xf32>
        %mul3A_584 = arith.mulf %get3A_581, %mul3A_583 : vector<16xf32>
        %swap3A_585 = arith.index_cast %scan3A_327 : i32 to index
        %swap3A_586 = arith.constant 336 : index
        %swap3A_587 = tpu.vector_load %arg6[%swap3A_585, %swap3A_586] {strides = array<i32>} : memref<16x512xf32, #tpu.memory_space<vmem>>, vector<1x16xf32>,
        %swap3A_588 = vector.shape_cast %swap3A_587 : vector<1x16xf32> to vector<16xf32>
        %swap3A_589 = vector.shape_cast %mul3A_584 : vector<16xf32> to vector<1x16xf32>
        tpu.vector_store %arg6[%swap3A_585, %swap3A_586], %swap3A_589 {strides = array<i32>} : memref<16x512xf32, #tpu.memory_space<vmem>>, vector<1x16xf32>,
        %get3A_590 = arith.index_cast %scan3A_327 : i32 to index
        %get3A_591 = arith.constant 352 : index
        %get3A_592 = tpu.vector_load %arg6[%get3A_590, %get3A_591] {strides = array<i32>} : memref<16x512xf32, #tpu.memory_space<vmem>>, vector<1x16xf32>,
        %get3A_593 = vector.shape_cast %get3A_592 : vector<1x16xf32> to vector<16xf32>
        %mul3A_594 = arith.constant 22.6274166 : f32
        %mul3A_595 = vector.broadcast %mul3A_594 : f32 to vector<16xf32>
        %mul3A_596 = arith.mulf %get3A_593, %mul3A_595 : vector<16xf32>
        %swap3A_597 = arith.index_cast %scan3A_327 : i32 to index
        %swap3A_598 = arith.constant 352 : index
        %swap3A_599 = tpu.vector_load %arg6[%swap3A_597, %swap3A_598] {strides = array<i32>} : memref<16x512xf32, #tpu.memory_space<vmem>>, vector<1x16xf32>,
        %swap3A_600 = vector.shape_cast %swap3A_599 : vector<1x16xf32> to vector<16xf32>
        %swap3A_601 = vector.shape_cast %mul3A_596 : vector<16xf32> to vector<1x16xf32>
        tpu.vector_store %arg6[%swap3A_597, %swap3A_598], %swap3A_601 {strides = array<i32>} : memref<16x512xf32, #tpu.memory_space<vmem>>, vector<1x16xf32>,
        %get3A_602 = arith.index_cast %scan3A_327 : i32 to index
        %get3A_603 = arith.constant 368 : index
        %get3A_604 = tpu.vector_load %arg6[%get3A_602, %get3A_603] {strides = array<i32>} : memref<16x512xf32, #tpu.memory_space<vmem>>, vector<1x16xf32>,
        %get3A_605 = vector.shape_cast %get3A_604 : vector<1x16xf32> to vector<16xf32>
        %mul3A_606 = arith.constant 22.6274166 : f32
        %mul3A_607 = vector.broadcast %mul3A_606 : f32 to vector<16xf32>
        %mul3A_608 = arith.mulf %get3A_605, %mul3A_607 : vector<16xf32>
        %swap3A_609 = arith.index_cast %scan3A_327 : i32 to index
        %swap3A_610 = arith.constant 368 : index
        %swap3A_611 = tpu.vector_load %arg6[%swap3A_609, %swap3A_610] {strides = array<i32>} : memref<16x512xf32, #tpu.memory_space<vmem>>, vector<1x16xf32>,
        %swap3A_612 = vector.shape_cast %swap3A_611 : vector<1x16xf32> to vector<16xf32>
        %swap3A_613 = vector.shape_cast %mul3A_608 : vector<16xf32> to vector<1x16xf32>
        tpu.vector_store %arg6[%swap3A_609, %swap3A_610], %swap3A_613 {strides = array<i32>} : memref<16x512xf32, #tpu.memory_space<vmem>>, vector<1x16xf32>,
        %get3A_614 = arith.index_cast %scan3A_327 : i32 to index
        %get3A_615 = arith.constant 384 : index
        %get3A_616 = tpu.vector_load %arg6[%get3A_614, %get3A_615] {strides = array<i32>} : memref<16x512xf32, #tpu.memory_space<vmem>>, vector<1x16xf32>,
        %get3A_617 = vector.shape_cast %get3A_616 : vector<1x16xf32> to vector<16xf32>
        %mul3A_618 = arith.constant 22.6274166 : f32
        %mul3A_619 = vector.broadcast %mul3A_618 : f32 to vector<16xf32>
        %mul3A_620 = arith.mulf %get3A_617, %mul3A_619 : vector<16xf32>
        %swap3A_621 = arith.index_cast %scan3A_327 : i32 to index
        %swap3A_622 = arith.constant 384 : index
        %swap3A_623 = tpu.vector_load %arg6[%swap3A_621, %swap3A_622] {strides = array<i32>} : memref<16x512xf32, #tpu.memory_space<vmem>>, vector<1x16xf32>,
        %swap3A_624 = vector.shape_cast %swap3A_623 : vector<1x16xf32> to vector<16xf32>
        %swap3A_625 = vector.shape_cast %mul3A_620 : vector<16xf32> to vector<1x16xf32>
        tpu.vector_store %arg6[%swap3A_621, %swap3A_622], %swap3A_625 {strides = array<i32>} : memref<16x512xf32, #tpu.memory_space<vmem>>, vector<1x16xf32>,
        %get3A_626 = arith.index_cast %scan3A_327 : i32 to index
        %get3A_627 = arith.constant 400 : index
        %get3A_628 = tpu.vector_load %arg6[%get3A_626, %get3A_627] {strides = array<i32>} : memref<16x512xf32, #tpu.memory_space<vmem>>, vector<1x16xf32>,
        %get3A_629 = vector.shape_cast %get3A_628 : vector<1x16xf32> to vector<16xf32>
        %mul3A_630 = arith.constant 22.6274166 : f32
        %mul3A_631 = vector.broadcast %mul3A_630 : f32 to vector<16xf32>
        %mul3A_632 = arith.mulf %get3A_629, %mul3A_631 : vector<16xf32>
        %swap3A_633 = arith.index_cast %scan3A_327 : i32 to index
        %swap3A_634 = arith.constant 400 : index
        %swap3A_635 = tpu.vector_load %arg6[%swap3A_633, %swap3A_634] {strides = array<i32>} : memref<16x512xf32, #tpu.memory_space<vmem>>, vector<1x16xf32>,
        %swap3A_636 = vector.shape_cast %swap3A_635 : vector<1x16xf32> to vector<16xf32>
        %swap3A_637 = vector.shape_cast %mul3A_632 : vector<16xf32> to vector<1x16xf32>
        tpu.vector_store %arg6[%swap3A_633, %swap3A_634], %swap3A_637 {strides = array<i32>} : memref<16x512xf32, #tpu.memory_space<vmem>>, vector<1x16xf32>,
        %get3A_638 = arith.index_cast %scan3A_327 : i32 to index
        %get3A_639 = arith.constant 416 : index
        %get3A_640 = tpu.vector_load %arg6[%get3A_638, %get3A_639] {strides = array<i32>} : memref<16x512xf32, #tpu.memory_space<vmem>>, vector<1x16xf32>,
        %get3A_641 = vector.shape_cast %get3A_640 : vector<1x16xf32> to vector<16xf32>
        %mul3A_642 = arith.constant 22.6274166 : f32
        %mul3A_643 = vector.broadcast %mul3A_642 : f32 to vector<16xf32>
        %mul3A_644 = arith.mulf %get3A_641, %mul3A_643 : vector<16xf32>
        %swap3A_645 = arith.index_cast %scan3A_327 : i32 to index
        %swap3A_646 = arith.constant 416 : index
        %swap3A_647 = tpu.vector_load %arg6[%swap3A_645, %swap3A_646] {strides = array<i32>} : memref<16x512xf32, #tpu.memory_space<vmem>>, vector<1x16xf32>,
        %swap3A_648 = vector.shape_cast %swap3A_647 : vector<1x16xf32> to vector<16xf32>
        %swap3A_649 = vector.shape_cast %mul3A_644 : vector<16xf32> to vector<1x16xf32>
        tpu.vector_store %arg6[%swap3A_645, %swap3A_646], %swap3A_649 {strides = array<i32>} : memref<16x512xf32, #tpu.memory_space<vmem>>, vector<1x16xf32>,
        %get3A_650 = arith.index_cast %scan3A_327 : i32 to index
        %get3A_651 = arith.constant 432 : index
        %get3A_652 = tpu.vector_load %arg6[%get3A_650, %get3A_651] {strides = array<i32>} : memref<16x512xf32, #tpu.memory_space<vmem>>, vector<1x16xf32>,
        %get3A_653 = vector.shape_cast %get3A_652 : vector<1x16xf32> to vector<16xf32>
        %mul3A_654 = arith.constant 22.6274166 : f32
        %mul3A_655 = vector.broadcast %mul3A_654 : f32 to vector<16xf32>
        %mul3A_656 = arith.mulf %get3A_653, %mul3A_655 : vector<16xf32>
        %swap3A_657 = arith.index_cast %scan3A_327 : i32 to index
        %swap3A_658 = arith.constant 432 : index
        %swap3A_659 = tpu.vector_load %arg6[%swap3A_657, %swap3A_658] {strides = array<i32>} : memref<16x512xf32, #tpu.memory_space<vmem>>, vector<1x16xf32>,
        %swap3A_660 = vector.shape_cast %swap3A_659 : vector<1x16xf32> to vector<16xf32>
        %swap3A_661 = vector.shape_cast %mul3A_656 : vector<16xf32> to vector<1x16xf32>
        tpu.vector_store %arg6[%swap3A_657, %swap3A_658], %swap3A_661 {strides = array<i32>} : memref<16x512xf32, #tpu.memory_space<vmem>>, vector<1x16xf32>,
        %get3A_662 = arith.index_cast %scan3A_327 : i32 to index
        %get3A_663 = arith.constant 448 : index
        %get3A_664 = tpu.vector_load %arg6[%get3A_662, %get3A_663] {strides = array<i32>} : memref<16x512xf32, #tpu.memory_space<vmem>>, vector<1x16xf32>,
        %get3A_665 = vector.shape_cast %get3A_664 : vector<1x16xf32> to vector<16xf32>
        %mul3A_666 = arith.constant 22.6274166 : f32
        %mul3A_667 = vector.broadcast %mul3A_666 : f32 to vector<16xf32>
        %mul3A_668 = arith.mulf %get3A_665, %mul3A_667 : vector<16xf32>
        %swap3A_669 = arith.index_cast %scan3A_327 : i32 to index
        %swap3A_670 = arith.constant 448 : index
        %swap3A_671 = tpu.vector_load %arg6[%swap3A_669, %swap3A_670] {strides = array<i32>} : memref<16x512xf32, #tpu.memory_space<vmem>>, vector<1x16xf32>,
        %swap3A_672 = vector.shape_cast %swap3A_671 : vector<1x16xf32> to vector<16xf32>
        %swap3A_673 = vector.shape_cast %mul3A_668 : vector<16xf32> to vector<1x16xf32>
        tpu.vector_store %arg6[%swap3A_669, %swap3A_670], %swap3A_673 {strides = array<i32>} : memref<16x512xf32, #tpu.memory_space<vmem>>, vector<1x16xf32>,
        %get3A_674 = arith.index_cast %scan3A_327 : i32 to index
        %get3A_675 = arith.constant 464 : index
        %get3A_676 = tpu.vector_load %arg6[%get3A_674, %get3A_675] {strides = array<i32>} : memref<16x512xf32, #tpu.memory_space<vmem>>, vector<1x16xf32>,
        %get3A_677 = vector.shape_cast %get3A_676 : vector<1x16xf32> to vector<16xf32>
        %mul3A_678 = arith.constant 22.6274166 : f32
        %mul3A_679 = vector.broadcast %mul3A_678 : f32 to vector<16xf32>
        %mul3A_680 = arith.mulf %get3A_677, %mul3A_679 : vector<16xf32>
        %swap3A_681 = arith.index_cast %scan3A_327 : i32 to index
        %swap3A_682 = arith.constant 464 : index
        %swap3A_683 = tpu.vector_load %arg6[%swap3A_681, %swap3A_682] {strides = array<i32>} : memref<16x512xf32, #tpu.memory_space<vmem>>, vector<1x16xf32>,
        %swap3A_684 = vector.shape_cast %swap3A_683 : vector<1x16xf32> to vector<16xf32>
        %swap3A_685 = vector.shape_cast %mul3A_680 : vector<16xf32> to vector<1x16xf32>
        tpu.vector_store %arg6[%swap3A_681, %swap3A_682], %swap3A_685 {strides = array<i32>} : memref<16x512xf32, #tpu.memory_space<vmem>>, vector<1x16xf32>,
        %get3A_686 = arith.index_cast %scan3A_327 : i32 to index
        %get3A_687 = arith.constant 480 : index
        %get3A_688 = tpu.vector_load %arg6[%get3A_686, %get3A_687] {strides = array<i32>} : memref<16x512xf32, #tpu.memory_space<vmem>>, vector<1x16xf32>,
        %get3A_689 = vector.shape_cast %get3A_688 : vector<1x16xf32> to vector<16xf32>
        %mul3A_690 = arith.constant 22.6274166 : f32
        %mul3A_691 = vector.broadcast %mul3A_690 : f32 to vector<16xf32>
        %mul3A_692 = arith.mulf %get3A_689, %mul3A_691 : vector<16xf32>
        %swap3A_693 = arith.index_cast %scan3A_327 : i32 to index
        %swap3A_694 = arith.constant 480 : index
        %swap3A_695 = tpu.vector_load %arg6[%swap3A_693, %swap3A_694] {strides = array<i32>} : memref<16x512xf32, #tpu.memory_space<vmem>>, vector<1x16xf32>,
        %swap3A_696 = vector.shape_cast %swap3A_695 : vector<1x16xf32> to vector<16xf32>
        %swap3A_697 = vector.shape_cast %mul3A_692 : vector<16xf32> to vector<1x16xf32>
        tpu.vector_store %arg6[%swap3A_693, %swap3A_694], %swap3A_697 {strides = array<i32>} : memref<16x512xf32, #tpu.memory_space<vmem>>, vector<1x16xf32>,
        %get3A_698 = arith.index_cast %scan3A_327 : i32 to index
        %get3A_699 = arith.constant 496 : index
        %get3A_700 = tpu.vector_load %arg6[%get3A_698, %get3A_699] {strides = array<i32>} : memref<16x512xf32, #tpu.memory_space<vmem>>, vector<1x16xf32>,
        %get3A_701 = vector.shape_cast %get3A_700 : vector<1x16xf32> to vector<16xf32>
        %mul3A_702 = arith.constant 22.6274166 : f32
        %mul3A_703 = vector.broadcast %mul3A_702 : f32 to vector<16xf32>
        %mul3A_704 = arith.mulf %get3A_701, %mul3A_703 : vector<16xf32>
        %swap3A_705 = arith.index_cast %scan3A_327 : i32 to index
        %swap3A_706 = arith.constant 496 : index
        %swap3A_707 = tpu.vector_load %arg6[%swap3A_705, %swap3A_706] {strides = array<i32>} : memref<16x512xf32, #tpu.memory_space<vmem>>, vector<1x16xf32>,
        %swap3A_708 = vector.shape_cast %swap3A_707 : vector<1x16xf32> to vector<16xf32>
        %swap3A_709 = vector.shape_cast %mul3A_704 : vector<16xf32> to vector<1x16xf32>
        tpu.vector_store %arg6[%swap3A_705, %swap3A_706], %swap3A_709 {strides = array<i32>} : memref<16x512xf32, #tpu.memory_space<vmem>>, vector<1x16xf32>,
      }
      %scan3A_141 = arith.constant 16 : i32
      %mul3A_142 = arith.constant 16 : i32
      %mul3A_143 = arith.muli %add3A_130, %mul3A_142 : i32
      %add3A_144 = arith.addi %mul3A_34, %mul3A_143 : i32
      %dma_start3A_145 = arith.constant 0 : i32
      %dma_start3A_146 = tpu.memref_slice %arg4[%add3A_144, %dma_start3A_145] : memref<16384x512xf32, #tpu.memory_space<hbm>> -> memref<16x512xf32, #tpu.memory_space<hbm>>
      %dma_start3A_147 = arith.constant 0 : i32
      %dma_start3A_148 = tpu.memref_slice %arg4[%add3A_144, %dma_start3A_147] : memref<16384x512xf32, #tpu.memory_space<hbm>> -> memref<16x512xf32, #tpu.memory_space<hbm>>
      tpu.enqueue_dma source(%arg6 : memref<16x512xf32, #tpu.memory_space<vmem>>) target(%dma_start3A_148 : memref<16x512xf32, #tpu.memory_space<hbm>>) target_semaphore(%arg22 : memref<!tpu.dma_semaphore, #tpu.memory_space<semaphore_mem>>)
      %lt3A_149 = arith.constant 3 : i32
      %lt3A_150 = arith.cmpi slt, %scan3A_126, %lt3A_149 : i32
      %convert_element_type3A = arith.extui %lt3A_150 : i1 to i32
      %cond3A = arith.constant 0 : i32
      %cond3A_151 = arith.cmpi ne, %convert_element_type3A, %cond3A : i32
      scf.if %cond3A_151 {
        %dma_wait3A_327 = arith.constant 0 : i32
        %dma_wait3A_328 = arith.constant 0 : i32
        %dma_wait3A_329 = tpu.memref_slice %arg4[%dma_wait3A_327, %dma_wait3A_328] : memref<16384x512xf32, #tpu.memory_space<hbm>> -> memref<16x512xf32, #tpu.memory_space<hbm>>
        %dma_wait3A_330 = arith.constant 0 : i32
        %dma_wait3A_331 = arith.constant 0 : i32
        %dma_wait3A_332 = tpu.memref_slice %arg4[%dma_wait3A_330, %dma_wait3A_331] : memref<16384x512xf32, #tpu.memory_space<hbm>> -> memref<16x512xf32, #tpu.memory_space<hbm>>
        tpu.wait_dma2 semaphore(%arg22 : memref<!tpu.dma_semaphore, #tpu.memory_space<semaphore_mem>>) src(%arg6 : memref<16x512xf32, #tpu.memory_space<vmem>>) dst(%dma_wait3A_332 : memref<16x512xf32, #tpu.memory_space<hbm>>)
        %add3A_333 = arith.constant 8 : i32
        %add3A_334 = arith.addi %add3A_130, %add3A_333 : i32
        %mul3A_335 = arith.constant 16 : i32
        %mul3A_336 = arith.muli %add3A_334, %mul3A_335 : i32
        %dma_start3A_337 = tpu.memref_slice %arg5[%mul3A_336] : memref<512xi32, #tpu.memory_space<vmem>> -> memref<16xi32, #tpu.memory_space<vmem>>
        %dma_start3A_338 = arith.constant 0 : i32
        %dma_start3A_339 = arith.constant 0 : i32
        %dma_start3A_340 = tpu.memref_slice %arg3[%dma_start3A_338, %dma_start3A_339] : memref<100000x512xf32, #tpu.memory_space<hbm>> -> memref<100000x512xf32, #tpu.memory_space<hbm>>
        tpu.enqueue_indirect_dma source(%dma_start3A_340 : memref<100000x512xf32, #tpu.memory_space<hbm>>) target(%arg6 : memref<16x512xf32, #tpu.memory_space<vmem>>) offsets(%dma_start3A_337 : memref<16xi32, #tpu.memory_space<vmem>>) semaphore(%arg14 : memref<!tpu.dma_semaphore, #tpu.memory_space<semaphore_mem>>)
      } else {
      }
      %add3A_152 = arith.constant 1 : i32
      %add3A_153 = arith.addi %mul3A_128, %add3A_152 : i32
      %dma_wait3A_154 = arith.constant 0 : i32
      %dma_wait3A_155 = tpu.memref_slice %arg5[%dma_wait3A_154] : memref<512xi32, #tpu.memory_space<vmem>> -> memref<16xi32, #tpu.memory_space<vmem>>
      %dma_wait3A_156 = arith.constant 0 : i32
      %dma_wait3A_157 = arith.constant 0 : i32
      %dma_wait3A_158 = tpu.memref_slice %arg3[%dma_wait3A_156, %dma_wait3A_157] : memref<100000x512xf32, #tpu.memory_space<hbm>> -> memref<100000x512xf32, #tpu.memory_space<hbm>>
      tpu.wait_indirect_dma semaphore(%arg15 : memref<!tpu.dma_semaphore, #tpu.memory_space<semaphore_mem>>) src(%dma_wait3A_158 : memref<100000x512xf32, #tpu.memory_space<hbm>>) dst(%arg7 : memref<16x512xf32, #tpu.memory_space<vmem>>)
      %scan3A_159 = arith.constant 0 : i32
      %scan3A_160 = arith.constant 0 : i32
      %scan3A_161 = arith.constant 16 : i32
      %scan3A_162 = arith.addi %scan3A_160, %scan3A_161 : i32
      %scan3A_163 = arith.constant 1 : i32
      scf.for %scan3A_327 = %scan3A_160 to %scan3A_162 step %scan3A_163  : i32 {
        %get3A = arith.index_cast %scan3A_327 : i32 to index
        %get3A_328 = arith.constant 0 : index
        %get3A_329 = tpu.vector_load %arg7[%get3A, %get3A_328] {strides = array<i32>} : memref<16x512xf32, #tpu.memory_space<vmem>>, vector<1x16xf32>,
        %get3A_330 = vector.shape_cast %get3A_329 : vector<1x16xf32> to vector<16xf32>
        %mul3A_331 = arith.constant 22.6274166 : f32
        %mul3A_332 = vector.broadcast %mul3A_331 : f32 to vector<16xf32>
        %mul3A_333 = arith.mulf %get3A_330, %mul3A_332 : vector<16xf32>
        %swap3A = arith.index_cast %scan3A_327 : i32 to index
        %swap3A_334 = arith.constant 0 : index
        %swap3A_335 = tpu.vector_load %arg7[%swap3A, %swap3A_334] {strides = array<i32>} : memref<16x512xf32, #tpu.memory_space<vmem>>, vector<1x16xf32>,
        %swap3A_336 = vector.shape_cast %swap3A_335 : vector<1x16xf32> to vector<16xf32>
        %swap3A_337 = vector.shape_cast %mul3A_333 : vector<16xf32> to vector<1x16xf32>
        tpu.vector_store %arg7[%swap3A, %swap3A_334], %swap3A_337 {strides = array<i32>} : memref<16x512xf32, #tpu.memory_space<vmem>>, vector<1x16xf32>,
        %get3A_338 = arith.index_cast %scan3A_327 : i32 to index
        %get3A_339 = arith.constant 16 : index
        %get3A_340 = tpu.vector_load %arg7[%get3A_338, %get3A_339] {strides = array<i32>} : memref<16x512xf32, #tpu.memory_space<vmem>>, vector<1x16xf32>,
        %get3A_341 = vector.shape_cast %get3A_340 : vector<1x16xf32> to vector<16xf32>
        %mul3A_342 = arith.constant 22.6274166 : f32
        %mul3A_343 = vector.broadcast %mul3A_342 : f32 to vector<16xf32>
        %mul3A_344 = arith.mulf %get3A_341, %mul3A_343 : vector<16xf32>
        %swap3A_345 = arith.index_cast %scan3A_327 : i32 to index
        %swap3A_346 = arith.constant 16 : index
        %swap3A_347 = tpu.vector_load %arg7[%swap3A_345, %swap3A_346] {strides = array<i32>} : memref<16x512xf32, #tpu.memory_space<vmem>>, vector<1x16xf32>,
        %swap3A_348 = vector.shape_cast %swap3A_347 : vector<1x16xf32> to vector<16xf32>
        %swap3A_349 = vector.shape_cast %mul3A_344 : vector<16xf32> to vector<1x16xf32>
        tpu.vector_store %arg7[%swap3A_345, %swap3A_346], %swap3A_349 {strides = array<i32>} : memref<16x512xf32, #tpu.memory_space<vmem>>, vector<1x16xf32>,
        %get3A_350 = arith.index_cast %scan3A_327 : i32 to index
        %get3A_351 = arith.constant 32 : index
        %get3A_352 = tpu.vector_load %arg7[%get3A_350, %get3A_351] {strides = array<i32>} : memref<16x512xf32, #tpu.memory_space<vmem>>, vector<1x16xf32>,
        %get3A_353 = vector.shape_cast %get3A_352 : vector<1x16xf32> to vector<16xf32>
        %mul3A_354 = arith.constant 22.6274166 : f32
        %mul3A_355 = vector.broadcast %mul3A_354 : f32 to vector<16xf32>
        %mul3A_356 = arith.mulf %get3A_353, %mul3A_355 : vector<16xf32>
        %swap3A_357 = arith.index_cast %scan3A_327 : i32 to index
        %swap3A_358 = arith.constant 32 : index
        %swap3A_359 = tpu.vector_load %arg7[%swap3A_357, %swap3A_358] {strides = array<i32>} : memref<16x512xf32, #tpu.memory_space<vmem>>, vector<1x16xf32>,
        %swap3A_360 = vector.shape_cast %swap3A_359 : vector<1x16xf32> to vector<16xf32>
        %swap3A_361 = vector.shape_cast %mul3A_356 : vector<16xf32> to vector<1x16xf32>
        tpu.vector_store %arg7[%swap3A_357, %swap3A_358], %swap3A_361 {strides = array<i32>} : memref<16x512xf32, #tpu.memory_space<vmem>>, vector<1x16xf32>,
        %get3A_362 = arith.index_cast %scan3A_327 : i32 to index
        %get3A_363 = arith.constant 48 : index
        %get3A_364 = tpu.vector_load %arg7[%get3A_362, %get3A_363] {strides = array<i32>} : memref<16x512xf32, #tpu.memory_space<vmem>>, vector<1x16xf32>,
        %get3A_365 = vector.shape_cast %get3A_364 : vector<1x16xf32> to vector<16xf32>
        %mul3A_366 = arith.constant 22.6274166 : f32
        %mul3A_367 = vector.broadcast %mul3A_366 : f32 to vector<16xf32>
        %mul3A_368 = arith.mulf %get3A_365, %mul3A_367 : vector<16xf32>
        %swap3A_369 = arith.index_cast %scan3A_327 : i32 to index
        %swap3A_370 = arith.constant 48 : index
        %swap3A_371 = tpu.vector_load %arg7[%swap3A_369, %swap3A_370] {strides = array<i32>} : memref<16x512xf32, #tpu.memory_space<vmem>>, vector<1x16xf32>,
        %swap3A_372 = vector.shape_cast %swap3A_371 : vector<1x16xf32> to vector<16xf32>
        %swap3A_373 = vector.shape_cast %mul3A_368 : vector<16xf32> to vector<1x16xf32>
        tpu.vector_store %arg7[%swap3A_369, %swap3A_370], %swap3A_373 {strides = array<i32>} : memref<16x512xf32, #tpu.memory_space<vmem>>, vector<1x16xf32>,
        %get3A_374 = arith.index_cast %scan3A_327 : i32 to index
        %get3A_375 = arith.constant 64 : index
        %get3A_376 = tpu.vector_load %arg7[%get3A_374, %get3A_375] {strides = array<i32>} : memref<16x512xf32, #tpu.memory_space<vmem>>, vector<1x16xf32>,
        %get3A_377 = vector.shape_cast %get3A_376 : vector<1x16xf32> to vector<16xf32>
        %mul3A_378 = arith.constant 22.6274166 : f32
        %mul3A_379 = vector.broadcast %mul3A_378 : f32 to vector<16xf32>
        %mul3A_380 = arith.mulf %get3A_377, %mul3A_379 : vector<16xf32>
        %swap3A_381 = arith.index_cast %scan3A_327 : i32 to index
        %swap3A_382 = arith.constant 64 : index
        %swap3A_383 = tpu.vector_load %arg7[%swap3A_381, %swap3A_382] {strides = array<i32>} : memref<16x512xf32, #tpu.memory_space<vmem>>, vector<1x16xf32>,
        %swap3A_384 = vector.shape_cast %swap3A_383 : vector<1x16xf32> to vector<16xf32>
        %swap3A_385 = vector.shape_cast %mul3A_380 : vector<16xf32> to vector<1x16xf32>
        tpu.vector_store %arg7[%swap3A_381, %swap3A_382], %swap3A_385 {strides = array<i32>} : memref<16x512xf32, #tpu.memory_space<vmem>>, vector<1x16xf32>,
        %get3A_386 = arith.index_cast %scan3A_327 : i32 to index
        %get3A_387 = arith.constant 80 : index
        %get3A_388 = tpu.vector_load %arg7[%get3A_386, %get3A_387] {strides = array<i32>} : memref<16x512xf32, #tpu.memory_space<vmem>>, vector<1x16xf32>,
        %get3A_389 = vector.shape_cast %get3A_388 : vector<1x16xf32> to vector<16xf32>
        %mul3A_390 = arith.constant 22.6274166 : f32
        %mul3A_391 = vector.broadcast %mul3A_390 : f32 to vector<16xf32>
        %mul3A_392 = arith.mulf %get3A_389, %mul3A_391 : vector<16xf32>
        %swap3A_393 = arith.index_cast %scan3A_327 : i32 to index
        %swap3A_394 = arith.constant 80 : index
        %swap3A_395 = tpu.vector_load %arg7[%swap3A_393, %swap3A_394] {strides = array<i32>} : memref<16x512xf32, #tpu.memory_space<vmem>>, vector<1x16xf32>,
        %swap3A_396 = vector.shape_cast %swap3A_395 : vector<1x16xf32> to vector<16xf32>
        %swap3A_397 = vector.shape_cast %mul3A_392 : vector<16xf32> to vector<1x16xf32>
        tpu.vector_store %arg7[%swap3A_393, %swap3A_394], %swap3A_397 {strides = array<i32>} : memref<16x512xf32, #tpu.memory_space<vmem>>, vector<1x16xf32>,
        %get3A_398 = arith.index_cast %scan3A_327 : i32 to index
        %get3A_399 = arith.constant 96 : index
        %get3A_400 = tpu.vector_load %arg7[%get3A_398, %get3A_399] {strides = array<i32>} : memref<16x512xf32, #tpu.memory_space<vmem>>, vector<1x16xf32>,
        %get3A_401 = vector.shape_cast %get3A_400 : vector<1x16xf32> to vector<16xf32>
        %mul3A_402 = arith.constant 22.6274166 : f32
        %mul3A_403 = vector.broadcast %mul3A_402 : f32 to vector<16xf32>
        %mul3A_404 = arith.mulf %get3A_401, %mul3A_403 : vector<16xf32>
        %swap3A_405 = arith.index_cast %scan3A_327 : i32 to index
        %swap3A_406 = arith.constant 96 : index
        %swap3A_407 = tpu.vector_load %arg7[%swap3A_405, %swap3A_406] {strides = array<i32>} : memref<16x512xf32, #tpu.memory_space<vmem>>, vector<1x16xf32>,
        %swap3A_408 = vector.shape_cast %swap3A_407 : vector<1x16xf32> to vector<16xf32>
        %swap3A_409 = vector.shape_cast %mul3A_404 : vector<16xf32> to vector<1x16xf32>
        tpu.vector_store %arg7[%swap3A_405, %swap3A_406], %swap3A_409 {strides = array<i32>} : memref<16x512xf32, #tpu.memory_space<vmem>>, vector<1x16xf32>,
        %get3A_410 = arith.index_cast %scan3A_327 : i32 to index
        %get3A_411 = arith.constant 112 : index
        %get3A_412 = tpu.vector_load %arg7[%get3A_410, %get3A_411] {strides = array<i32>} : memref<16x512xf32, #tpu.memory_space<vmem>>, vector<1x16xf32>,
        %get3A_413 = vector.shape_cast %get3A_412 : vector<1x16xf32> to vector<16xf32>
        %mul3A_414 = arith.constant 22.6274166 : f32
        %mul3A_415 = vector.broadcast %mul3A_414 : f32 to vector<16xf32>
        %mul3A_416 = arith.mulf %get3A_413, %mul3A_415 : vector<16xf32>
        %swap3A_417 = arith.index_cast %scan3A_327 : i32 to index
        %swap3A_418 = arith.constant 112 : index
        %swap3A_419 = tpu.vector_load %arg7[%swap3A_417, %swap3A_418] {strides = array<i32>} : memref<16x512xf32, #tpu.memory_space<vmem>>, vector<1x16xf32>,
        %swap3A_420 = vector.shape_cast %swap3A_419 : vector<1x16xf32> to vector<16xf32>
        %swap3A_421 = vector.shape_cast %mul3A_416 : vector<16xf32> to vector<1x16xf32>
        tpu.vector_store %arg7[%swap3A_417, %swap3A_418], %swap3A_421 {strides = array<i32>} : memref<16x512xf32, #tpu.memory_space<vmem>>, vector<1x16xf32>,
        %get3A_422 = arith.index_cast %scan3A_327 : i32 to index
        %get3A_423 = arith.constant 128 : index
        %get3A_424 = tpu.vector_load %arg7[%get3A_422, %get3A_423] {strides = array<i32>} : memref<16x512xf32, #tpu.memory_space<vmem>>, vector<1x16xf32>,
        %get3A_425 = vector.shape_cast %get3A_424 : vector<1x16xf32> to vector<16xf32>
        %mul3A_426 = arith.constant 22.6274166 : f32
        %mul3A_427 = vector.broadcast %mul3A_426 : f32 to vector<16xf32>
        %mul3A_428 = arith.mulf %get3A_425, %mul3A_427 : vector<16xf32>
        %swap3A_429 = arith.index_cast %scan3A_327 : i32 to index
        %swap3A_430 = arith.constant 128 : index
        %swap3A_431 = tpu.vector_load %arg7[%swap3A_429, %swap3A_430] {strides = array<i32>} : memref<16x512xf32, #tpu.memory_space<vmem>>, vector<1x16xf32>,
        %swap3A_432 = vector.shape_cast %swap3A_431 : vector<1x16xf32> to vector<16xf32>
        %swap3A_433 = vector.shape_cast %mul3A_428 : vector<16xf32> to vector<1x16xf32>
        tpu.vector_store %arg7[%swap3A_429, %swap3A_430], %swap3A_433 {strides = array<i32>} : memref<16x512xf32, #tpu.memory_space<vmem>>, vector<1x16xf32>,
        %get3A_434 = arith.index_cast %scan3A_327 : i32 to index
        %get3A_435 = arith.constant 144 : index
        %get3A_436 = tpu.vector_load %arg7[%get3A_434, %get3A_435] {strides = array<i32>} : memref<16x512xf32, #tpu.memory_space<vmem>>, vector<1x16xf32>,
        %get3A_437 = vector.shape_cast %get3A_436 : vector<1x16xf32> to vector<16xf32>
        %mul3A_438 = arith.constant 22.6274166 : f32
        %mul3A_439 = vector.broadcast %mul3A_438 : f32 to vector<16xf32>
        %mul3A_440 = arith.mulf %get3A_437, %mul3A_439 : vector<16xf32>
        %swap3A_441 = arith.index_cast %scan3A_327 : i32 to index
        %swap3A_442 = arith.constant 144 : index
        %swap3A_443 = tpu.vector_load %arg7[%swap3A_441, %swap3A_442] {strides = array<i32>} : memref<16x512xf32, #tpu.memory_space<vmem>>, vector<1x16xf32>,
        %swap3A_444 = vector.shape_cast %swap3A_443 : vector<1x16xf32> to vector<16xf32>
        %swap3A_445 = vector.shape_cast %mul3A_440 : vector<16xf32> to vector<1x16xf32>
        tpu.vector_store %arg7[%swap3A_441, %swap3A_442], %swap3A_445 {strides = array<i32>} : memref<16x512xf32, #tpu.memory_space<vmem>>, vector<1x16xf32>,
        %get3A_446 = arith.index_cast %scan3A_327 : i32 to index
        %get3A_447 = arith.constant 160 : index
        %get3A_448 = tpu.vector_load %arg7[%get3A_446, %get3A_447] {strides = array<i32>} : memref<16x512xf32, #tpu.memory_space<vmem>>, vector<1x16xf32>,
        %get3A_449 = vector.shape_cast %get3A_448 : vector<1x16xf32> to vector<16xf32>
        %mul3A_450 = arith.constant 22.6274166 : f32
        %mul3A_451 = vector.broadcast %mul3A_450 : f32 to vector<16xf32>
        %mul3A_452 = arith.mulf %get3A_449, %mul3A_451 : vector<16xf32>
        %swap3A_453 = arith.index_cast %scan3A_327 : i32 to index
        %swap3A_454 = arith.constant 160 : index
        %swap3A_455 = tpu.vector_load %arg7[%swap3A_453, %swap3A_454] {strides = array<i32>} : memref<16x512xf32, #tpu.memory_space<vmem>>, vector<1x16xf32>,
        %swap3A_456 = vector.shape_cast %swap3A_455 : vector<1x16xf32> to vector<16xf32>
        %swap3A_457 = vector.shape_cast %mul3A_452 : vector<16xf32> to vector<1x16xf32>
        tpu.vector_store %arg7[%swap3A_453, %swap3A_454], %swap3A_457 {strides = array<i32>} : memref<16x512xf32, #tpu.memory_space<vmem>>, vector<1x16xf32>,
        %get3A_458 = arith.index_cast %scan3A_327 : i32 to index
        %get3A_459 = arith.constant 176 : index
        %get3A_460 = tpu.vector_load %arg7[%get3A_458, %get3A_459] {strides = array<i32>} : memref<16x512xf32, #tpu.memory_space<vmem>>, vector<1x16xf32>,
        %get3A_461 = vector.shape_cast %get3A_460 : vector<1x16xf32> to vector<16xf32>
        %mul3A_462 = arith.constant 22.6274166 : f32
        %mul3A_463 = vector.broadcast %mul3A_462 : f32 to vector<16xf32>
        %mul3A_464 = arith.mulf %get3A_461, %mul3A_463 : vector<16xf32>
        %swap3A_465 = arith.index_cast %scan3A_327 : i32 to index
        %swap3A_466 = arith.constant 176 : index
        %swap3A_467 = tpu.vector_load %arg7[%swap3A_465, %swap3A_466] {strides = array<i32>} : memref<16x512xf32, #tpu.memory_space<vmem>>, vector<1x16xf32>,
        %swap3A_468 = vector.shape_cast %swap3A_467 : vector<1x16xf32> to vector<16xf32>
        %swap3A_469 = vector.shape_cast %mul3A_464 : vector<16xf32> to vector<1x16xf32>
        tpu.vector_store %arg7[%swap3A_465, %swap3A_466], %swap3A_469 {strides = array<i32>} : memref<16x512xf32, #tpu.memory_space<vmem>>, vector<1x16xf32>,
        %get3A_470 = arith.index_cast %scan3A_327 : i32 to index
        %get3A_471 = arith.constant 192 : index
        %get3A_472 = tpu.vector_load %arg7[%get3A_470, %get3A_471] {strides = array<i32>} : memref<16x512xf32, #tpu.memory_space<vmem>>, vector<1x16xf32>,
        %get3A_473 = vector.shape_cast %get3A_472 : vector<1x16xf32> to vector<16xf32>
        %mul3A_474 = arith.constant 22.6274166 : f32
        %mul3A_475 = vector.broadcast %mul3A_474 : f32 to vector<16xf32>
        %mul3A_476 = arith.mulf %get3A_473, %mul3A_475 : vector<16xf32>
        %swap3A_477 = arith.index_cast %scan3A_327 : i32 to index
        %swap3A_478 = arith.constant 192 : index
        %swap3A_479 = tpu.vector_load %arg7[%swap3A_477, %swap3A_478] {strides = array<i32>} : memref<16x512xf32, #tpu.memory_space<vmem>>, vector<1x16xf32>,
        %swap3A_480 = vector.shape_cast %swap3A_479 : vector<1x16xf32> to vector<16xf32>
        %swap3A_481 = vector.shape_cast %mul3A_476 : vector<16xf32> to vector<1x16xf32>
        tpu.vector_store %arg7[%swap3A_477, %swap3A_478], %swap3A_481 {strides = array<i32>} : memref<16x512xf32, #tpu.memory_space<vmem>>, vector<1x16xf32>,
        %get3A_482 = arith.index_cast %scan3A_327 : i32 to index
        %get3A_483 = arith.constant 208 : index
        %get3A_484 = tpu.vector_load %arg7[%get3A_482, %get3A_483] {strides = array<i32>} : memref<16x512xf32, #tpu.memory_space<vmem>>, vector<1x16xf32>,
        %get3A_485 = vector.shape_cast %get3A_484 : vector<1x16xf32> to vector<16xf32>
        %mul3A_486 = arith.constant 22.6274166 : f32
        %mul3A_487 = vector.broadcast %mul3A_486 : f32 to vector<16xf32>
        %mul3A_488 = arith.mulf %get3A_485, %mul3A_487 : vector<16xf32>
        %swap3A_489 = arith.index_cast %scan3A_327 : i32 to index
        %swap3A_490 = arith.constant 208 : index
        %swap3A_491 = tpu.vector_load %arg7[%swap3A_489, %swap3A_490] {strides = array<i32>} : memref<16x512xf32, #tpu.memory_space<vmem>>, vector<1x16xf32>,
        %swap3A_492 = vector.shape_cast %swap3A_491 : vector<1x16xf32> to vector<16xf32>
        %swap3A_493 = vector.shape_cast %mul3A_488 : vector<16xf32> to vector<1x16xf32>
        tpu.vector_store %arg7[%swap3A_489, %swap3A_490], %swap3A_493 {strides = array<i32>} : memref<16x512xf32, #tpu.memory_space<vmem>>, vector<1x16xf32>,
        %get3A_494 = arith.index_cast %scan3A_327 : i32 to index
        %get3A_495 = arith.constant 224 : index
        %get3A_496 = tpu.vector_load %arg7[%get3A_494, %get3A_495] {strides = array<i32>} : memref<16x512xf32, #tpu.memory_space<vmem>>, vector<1x16xf32>,
        %get3A_497 = vector.shape_cast %get3A_496 : vector<1x16xf32> to vector<16xf32>
        %mul3A_498 = arith.constant 22.6274166 : f32
        %mul3A_499 = vector.broadcast %mul3A_498 : f32 to vector<16xf32>
        %mul3A_500 = arith.mulf %get3A_497, %mul3A_499 : vector<16xf32>
        %swap3A_501 = arith.index_cast %scan3A_327 : i32 to index
        %swap3A_502 = arith.constant 224 : index
        %swap3A_503 = tpu.vector_load %arg7[%swap3A_501, %swap3A_502] {strides = array<i32>} : memref<16x512xf32, #tpu.memory_space<vmem>>, vector<1x16xf32>,
        %swap3A_504 = vector.shape_cast %swap3A_503 : vector<1x16xf32> to vector<16xf32>
        %swap3A_505 = vector.shape_cast %mul3A_500 : vector<16xf32> to vector<1x16xf32>
        tpu.vector_store %arg7[%swap3A_501, %swap3A_502], %swap3A_505 {strides = array<i32>} : memref<16x512xf32, #tpu.memory_space<vmem>>, vector<1x16xf32>,
        %get3A_506 = arith.index_cast %scan3A_327 : i32 to index
        %get3A_507 = arith.constant 240 : index
        %get3A_508 = tpu.vector_load %arg7[%get3A_506, %get3A_507] {strides = array<i32>} : memref<16x512xf32, #tpu.memory_space<vmem>>, vector<1x16xf32>,
        %get3A_509 = vector.shape_cast %get3A_508 : vector<1x16xf32> to vector<16xf32>
        %mul3A_510 = arith.constant 22.6274166 : f32
        %mul3A_511 = vector.broadcast %mul3A_510 : f32 to vector<16xf32>
        %mul3A_512 = arith.mulf %get3A_509, %mul3A_511 : vector<16xf32>
        %swap3A_513 = arith.index_cast %scan3A_327 : i32 to index
        %swap3A_514 = arith.constant 240 : index
        %swap3A_515 = tpu.vector_load %arg7[%swap3A_513, %swap3A_514] {strides = array<i32>} : memref<16x512xf32, #tpu.memory_space<vmem>>, vector<1x16xf32>,
        %swap3A_516 = vector.shape_cast %swap3A_515 : vector<1x16xf32> to vector<16xf32>
        %swap3A_517 = vector.shape_cast %mul3A_512 : vector<16xf32> to vector<1x16xf32>
        tpu.vector_store %arg7[%swap3A_513, %swap3A_514], %swap3A_517 {strides = array<i32>} : memref<16x512xf32, #tpu.memory_space<vmem>>, vector<1x16xf32>,
        %get3A_518 = arith.index_cast %scan3A_327 : i32 to index
        %get3A_519 = arith.constant 256 : index
        %get3A_520 = tpu.vector_load %arg7[%get3A_518, %get3A_519] {strides = array<i32>} : memref<16x512xf32, #tpu.memory_space<vmem>>, vector<1x16xf32>,
        %get3A_521 = vector.shape_cast %get3A_520 : vector<1x16xf32> to vector<16xf32>
        %mul3A_522 = arith.constant 22.6274166 : f32
        %mul3A_523 = vector.broadcast %mul3A_522 : f32 to vector<16xf32>
        %mul3A_524 = arith.mulf %get3A_521, %mul3A_523 : vector<16xf32>
        %swap3A_525 = arith.index_cast %scan3A_327 : i32 to index
        %swap3A_526 = arith.constant 256 : index
        %swap3A_527 = tpu.vector_load %arg7[%swap3A_525, %swap3A_526] {strides = array<i32>} : memref<16x512xf32, #tpu.memory_space<vmem>>, vector<1x16xf32>,
        %swap3A_528 = vector.shape_cast %swap3A_527 : vector<1x16xf32> to vector<16xf32>
        %swap3A_529 = vector.shape_cast %mul3A_524 : vector<16xf32> to vector<1x16xf32>
        tpu.vector_store %arg7[%swap3A_525, %swap3A_526], %swap3A_529 {strides = array<i32>} : memref<16x512xf32, #tpu.memory_space<vmem>>, vector<1x16xf32>,
        %get3A_530 = arith.index_cast %scan3A_327 : i32 to index
        %get3A_531 = arith.constant 272 : index
        %get3A_532 = tpu.vector_load %arg7[%get3A_530, %get3A_531] {strides = array<i32>} : memref<16x512xf32, #tpu.memory_space<vmem>>, vector<1x16xf32>,
        %get3A_533 = vector.shape_cast %get3A_532 : vector<1x16xf32> to vector<16xf32>
        %mul3A_534 = arith.constant 22.6274166 : f32
        %mul3A_535 = vector.broadcast %mul3A_534 : f32 to vector<16xf32>
        %mul3A_536 = arith.mulf %get3A_533, %mul3A_535 : vector<16xf32>
        %swap3A_537 = arith.index_cast %scan3A_327 : i32 to index
        %swap3A_538 = arith.constant 272 : index
        %swap3A_539 = tpu.vector_load %arg7[%swap3A_537, %swap3A_538] {strides = array<i32>} : memref<16x512xf32, #tpu.memory_space<vmem>>, vector<1x16xf32>,
        %swap3A_540 = vector.shape_cast %swap3A_539 : vector<1x16xf32> to vector<16xf32>
        %swap3A_541 = vector.shape_cast %mul3A_536 : vector<16xf32> to vector<1x16xf32>
        tpu.vector_store %arg7[%swap3A_537, %swap3A_538], %swap3A_541 {strides = array<i32>} : memref<16x512xf32, #tpu.memory_space<vmem>>, vector<1x16xf32>,
        %get3A_542 = arith.index_cast %scan3A_327 : i32 to index
        %get3A_543 = arith.constant 288 : index
        %get3A_544 = tpu.vector_load %arg7[%get3A_542, %get3A_543] {strides = array<i32>} : memref<16x512xf32, #tpu.memory_space<vmem>>, vector<1x16xf32>,
        %get3A_545 = vector.shape_cast %get3A_544 : vector<1x16xf32> to vector<16xf32>
        %mul3A_546 = arith.constant 22.6274166 : f32
        %mul3A_547 = vector.broadcast %mul3A_546 : f32 to vector<16xf32>
        %mul3A_548 = arith.mulf %get3A_545, %mul3A_547 : vector<16xf32>
        %swap3A_549 = arith.index_cast %scan3A_327 : i32 to index
        %swap3A_550 = arith.constant 288 : index
        %swap3A_551 = tpu.vector_load %arg7[%swap3A_549, %swap3A_550] {strides = array<i32>} : memref<16x512xf32, #tpu.memory_space<vmem>>, vector<1x16xf32>,
        %swap3A_552 = vector.shape_cast %swap3A_551 : vector<1x16xf32> to vector<16xf32>
        %swap3A_553 = vector.shape_cast %mul3A_548 : vector<16xf32> to vector<1x16xf32>
        tpu.vector_store %arg7[%swap3A_549, %swap3A_550], %swap3A_553 {strides = array<i32>} : memref<16x512xf32, #tpu.memory_space<vmem>>, vector<1x16xf32>,
        %get3A_554 = arith.index_cast %scan3A_327 : i32 to index
        %get3A_555 = arith.constant 304 : index
        %get3A_556 = tpu.vector_load %arg7[%get3A_554, %get3A_555] {strides = array<i32>} : memref<16x512xf32, #tpu.memory_space<vmem>>, vector<1x16xf32>,
        %get3A_557 = vector.shape_cast %get3A_556 : vector<1x16xf32> to vector<16xf32>
        %mul3A_558 = arith.constant 22.6274166 : f32
        %mul3A_559 = vector.broadcast %mul3A_558 : f32 to vector<16xf32>
        %mul3A_560 = arith.mulf %get3A_557, %mul3A_559 : vector<16xf32>
        %swap3A_561 = arith.index_cast %scan3A_327 : i32 to index
        %swap3A_562 = arith.constant 304 : index
        %swap3A_563 = tpu.vector_load %arg7[%swap3A_561, %swap3A_562] {strides = array<i32>} : memref<16x512xf32, #tpu.memory_space<vmem>>, vector<1x16xf32>,
        %swap3A_564 = vector.shape_cast %swap3A_563 : vector<1x16xf32> to vector<16xf32>
        %swap3A_565 = vector.shape_cast %mul3A_560 : vector<16xf32> to vector<1x16xf32>
        tpu.vector_store %arg7[%swap3A_561, %swap3A_562], %swap3A_565 {strides = array<i32>} : memref<16x512xf32, #tpu.memory_space<vmem>>, vector<1x16xf32>,
        %get3A_566 = arith.index_cast %scan3A_327 : i32 to index
        %get3A_567 = arith.constant 320 : index
        %get3A_568 = tpu.vector_load %arg7[%get3A_566, %get3A_567] {strides = array<i32>} : memref<16x512xf32, #tpu.memory_space<vmem>>, vector<1x16xf32>,
        %get3A_569 = vector.shape_cast %get3A_568 : vector<1x16xf32> to vector<16xf32>
        %mul3A_570 = arith.constant 22.6274166 : f32
        %mul3A_571 = vector.broadcast %mul3A_570 : f32 to vector<16xf32>
        %mul3A_572 = arith.mulf %get3A_569, %mul3A_571 : vector<16xf32>
        %swap3A_573 = arith.index_cast %scan3A_327 : i32 to index
        %swap3A_574 = arith.constant 320 : index
        %swap3A_575 = tpu.vector_load %arg7[%swap3A_573, %swap3A_574] {strides = array<i32>} : memref<16x512xf32, #tpu.memory_space<vmem>>, vector<1x16xf32>,
        %swap3A_576 = vector.shape_cast %swap3A_575 : vector<1x16xf32> to vector<16xf32>
        %swap3A_577 = vector.shape_cast %mul3A_572 : vector<16xf32> to vector<1x16xf32>
        tpu.vector_store %arg7[%swap3A_573, %swap3A_574], %swap3A_577 {strides = array<i32>} : memref<16x512xf32, #tpu.memory_space<vmem>>, vector<1x16xf32>,
        %get3A_578 = arith.index_cast %scan3A_327 : i32 to index
        %get3A_579 = arith.constant 336 : index
        %get3A_580 = tpu.vector_load %arg7[%get3A_578, %get3A_579] {strides = array<i32>} : memref<16x512xf32, #tpu.memory_space<vmem>>, vector<1x16xf32>,
        %get3A_581 = vector.shape_cast %get3A_580 : vector<1x16xf32> to vector<16xf32>
        %mul3A_582 = arith.constant 22.6274166 : f32
        %mul3A_583 = vector.broadcast %mul3A_582 : f32 to vector<16xf32>
        %mul3A_584 = arith.mulf %get3A_581, %mul3A_583 : vector<16xf32>
        %swap3A_585 = arith.index_cast %scan3A_327 : i32 to index
        %swap3A_586 = arith.constant 336 : index
        %swap3A_587 = tpu.vector_load %arg7[%swap3A_585, %swap3A_586] {strides = array<i32>} : memref<16x512xf32, #tpu.memory_space<vmem>>, vector<1x16xf32>,
        %swap3A_588 = vector.shape_cast %swap3A_587 : vector<1x16xf32> to vector<16xf32>
        %swap3A_589 = vector.shape_cast %mul3A_584 : vector<16xf32> to vector<1x16xf32>
        tpu.vector_store %arg7[%swap3A_585, %swap3A_586], %swap3A_589 {strides = array<i32>} : memref<16x512xf32, #tpu.memory_space<vmem>>, vector<1x16xf32>,
        %get3A_590 = arith.index_cast %scan3A_327 : i32 to index
        %get3A_591 = arith.constant 352 : index
        %get3A_592 = tpu.vector_load %arg7[%get3A_590, %get3A_591] {strides = array<i32>} : memref<16x512xf32, #tpu.memory_space<vmem>>, vector<1x16xf32>,
        %get3A_593 = vector.shape_cast %get3A_592 : vector<1x16xf32> to vector<16xf32>
        %mul3A_594 = arith.constant 22.6274166 : f32
        %mul3A_595 = vector.broadcast %mul3A_594 : f32 to vector<16xf32>
        %mul3A_596 = arith.mulf %get3A_593, %mul3A_595 : vector<16xf32>
        %swap3A_597 = arith.index_cast %scan3A_327 : i32 to index
        %swap3A_598 = arith.constant 352 : index
        %swap3A_599 = tpu.vector_load %arg7[%swap3A_597, %swap3A_598] {strides = array<i32>} : memref<16x512xf32, #tpu.memory_space<vmem>>, vector<1x16xf32>,
        %swap3A_600 = vector.shape_cast %swap3A_599 : vector<1x16xf32> to vector<16xf32>
        %swap3A_601 = vector.shape_cast %mul3A_596 : vector<16xf32> to vector<1x16xf32>
        tpu.vector_store %arg7[%swap3A_597, %swap3A_598], %swap3A_601 {strides = array<i32>} : memref<16x512xf32, #tpu.memory_space<vmem>>, vector<1x16xf32>,
        %get3A_602 = arith.index_cast %scan3A_327 : i32 to index
        %get3A_603 = arith.constant 368 : index
        %get3A_604 = tpu.vector_load %arg7[%get3A_602, %get3A_603] {strides = array<i32>} : memref<16x512xf32, #tpu.memory_space<vmem>>, vector<1x16xf32>,
        %get3A_605 = vector.shape_cast %get3A_604 : vector<1x16xf32> to vector<16xf32>
        %mul3A_606 = arith.constant 22.6274166 : f32
        %mul3A_607 = vector.broadcast %mul3A_606 : f32 to vector<16xf32>
        %mul3A_608 = arith.mulf %get3A_605, %mul3A_607 : vector<16xf32>
        %swap3A_609 = arith.index_cast %scan3A_327 : i32 to index
        %swap3A_610 = arith.constant 368 : index
        %swap3A_611 = tpu.vector_load %arg7[%swap3A_609, %swap3A_610] {strides = array<i32>} : memref<16x512xf32, #tpu.memory_space<vmem>>, vector<1x16xf32>,
        %swap3A_612 = vector.shape_cast %swap3A_611 : vector<1x16xf32> to vector<16xf32>
        %swap3A_613 = vector.shape_cast %mul3A_608 : vector<16xf32> to vector<1x16xf32>
        tpu.vector_store %arg7[%swap3A_609, %swap3A_610], %swap3A_613 {strides = array<i32>} : memref<16x512xf32, #tpu.memory_space<vmem>>, vector<1x16xf32>,
        %get3A_614 = arith.index_cast %scan3A_327 : i32 to index
        %get3A_615 = arith.constant 384 : index
        %get3A_616 = tpu.vector_load %arg7[%get3A_614, %get3A_615] {strides = array<i32>} : memref<16x512xf32, #tpu.memory_space<vmem>>, vector<1x16xf32>,
        %get3A_617 = vector.shape_cast %get3A_616 : vector<1x16xf32> to vector<16xf32>
        %mul3A_618 = arith.constant 22.6274166 : f32
        %mul3A_619 = vector.broadcast %mul3A_618 : f32 to vector<16xf32>
        %mul3A_620 = arith.mulf %get3A_617, %mul3A_619 : vector<16xf32>
        %swap3A_621 = arith.index_cast %scan3A_327 : i32 to index
        %swap3A_622 = arith.constant 384 : index
        %swap3A_623 = tpu.vector_load %arg7[%swap3A_621, %swap3A_622] {strides = array<i32>} : memref<16x512xf32, #tpu.memory_space<vmem>>, vector<1x16xf32>,
        %swap3A_624 = vector.shape_cast %swap3A_623 : vector<1x16xf32> to vector<16xf32>
        %swap3A_625 = vector.shape_cast %mul3A_620 : vector<16xf32> to vector<1x16xf32>
        tpu.vector_store %arg7[%swap3A_621, %swap3A_622], %swap3A_625 {strides = array<i32>} : memref<16x512xf32, #tpu.memory_space<vmem>>, vector<1x16xf32>,
        %get3A_626 = arith.index_cast %scan3A_327 : i32 to index
        %get3A_627 = arith.constant 400 : index
        %get3A_628 = tpu.vector_load %arg7[%get3A_626, %get3A_627] {strides = array<i32>} : memref<16x512xf32, #tpu.memory_space<vmem>>, vector<1x16xf32>,
        %get3A_629 = vector.shape_cast %get3A_628 : vector<1x16xf32> to vector<16xf32>
        %mul3A_630 = arith.constant 22.6274166 : f32
        %mul3A_631 = vector.broadcast %mul3A_630 : f32 to vector<16xf32>
        %mul3A_632 = arith.mulf %get3A_629, %mul3A_631 : vector<16xf32>
        %swap3A_633 = arith.index_cast %scan3A_327 : i32 to index
        %swap3A_634 = arith.constant 400 : index
        %swap3A_635 = tpu.vector_load %arg7[%swap3A_633, %swap3A_634] {strides = array<i32>} : memref<16x512xf32, #tpu.memory_space<vmem>>, vector<1x16xf32>,
        %swap3A_636 = vector.shape_cast %swap3A_635 : vector<1x16xf32> to vector<16xf32>
        %swap3A_637 = vector.shape_cast %mul3A_632 : vector<16xf32> to vector<1x16xf32>
        tpu.vector_store %arg7[%swap3A_633, %swap3A_634], %swap3A_637 {strides = array<i32>} : memref<16x512xf32, #tpu.memory_space<vmem>>, vector<1x16xf32>,
        %get3A_638 = arith.index_cast %scan3A_327 : i32 to index
        %get3A_639 = arith.constant 416 : index
        %get3A_640 = tpu.vector_load %arg7[%get3A_638, %get3A_639] {strides = array<i32>} : memref<16x512xf32, #tpu.memory_space<vmem>>, vector<1x16xf32>,
        %get3A_641 = vector.shape_cast %get3A_640 : vector<1x16xf32> to vector<16xf32>
        %mul3A_642 = arith.constant 22.6274166 : f32
        %mul3A_643 = vector.broadcast %mul3A_642 : f32 to vector<16xf32>
        %mul3A_644 = arith.mulf %get3A_641, %mul3A_643 : vector<16xf32>
        %swap3A_645 = arith.index_cast %scan3A_327 : i32 to index
        %swap3A_646 = arith.constant 416 : index
        %swap3A_647 = tpu.vector_load %arg7[%swap3A_645, %swap3A_646] {strides = array<i32>} : memref<16x512xf32, #tpu.memory_space<vmem>>, vector<1x16xf32>,
        %swap3A_648 = vector.shape_cast %swap3A_647 : vector<1x16xf32> to vector<16xf32>
        %swap3A_649 = vector.shape_cast %mul3A_644 : vector<16xf32> to vector<1x16xf32>
        tpu.vector_store %arg7[%swap3A_645, %swap3A_646], %swap3A_649 {strides = array<i32>} : memref<16x512xf32, #tpu.memory_space<vmem>>, vector<1x16xf32>,
        %get3A_650 = arith.index_cast %scan3A_327 : i32 to index
        %get3A_651 = arith.constant 432 : index
        %get3A_652 = tpu.vector_load %arg7[%get3A_650, %get3A_651] {strides = array<i32>} : memref<16x512xf32, #tpu.memory_space<vmem>>, vector<1x16xf32>,
        %get3A_653 = vector.shape_cast %get3A_652 : vector<1x16xf32> to vector<16xf32>
        %mul3A_654 = arith.constant 22.6274166 : f32
        %mul3A_655 = vector.broadcast %mul3A_654 : f32 to vector<16xf32>
        %mul3A_656 = arith.mulf %get3A_653, %mul3A_655 : vector<16xf32>
        %swap3A_657 = arith.index_cast %scan3A_327 : i32 to index
        %swap3A_658 = arith.constant 432 : index
        %swap3A_659 = tpu.vector_load %arg7[%swap3A_657, %swap3A_658] {strides = array<i32>} : memref<16x512xf32, #tpu.memory_space<vmem>>, vector<1x16xf32>,
        %swap3A_660 = vector.shape_cast %swap3A_659 : vector<1x16xf32> to vector<16xf32>
        %swap3A_661 = vector.shape_cast %mul3A_656 : vector<16xf32> to vector<1x16xf32>
        tpu.vector_store %arg7[%swap3A_657, %swap3A_658], %swap3A_661 {strides = array<i32>} : memref<16x512xf32, #tpu.memory_space<vmem>>, vector<1x16xf32>,
        %get3A_662 = arith.index_cast %scan3A_327 : i32 to index
        %get3A_663 = arith.constant 448 : index
        %get3A_664 = tpu.vector_load %arg7[%get3A_662, %get3A_663] {strides = array<i32>} : memref<16x512xf32, #tpu.memory_space<vmem>>, vector<1x16xf32>,
        %get3A_665 = vector.shape_cast %get3A_664 : vector<1x16xf32> to vector<16xf32>
        %mul3A_666 = arith.constant 22.6274166 : f32
        %mul3A_667 = vector.broadcast %mul3A_666 : f32 to vector<16xf32>
        %mul3A_668 = arith.mulf %get3A_665, %mul3A_667 : vector<16xf32>
        %swap3A_669 = arith.index_cast %scan3A_327 : i32 to index
        %swap3A_670 = arith.constant 448 : index
        %swap3A_671 = tpu.vector_load %arg7[%swap3A_669, %swap3A_670] {strides = array<i32>} : memref<16x512xf32, #tpu.memory_space<vmem>>, vector<1x16xf32>,
        %swap3A_672 = vector.shape_cast %swap3A_671 : vector<1x16xf32> to vector<16xf32>
        %swap3A_673 = vector.shape_cast %mul3A_668 : vector<16xf32> to vector<1x16xf32>
        tpu.vector_store %arg7[%swap3A_669, %swap3A_670], %swap3A_673 {strides = array<i32>} : memref<16x512xf32, #tpu.memory_space<vmem>>, vector<1x16xf32>,
        %get3A_674 = arith.index_cast %scan3A_327 : i32 to index
        %get3A_675 = arith.constant 464 : index
        %get3A_676 = tpu.vector_load %arg7[%get3A_674, %get3A_675] {strides = array<i32>} : memref<16x512xf32, #tpu.memory_space<vmem>>, vector<1x16xf32>,
        %get3A_677 = vector.shape_cast %get3A_676 : vector<1x16xf32> to vector<16xf32>
        %mul3A_678 = arith.constant 22.6274166 : f32
        %mul3A_679 = vector.broadcast %mul3A_678 : f32 to vector<16xf32>
        %mul3A_680 = arith.mulf %get3A_677, %mul3A_679 : vector<16xf32>
        %swap3A_681 = arith.index_cast %scan3A_327 : i32 to index
        %swap3A_682 = arith.constant 464 : index
        %swap3A_683 = tpu.vector_load %arg7[%swap3A_681, %swap3A_682] {strides = array<i32>} : memref<16x512xf32, #tpu.memory_space<vmem>>, vector<1x16xf32>,
        %swap3A_684 = vector.shape_cast %swap3A_683 : vector<1x16xf32> to vector<16xf32>
        %swap3A_685 = vector.shape_cast %mul3A_680 : vector<16xf32> to vector<1x16xf32>
        tpu.vector_store %arg7[%swap3A_681, %swap3A_682], %swap3A_685 {strides = array<i32>} : memref<16x512xf32, #tpu.memory_space<vmem>>, vector<1x16xf32>,
        %get3A_686 = arith.index_cast %scan3A_327 : i32 to index
        %get3A_687 = arith.constant 480 : index
        %get3A_688 = tpu.vector_load %arg7[%get3A_686, %get3A_687] {strides = array<i32>} : memref<16x512xf32, #tpu.memory_space<vmem>>, vector<1x16xf32>,
        %get3A_689 = vector.shape_cast %get3A_688 : vector<1x16xf32> to vector<16xf32>
        %mul3A_690 = arith.constant 22.6274166 : f32
        %mul3A_691 = vector.broadcast %mul3A_690 : f32 to vector<16xf32>
        %mul3A_692 = arith.mulf %get3A_689, %mul3A_691 : vector<16xf32>
        %swap3A_693 = arith.index_cast %scan3A_327 : i32 to index
        %swap3A_694 = arith.constant 480 : index
        %swap3A_695 = tpu.vector_load %arg7[%swap3A_693, %swap3A_694] {strides = array<i32>} : memref<16x512xf32, #tpu.memory_space<vmem>>, vector<1x16xf32>,
        %swap3A_696 = vector.shape_cast %swap3A_695 : vector<1x16xf32> to vector<16xf32>
        %swap3A_697 = vector.shape_cast %mul3A_692 : vector<16xf32> to vector<1x16xf32>
        tpu.vector_store %arg7[%swap3A_693, %swap3A_694], %swap3A_697 {strides = array<i32>} : memref<16x512xf32, #tpu.memory_space<vmem>>, vector<1x16xf32>,
        %get3A_698 = arith.index_cast %scan3A_327 : i32 to index
        %get3A_699 = arith.constant 496 : index
        %get3A_700 = tpu.vector_load %arg7[%get3A_698, %get3A_699] {strides = array<i32>} : memref<16x512xf32, #tpu.memory_space<vmem>>, vector<1x16xf32>,
        %get3A_701 = vector.shape_cast %get3A_700 : vector<1x16xf32> to vector<16xf32>
        %mul3A_702 = arith.constant 22.6274166 : f32
        %mul3A_703 = vector.broadcast %mul3A_702 : f32 to vector<16xf32>
        %mul3A_704 = arith.mulf %get3A_701, %mul3A_703 : vector<16xf32>
        %swap3A_705 = arith.index_cast %scan3A_327 : i32 to index
        %swap3A_706 = arith.constant 496 : index
        %swap3A_707 = tpu.vector_load %arg7[%swap3A_705, %swap3A_706] {strides = array<i32>} : memref<16x512xf32, #tpu.memory_space<vmem>>, vector<1x16xf32>,
        %swap3A_708 = vector.shape_cast %swap3A_707 : vector<1x16xf32> to vector<16xf32>
        %swap3A_709 = vector.shape_cast %mul3A_704 : vector<16xf32> to vector<1x16xf32>
        tpu.vector_store %arg7[%swap3A_705, %swap3A_706], %swap3A_709 {strides = array<i32>} : memref<16x512xf32, #tpu.memory_space<vmem>>, vector<1x16xf32>,
      }
      %scan3A_164 = arith.constant 16 : i32
      %mul3A_165 = arith.constant 16 : i32
      %mul3A_166 = arith.muli %add3A_153, %mul3A_165 : i32
      %add3A_167 = arith.addi %mul3A_34, %mul3A_166 : i32
      %dma_start3A_168 = arith.constant 0 : i32
      %dma_start3A_169 = tpu.memref_slice %arg4[%add3A_167, %dma_start3A_168] : memref<16384x512xf32, #tpu.memory_space<hbm>> -> memref<16x512xf32, #tpu.memory_space<hbm>>
      %dma_start3A_170 = arith.constant 0 : i32
      %dma_start3A_171 = tpu.memref_slice %arg4[%add3A_167, %dma_start3A_170] : memref<16384x512xf32, #tpu.memory_space<hbm>> -> memref<16x512xf32, #tpu.memory_space<hbm>>
      tpu.enqueue_dma source(%arg7 : memref<16x512xf32, #tpu.memory_space<vmem>>) target(%dma_start3A_171 : memref<16x512xf32, #tpu.memory_space<hbm>>) target_semaphore(%arg23 : memref<!tpu.dma_semaphore, #tpu.memory_space<semaphore_mem>>)
      %lt3A_172 = arith.constant 3 : i32
      %lt3A_173 = arith.cmpi slt, %scan3A_126, %lt3A_172 : i32
      %convert_element_type3A_174 = arith.extui %lt3A_173 : i1 to i32
      %cond3A_175 = arith.constant 0 : i32
      %cond3A_176 = arith.cmpi ne, %convert_element_type3A_174, %cond3A_175 : i32
      scf.if %cond3A_176 {
        %dma_wait3A_327 = arith.constant 0 : i32
        %dma_wait3A_328 = arith.constant 0 : i32
        %dma_wait3A_329 = tpu.memref_slice %arg4[%dma_wait3A_327, %dma_wait3A_328] : memref<16384x512xf32, #tpu.memory_space<hbm>> -> memref<16x512xf32, #tpu.memory_space<hbm>>
        %dma_wait3A_330 = arith.constant 0 : i32
        %dma_wait3A_331 = arith.constant 0 : i32
        %dma_wait3A_332 = tpu.memref_slice %arg4[%dma_wait3A_330, %dma_wait3A_331] : memref<16384x512xf32, #tpu.memory_space<hbm>> -> memref<16x512xf32, #tpu.memory_space<hbm>>
        tpu.wait_dma2 semaphore(%arg23 : memref<!tpu.dma_semaphore, #tpu.memory_space<semaphore_mem>>) src(%arg7 : memref<16x512xf32, #tpu.memory_space<vmem>>) dst(%dma_wait3A_332 : memref<16x512xf32, #tpu.memory_space<hbm>>)
        %add3A_333 = arith.constant 8 : i32
        %add3A_334 = arith.addi %add3A_153, %add3A_333 : i32
        %mul3A_335 = arith.constant 16 : i32
        %mul3A_336 = arith.muli %add3A_334, %mul3A_335 : i32
        %dma_start3A_337 = tpu.memref_slice %arg5[%mul3A_336] : memref<512xi32, #tpu.memory_space<vmem>> -> memref<16xi32, #tpu.memory_space<vmem>>
        %dma_start3A_338 = arith.constant 0 : i32
        %dma_start3A_339 = arith.constant 0 : i32
        %dma_start3A_340 = tpu.memref_slice %arg3[%dma_start3A_338, %dma_start3A_339] : memref<100000x512xf32, #tpu.memory_space<hbm>> -> memref<100000x512xf32, #tpu.memory_space<hbm>>
        tpu.enqueue_indirect_dma source(%dma_start3A_340 : memref<100000x512xf32, #tpu.memory_space<hbm>>) target(%arg7 : memref<16x512xf32, #tpu.memory_space<vmem>>) offsets(%dma_start3A_337 : memref<16xi32, #tpu.memory_space<vmem>>) semaphore(%arg15 : memref<!tpu.dma_semaphore, #tpu.memory_space<semaphore_mem>>)
      } else {
      }
      %add3A_177 = arith.constant 2 : i32
      %add3A_178 = arith.addi %mul3A_128, %add3A_177 : i32
      %dma_wait3A_179 = arith.constant 0 : i32
      %dma_wait3A_180 = tpu.memref_slice %arg5[%dma_wait3A_179] : memref<512xi32, #tpu.memory_space<vmem>> -> memref<16xi32, #tpu.memory_space<vmem>>
      %dma_wait3A_181 = arith.constant 0 : i32
      %dma_wait3A_182 = arith.constant 0 : i32
      %dma_wait3A_183 = tpu.memref_slice %arg3[%dma_wait3A_181, %dma_wait3A_182] : memref<100000x512xf32, #tpu.memory_space<hbm>> -> memref<100000x512xf32, #tpu.memory_space<hbm>>
      tpu.wait_indirect_dma semaphore(%arg16 : memref<!tpu.dma_semaphore, #tpu.memory_space<semaphore_mem>>) src(%dma_wait3A_183 : memref<100000x512xf32, #tpu.memory_space<hbm>>) dst(%arg8 : memref<16x512xf32, #tpu.memory_space<vmem>>)
      %scan3A_184 = arith.constant 0 : i32
      %scan3A_185 = arith.constant 0 : i32
      %scan3A_186 = arith.constant 16 : i32
      %scan3A_187 = arith.addi %scan3A_185, %scan3A_186 : i32
      %scan3A_188 = arith.constant 1 : i32
      scf.for %scan3A_327 = %scan3A_185 to %scan3A_187 step %scan3A_188  : i32 {
        %get3A = arith.index_cast %scan3A_327 : i32 to index
        %get3A_328 = arith.constant 0 : index
        %get3A_329 = tpu.vector_load %arg8[%get3A, %get3A_328] {strides = array<i32>} : memref<16x512xf32, #tpu.memory_space<vmem>>, vector<1x16xf32>,
        %get3A_330 = vector.shape_cast %get3A_329 : vector<1x16xf32> to vector<16xf32>
        %mul3A_331 = arith.constant 22.6274166 : f32
        %mul3A_332 = vector.broadcast %mul3A_331 : f32 to vector<16xf32>
        %mul3A_333 = arith.mulf %get3A_330, %mul3A_332 : vector<16xf32>
        %swap3A = arith.index_cast %scan3A_327 : i32 to index
        %swap3A_334 = arith.constant 0 : index
        %swap3A_335 = tpu.vector_load %arg8[%swap3A, %swap3A_334] {strides = array<i32>} : memref<16x512xf32, #tpu.memory_space<vmem>>, vector<1x16xf32>,
        %swap3A_336 = vector.shape_cast %swap3A_335 : vector<1x16xf32> to vector<16xf32>
        %swap3A_337 = vector.shape_cast %mul3A_333 : vector<16xf32> to vector<1x16xf32>
        tpu.vector_store %arg8[%swap3A, %swap3A_334], %swap3A_337 {strides = array<i32>} : memref<16x512xf32, #tpu.memory_space<vmem>>, vector<1x16xf32>,
        %get3A_338 = arith.index_cast %scan3A_327 : i32 to index
        %get3A_339 = arith.constant 16 : index
        %get3A_340 = tpu.vector_load %arg8[%get3A_338, %get3A_339] {strides = array<i32>} : memref<16x512xf32, #tpu.memory_space<vmem>>, vector<1x16xf32>,
        %get3A_341 = vector.shape_cast %get3A_340 : vector<1x16xf32> to vector<16xf32>
        %mul3A_342 = arith.constant 22.6274166 : f32
        %mul3A_343 = vector.broadcast %mul3A_342 : f32 to vector<16xf32>
        %mul3A_344 = arith.mulf %get3A_341, %mul3A_343 : vector<16xf32>
        %swap3A_345 = arith.index_cast %scan3A_327 : i32 to index
        %swap3A_346 = arith.constant 16 : index
        %swap3A_347 = tpu.vector_load %arg8[%swap3A_345, %swap3A_346] {strides = array<i32>} : memref<16x512xf32, #tpu.memory_space<vmem>>, vector<1x16xf32>,
        %swap3A_348 = vector.shape_cast %swap3A_347 : vector<1x16xf32> to vector<16xf32>
        %swap3A_349 = vector.shape_cast %mul3A_344 : vector<16xf32> to vector<1x16xf32>
        tpu.vector_store %arg8[%swap3A_345, %swap3A_346], %swap3A_349 {strides = array<i32>} : memref<16x512xf32, #tpu.memory_space<vmem>>, vector<1x16xf32>,
        %get3A_350 = arith.index_cast %scan3A_327 : i32 to index
        %get3A_351 = arith.constant 32 : index
        %get3A_352 = tpu.vector_load %arg8[%get3A_350, %get3A_351] {strides = array<i32>} : memref<16x512xf32, #tpu.memory_space<vmem>>, vector<1x16xf32>,
        %get3A_353 = vector.shape_cast %get3A_352 : vector<1x16xf32> to vector<16xf32>
        %mul3A_354 = arith.constant 22.6274166 : f32
        %mul3A_355 = vector.broadcast %mul3A_354 : f32 to vector<16xf32>
        %mul3A_356 = arith.mulf %get3A_353, %mul3A_355 : vector<16xf32>
        %swap3A_357 = arith.index_cast %scan3A_327 : i32 to index
        %swap3A_358 = arith.constant 32 : index
        %swap3A_359 = tpu.vector_load %arg8[%swap3A_357, %swap3A_358] {strides = array<i32>} : memref<16x512xf32, #tpu.memory_space<vmem>>, vector<1x16xf32>,
        %swap3A_360 = vector.shape_cast %swap3A_359 : vector<1x16xf32> to vector<16xf32>
        %swap3A_361 = vector.shape_cast %mul3A_356 : vector<16xf32> to vector<1x16xf32>
        tpu.vector_store %arg8[%swap3A_357, %swap3A_358], %swap3A_361 {strides = array<i32>} : memref<16x512xf32, #tpu.memory_space<vmem>>, vector<1x16xf32>,
        %get3A_362 = arith.index_cast %scan3A_327 : i32 to index
        %get3A_363 = arith.constant 48 : index
        %get3A_364 = tpu.vector_load %arg8[%get3A_362, %get3A_363] {strides = array<i32>} : memref<16x512xf32, #tpu.memory_space<vmem>>, vector<1x16xf32>,
        %get3A_365 = vector.shape_cast %get3A_364 : vector<1x16xf32> to vector<16xf32>
        %mul3A_366 = arith.constant 22.6274166 : f32
        %mul3A_367 = vector.broadcast %mul3A_366 : f32 to vector<16xf32>
        %mul3A_368 = arith.mulf %get3A_365, %mul3A_367 : vector<16xf32>
        %swap3A_369 = arith.index_cast %scan3A_327 : i32 to index
        %swap3A_370 = arith.constant 48 : index
        %swap3A_371 = tpu.vector_load %arg8[%swap3A_369, %swap3A_370] {strides = array<i32>} : memref<16x512xf32, #tpu.memory_space<vmem>>, vector<1x16xf32>,
        %swap3A_372 = vector.shape_cast %swap3A_371 : vector<1x16xf32> to vector<16xf32>
        %swap3A_373 = vector.shape_cast %mul3A_368 : vector<16xf32> to vector<1x16xf32>
        tpu.vector_store %arg8[%swap3A_369, %swap3A_370], %swap3A_373 {strides = array<i32>} : memref<16x512xf32, #tpu.memory_space<vmem>>, vector<1x16xf32>,
        %get3A_374 = arith.index_cast %scan3A_327 : i32 to index
        %get3A_375 = arith.constant 64 : index
        %get3A_376 = tpu.vector_load %arg8[%get3A_374, %get3A_375] {strides = array<i32>} : memref<16x512xf32, #tpu.memory_space<vmem>>, vector<1x16xf32>,
        %get3A_377 = vector.shape_cast %get3A_376 : vector<1x16xf32> to vector<16xf32>
        %mul3A_378 = arith.constant 22.6274166 : f32
        %mul3A_379 = vector.broadcast %mul3A_378 : f32 to vector<16xf32>
        %mul3A_380 = arith.mulf %get3A_377, %mul3A_379 : vector<16xf32>
        %swap3A_381 = arith.index_cast %scan3A_327 : i32 to index
        %swap3A_382 = arith.constant 64 : index
        %swap3A_383 = tpu.vector_load %arg8[%swap3A_381, %swap3A_382] {strides = array<i32>} : memref<16x512xf32, #tpu.memory_space<vmem>>, vector<1x16xf32>,
        %swap3A_384 = vector.shape_cast %swap3A_383 : vector<1x16xf32> to vector<16xf32>
        %swap3A_385 = vector.shape_cast %mul3A_380 : vector<16xf32> to vector<1x16xf32>
        tpu.vector_store %arg8[%swap3A_381, %swap3A_382], %swap3A_385 {strides = array<i32>} : memref<16x512xf32, #tpu.memory_space<vmem>>, vector<1x16xf32>,
        %get3A_386 = arith.index_cast %scan3A_327 : i32 to index
        %get3A_387 = arith.constant 80 : index
        %get3A_388 = tpu.vector_load %arg8[%get3A_386, %get3A_387] {strides = array<i32>} : memref<16x512xf32, #tpu.memory_space<vmem>>, vector<1x16xf32>,
        %get3A_389 = vector.shape_cast %get3A_388 : vector<1x16xf32> to vector<16xf32>
        %mul3A_390 = arith.constant 22.6274166 : f32
        %mul3A_391 = vector.broadcast %mul3A_390 : f32 to vector<16xf32>
        %mul3A_392 = arith.mulf %get3A_389, %mul3A_391 : vector<16xf32>
        %swap3A_393 = arith.index_cast %scan3A_327 : i32 to index
        %swap3A_394 = arith.constant 80 : index
        %swap3A_395 = tpu.vector_load %arg8[%swap3A_393, %swap3A_394] {strides = array<i32>} : memref<16x512xf32, #tpu.memory_space<vmem>>, vector<1x16xf32>,
        %swap3A_396 = vector.shape_cast %swap3A_395 : vector<1x16xf32> to vector<16xf32>
        %swap3A_397 = vector.shape_cast %mul3A_392 : vector<16xf32> to vector<1x16xf32>
        tpu.vector_store %arg8[%swap3A_393, %swap3A_394], %swap3A_397 {strides = array<i32>} : memref<16x512xf32, #tpu.memory_space<vmem>>, vector<1x16xf32>,
        %get3A_398 = arith.index_cast %scan3A_327 : i32 to index
        %get3A_399 = arith.constant 96 : index
        %get3A_400 = tpu.vector_load %arg8[%get3A_398, %get3A_399] {strides = array<i32>} : memref<16x512xf32, #tpu.memory_space<vmem>>, vector<1x16xf32>,
        %get3A_401 = vector.shape_cast %get3A_400 : vector<1x16xf32> to vector<16xf32>
        %mul3A_402 = arith.constant 22.6274166 : f32
        %mul3A_403 = vector.broadcast %mul3A_402 : f32 to vector<16xf32>
        %mul3A_404 = arith.mulf %get3A_401, %mul3A_403 : vector<16xf32>
        %swap3A_405 = arith.index_cast %scan3A_327 : i32 to index
        %swap3A_406 = arith.constant 96 : index
        %swap3A_407 = tpu.vector_load %arg8[%swap3A_405, %swap3A_406] {strides = array<i32>} : memref<16x512xf32, #tpu.memory_space<vmem>>, vector<1x16xf32>,
        %swap3A_408 = vector.shape_cast %swap3A_407 : vector<1x16xf32> to vector<16xf32>
        %swap3A_409 = vector.shape_cast %mul3A_404 : vector<16xf32> to vector<1x16xf32>
        tpu.vector_store %arg8[%swap3A_405, %swap3A_406], %swap3A_409 {strides = array<i32>} : memref<16x512xf32, #tpu.memory_space<vmem>>, vector<1x16xf32>,
        %get3A_410 = arith.index_cast %scan3A_327 : i32 to index
        %get3A_411 = arith.constant 112 : index
        %get3A_412 = tpu.vector_load %arg8[%get3A_410, %get3A_411] {strides = array<i32>} : memref<16x512xf32, #tpu.memory_space<vmem>>, vector<1x16xf32>,
        %get3A_413 = vector.shape_cast %get3A_412 : vector<1x16xf32> to vector<16xf32>
        %mul3A_414 = arith.constant 22.6274166 : f32
        %mul3A_415 = vector.broadcast %mul3A_414 : f32 to vector<16xf32>
        %mul3A_416 = arith.mulf %get3A_413, %mul3A_415 : vector<16xf32>
        %swap3A_417 = arith.index_cast %scan3A_327 : i32 to index
        %swap3A_418 = arith.constant 112 : index
        %swap3A_419 = tpu.vector_load %arg8[%swap3A_417, %swap3A_418] {strides = array<i32>} : memref<16x512xf32, #tpu.memory_space<vmem>>, vector<1x16xf32>,
        %swap3A_420 = vector.shape_cast %swap3A_419 : vector<1x16xf32> to vector<16xf32>
        %swap3A_421 = vector.shape_cast %mul3A_416 : vector<16xf32> to vector<1x16xf32>
        tpu.vector_store %arg8[%swap3A_417, %swap3A_418], %swap3A_421 {strides = array<i32>} : memref<16x512xf32, #tpu.memory_space<vmem>>, vector<1x16xf32>,
        %get3A_422 = arith.index_cast %scan3A_327 : i32 to index
        %get3A_423 = arith.constant 128 : index
        %get3A_424 = tpu.vector_load %arg8[%get3A_422, %get3A_423] {strides = array<i32>} : memref<16x512xf32, #tpu.memory_space<vmem>>, vector<1x16xf32>,
        %get3A_425 = vector.shape_cast %get3A_424 : vector<1x16xf32> to vector<16xf32>
        %mul3A_426 = arith.constant 22.6274166 : f32
        %mul3A_427 = vector.broadcast %mul3A_426 : f32 to vector<16xf32>
        %mul3A_428 = arith.mulf %get3A_425, %mul3A_427 : vector<16xf32>
        %swap3A_429 = arith.index_cast %scan3A_327 : i32 to index
        %swap3A_430 = arith.constant 128 : index
        %swap3A_431 = tpu.vector_load %arg8[%swap3A_429, %swap3A_430] {strides = array<i32>} : memref<16x512xf32, #tpu.memory_space<vmem>>, vector<1x16xf32>,
        %swap3A_432 = vector.shape_cast %swap3A_431 : vector<1x16xf32> to vector<16xf32>
        %swap3A_433 = vector.shape_cast %mul3A_428 : vector<16xf32> to vector<1x16xf32>
        tpu.vector_store %arg8[%swap3A_429, %swap3A_430], %swap3A_433 {strides = array<i32>} : memref<16x512xf32, #tpu.memory_space<vmem>>, vector<1x16xf32>,
        %get3A_434 = arith.index_cast %scan3A_327 : i32 to index
        %get3A_435 = arith.constant 144 : index
        %get3A_436 = tpu.vector_load %arg8[%get3A_434, %get3A_435] {strides = array<i32>} : memref<16x512xf32, #tpu.memory_space<vmem>>, vector<1x16xf32>,
        %get3A_437 = vector.shape_cast %get3A_436 : vector<1x16xf32> to vector<16xf32>
        %mul3A_438 = arith.constant 22.6274166 : f32
        %mul3A_439 = vector.broadcast %mul3A_438 : f32 to vector<16xf32>
        %mul3A_440 = arith.mulf %get3A_437, %mul3A_439 : vector<16xf32>
        %swap3A_441 = arith.index_cast %scan3A_327 : i32 to index
        %swap3A_442 = arith.constant 144 : index
        %swap3A_443 = tpu.vector_load %arg8[%swap3A_441, %swap3A_442] {strides = array<i32>} : memref<16x512xf32, #tpu.memory_space<vmem>>, vector<1x16xf32>,
        %swap3A_444 = vector.shape_cast %swap3A_443 : vector<1x16xf32> to vector<16xf32>
        %swap3A_445 = vector.shape_cast %mul3A_440 : vector<16xf32> to vector<1x16xf32>
        tpu.vector_store %arg8[%swap3A_441, %swap3A_442], %swap3A_445 {strides = array<i32>} : memref<16x512xf32, #tpu.memory_space<vmem>>, vector<1x16xf32>,
        %get3A_446 = arith.index_cast %scan3A_327 : i32 to index
        %get3A_447 = arith.constant 160 : index
        %get3A_448 = tpu.vector_load %arg8[%get3A_446, %get3A_447] {strides = array<i32>} : memref<16x512xf32, #tpu.memory_space<vmem>>, vector<1x16xf32>,
        %get3A_449 = vector.shape_cast %get3A_448 : vector<1x16xf32> to vector<16xf32>
        %mul3A_450 = arith.constant 22.6274166 : f32
        %mul3A_451 = vector.broadcast %mul3A_450 : f32 to vector<16xf32>
        %mul3A_452 = arith.mulf %get3A_449, %mul3A_451 : vector<16xf32>
        %swap3A_453 = arith.index_cast %scan3A_327 : i32 to index
        %swap3A_454 = arith.constant 160 : index
        %swap3A_455 = tpu.vector_load %arg8[%swap3A_453, %swap3A_454] {strides = array<i32>} : memref<16x512xf32, #tpu.memory_space<vmem>>, vector<1x16xf32>,
        %swap3A_456 = vector.shape_cast %swap3A_455 : vector<1x16xf32> to vector<16xf32>
        %swap3A_457 = vector.shape_cast %mul3A_452 : vector<16xf32> to vector<1x16xf32>
        tpu.vector_store %arg8[%swap3A_453, %swap3A_454], %swap3A_457 {strides = array<i32>} : memref<16x512xf32, #tpu.memory_space<vmem>>, vector<1x16xf32>,
        %get3A_458 = arith.index_cast %scan3A_327 : i32 to index
        %get3A_459 = arith.constant 176 : index
        %get3A_460 = tpu.vector_load %arg8[%get3A_458, %get3A_459] {strides = array<i32>} : memref<16x512xf32, #tpu.memory_space<vmem>>, vector<1x16xf32>,
        %get3A_461 = vector.shape_cast %get3A_460 : vector<1x16xf32> to vector<16xf32>
        %mul3A_462 = arith.constant 22.6274166 : f32
        %mul3A_463 = vector.broadcast %mul3A_462 : f32 to vector<16xf32>
        %mul3A_464 = arith.mulf %get3A_461, %mul3A_463 : vector<16xf32>
        %swap3A_465 = arith.index_cast %scan3A_327 : i32 to index
        %swap3A_466 = arith.constant 176 : index
        %swap3A_467 = tpu.vector_load %arg8[%swap3A_465, %swap3A_466] {strides = array<i32>} : memref<16x512xf32, #tpu.memory_space<vmem>>, vector<1x16xf32>,
        %swap3A_468 = vector.shape_cast %swap3A_467 : vector<1x16xf32> to vector<16xf32>
        %swap3A_469 = vector.shape_cast %mul3A_464 : vector<16xf32> to vector<1x16xf32>
        tpu.vector_store %arg8[%swap3A_465, %swap3A_466], %swap3A_469 {strides = array<i32>} : memref<16x512xf32, #tpu.memory_space<vmem>>, vector<1x16xf32>,
        %get3A_470 = arith.index_cast %scan3A_327 : i32 to index
        %get3A_471 = arith.constant 192 : index
        %get3A_472 = tpu.vector_load %arg8[%get3A_470, %get3A_471] {strides = array<i32>} : memref<16x512xf32, #tpu.memory_space<vmem>>, vector<1x16xf32>,
        %get3A_473 = vector.shape_cast %get3A_472 : vector<1x16xf32> to vector<16xf32>
        %mul3A_474 = arith.constant 22.6274166 : f32
        %mul3A_475 = vector.broadcast %mul3A_474 : f32 to vector<16xf32>
        %mul3A_476 = arith.mulf %get3A_473, %mul3A_475 : vector<16xf32>
        %swap3A_477 = arith.index_cast %scan3A_327 : i32 to index
        %swap3A_478 = arith.constant 192 : index
        %swap3A_479 = tpu.vector_load %arg8[%swap3A_477, %swap3A_478] {strides = array<i32>} : memref<16x512xf32, #tpu.memory_space<vmem>>, vector<1x16xf32>,
        %swap3A_480 = vector.shape_cast %swap3A_479 : vector<1x16xf32> to vector<16xf32>
        %swap3A_481 = vector.shape_cast %mul3A_476 : vector<16xf32> to vector<1x16xf32>
        tpu.vector_store %arg8[%swap3A_477, %swap3A_478], %swap3A_481 {strides = array<i32>} : memref<16x512xf32, #tpu.memory_space<vmem>>, vector<1x16xf32>,
        %get3A_482 = arith.index_cast %scan3A_327 : i32 to index
        %get3A_483 = arith.constant 208 : index
        %get3A_484 = tpu.vector_load %arg8[%get3A_482, %get3A_483] {strides = array<i32>} : memref<16x512xf32, #tpu.memory_space<vmem>>, vector<1x16xf32>,
        %get3A_485 = vector.shape_cast %get3A_484 : vector<1x16xf32> to vector<16xf32>
        %mul3A_486 = arith.constant 22.6274166 : f32
        %mul3A_487 = vector.broadcast %mul3A_486 : f32 to vector<16xf32>
        %mul3A_488 = arith.mulf %get3A_485, %mul3A_487 : vector<16xf32>
        %swap3A_489 = arith.index_cast %scan3A_327 : i32 to index
        %swap3A_490 = arith.constant 208 : index
        %swap3A_491 = tpu.vector_load %arg8[%swap3A_489, %swap3A_490] {strides = array<i32>} : memref<16x512xf32, #tpu.memory_space<vmem>>, vector<1x16xf32>,
        %swap3A_492 = vector.shape_cast %swap3A_491 : vector<1x16xf32> to vector<16xf32>
        %swap3A_493 = vector.shape_cast %mul3A_488 : vector<16xf32> to vector<1x16xf32>
        tpu.vector_store %arg8[%swap3A_489, %swap3A_490], %swap3A_493 {strides = array<i32>} : memref<16x512xf32, #tpu.memory_space<vmem>>, vector<1x16xf32>,
        %get3A_494 = arith.index_cast %scan3A_327 : i32 to index
        %get3A_495 = arith.constant 224 : index
        %get3A_496 = tpu.vector_load %arg8[%get3A_494, %get3A_495] {strides = array<i32>} : memref<16x512xf32, #tpu.memory_space<vmem>>, vector<1x16xf32>,
        %get3A_497 = vector.shape_cast %get3A_496 : vector<1x16xf32> to vector<16xf32>
        %mul3A_498 = arith.constant 22.6274166 : f32
        %mul3A_499 = vector.broadcast %mul3A_498 : f32 to vector<16xf32>
        %mul3A_500 = arith.mulf %get3A_497, %mul3A_499 : vector<16xf32>
        %swap3A_501 = arith.index_cast %scan3A_327 : i32 to index
        %swap3A_502 = arith.constant 224 : index
        %swap3A_503 = tpu.vector_load %arg8[%swap3A_501, %swap3A_502] {strides = array<i32>} : memref<16x512xf32, #tpu.memory_space<vmem>>, vector<1x16xf32>,
        %swap3A_504 = vector.shape_cast %swap3A_503 : vector<1x16xf32> to vector<16xf32>
        %swap3A_505 = vector.shape_cast %mul3A_500 : vector<16xf32> to vector<1x16xf32>
        tpu.vector_store %arg8[%swap3A_501, %swap3A_502], %swap3A_505 {strides = array<i32>} : memref<16x512xf32, #tpu.memory_space<vmem>>, vector<1x16xf32>,
        %get3A_506 = arith.index_cast %scan3A_327 : i32 to index
        %get3A_507 = arith.constant 240 : index
        %get3A_508 = tpu.vector_load %arg8[%get3A_506, %get3A_507] {strides = array<i32>} : memref<16x512xf32, #tpu.memory_space<vmem>>, vector<1x16xf32>,
        %get3A_509 = vector.shape_cast %get3A_508 : vector<1x16xf32> to vector<16xf32>
        %mul3A_510 = arith.constant 22.6274166 : f32
        %mul3A_511 = vector.broadcast %mul3A_510 : f32 to vector<16xf32>
        %mul3A_512 = arith.mulf %get3A_509, %mul3A_511 : vector<16xf32>
        %swap3A_513 = arith.index_cast %scan3A_327 : i32 to index
        %swap3A_514 = arith.constant 240 : index
        %swap3A_515 = tpu.vector_load %arg8[%swap3A_513, %swap3A_514] {strides = array<i32>} : memref<16x512xf32, #tpu.memory_space<vmem>>, vector<1x16xf32>,
        %swap3A_516 = vector.shape_cast %swap3A_515 : vector<1x16xf32> to vector<16xf32>
        %swap3A_517 = vector.shape_cast %mul3A_512 : vector<16xf32> to vector<1x16xf32>
        tpu.vector_store %arg8[%swap3A_513, %swap3A_514], %swap3A_517 {strides = array<i32>} : memref<16x512xf32, #tpu.memory_space<vmem>>, vector<1x16xf32>,
        %get3A_518 = arith.index_cast %scan3A_327 : i32 to index
        %get3A_519 = arith.constant 256 : index
        %get3A_520 = tpu.vector_load %arg8[%get3A_518, %get3A_519] {strides = array<i32>} : memref<16x512xf32, #tpu.memory_space<vmem>>, vector<1x16xf32>,
        %get3A_521 = vector.shape_cast %get3A_520 : vector<1x16xf32> to vector<16xf32>
        %mul3A_522 = arith.constant 22.6274166 : f32
        %mul3A_523 = vector.broadcast %mul3A_522 : f32 to vector<16xf32>
        %mul3A_524 = arith.mulf %get3A_521, %mul3A_523 : vector<16xf32>
        %swap3A_525 = arith.index_cast %scan3A_327 : i32 to index
        %swap3A_526 = arith.constant 256 : index
        %swap3A_527 = tpu.vector_load %arg8[%swap3A_525, %swap3A_526] {strides = array<i32>} : memref<16x512xf32, #tpu.memory_space<vmem>>, vector<1x16xf32>,
        %swap3A_528 = vector.shape_cast %swap3A_527 : vector<1x16xf32> to vector<16xf32>
        %swap3A_529 = vector.shape_cast %mul3A_524 : vector<16xf32> to vector<1x16xf32>
        tpu.vector_store %arg8[%swap3A_525, %swap3A_526], %swap3A_529 {strides = array<i32>} : memref<16x512xf32, #tpu.memory_space<vmem>>, vector<1x16xf32>,
        %get3A_530 = arith.index_cast %scan3A_327 : i32 to index
        %get3A_531 = arith.constant 272 : index
        %get3A_532 = tpu.vector_load %arg8[%get3A_530, %get3A_531] {strides = array<i32>} : memref<16x512xf32, #tpu.memory_space<vmem>>, vector<1x16xf32>,
        %get3A_533 = vector.shape_cast %get3A_532 : vector<1x16xf32> to vector<16xf32>
        %mul3A_534 = arith.constant 22.6274166 : f32
        %mul3A_535 = vector.broadcast %mul3A_534 : f32 to vector<16xf32>
        %mul3A_536 = arith.mulf %get3A_533, %mul3A_535 : vector<16xf32>
        %swap3A_537 = arith.index_cast %scan3A_327 : i32 to index
        %swap3A_538 = arith.constant 272 : index
        %swap3A_539 = tpu.vector_load %arg8[%swap3A_537, %swap3A_538] {strides = array<i32>} : memref<16x512xf32, #tpu.memory_space<vmem>>, vector<1x16xf32>,
        %swap3A_540 = vector.shape_cast %swap3A_539 : vector<1x16xf32> to vector<16xf32>
        %swap3A_541 = vector.shape_cast %mul3A_536 : vector<16xf32> to vector<1x16xf32>
        tpu.vector_store %arg8[%swap3A_537, %swap3A_538], %swap3A_541 {strides = array<i32>} : memref<16x512xf32, #tpu.memory_space<vmem>>, vector<1x16xf32>,
        %get3A_542 = arith.index_cast %scan3A_327 : i32 to index
        %get3A_543 = arith.constant 288 : index
        %get3A_544 = tpu.vector_load %arg8[%get3A_542, %get3A_543] {strides = array<i32>} : memref<16x512xf32, #tpu.memory_space<vmem>>, vector<1x16xf32>,
        %get3A_545 = vector.shape_cast %get3A_544 : vector<1x16xf32> to vector<16xf32>
        %mul3A_546 = arith.constant 22.6274166 : f32
        %mul3A_547 = vector.broadcast %mul3A_546 : f32 to vector<16xf32>
        %mul3A_548 = arith.mulf %get3A_545, %mul3A_547 : vector<16xf32>
        %swap3A_549 = arith.index_cast %scan3A_327 : i32 to index
        %swap3A_550 = arith.constant 288 : index
        %swap3A_551 = tpu.vector_load %arg8[%swap3A_549, %swap3A_550] {strides = array<i32>} : memref<16x512xf32, #tpu.memory_space<vmem>>, vector<1x16xf32>,
        %swap3A_552 = vector.shape_cast %swap3A_551 : vector<1x16xf32> to vector<16xf32>
        %swap3A_553 = vector.shape_cast %mul3A_548 : vector<16xf32> to vector<1x16xf32>
        tpu.vector_store %arg8[%swap3A_549, %swap3A_550], %swap3A_553 {strides = array<i32>} : memref<16x512xf32, #tpu.memory_space<vmem>>, vector<1x16xf32>,
        %get3A_554 = arith.index_cast %scan3A_327 : i32 to index
        %get3A_555 = arith.constant 304 : index
        %get3A_556 = tpu.vector_load %arg8[%get3A_554, %get3A_555] {strides = array<i32>} : memref<16x512xf32, #tpu.memory_space<vmem>>, vector<1x16xf32>,
        %get3A_557 = vector.shape_cast %get3A_556 : vector<1x16xf32> to vector<16xf32>
        %mul3A_558 = arith.constant 22.6274166 : f32
        %mul3A_559 = vector.broadcast %mul3A_558 : f32 to vector<16xf32>
        %mul3A_560 = arith.mulf %get3A_557, %mul3A_559 : vector<16xf32>
        %swap3A_561 = arith.index_cast %scan3A_327 : i32 to index
        %swap3A_562 = arith.constant 304 : index
        %swap3A_563 = tpu.vector_load %arg8[%swap3A_561, %swap3A_562] {strides = array<i32>} : memref<16x512xf32, #tpu.memory_space<vmem>>, vector<1x16xf32>,
        %swap3A_564 = vector.shape_cast %swap3A_563 : vector<1x16xf32> to vector<16xf32>
        %swap3A_565 = vector.shape_cast %mul3A_560 : vector<16xf32> to vector<1x16xf32>
        tpu.vector_store %arg8[%swap3A_561, %swap3A_562], %swap3A_565 {strides = array<i32>} : memref<16x512xf32, #tpu.memory_space<vmem>>, vector<1x16xf32>,
        %get3A_566 = arith.index_cast %scan3A_327 : i32 to index
        %get3A_567 = arith.constant 320 : index
        %get3A_568 = tpu.vector_load %arg8[%get3A_566, %get3A_567] {strides = array<i32>} : memref<16x512xf32, #tpu.memory_space<vmem>>, vector<1x16xf32>,
        %get3A_569 = vector.shape_cast %get3A_568 : vector<1x16xf32> to vector<16xf32>
        %mul3A_570 = arith.constant 22.6274166 : f32
        %mul3A_571 = vector.broadcast %mul3A_570 : f32 to vector<16xf32>
        %mul3A_572 = arith.mulf %get3A_569, %mul3A_571 : vector<16xf32>
        %swap3A_573 = arith.index_cast %scan3A_327 : i32 to index
        %swap3A_574 = arith.constant 320 : index
        %swap3A_575 = tpu.vector_load %arg8[%swap3A_573, %swap3A_574] {strides = array<i32>} : memref<16x512xf32, #tpu.memory_space<vmem>>, vector<1x16xf32>,
        %swap3A_576 = vector.shape_cast %swap3A_575 : vector<1x16xf32> to vector<16xf32>
        %swap3A_577 = vector.shape_cast %mul3A_572 : vector<16xf32> to vector<1x16xf32>
        tpu.vector_store %arg8[%swap3A_573, %swap3A_574], %swap3A_577 {strides = array<i32>} : memref<16x512xf32, #tpu.memory_space<vmem>>, vector<1x16xf32>,
        %get3A_578 = arith.index_cast %scan3A_327 : i32 to index
        %get3A_579 = arith.constant 336 : index
        %get3A_580 = tpu.vector_load %arg8[%get3A_578, %get3A_579] {strides = array<i32>} : memref<16x512xf32, #tpu.memory_space<vmem>>, vector<1x16xf32>,
        %get3A_581 = vector.shape_cast %get3A_580 : vector<1x16xf32> to vector<16xf32>
        %mul3A_582 = arith.constant 22.6274166 : f32
        %mul3A_583 = vector.broadcast %mul3A_582 : f32 to vector<16xf32>
        %mul3A_584 = arith.mulf %get3A_581, %mul3A_583 : vector<16xf32>
        %swap3A_585 = arith.index_cast %scan3A_327 : i32 to index
        %swap3A_586 = arith.constant 336 : index
        %swap3A_587 = tpu.vector_load %arg8[%swap3A_585, %swap3A_586] {strides = array<i32>} : memref<16x512xf32, #tpu.memory_space<vmem>>, vector<1x16xf32>,
        %swap3A_588 = vector.shape_cast %swap3A_587 : vector<1x16xf32> to vector<16xf32>
        %swap3A_589 = vector.shape_cast %mul3A_584 : vector<16xf32> to vector<1x16xf32>
        tpu.vector_store %arg8[%swap3A_585, %swap3A_586], %swap3A_589 {strides = array<i32>} : memref<16x512xf32, #tpu.memory_space<vmem>>, vector<1x16xf32>,
        %get3A_590 = arith.index_cast %scan3A_327 : i32 to index
        %get3A_591 = arith.constant 352 : index
        %get3A_592 = tpu.vector_load %arg8[%get3A_590, %get3A_591] {strides = array<i32>} : memref<16x512xf32, #tpu.memory_space<vmem>>, vector<1x16xf32>,
        %get3A_593 = vector.shape_cast %get3A_592 : vector<1x16xf32> to vector<16xf32>
        %mul3A_594 = arith.constant 22.6274166 : f32
        %mul3A_595 = vector.broadcast %mul3A_594 : f32 to vector<16xf32>
        %mul3A_596 = arith.mulf %get3A_593, %mul3A_595 : vector<16xf32>
        %swap3A_597 = arith.index_cast %scan3A_327 : i32 to index
        %swap3A_598 = arith.constant 352 : index
        %swap3A_599 = tpu.vector_load %arg8[%swap3A_597, %swap3A_598] {strides = array<i32>} : memref<16x512xf32, #tpu.memory_space<vmem>>, vector<1x16xf32>,
        %swap3A_600 = vector.shape_cast %swap3A_599 : vector<1x16xf32> to vector<16xf32>
        %swap3A_601 = vector.shape_cast %mul3A_596 : vector<16xf32> to vector<1x16xf32>
        tpu.vector_store %arg8[%swap3A_597, %swap3A_598], %swap3A_601 {strides = array<i32>} : memref<16x512xf32, #tpu.memory_space<vmem>>, vector<1x16xf32>,
        %get3A_602 = arith.index_cast %scan3A_327 : i32 to index
        %get3A_603 = arith.constant 368 : index
        %get3A_604 = tpu.vector_load %arg8[%get3A_602, %get3A_603] {strides = array<i32>} : memref<16x512xf32, #tpu.memory_space<vmem>>, vector<1x16xf32>,
        %get3A_605 = vector.shape_cast %get3A_604 : vector<1x16xf32> to vector<16xf32>
        %mul3A_606 = arith.constant 22.6274166 : f32
        %mul3A_607 = vector.broadcast %mul3A_606 : f32 to vector<16xf32>
        %mul3A_608 = arith.mulf %get3A_605, %mul3A_607 : vector<16xf32>
        %swap3A_609 = arith.index_cast %scan3A_327 : i32 to index
        %swap3A_610 = arith.constant 368 : index
        %swap3A_611 = tpu.vector_load %arg8[%swap3A_609, %swap3A_610] {strides = array<i32>} : memref<16x512xf32, #tpu.memory_space<vmem>>, vector<1x16xf32>,
        %swap3A_612 = vector.shape_cast %swap3A_611 : vector<1x16xf32> to vector<16xf32>
        %swap3A_613 = vector.shape_cast %mul3A_608 : vector<16xf32> to vector<1x16xf32>
        tpu.vector_store %arg8[%swap3A_609, %swap3A_610], %swap3A_613 {strides = array<i32>} : memref<16x512xf32, #tpu.memory_space<vmem>>, vector<1x16xf32>,
        %get3A_614 = arith.index_cast %scan3A_327 : i32 to index
        %get3A_615 = arith.constant 384 : index
        %get3A_616 = tpu.vector_load %arg8[%get3A_614, %get3A_615] {strides = array<i32>} : memref<16x512xf32, #tpu.memory_space<vmem>>, vector<1x16xf32>,
        %get3A_617 = vector.shape_cast %get3A_616 : vector<1x16xf32> to vector<16xf32>
        %mul3A_618 = arith.constant 22.6274166 : f32
        %mul3A_619 = vector.broadcast %mul3A_618 : f32 to vector<16xf32>
        %mul3A_620 = arith.mulf %get3A_617, %mul3A_619 : vector<16xf32>
        %swap3A_621 = arith.index_cast %scan3A_327 : i32 to index
        %swap3A_622 = arith.constant 384 : index
        %swap3A_623 = tpu.vector_load %arg8[%swap3A_621, %swap3A_622] {strides = array<i32>} : memref<16x512xf32, #tpu.memory_space<vmem>>, vector<1x16xf32>,
        %swap3A_624 = vector.shape_cast %swap3A_623 : vector<1x16xf32> to vector<16xf32>
        %swap3A_625 = vector.shape_cast %mul3A_620 : vector<16xf32> to vector<1x16xf32>
        tpu.vector_store %arg8[%swap3A_621, %swap3A_622], %swap3A_625 {strides = array<i32>} : memref<16x512xf32, #tpu.memory_space<vmem>>, vector<1x16xf32>,
        %get3A_626 = arith.index_cast %scan3A_327 : i32 to index
        %get3A_627 = arith.constant 400 : index
        %get3A_628 = tpu.vector_load %arg8[%get3A_626, %get3A_627] {strides = array<i32>} : memref<16x512xf32, #tpu.memory_space<vmem>>, vector<1x16xf32>,
        %get3A_629 = vector.shape_cast %get3A_628 : vector<1x16xf32> to vector<16xf32>
        %mul3A_630 = arith.constant 22.6274166 : f32
        %mul3A_631 = vector.broadcast %mul3A_630 : f32 to vector<16xf32>
        %mul3A_632 = arith.mulf %get3A_629, %mul3A_631 : vector<16xf32>
        %swap3A_633 = arith.index_cast %scan3A_327 : i32 to index
        %swap3A_634 = arith.constant 400 : index
        %swap3A_635 = tpu.vector_load %arg8[%swap3A_633, %swap3A_634] {strides = array<i32>} : memref<16x512xf32, #tpu.memory_space<vmem>>, vector<1x16xf32>,
        %swap3A_636 = vector.shape_cast %swap3A_635 : vector<1x16xf32> to vector<16xf32>
        %swap3A_637 = vector.shape_cast %mul3A_632 : vector<16xf32> to vector<1x16xf32>
        tpu.vector_store %arg8[%swap3A_633, %swap3A_634], %swap3A_637 {strides = array<i32>} : memref<16x512xf32, #tpu.memory_space<vmem>>, vector<1x16xf32>,
        %get3A_638 = arith.index_cast %scan3A_327 : i32 to index
        %get3A_639 = arith.constant 416 : index
        %get3A_640 = tpu.vector_load %arg8[%get3A_638, %get3A_639] {strides = array<i32>} : memref<16x512xf32, #tpu.memory_space<vmem>>, vector<1x16xf32>,
        %get3A_641 = vector.shape_cast %get3A_640 : vector<1x16xf32> to vector<16xf32>
        %mul3A_642 = arith.constant 22.6274166 : f32
        %mul3A_643 = vector.broadcast %mul3A_642 : f32 to vector<16xf32>
        %mul3A_644 = arith.mulf %get3A_641, %mul3A_643 : vector<16xf32>
        %swap3A_645 = arith.index_cast %scan3A_327 : i32 to index
        %swap3A_646 = arith.constant 416 : index
        %swap3A_647 = tpu.vector_load %arg8[%swap3A_645, %swap3A_646] {strides = array<i32>} : memref<16x512xf32, #tpu.memory_space<vmem>>, vector<1x16xf32>,
        %swap3A_648 = vector.shape_cast %swap3A_647 : vector<1x16xf32> to vector<16xf32>
        %swap3A_649 = vector.shape_cast %mul3A_644 : vector<16xf32> to vector<1x16xf32>
        tpu.vector_store %arg8[%swap3A_645, %swap3A_646], %swap3A_649 {strides = array<i32>} : memref<16x512xf32, #tpu.memory_space<vmem>>, vector<1x16xf32>,
        %get3A_650 = arith.index_cast %scan3A_327 : i32 to index
        %get3A_651 = arith.constant 432 : index
        %get3A_652 = tpu.vector_load %arg8[%get3A_650, %get3A_651] {strides = array<i32>} : memref<16x512xf32, #tpu.memory_space<vmem>>, vector<1x16xf32>,
        %get3A_653 = vector.shape_cast %get3A_652 : vector<1x16xf32> to vector<16xf32>
        %mul3A_654 = arith.constant 22.6274166 : f32
        %mul3A_655 = vector.broadcast %mul3A_654 : f32 to vector<16xf32>
        %mul3A_656 = arith.mulf %get3A_653, %mul3A_655 : vector<16xf32>
        %swap3A_657 = arith.index_cast %scan3A_327 : i32 to index
        %swap3A_658 = arith.constant 432 : index
        %swap3A_659 = tpu.vector_load %arg8[%swap3A_657, %swap3A_658] {strides = array<i32>} : memref<16x512xf32, #tpu.memory_space<vmem>>, vector<1x16xf32>,
        %swap3A_660 = vector.shape_cast %swap3A_659 : vector<1x16xf32> to vector<16xf32>
        %swap3A_661 = vector.shape_cast %mul3A_656 : vector<16xf32> to vector<1x16xf32>
        tpu.vector_store %arg8[%swap3A_657, %swap3A_658], %swap3A_661 {strides = array<i32>} : memref<16x512xf32, #tpu.memory_space<vmem>>, vector<1x16xf32>,
        %get3A_662 = arith.index_cast %scan3A_327 : i32 to index
        %get3A_663 = arith.constant 448 : index
        %get3A_664 = tpu.vector_load %arg8[%get3A_662, %get3A_663] {strides = array<i32>} : memref<16x512xf32, #tpu.memory_space<vmem>>, vector<1x16xf32>,
        %get3A_665 = vector.shape_cast %get3A_664 : vector<1x16xf32> to vector<16xf32>
        %mul3A_666 = arith.constant 22.6274166 : f32
        %mul3A_667 = vector.broadcast %mul3A_666 : f32 to vector<16xf32>
        %mul3A_668 = arith.mulf %get3A_665, %mul3A_667 : vector<16xf32>
        %swap3A_669 = arith.index_cast %scan3A_327 : i32 to index
        %swap3A_670 = arith.constant 448 : index
        %swap3A_671 = tpu.vector_load %arg8[%swap3A_669, %swap3A_670] {strides = array<i32>} : memref<16x512xf32, #tpu.memory_space<vmem>>, vector<1x16xf32>,
        %swap3A_672 = vector.shape_cast %swap3A_671 : vector<1x16xf32> to vector<16xf32>
        %swap3A_673 = vector.shape_cast %mul3A_668 : vector<16xf32> to vector<1x16xf32>
        tpu.vector_store %arg8[%swap3A_669, %swap3A_670], %swap3A_673 {strides = array<i32>} : memref<16x512xf32, #tpu.memory_space<vmem>>, vector<1x16xf32>,
        %get3A_674 = arith.index_cast %scan3A_327 : i32 to index
        %get3A_675 = arith.constant 464 : index
        %get3A_676 = tpu.vector_load %arg8[%get3A_674, %get3A_675] {strides = array<i32>} : memref<16x512xf32, #tpu.memory_space<vmem>>, vector<1x16xf32>,
        %get3A_677 = vector.shape_cast %get3A_676 : vector<1x16xf32> to vector<16xf32>
        %mul3A_678 = arith.constant 22.6274166 : f32
        %mul3A_679 = vector.broadcast %mul3A_678 : f32 to vector<16xf32>
        %mul3A_680 = arith.mulf %get3A_677, %mul3A_679 : vector<16xf32>
        %swap3A_681 = arith.index_cast %scan3A_327 : i32 to index
        %swap3A_682 = arith.constant 464 : index
        %swap3A_683 = tpu.vector_load %arg8[%swap3A_681, %swap3A_682] {strides = array<i32>} : memref<16x512xf32, #tpu.memory_space<vmem>>, vector<1x16xf32>,
        %swap3A_684 = vector.shape_cast %swap3A_683 : vector<1x16xf32> to vector<16xf32>
        %swap3A_685 = vector.shape_cast %mul3A_680 : vector<16xf32> to vector<1x16xf32>
        tpu.vector_store %arg8[%swap3A_681, %swap3A_682], %swap3A_685 {strides = array<i32>} : memref<16x512xf32, #tpu.memory_space<vmem>>, vector<1x16xf32>,
        %get3A_686 = arith.index_cast %scan3A_327 : i32 to index
        %get3A_687 = arith.constant 480 : index
        %get3A_688 = tpu.vector_load %arg8[%get3A_686, %get3A_687] {strides = array<i32>} : memref<16x512xf32, #tpu.memory_space<vmem>>, vector<1x16xf32>,
        %get3A_689 = vector.shape_cast %get3A_688 : vector<1x16xf32> to vector<16xf32>
        %mul3A_690 = arith.constant 22.6274166 : f32
        %mul3A_691 = vector.broadcast %mul3A_690 : f32 to vector<16xf32>
        %mul3A_692 = arith.mulf %get3A_689, %mul3A_691 : vector<16xf32>
        %swap3A_693 = arith.index_cast %scan3A_327 : i32 to index
        %swap3A_694 = arith.constant 480 : index
        %swap3A_695 = tpu.vector_load %arg8[%swap3A_693, %swap3A_694] {strides = array<i32>} : memref<16x512xf32, #tpu.memory_space<vmem>>, vector<1x16xf32>,
        %swap3A_696 = vector.shape_cast %swap3A_695 : vector<1x16xf32> to vector<16xf32>
        %swap3A_697 = vector.shape_cast %mul3A_692 : vector<16xf32> to vector<1x16xf32>
        tpu.vector_store %arg8[%swap3A_693, %swap3A_694], %swap3A_697 {strides = array<i32>} : memref<16x512xf32, #tpu.memory_space<vmem>>, vector<1x16xf32>,
        %get3A_698 = arith.index_cast %scan3A_327 : i32 to index
        %get3A_699 = arith.constant 496 : index
        %get3A_700 = tpu.vector_load %arg8[%get3A_698, %get3A_699] {strides = array<i32>} : memref<16x512xf32, #tpu.memory_space<vmem>>, vector<1x16xf32>,
        %get3A_701 = vector.shape_cast %get3A_700 : vector<1x16xf32> to vector<16xf32>
        %mul3A_702 = arith.constant 22.6274166 : f32
        %mul3A_703 = vector.broadcast %mul3A_702 : f32 to vector<16xf32>
        %mul3A_704 = arith.mulf %get3A_701, %mul3A_703 : vector<16xf32>
        %swap3A_705 = arith.index_cast %scan3A_327 : i32 to index
        %swap3A_706 = arith.constant 496 : index
        %swap3A_707 = tpu.vector_load %arg8[%swap3A_705, %swap3A_706] {strides = array<i32>} : memref<16x512xf32, #tpu.memory_space<vmem>>, vector<1x16xf32>,
        %swap3A_708 = vector.shape_cast %swap3A_707 : vector<1x16xf32> to vector<16xf32>
        %swap3A_709 = vector.shape_cast %mul3A_704 : vector<16xf32> to vector<1x16xf32>
        tpu.vector_store %arg8[%swap3A_705, %swap3A_706], %swap3A_709 {strides = array<i32>} : memref<16x512xf32, #tpu.memory_space<vmem>>, vector<1x16xf32>,
      }
      %scan3A_189 = arith.constant 16 : i32
      %mul3A_190 = arith.constant 16 : i32
      %mul3A_191 = arith.muli %add3A_178, %mul3A_190 : i32
      %add3A_192 = arith.addi %mul3A_34, %mul3A_191 : i32
      %dma_start3A_193 = arith.constant 0 : i32
      %dma_start3A_194 = tpu.memref_slice %arg4[%add3A_192, %dma_start3A_193] : memref<16384x512xf32, #tpu.memory_space<hbm>> -> memref<16x512xf32, #tpu.memory_space<hbm>>
      %dma_start3A_195 = arith.constant 0 : i32
      %dma_start3A_196 = tpu.memref_slice %arg4[%add3A_192, %dma_start3A_195] : memref<16384x512xf32, #tpu.memory_space<hbm>> -> memref<16x512xf32, #tpu.memory_space<hbm>>
      tpu.enqueue_dma source(%arg8 : memref<16x512xf32, #tpu.memory_space<vmem>>) target(%dma_start3A_196 : memref<16x512xf32, #tpu.memory_space<hbm>>) target_semaphore(%arg24 : memref<!tpu.dma_semaphore, #tpu.memory_space<semaphore_mem>>)
      %lt3A_197 = arith.constant 3 : i32
      %lt3A_198 = arith.cmpi slt, %scan3A_126, %lt3A_197 : i32
      %convert_element_type3A_199 = arith.extui %lt3A_198 : i1 to i32
      %cond3A_200 = arith.constant 0 : i32
      %cond3A_201 = arith.cmpi ne, %convert_element_type3A_199, %cond3A_200 : i32
      scf.if %cond3A_201 {
        %dma_wait3A_327 = arith.constant 0 : i32
        %dma_wait3A_328 = arith.constant 0 : i32
        %dma_wait3A_329 = tpu.memref_slice %arg4[%dma_wait3A_327, %dma_wait3A_328] : memref<16384x512xf32, #tpu.memory_space<hbm>> -> memref<16x512xf32, #tpu.memory_space<hbm>>
        %dma_wait3A_330 = arith.constant 0 : i32
        %dma_wait3A_331 = arith.constant 0 : i32
        %dma_wait3A_332 = tpu.memref_slice %arg4[%dma_wait3A_330, %dma_wait3A_331] : memref<16384x512xf32, #tpu.memory_space<hbm>> -> memref<16x512xf32, #tpu.memory_space<hbm>>
        tpu.wait_dma2 semaphore(%arg24 : memref<!tpu.dma_semaphore, #tpu.memory_space<semaphore_mem>>) src(%arg8 : memref<16x512xf32, #tpu.memory_space<vmem>>) dst(%dma_wait3A_332 : memref<16x512xf32, #tpu.memory_space<hbm>>)
        %add3A_333 = arith.constant 8 : i32
        %add3A_334 = arith.addi %add3A_178, %add3A_333 : i32
        %mul3A_335 = arith.constant 16 : i32
        %mul3A_336 = arith.muli %add3A_334, %mul3A_335 : i32
        %dma_start3A_337 = tpu.memref_slice %arg5[%mul3A_336] : memref<512xi32, #tpu.memory_space<vmem>> -> memref<16xi32, #tpu.memory_space<vmem>>
        %dma_start3A_338 = arith.constant 0 : i32
        %dma_start3A_339 = arith.constant 0 : i32
        %dma_start3A_340 = tpu.memref_slice %arg3[%dma_start3A_338, %dma_start3A_339] : memref<100000x512xf32, #tpu.memory_space<hbm>> -> memref<100000x512xf32, #tpu.memory_space<hbm>>
        tpu.enqueue_indirect_dma source(%dma_start3A_340 : memref<100000x512xf32, #tpu.memory_space<hbm>>) target(%arg8 : memref<16x512xf32, #tpu.memory_space<vmem>>) offsets(%dma_start3A_337 : memref<16xi32, #tpu.memory_space<vmem>>) semaphore(%arg16 : memref<!tpu.dma_semaphore, #tpu.memory_space<semaphore_mem>>)
      } else {
      }
      %add3A_202 = arith.constant 3 : i32
      %add3A_203 = arith.addi %mul3A_128, %add3A_202 : i32
      %dma_wait3A_204 = arith.constant 0 : i32
      %dma_wait3A_205 = tpu.memref_slice %arg5[%dma_wait3A_204] : memref<512xi32, #tpu.memory_space<vmem>> -> memref<16xi32, #tpu.memory_space<vmem>>
      %dma_wait3A_206 = arith.constant 0 : i32
      %dma_wait3A_207 = arith.constant 0 : i32
      %dma_wait3A_208 = tpu.memref_slice %arg3[%dma_wait3A_206, %dma_wait3A_207] : memref<100000x512xf32, #tpu.memory_space<hbm>> -> memref<100000x512xf32, #tpu.memory_space<hbm>>
      tpu.wait_indirect_dma semaphore(%arg17 : memref<!tpu.dma_semaphore, #tpu.memory_space<semaphore_mem>>) src(%dma_wait3A_208 : memref<100000x512xf32, #tpu.memory_space<hbm>>) dst(%arg9 : memref<16x512xf32, #tpu.memory_space<vmem>>)
      %scan3A_209 = arith.constant 0 : i32
      %scan3A_210 = arith.constant 0 : i32
      %scan3A_211 = arith.constant 16 : i32
      %scan3A_212 = arith.addi %scan3A_210, %scan3A_211 : i32
      %scan3A_213 = arith.constant 1 : i32
      scf.for %scan3A_327 = %scan3A_210 to %scan3A_212 step %scan3A_213  : i32 {
        %get3A = arith.index_cast %scan3A_327 : i32 to index
        %get3A_328 = arith.constant 0 : index
        %get3A_329 = tpu.vector_load %arg9[%get3A, %get3A_328] {strides = array<i32>} : memref<16x512xf32, #tpu.memory_space<vmem>>, vector<1x16xf32>,
        %get3A_330 = vector.shape_cast %get3A_329 : vector<1x16xf32> to vector<16xf32>
        %mul3A_331 = arith.constant 22.6274166 : f32
        %mul3A_332 = vector.broadcast %mul3A_331 : f32 to vector<16xf32>
        %mul3A_333 = arith.mulf %get3A_330, %mul3A_332 : vector<16xf32>
        %swap3A = arith.index_cast %scan3A_327 : i32 to index
        %swap3A_334 = arith.constant 0 : index
        %swap3A_335 = tpu.vector_load %arg9[%swap3A, %swap3A_334] {strides = array<i32>} : memref<16x512xf32, #tpu.memory_space<vmem>>, vector<1x16xf32>,
        %swap3A_336 = vector.shape_cast %swap3A_335 : vector<1x16xf32> to vector<16xf32>
        %swap3A_337 = vector.shape_cast %mul3A_333 : vector<16xf32> to vector<1x16xf32>
        tpu.vector_store %arg9[%swap3A, %swap3A_334], %swap3A_337 {strides = array<i32>} : memref<16x512xf32, #tpu.memory_space<vmem>>, vector<1x16xf32>,
        %get3A_338 = arith.index_cast %scan3A_327 : i32 to index
        %get3A_339 = arith.constant 16 : index
        %get3A_340 = tpu.vector_load %arg9[%get3A_338, %get3A_339] {strides = array<i32>} : memref<16x512xf32, #tpu.memory_space<vmem>>, vector<1x16xf32>,
        %get3A_341 = vector.shape_cast %get3A_340 : vector<1x16xf32> to vector<16xf32>
        %mul3A_342 = arith.constant 22.6274166 : f32
        %mul3A_343 = vector.broadcast %mul3A_342 : f32 to vector<16xf32>
        %mul3A_344 = arith.mulf %get3A_341, %mul3A_343 : vector<16xf32>
        %swap3A_345 = arith.index_cast %scan3A_327 : i32 to index
        %swap3A_346 = arith.constant 16 : index
        %swap3A_347 = tpu.vector_load %arg9[%swap3A_345, %swap3A_346] {strides = array<i32>} : memref<16x512xf32, #tpu.memory_space<vmem>>, vector<1x16xf32>,
        %swap3A_348 = vector.shape_cast %swap3A_347 : vector<1x16xf32> to vector<16xf32>
        %swap3A_349 = vector.shape_cast %mul3A_344 : vector<16xf32> to vector<1x16xf32>
        tpu.vector_store %arg9[%swap3A_345, %swap3A_346], %swap3A_349 {strides = array<i32>} : memref<16x512xf32, #tpu.memory_space<vmem>>, vector<1x16xf32>,
        %get3A_350 = arith.index_cast %scan3A_327 : i32 to index
        %get3A_351 = arith.constant 32 : index
        %get3A_352 = tpu.vector_load %arg9[%get3A_350, %get3A_351] {strides = array<i32>} : memref<16x512xf32, #tpu.memory_space<vmem>>, vector<1x16xf32>,
        %get3A_353 = vector.shape_cast %get3A_352 : vector<1x16xf32> to vector<16xf32>
        %mul3A_354 = arith.constant 22.6274166 : f32
        %mul3A_355 = vector.broadcast %mul3A_354 : f32 to vector<16xf32>
        %mul3A_356 = arith.mulf %get3A_353, %mul3A_355 : vector<16xf32>
        %swap3A_357 = arith.index_cast %scan3A_327 : i32 to index
        %swap3A_358 = arith.constant 32 : index
        %swap3A_359 = tpu.vector_load %arg9[%swap3A_357, %swap3A_358] {strides = array<i32>} : memref<16x512xf32, #tpu.memory_space<vmem>>, vector<1x16xf32>,
        %swap3A_360 = vector.shape_cast %swap3A_359 : vector<1x16xf32> to vector<16xf32>
        %swap3A_361 = vector.shape_cast %mul3A_356 : vector<16xf32> to vector<1x16xf32>
        tpu.vector_store %arg9[%swap3A_357, %swap3A_358], %swap3A_361 {strides = array<i32>} : memref<16x512xf32, #tpu.memory_space<vmem>>, vector<1x16xf32>,
        %get3A_362 = arith.index_cast %scan3A_327 : i32 to index
        %get3A_363 = arith.constant 48 : index
        %get3A_364 = tpu.vector_load %arg9[%get3A_362, %get3A_363] {strides = array<i32>} : memref<16x512xf32, #tpu.memory_space<vmem>>, vector<1x16xf32>,
        %get3A_365 = vector.shape_cast %get3A_364 : vector<1x16xf32> to vector<16xf32>
        %mul3A_366 = arith.constant 22.6274166 : f32
        %mul3A_367 = vector.broadcast %mul3A_366 : f32 to vector<16xf32>
        %mul3A_368 = arith.mulf %get3A_365, %mul3A_367 : vector<16xf32>
        %swap3A_369 = arith.index_cast %scan3A_327 : i32 to index
        %swap3A_370 = arith.constant 48 : index
        %swap3A_371 = tpu.vector_load %arg9[%swap3A_369, %swap3A_370] {strides = array<i32>} : memref<16x512xf32, #tpu.memory_space<vmem>>, vector<1x16xf32>,
        %swap3A_372 = vector.shape_cast %swap3A_371 : vector<1x16xf32> to vector<16xf32>
        %swap3A_373 = vector.shape_cast %mul3A_368 : vector<16xf32> to vector<1x16xf32>
        tpu.vector_store %arg9[%swap3A_369, %swap3A_370], %swap3A_373 {strides = array<i32>} : memref<16x512xf32, #tpu.memory_space<vmem>>, vector<1x16xf32>,
        %get3A_374 = arith.index_cast %scan3A_327 : i32 to index
        %get3A_375 = arith.constant 64 : index
        %get3A_376 = tpu.vector_load %arg9[%get3A_374, %get3A_375] {strides = array<i32>} : memref<16x512xf32, #tpu.memory_space<vmem>>, vector<1x16xf32>,
        %get3A_377 = vector.shape_cast %get3A_376 : vector<1x16xf32> to vector<16xf32>
        %mul3A_378 = arith.constant 22.6274166 : f32
        %mul3A_379 = vector.broadcast %mul3A_378 : f32 to vector<16xf32>
        %mul3A_380 = arith.mulf %get3A_377, %mul3A_379 : vector<16xf32>
        %swap3A_381 = arith.index_cast %scan3A_327 : i32 to index
        %swap3A_382 = arith.constant 64 : index
        %swap3A_383 = tpu.vector_load %arg9[%swap3A_381, %swap3A_382] {strides = array<i32>} : memref<16x512xf32, #tpu.memory_space<vmem>>, vector<1x16xf32>,
        %swap3A_384 = vector.shape_cast %swap3A_383 : vector<1x16xf32> to vector<16xf32>
        %swap3A_385 = vector.shape_cast %mul3A_380 : vector<16xf32> to vector<1x16xf32>
        tpu.vector_store %arg9[%swap3A_381, %swap3A_382], %swap3A_385 {strides = array<i32>} : memref<16x512xf32, #tpu.memory_space<vmem>>, vector<1x16xf32>,
        %get3A_386 = arith.index_cast %scan3A_327 : i32 to index
        %get3A_387 = arith.constant 80 : index
        %get3A_388 = tpu.vector_load %arg9[%get3A_386, %get3A_387] {strides = array<i32>} : memref<16x512xf32, #tpu.memory_space<vmem>>, vector<1x16xf32>,
        %get3A_389 = vector.shape_cast %get3A_388 : vector<1x16xf32> to vector<16xf32>
        %mul3A_390 = arith.constant 22.6274166 : f32
        %mul3A_391 = vector.broadcast %mul3A_390 : f32 to vector<16xf32>
        %mul3A_392 = arith.mulf %get3A_389, %mul3A_391 : vector<16xf32>
        %swap3A_393 = arith.index_cast %scan3A_327 : i32 to index
        %swap3A_394 = arith.constant 80 : index
        %swap3A_395 = tpu.vector_load %arg9[%swap3A_393, %swap3A_394] {strides = array<i32>} : memref<16x512xf32, #tpu.memory_space<vmem>>, vector<1x16xf32>,
        %swap3A_396 = vector.shape_cast %swap3A_395 : vector<1x16xf32> to vector<16xf32>
        %swap3A_397 = vector.shape_cast %mul3A_392 : vector<16xf32> to vector<1x16xf32>
        tpu.vector_store %arg9[%swap3A_393, %swap3A_394], %swap3A_397 {strides = array<i32>} : memref<16x512xf32, #tpu.memory_space<vmem>>, vector<1x16xf32>,
        %get3A_398 = arith.index_cast %scan3A_327 : i32 to index
        %get3A_399 = arith.constant 96 : index
        %get3A_400 = tpu.vector_load %arg9[%get3A_398, %get3A_399] {strides = array<i32>} : memref<16x512xf32, #tpu.memory_space<vmem>>, vector<1x16xf32>,
        %get3A_401 = vector.shape_cast %get3A_400 : vector<1x16xf32> to vector<16xf32>
        %mul3A_402 = arith.constant 22.6274166 : f32
        %mul3A_403 = vector.broadcast %mul3A_402 : f32 to vector<16xf32>
        %mul3A_404 = arith.mulf %get3A_401, %mul3A_403 : vector<16xf32>
        %swap3A_405 = arith.index_cast %scan3A_327 : i32 to index
        %swap3A_406 = arith.constant 96 : index
        %swap3A_407 = tpu.vector_load %arg9[%swap3A_405, %swap3A_406] {strides = array<i32>} : memref<16x512xf32, #tpu.memory_space<vmem>>, vector<1x16xf32>,
        %swap3A_408 = vector.shape_cast %swap3A_407 : vector<1x16xf32> to vector<16xf32>
        %swap3A_409 = vector.shape_cast %mul3A_404 : vector<16xf32> to vector<1x16xf32>
        tpu.vector_store %arg9[%swap3A_405, %swap3A_406], %swap3A_409 {strides = array<i32>} : memref<16x512xf32, #tpu.memory_space<vmem>>, vector<1x16xf32>,
        %get3A_410 = arith.index_cast %scan3A_327 : i32 to index
        %get3A_411 = arith.constant 112 : index
        %get3A_412 = tpu.vector_load %arg9[%get3A_410, %get3A_411] {strides = array<i32>} : memref<16x512xf32, #tpu.memory_space<vmem>>, vector<1x16xf32>,
        %get3A_413 = vector.shape_cast %get3A_412 : vector<1x16xf32> to vector<16xf32>
        %mul3A_414 = arith.constant 22.6274166 : f32
        %mul3A_415 = vector.broadcast %mul3A_414 : f32 to vector<16xf32>
        %mul3A_416 = arith.mulf %get3A_413, %mul3A_415 : vector<16xf32>
        %swap3A_417 = arith.index_cast %scan3A_327 : i32 to index
        %swap3A_418 = arith.constant 112 : index
        %swap3A_419 = tpu.vector_load %arg9[%swap3A_417, %swap3A_418] {strides = array<i32>} : memref<16x512xf32, #tpu.memory_space<vmem>>, vector<1x16xf32>,
        %swap3A_420 = vector.shape_cast %swap3A_419 : vector<1x16xf32> to vector<16xf32>
        %swap3A_421 = vector.shape_cast %mul3A_416 : vector<16xf32> to vector<1x16xf32>
        tpu.vector_store %arg9[%swap3A_417, %swap3A_418], %swap3A_421 {strides = array<i32>} : memref<16x512xf32, #tpu.memory_space<vmem>>, vector<1x16xf32>,
        %get3A_422 = arith.index_cast %scan3A_327 : i32 to index
        %get3A_423 = arith.constant 128 : index
        %get3A_424 = tpu.vector_load %arg9[%get3A_422, %get3A_423] {strides = array<i32>} : memref<16x512xf32, #tpu.memory_space<vmem>>, vector<1x16xf32>,
        %get3A_425 = vector.shape_cast %get3A_424 : vector<1x16xf32> to vector<16xf32>
        %mul3A_426 = arith.constant 22.6274166 : f32
        %mul3A_427 = vector.broadcast %mul3A_426 : f32 to vector<16xf32>
        %mul3A_428 = arith.mulf %get3A_425, %mul3A_427 : vector<16xf32>
        %swap3A_429 = arith.index_cast %scan3A_327 : i32 to index
        %swap3A_430 = arith.constant 128 : index
        %swap3A_431 = tpu.vector_load %arg9[%swap3A_429, %swap3A_430] {strides = array<i32>} : memref<16x512xf32, #tpu.memory_space<vmem>>, vector<1x16xf32>,
        %swap3A_432 = vector.shape_cast %swap3A_431 : vector<1x16xf32> to vector<16xf32>
        %swap3A_433 = vector.shape_cast %mul3A_428 : vector<16xf32> to vector<1x16xf32>
        tpu.vector_store %arg9[%swap3A_429, %swap3A_430], %swap3A_433 {strides = array<i32>} : memref<16x512xf32, #tpu.memory_space<vmem>>, vector<1x16xf32>,
        %get3A_434 = arith.index_cast %scan3A_327 : i32 to index
        %get3A_435 = arith.constant 144 : index
        %get3A_436 = tpu.vector_load %arg9[%get3A_434, %get3A_435] {strides = array<i32>} : memref<16x512xf32, #tpu.memory_space<vmem>>, vector<1x16xf32>,
        %get3A_437 = vector.shape_cast %get3A_436 : vector<1x16xf32> to vector<16xf32>
        %mul3A_438 = arith.constant 22.6274166 : f32
        %mul3A_439 = vector.broadcast %mul3A_438 : f32 to vector<16xf32>
        %mul3A_440 = arith.mulf %get3A_437, %mul3A_439 : vector<16xf32>
        %swap3A_441 = arith.index_cast %scan3A_327 : i32 to index
        %swap3A_442 = arith.constant 144 : index
        %swap3A_443 = tpu.vector_load %arg9[%swap3A_441, %swap3A_442] {strides = array<i32>} : memref<16x512xf32, #tpu.memory_space<vmem>>, vector<1x16xf32>,
        %swap3A_444 = vector.shape_cast %swap3A_443 : vector<1x16xf32> to vector<16xf32>
        %swap3A_445 = vector.shape_cast %mul3A_440 : vector<16xf32> to vector<1x16xf32>
        tpu.vector_store %arg9[%swap3A_441, %swap3A_442], %swap3A_445 {strides = array<i32>} : memref<16x512xf32, #tpu.memory_space<vmem>>, vector<1x16xf32>,
        %get3A_446 = arith.index_cast %scan3A_327 : i32 to index
        %get3A_447 = arith.constant 160 : index
        %get3A_448 = tpu.vector_load %arg9[%get3A_446, %get3A_447] {strides = array<i32>} : memref<16x512xf32, #tpu.memory_space<vmem>>, vector<1x16xf32>,
        %get3A_449 = vector.shape_cast %get3A_448 : vector<1x16xf32> to vector<16xf32>
        %mul3A_450 = arith.constant 22.6274166 : f32
        %mul3A_451 = vector.broadcast %mul3A_450 : f32 to vector<16xf32>
        %mul3A_452 = arith.mulf %get3A_449, %mul3A_451 : vector<16xf32>
        %swap3A_453 = arith.index_cast %scan3A_327 : i32 to index
        %swap3A_454 = arith.constant 160 : index
        %swap3A_455 = tpu.vector_load %arg9[%swap3A_453, %swap3A_454] {strides = array<i32>} : memref<16x512xf32, #tpu.memory_space<vmem>>, vector<1x16xf32>,
        %swap3A_456 = vector.shape_cast %swap3A_455 : vector<1x16xf32> to vector<16xf32>
        %swap3A_457 = vector.shape_cast %mul3A_452 : vector<16xf32> to vector<1x16xf32>
        tpu.vector_store %arg9[%swap3A_453, %swap3A_454], %swap3A_457 {strides = array<i32>} : memref<16x512xf32, #tpu.memory_space<vmem>>, vector<1x16xf32>,
        %get3A_458 = arith.index_cast %scan3A_327 : i32 to index
        %get3A_459 = arith.constant 176 : index
        %get3A_460 = tpu.vector_load %arg9[%get3A_458, %get3A_459] {strides = array<i32>} : memref<16x512xf32, #tpu.memory_space<vmem>>, vector<1x16xf32>,
        %get3A_461 = vector.shape_cast %get3A_460 : vector<1x16xf32> to vector<16xf32>
        %mul3A_462 = arith.constant 22.6274166 : f32
        %mul3A_463 = vector.broadcast %mul3A_462 : f32 to vector<16xf32>
        %mul3A_464 = arith.mulf %get3A_461, %mul3A_463 : vector<16xf32>
        %swap3A_465 = arith.index_cast %scan3A_327 : i32 to index
        %swap3A_466 = arith.constant 176 : index
        %swap3A_467 = tpu.vector_load %arg9[%swap3A_465, %swap3A_466] {strides = array<i32>} : memref<16x512xf32, #tpu.memory_space<vmem>>, vector<1x16xf32>,
        %swap3A_468 = vector.shape_cast %swap3A_467 : vector<1x16xf32> to vector<16xf32>
        %swap3A_469 = vector.shape_cast %mul3A_464 : vector<16xf32> to vector<1x16xf32>
        tpu.vector_store %arg9[%swap3A_465, %swap3A_466], %swap3A_469 {strides = array<i32>} : memref<16x512xf32, #tpu.memory_space<vmem>>, vector<1x16xf32>,
        %get3A_470 = arith.index_cast %scan3A_327 : i32 to index
        %get3A_471 = arith.constant 192 : index
        %get3A_472 = tpu.vector_load %arg9[%get3A_470, %get3A_471] {strides = array<i32>} : memref<16x512xf32, #tpu.memory_space<vmem>>, vector<1x16xf32>,
        %get3A_473 = vector.shape_cast %get3A_472 : vector<1x16xf32> to vector<16xf32>
        %mul3A_474 = arith.constant 22.6274166 : f32
        %mul3A_475 = vector.broadcast %mul3A_474 : f32 to vector<16xf32>
        %mul3A_476 = arith.mulf %get3A_473, %mul3A_475 : vector<16xf32>
        %swap3A_477 = arith.index_cast %scan3A_327 : i32 to index
        %swap3A_478 = arith.constant 192 : index
        %swap3A_479 = tpu.vector_load %arg9[%swap3A_477, %swap3A_478] {strides = array<i32>} : memref<16x512xf32, #tpu.memory_space<vmem>>, vector<1x16xf32>,
        %swap3A_480 = vector.shape_cast %swap3A_479 : vector<1x16xf32> to vector<16xf32>
        %swap3A_481 = vector.shape_cast %mul3A_476 : vector<16xf32> to vector<1x16xf32>
        tpu.vector_store %arg9[%swap3A_477, %swap3A_478], %swap3A_481 {strides = array<i32>} : memref<16x512xf32, #tpu.memory_space<vmem>>, vector<1x16xf32>,
        %get3A_482 = arith.index_cast %scan3A_327 : i32 to index
        %get3A_483 = arith.constant 208 : index
        %get3A_484 = tpu.vector_load %arg9[%get3A_482, %get3A_483] {strides = array<i32>} : memref<16x512xf32, #tpu.memory_space<vmem>>, vector<1x16xf32>,
        %get3A_485 = vector.shape_cast %get3A_484 : vector<1x16xf32> to vector<16xf32>
        %mul3A_486 = arith.constant 22.6274166 : f32
        %mul3A_487 = vector.broadcast %mul3A_486 : f32 to vector<16xf32>
        %mul3A_488 = arith.mulf %get3A_485, %mul3A_487 : vector<16xf32>
        %swap3A_489 = arith.index_cast %scan3A_327 : i32 to index
        %swap3A_490 = arith.constant 208 : index
        %swap3A_491 = tpu.vector_load %arg9[%swap3A_489, %swap3A_490] {strides = array<i32>} : memref<16x512xf32, #tpu.memory_space<vmem>>, vector<1x16xf32>,
        %swap3A_492 = vector.shape_cast %swap3A_491 : vector<1x16xf32> to vector<16xf32>
        %swap3A_493 = vector.shape_cast %mul3A_488 : vector<16xf32> to vector<1x16xf32>
        tpu.vector_store %arg9[%swap3A_489, %swap3A_490], %swap3A_493 {strides = array<i32>} : memref<16x512xf32, #tpu.memory_space<vmem>>, vector<1x16xf32>,
        %get3A_494 = arith.index_cast %scan3A_327 : i32 to index
        %get3A_495 = arith.constant 224 : index
        %get3A_496 = tpu.vector_load %arg9[%get3A_494, %get3A_495] {strides = array<i32>} : memref<16x512xf32, #tpu.memory_space<vmem>>, vector<1x16xf32>,
        %get3A_497 = vector.shape_cast %get3A_496 : vector<1x16xf32> to vector<16xf32>
        %mul3A_498 = arith.constant 22.6274166 : f32
        %mul3A_499 = vector.broadcast %mul3A_498 : f32 to vector<16xf32>
        %mul3A_500 = arith.mulf %get3A_497, %mul3A_499 : vector<16xf32>
        %swap3A_501 = arith.index_cast %scan3A_327 : i32 to index
        %swap3A_502 = arith.constant 224 : index
        %swap3A_503 = tpu.vector_load %arg9[%swap3A_501, %swap3A_502] {strides = array<i32>} : memref<16x512xf32, #tpu.memory_space<vmem>>, vector<1x16xf32>,
        %swap3A_504 = vector.shape_cast %swap3A_503 : vector<1x16xf32> to vector<16xf32>
        %swap3A_505 = vector.shape_cast %mul3A_500 : vector<16xf32> to vector<1x16xf32>
        tpu.vector_store %arg9[%swap3A_501, %swap3A_502], %swap3A_505 {strides = array<i32>} : memref<16x512xf32, #tpu.memory_space<vmem>>, vector<1x16xf32>,
        %get3A_506 = arith.index_cast %scan3A_327 : i32 to index
        %get3A_507 = arith.constant 240 : index
        %get3A_508 = tpu.vector_load %arg9[%get3A_506, %get3A_507] {strides = array<i32>} : memref<16x512xf32, #tpu.memory_space<vmem>>, vector<1x16xf32>,
        %get3A_509 = vector.shape_cast %get3A_508 : vector<1x16xf32> to vector<16xf32>
        %mul3A_510 = arith.constant 22.6274166 : f32
        %mul3A_511 = vector.broadcast %mul3A_510 : f32 to vector<16xf32>
        %mul3A_512 = arith.mulf %get3A_509, %mul3A_511 : vector<16xf32>
        %swap3A_513 = arith.index_cast %scan3A_327 : i32 to index
        %swap3A_514 = arith.constant 240 : index
        %swap3A_515 = tpu.vector_load %arg9[%swap3A_513, %swap3A_514] {strides = array<i32>} : memref<16x512xf32, #tpu.memory_space<vmem>>, vector<1x16xf32>,
        %swap3A_516 = vector.shape_cast %swap3A_515 : vector<1x16xf32> to vector<16xf32>
        %swap3A_517 = vector.shape_cast %mul3A_512 : vector<16xf32> to vector<1x16xf32>
        tpu.vector_store %arg9[%swap3A_513, %swap3A_514], %swap3A_517 {strides = array<i32>} : memref<16x512xf32, #tpu.memory_space<vmem>>, vector<1x16xf32>,
        %get3A_518 = arith.index_cast %scan3A_327 : i32 to index
        %get3A_519 = arith.constant 256 : index
        %get3A_520 = tpu.vector_load %arg9[%get3A_518, %get3A_519] {strides = array<i32>} : memref<16x512xf32, #tpu.memory_space<vmem>>, vector<1x16xf32>,
        %get3A_521 = vector.shape_cast %get3A_520 : vector<1x16xf32> to vector<16xf32>
        %mul3A_522 = arith.constant 22.6274166 : f32
        %mul3A_523 = vector.broadcast %mul3A_522 : f32 to vector<16xf32>
        %mul3A_524 = arith.mulf %get3A_521, %mul3A_523 : vector<16xf32>
        %swap3A_525 = arith.index_cast %scan3A_327 : i32 to index
        %swap3A_526 = arith.constant 256 : index
        %swap3A_527 = tpu.vector_load %arg9[%swap3A_525, %swap3A_526] {strides = array<i32>} : memref<16x512xf32, #tpu.memory_space<vmem>>, vector<1x16xf32>,
        %swap3A_528 = vector.shape_cast %swap3A_527 : vector<1x16xf32> to vector<16xf32>
        %swap3A_529 = vector.shape_cast %mul3A_524 : vector<16xf32> to vector<1x16xf32>
        tpu.vector_store %arg9[%swap3A_525, %swap3A_526], %swap3A_529 {strides = array<i32>} : memref<16x512xf32, #tpu.memory_space<vmem>>, vector<1x16xf32>,
        %get3A_530 = arith.index_cast %scan3A_327 : i32 to index
        %get3A_531 = arith.constant 272 : index
        %get3A_532 = tpu.vector_load %arg9[%get3A_530, %get3A_531] {strides = array<i32>} : memref<16x512xf32, #tpu.memory_space<vmem>>, vector<1x16xf32>,
        %get3A_533 = vector.shape_cast %get3A_532 : vector<1x16xf32> to vector<16xf32>
        %mul3A_534 = arith.constant 22.6274166 : f32
        %mul3A_535 = vector.broadcast %mul3A_534 : f32 to vector<16xf32>
        %mul3A_536 = arith.mulf %get3A_533, %mul3A_535 : vector<16xf32>
        %swap3A_537 = arith.index_cast %scan3A_327 : i32 to index
        %swap3A_538 = arith.constant 272 : index
        %swap3A_539 = tpu.vector_load %arg9[%swap3A_537, %swap3A_538] {strides = array<i32>} : memref<16x512xf32, #tpu.memory_space<vmem>>, vector<1x16xf32>,
        %swap3A_540 = vector.shape_cast %swap3A_539 : vector<1x16xf32> to vector<16xf32>
        %swap3A_541 = vector.shape_cast %mul3A_536 : vector<16xf32> to vector<1x16xf32>
        tpu.vector_store %arg9[%swap3A_537, %swap3A_538], %swap3A_541 {strides = array<i32>} : memref<16x512xf32, #tpu.memory_space<vmem>>, vector<1x16xf32>,
        %get3A_542 = arith.index_cast %scan3A_327 : i32 to index
        %get3A_543 = arith.constant 288 : index
        %get3A_544 = tpu.vector_load %arg9[%get3A_542, %get3A_543] {strides = array<i32>} : memref<16x512xf32, #tpu.memory_space<vmem>>, vector<1x16xf32>,
        %get3A_545 = vector.shape_cast %get3A_544 : vector<1x16xf32> to vector<16xf32>
        %mul3A_546 = arith.constant 22.6274166 : f32
        %mul3A_547 = vector.broadcast %mul3A_546 : f32 to vector<16xf32>
        %mul3A_548 = arith.mulf %get3A_545, %mul3A_547 : vector<16xf32>
        %swap3A_549 = arith.index_cast %scan3A_327 : i32 to index
        %swap3A_550 = arith.constant 288 : index
        %swap3A_551 = tpu.vector_load %arg9[%swap3A_549, %swap3A_550] {strides = array<i32>} : memref<16x512xf32, #tpu.memory_space<vmem>>, vector<1x16xf32>,
        %swap3A_552 = vector.shape_cast %swap3A_551 : vector<1x16xf32> to vector<16xf32>
        %swap3A_553 = vector.shape_cast %mul3A_548 : vector<16xf32> to vector<1x16xf32>
        tpu.vector_store %arg9[%swap3A_549, %swap3A_550], %swap3A_553 {strides = array<i32>} : memref<16x512xf32, #tpu.memory_space<vmem>>, vector<1x16xf32>,
        %get3A_554 = arith.index_cast %scan3A_327 : i32 to index
        %get3A_555 = arith.constant 304 : index
        %get3A_556 = tpu.vector_load %arg9[%get3A_554, %get3A_555] {strides = array<i32>} : memref<16x512xf32, #tpu.memory_space<vmem>>, vector<1x16xf32>,
        %get3A_557 = vector.shape_cast %get3A_556 : vector<1x16xf32> to vector<16xf32>
        %mul3A_558 = arith.constant 22.6274166 : f32
        %mul3A_559 = vector.broadcast %mul3A_558 : f32 to vector<16xf32>
        %mul3A_560 = arith.mulf %get3A_557, %mul3A_559 : vector<16xf32>
        %swap3A_561 = arith.index_cast %scan3A_327 : i32 to index
        %swap3A_562 = arith.constant 304 : index
        %swap3A_563 = tpu.vector_load %arg9[%swap3A_561, %swap3A_562] {strides = array<i32>} : memref<16x512xf32, #tpu.memory_space<vmem>>, vector<1x16xf32>,
        %swap3A_564 = vector.shape_cast %swap3A_563 : vector<1x16xf32> to vector<16xf32>
        %swap3A_565 = vector.shape_cast %mul3A_560 : vector<16xf32> to vector<1x16xf32>
        tpu.vector_store %arg9[%swap3A_561, %swap3A_562], %swap3A_565 {strides = array<i32>} : memref<16x512xf32, #tpu.memory_space<vmem>>, vector<1x16xf32>,
        %get3A_566 = arith.index_cast %scan3A_327 : i32 to index
        %get3A_567 = arith.constant 320 : index
        %get3A_568 = tpu.vector_load %arg9[%get3A_566, %get3A_567] {strides = array<i32>} : memref<16x512xf32, #tpu.memory_space<vmem>>, vector<1x16xf32>,
        %get3A_569 = vector.shape_cast %get3A_568 : vector<1x16xf32> to vector<16xf32>
        %mul3A_570 = arith.constant 22.6274166 : f32
        %mul3A_571 = vector.broadcast %mul3A_570 : f32 to vector<16xf32>
        %mul3A_572 = arith.mulf %get3A_569, %mul3A_571 : vector<16xf32>
        %swap3A_573 = arith.index_cast %scan3A_327 : i32 to index
        %swap3A_574 = arith.constant 320 : index
        %swap3A_575 = tpu.vector_load %arg9[%swap3A_573, %swap3A_574] {strides = array<i32>} : memref<16x512xf32, #tpu.memory_space<vmem>>, vector<1x16xf32>,
        %swap3A_576 = vector.shape_cast %swap3A_575 : vector<1x16xf32> to vector<16xf32>
        %swap3A_577 = vector.shape_cast %mul3A_572 : vector<16xf32> to vector<1x16xf32>
        tpu.vector_store %arg9[%swap3A_573, %swap3A_574], %swap3A_577 {strides = array<i32>} : memref<16x512xf32, #tpu.memory_space<vmem>>, vector<1x16xf32>,
        %get3A_578 = arith.index_cast %scan3A_327 : i32 to index
        %get3A_579 = arith.constant 336 : index
        %get3A_580 = tpu.vector_load %arg9[%get3A_578, %get3A_579] {strides = array<i32>} : memref<16x512xf32, #tpu.memory_space<vmem>>, vector<1x16xf32>,
        %get3A_581 = vector.shape_cast %get3A_580 : vector<1x16xf32> to vector<16xf32>
        %mul3A_582 = arith.constant 22.6274166 : f32
        %mul3A_583 = vector.broadcast %mul3A_582 : f32 to vector<16xf32>
        %mul3A_584 = arith.mulf %get3A_581, %mul3A_583 : vector<16xf32>
        %swap3A_585 = arith.index_cast %scan3A_327 : i32 to index
        %swap3A_586 = arith.constant 336 : index
        %swap3A_587 = tpu.vector_load %arg9[%swap3A_585, %swap3A_586] {strides = array<i32>} : memref<16x512xf32, #tpu.memory_space<vmem>>, vector<1x16xf32>,
        %swap3A_588 = vector.shape_cast %swap3A_587 : vector<1x16xf32> to vector<16xf32>
        %swap3A_589 = vector.shape_cast %mul3A_584 : vector<16xf32> to vector<1x16xf32>
        tpu.vector_store %arg9[%swap3A_585, %swap3A_586], %swap3A_589 {strides = array<i32>} : memref<16x512xf32, #tpu.memory_space<vmem>>, vector<1x16xf32>,
        %get3A_590 = arith.index_cast %scan3A_327 : i32 to index
        %get3A_591 = arith.constant 352 : index
        %get3A_592 = tpu.vector_load %arg9[%get3A_590, %get3A_591] {strides = array<i32>} : memref<16x512xf32, #tpu.memory_space<vmem>>, vector<1x16xf32>,
        %get3A_593 = vector.shape_cast %get3A_592 : vector<1x16xf32> to vector<16xf32>
        %mul3A_594 = arith.constant 22.6274166 : f32
        %mul3A_595 = vector.broadcast %mul3A_594 : f32 to vector<16xf32>
        %mul3A_596 = arith.mulf %get3A_593, %mul3A_595 : vector<16xf32>
        %swap3A_597 = arith.index_cast %scan3A_327 : i32 to index
        %swap3A_598 = arith.constant 352 : index
        %swap3A_599 = tpu.vector_load %arg9[%swap3A_597, %swap3A_598] {strides = array<i32>} : memref<16x512xf32, #tpu.memory_space<vmem>>, vector<1x16xf32>,
        %swap3A_600 = vector.shape_cast %swap3A_599 : vector<1x16xf32> to vector<16xf32>
        %swap3A_601 = vector.shape_cast %mul3A_596 : vector<16xf32> to vector<1x16xf32>
        tpu.vector_store %arg9[%swap3A_597, %swap3A_598], %swap3A_601 {strides = array<i32>} : memref<16x512xf32, #tpu.memory_space<vmem>>, vector<1x16xf32>,
        %get3A_602 = arith.index_cast %scan3A_327 : i32 to index
        %get3A_603 = arith.constant 368 : index
        %get3A_604 = tpu.vector_load %arg9[%get3A_602, %get3A_603] {strides = array<i32>} : memref<16x512xf32, #tpu.memory_space<vmem>>, vector<1x16xf32>,
        %get3A_605 = vector.shape_cast %get3A_604 : vector<1x16xf32> to vector<16xf32>
        %mul3A_606 = arith.constant 22.6274166 : f32
        %mul3A_607 = vector.broadcast %mul3A_606 : f32 to vector<16xf32>
        %mul3A_608 = arith.mulf %get3A_605, %mul3A_607 : vector<16xf32>
        %swap3A_609 = arith.index_cast %scan3A_327 : i32 to index
        %swap3A_610 = arith.constant 368 : index
        %swap3A_611 = tpu.vector_load %arg9[%swap3A_609, %swap3A_610] {strides = array<i32>} : memref<16x512xf32, #tpu.memory_space<vmem>>, vector<1x16xf32>,
        %swap3A_612 = vector.shape_cast %swap3A_611 : vector<1x16xf32> to vector<16xf32>
        %swap3A_613 = vector.shape_cast %mul3A_608 : vector<16xf32> to vector<1x16xf32>
        tpu.vector_store %arg9[%swap3A_609, %swap3A_610], %swap3A_613 {strides = array<i32>} : memref<16x512xf32, #tpu.memory_space<vmem>>, vector<1x16xf32>,
        %get3A_614 = arith.index_cast %scan3A_327 : i32 to index
        %get3A_615 = arith.constant 384 : index
        %get3A_616 = tpu.vector_load %arg9[%get3A_614, %get3A_615] {strides = array<i32>} : memref<16x512xf32, #tpu.memory_space<vmem>>, vector<1x16xf32>,
        %get3A_617 = vector.shape_cast %get3A_616 : vector<1x16xf32> to vector<16xf32>
        %mul3A_618 = arith.constant 22.6274166 : f32
        %mul3A_619 = vector.broadcast %mul3A_618 : f32 to vector<16xf32>
        %mul3A_620 = arith.mulf %get3A_617, %mul3A_619 : vector<16xf32>
        %swap3A_621 = arith.index_cast %scan3A_327 : i32 to index
        %swap3A_622 = arith.constant 384 : index
        %swap3A_623 = tpu.vector_load %arg9[%swap3A_621, %swap3A_622] {strides = array<i32>} : memref<16x512xf32, #tpu.memory_space<vmem>>, vector<1x16xf32>,
        %swap3A_624 = vector.shape_cast %swap3A_623 : vector<1x16xf32> to vector<16xf32>
        %swap3A_625 = vector.shape_cast %mul3A_620 : vector<16xf32> to vector<1x16xf32>
        tpu.vector_store %arg9[%swap3A_621, %swap3A_622], %swap3A_625 {strides = array<i32>} : memref<16x512xf32, #tpu.memory_space<vmem>>, vector<1x16xf32>,
        %get3A_626 = arith.index_cast %scan3A_327 : i32 to index
        %get3A_627 = arith.constant 400 : index
        %get3A_628 = tpu.vector_load %arg9[%get3A_626, %get3A_627] {strides = array<i32>} : memref<16x512xf32, #tpu.memory_space<vmem>>, vector<1x16xf32>,
        %get3A_629 = vector.shape_cast %get3A_628 : vector<1x16xf32> to vector<16xf32>
        %mul3A_630 = arith.constant 22.6274166 : f32
        %mul3A_631 = vector.broadcast %mul3A_630 : f32 to vector<16xf32>
        %mul3A_632 = arith.mulf %get3A_629, %mul3A_631 : vector<16xf32>
        %swap3A_633 = arith.index_cast %scan3A_327 : i32 to index
        %swap3A_634 = arith.constant 400 : index
        %swap3A_635 = tpu.vector_load %arg9[%swap3A_633, %swap3A_634] {strides = array<i32>} : memref<16x512xf32, #tpu.memory_space<vmem>>, vector<1x16xf32>,
        %swap3A_636 = vector.shape_cast %swap3A_635 : vector<1x16xf32> to vector<16xf32>
        %swap3A_637 = vector.shape_cast %mul3A_632 : vector<16xf32> to vector<1x16xf32>
        tpu.vector_store %arg9[%swap3A_633, %swap3A_634], %swap3A_637 {strides = array<i32>} : memref<16x512xf32, #tpu.memory_space<vmem>>, vector<1x16xf32>,
        %get3A_638 = arith.index_cast %scan3A_327 : i32 to index
        %get3A_639 = arith.constant 416 : index
        %get3A_640 = tpu.vector_load %arg9[%get3A_638, %get3A_639] {strides = array<i32>} : memref<16x512xf32, #tpu.memory_space<vmem>>, vector<1x16xf32>,
        %get3A_641 = vector.shape_cast %get3A_640 : vector<1x16xf32> to vector<16xf32>
        %mul3A_642 = arith.constant 22.6274166 : f32
        %mul3A_643 = vector.broadcast %mul3A_642 : f32 to vector<16xf32>
        %mul3A_644 = arith.mulf %get3A_641, %mul3A_643 : vector<16xf32>
        %swap3A_645 = arith.index_cast %scan3A_327 : i32 to index
        %swap3A_646 = arith.constant 416 : index
        %swap3A_647 = tpu.vector_load %arg9[%swap3A_645, %swap3A_646] {strides = array<i32>} : memref<16x512xf32, #tpu.memory_space<vmem>>, vector<1x16xf32>,
        %swap3A_648 = vector.shape_cast %swap3A_647 : vector<1x16xf32> to vector<16xf32>
        %swap3A_649 = vector.shape_cast %mul3A_644 : vector<16xf32> to vector<1x16xf32>
        tpu.vector_store %arg9[%swap3A_645, %swap3A_646], %swap3A_649 {strides = array<i32>} : memref<16x512xf32, #tpu.memory_space<vmem>>, vector<1x16xf32>,
        %get3A_650 = arith.index_cast %scan3A_327 : i32 to index
        %get3A_651 = arith.constant 432 : index
        %get3A_652 = tpu.vector_load %arg9[%get3A_650, %get3A_651] {strides = array<i32>} : memref<16x512xf32, #tpu.memory_space<vmem>>, vector<1x16xf32>,
        %get3A_653 = vector.shape_cast %get3A_652 : vector<1x16xf32> to vector<16xf32>
        %mul3A_654 = arith.constant 22.6274166 : f32
        %mul3A_655 = vector.broadcast %mul3A_654 : f32 to vector<16xf32>
        %mul3A_656 = arith.mulf %get3A_653, %mul3A_655 : vector<16xf32>
        %swap3A_657 = arith.index_cast %scan3A_327 : i32 to index
        %swap3A_658 = arith.constant 432 : index
        %swap3A_659 = tpu.vector_load %arg9[%swap3A_657, %swap3A_658] {strides = array<i32>} : memref<16x512xf32, #tpu.memory_space<vmem>>, vector<1x16xf32>,
        %swap3A_660 = vector.shape_cast %swap3A_659 : vector<1x16xf32> to vector<16xf32>
        %swap3A_661 = vector.shape_cast %mul3A_656 : vector<16xf32> to vector<1x16xf32>
        tpu.vector_store %arg9[%swap3A_657, %swap3A_658], %swap3A_661 {strides = array<i32>} : memref<16x512xf32, #tpu.memory_space<vmem>>, vector<1x16xf32>,
        %get3A_662 = arith.index_cast %scan3A_327 : i32 to index
        %get3A_663 = arith.constant 448 : index
        %get3A_664 = tpu.vector_load %arg9[%get3A_662, %get3A_663] {strides = array<i32>} : memref<16x512xf32, #tpu.memory_space<vmem>>, vector<1x16xf32>,
        %get3A_665 = vector.shape_cast %get3A_664 : vector<1x16xf32> to vector<16xf32>
        %mul3A_666 = arith.constant 22.6274166 : f32
        %mul3A_667 = vector.broadcast %mul3A_666 : f32 to vector<16xf32>
        %mul3A_668 = arith.mulf %get3A_665, %mul3A_667 : vector<16xf32>
        %swap3A_669 = arith.index_cast %scan3A_327 : i32 to index
        %swap3A_670 = arith.constant 448 : index
        %swap3A_671 = tpu.vector_load %arg9[%swap3A_669, %swap3A_670] {strides = array<i32>} : memref<16x512xf32, #tpu.memory_space<vmem>>, vector<1x16xf32>,
        %swap3A_672 = vector.shape_cast %swap3A_671 : vector<1x16xf32> to vector<16xf32>
        %swap3A_673 = vector.shape_cast %mul3A_668 : vector<16xf32> to vector<1x16xf32>
        tpu.vector_store %arg9[%swap3A_669, %swap3A_670], %swap3A_673 {strides = array<i32>} : memref<16x512xf32, #tpu.memory_space<vmem>>, vector<1x16xf32>,
        %get3A_674 = arith.index_cast %scan3A_327 : i32 to index
        %get3A_675 = arith.constant 464 : index
        %get3A_676 = tpu.vector_load %arg9[%get3A_674, %get3A_675] {strides = array<i32>} : memref<16x512xf32, #tpu.memory_space<vmem>>, vector<1x16xf32>,
        %get3A_677 = vector.shape_cast %get3A_676 : vector<1x16xf32> to vector<16xf32>
        %mul3A_678 = arith.constant 22.6274166 : f32
        %mul3A_679 = vector.broadcast %mul3A_678 : f32 to vector<16xf32>
        %mul3A_680 = arith.mulf %get3A_677, %mul3A_679 : vector<16xf32>
        %swap3A_681 = arith.index_cast %scan3A_327 : i32 to index
        %swap3A_682 = arith.constant 464 : index
        %swap3A_683 = tpu.vector_load %arg9[%swap3A_681, %swap3A_682] {strides = array<i32>} : memref<16x512xf32, #tpu.memory_space<vmem>>, vector<1x16xf32>,
        %swap3A_684 = vector.shape_cast %swap3A_683 : vector<1x16xf32> to vector<16xf32>
        %swap3A_685 = vector.shape_cast %mul3A_680 : vector<16xf32> to vector<1x16xf32>
        tpu.vector_store %arg9[%swap3A_681, %swap3A_682], %swap3A_685 {strides = array<i32>} : memref<16x512xf32, #tpu.memory_space<vmem>>, vector<1x16xf32>,
        %get3A_686 = arith.index_cast %scan3A_327 : i32 to index
        %get3A_687 = arith.constant 480 : index
        %get3A_688 = tpu.vector_load %arg9[%get3A_686, %get3A_687] {strides = array<i32>} : memref<16x512xf32, #tpu.memory_space<vmem>>, vector<1x16xf32>,
        %get3A_689 = vector.shape_cast %get3A_688 : vector<1x16xf32> to vector<16xf32>
        %mul3A_690 = arith.constant 22.6274166 : f32
        %mul3A_691 = vector.broadcast %mul3A_690 : f32 to vector<16xf32>
        %mul3A_692 = arith.mulf %get3A_689, %mul3A_691 : vector<16xf32>
        %swap3A_693 = arith.index_cast %scan3A_327 : i32 to index
        %swap3A_694 = arith.constant 480 : index
        %swap3A_695 = tpu.vector_load %arg9[%swap3A_693, %swap3A_694] {strides = array<i32>} : memref<16x512xf32, #tpu.memory_space<vmem>>, vector<1x16xf32>,
        %swap3A_696 = vector.shape_cast %swap3A_695 : vector<1x16xf32> to vector<16xf32>
        %swap3A_697 = vector.shape_cast %mul3A_692 : vector<16xf32> to vector<1x16xf32>
        tpu.vector_store %arg9[%swap3A_693, %swap3A_694], %swap3A_697 {strides = array<i32>} : memref<16x512xf32, #tpu.memory_space<vmem>>, vector<1x16xf32>,
        %get3A_698 = arith.index_cast %scan3A_327 : i32 to index
        %get3A_699 = arith.constant 496 : index
        %get3A_700 = tpu.vector_load %arg9[%get3A_698, %get3A_699] {strides = array<i32>} : memref<16x512xf32, #tpu.memory_space<vmem>>, vector<1x16xf32>,
        %get3A_701 = vector.shape_cast %get3A_700 : vector<1x16xf32> to vector<16xf32>
        %mul3A_702 = arith.constant 22.6274166 : f32
        %mul3A_703 = vector.broadcast %mul3A_702 : f32 to vector<16xf32>
        %mul3A_704 = arith.mulf %get3A_701, %mul3A_703 : vector<16xf32>
        %swap3A_705 = arith.index_cast %scan3A_327 : i32 to index
        %swap3A_706 = arith.constant 496 : index
        %swap3A_707 = tpu.vector_load %arg9[%swap3A_705, %swap3A_706] {strides = array<i32>} : memref<16x512xf32, #tpu.memory_space<vmem>>, vector<1x16xf32>,
        %swap3A_708 = vector.shape_cast %swap3A_707 : vector<1x16xf32> to vector<16xf32>
        %swap3A_709 = vector.shape_cast %mul3A_704 : vector<16xf32> to vector<1x16xf32>
        tpu.vector_store %arg9[%swap3A_705, %swap3A_706], %swap3A_709 {strides = array<i32>} : memref<16x512xf32, #tpu.memory_space<vmem>>, vector<1x16xf32>,
      }
      %scan3A_214 = arith.constant 16 : i32
      %mul3A_215 = arith.constant 16 : i32
      %mul3A_216 = arith.muli %add3A_203, %mul3A_215 : i32
      %add3A_217 = arith.addi %mul3A_34, %mul3A_216 : i32
      %dma_start3A_218 = arith.constant 0 : i32
      %dma_start3A_219 = tpu.memref_slice %arg4[%add3A_217, %dma_start3A_218] : memref<16384x512xf32, #tpu.memory_space<hbm>> -> memref<16x512xf32, #tpu.memory_space<hbm>>
      %dma_start3A_220 = arith.constant 0 : i32
      %dma_start3A_221 = tpu.memref_slice %arg4[%add3A_217, %dma_start3A_220] : memref<16384x512xf32, #tpu.memory_space<hbm>> -> memref<16x512xf32, #tpu.memory_space<hbm>>
      tpu.enqueue_dma source(%arg9 : memref<16x512xf32, #tpu.memory_space<vmem>>) target(%dma_start3A_221 : memref<16x512xf32, #tpu.memory_space<hbm>>) target_semaphore(%arg25 : memref<!tpu.dma_semaphore, #tpu.memory_space<semaphore_mem>>)
      %lt3A_222 = arith.constant 3 : i32
      %lt3A_223 = arith.cmpi slt, %scan3A_126, %lt3A_222 : i32
      %convert_element_type3A_224 = arith.extui %lt3A_223 : i1 to i32
      %cond3A_225 = arith.constant 0 : i32
      %cond3A_226 = arith.cmpi ne, %convert_element_type3A_224, %cond3A_225 : i32
      scf.if %cond3A_226 {
        %dma_wait3A_327 = arith.constant 0 : i32
        %dma_wait3A_328 = arith.constant 0 : i32
        %dma_wait3A_329 = tpu.memref_slice %arg4[%dma_wait3A_327, %dma_wait3A_328] : memref<16384x512xf32, #tpu.memory_space<hbm>> -> memref<16x512xf32, #tpu.memory_space<hbm>>
        %dma_wait3A_330 = arith.constant 0 : i32
        %dma_wait3A_331 = arith.constant 0 : i32
        %dma_wait3A_332 = tpu.memref_slice %arg4[%dma_wait3A_330, %dma_wait3A_331] : memref<16384x512xf32, #tpu.memory_space<hbm>> -> memref<16x512xf32, #tpu.memory_space<hbm>>
        tpu.wait_dma2 semaphore(%arg25 : memref<!tpu.dma_semaphore, #tpu.memory_space<semaphore_mem>>) src(%arg9 : memref<16x512xf32, #tpu.memory_space<vmem>>) dst(%dma_wait3A_332 : memref<16x512xf32, #tpu.memory_space<hbm>>)
        %add3A_333 = arith.constant 8 : i32
        %add3A_334 = arith.addi %add3A_203, %add3A_333 : i32
        %mul3A_335 = arith.constant 16 : i32
        %mul3A_336 = arith.muli %add3A_334, %mul3A_335 : i32
        %dma_start3A_337 = tpu.memref_slice %arg5[%mul3A_336] : memref<512xi32, #tpu.memory_space<vmem>> -> memref<16xi32, #tpu.memory_space<vmem>>
        %dma_start3A_338 = arith.constant 0 : i32
        %dma_start3A_339 = arith.constant 0 : i32
        %dma_start3A_340 = tpu.memref_slice %arg3[%dma_start3A_338, %dma_start3A_339] : memref<100000x512xf32, #tpu.memory_space<hbm>> -> memref<100000x512xf32, #tpu.memory_space<hbm>>
        tpu.enqueue_indirect_dma source(%dma_start3A_340 : memref<100000x512xf32, #tpu.memory_space<hbm>>) target(%arg9 : memref<16x512xf32, #tpu.memory_space<vmem>>) offsets(%dma_start3A_337 : memref<16xi32, #tpu.memory_space<vmem>>) semaphore(%arg17 : memref<!tpu.dma_semaphore, #tpu.memory_space<semaphore_mem>>)
      } else {
      }
      %add3A_227 = arith.constant 4 : i32
      %add3A_228 = arith.addi %mul3A_128, %add3A_227 : i32
      %dma_wait3A_229 = arith.constant 0 : i32
      %dma_wait3A_230 = tpu.memref_slice %arg5[%dma_wait3A_229] : memref<512xi32, #tpu.memory_space<vmem>> -> memref<16xi32, #tpu.memory_space<vmem>>
      %dma_wait3A_231 = arith.constant 0 : i32
      %dma_wait3A_232 = arith.constant 0 : i32
      %dma_wait3A_233 = tpu.memref_slice %arg3[%dma_wait3A_231, %dma_wait3A_232] : memref<100000x512xf32, #tpu.memory_space<hbm>> -> memref<100000x512xf32, #tpu.memory_space<hbm>>
      tpu.wait_indirect_dma semaphore(%arg18 : memref<!tpu.dma_semaphore, #tpu.memory_space<semaphore_mem>>) src(%dma_wait3A_233 : memref<100000x512xf32, #tpu.memory_space<hbm>>) dst(%arg10 : memref<16x512xf32, #tpu.memory_space<vmem>>)
      %scan3A_234 = arith.constant 0 : i32
      %scan3A_235 = arith.constant 0 : i32
      %scan3A_236 = arith.constant 16 : i32
      %scan3A_237 = arith.addi %scan3A_235, %scan3A_236 : i32
      %scan3A_238 = arith.constant 1 : i32
      scf.for %scan3A_327 = %scan3A_235 to %scan3A_237 step %scan3A_238  : i32 {
        %get3A = arith.index_cast %scan3A_327 : i32 to index
        %get3A_328 = arith.constant 0 : index
        %get3A_329 = tpu.vector_load %arg10[%get3A, %get3A_328] {strides = array<i32>} : memref<16x512xf32, #tpu.memory_space<vmem>>, vector<1x16xf32>,
        %get3A_330 = vector.shape_cast %get3A_329 : vector<1x16xf32> to vector<16xf32>
        %mul3A_331 = arith.constant 22.6274166 : f32
        %mul3A_332 = vector.broadcast %mul3A_331 : f32 to vector<16xf32>
        %mul3A_333 = arith.mulf %get3A_330, %mul3A_332 : vector<16xf32>
        %swap3A = arith.index_cast %scan3A_327 : i32 to index
        %swap3A_334 = arith.constant 0 : index
        %swap3A_335 = tpu.vector_load %arg10[%swap3A, %swap3A_334] {strides = array<i32>} : memref<16x512xf32, #tpu.memory_space<vmem>>, vector<1x16xf32>,
        %swap3A_336 = vector.shape_cast %swap3A_335 : vector<1x16xf32> to vector<16xf32>
        %swap3A_337 = vector.shape_cast %mul3A_333 : vector<16xf32> to vector<1x16xf32>
        tpu.vector_store %arg10[%swap3A, %swap3A_334], %swap3A_337 {strides = array<i32>} : memref<16x512xf32, #tpu.memory_space<vmem>>, vector<1x16xf32>,
        %get3A_338 = arith.index_cast %scan3A_327 : i32 to index
        %get3A_339 = arith.constant 16 : index
        %get3A_340 = tpu.vector_load %arg10[%get3A_338, %get3A_339] {strides = array<i32>} : memref<16x512xf32, #tpu.memory_space<vmem>>, vector<1x16xf32>,
        %get3A_341 = vector.shape_cast %get3A_340 : vector<1x16xf32> to vector<16xf32>
        %mul3A_342 = arith.constant 22.6274166 : f32
        %mul3A_343 = vector.broadcast %mul3A_342 : f32 to vector<16xf32>
        %mul3A_344 = arith.mulf %get3A_341, %mul3A_343 : vector<16xf32>
        %swap3A_345 = arith.index_cast %scan3A_327 : i32 to index
        %swap3A_346 = arith.constant 16 : index
        %swap3A_347 = tpu.vector_load %arg10[%swap3A_345, %swap3A_346] {strides = array<i32>} : memref<16x512xf32, #tpu.memory_space<vmem>>, vector<1x16xf32>,
        %swap3A_348 = vector.shape_cast %swap3A_347 : vector<1x16xf32> to vector<16xf32>
        %swap3A_349 = vector.shape_cast %mul3A_344 : vector<16xf32> to vector<1x16xf32>
        tpu.vector_store %arg10[%swap3A_345, %swap3A_346], %swap3A_349 {strides = array<i32>} : memref<16x512xf32, #tpu.memory_space<vmem>>, vector<1x16xf32>,
        %get3A_350 = arith.index_cast %scan3A_327 : i32 to index
        %get3A_351 = arith.constant 32 : index
        %get3A_352 = tpu.vector_load %arg10[%get3A_350, %get3A_351] {strides = array<i32>} : memref<16x512xf32, #tpu.memory_space<vmem>>, vector<1x16xf32>,
        %get3A_353 = vector.shape_cast %get3A_352 : vector<1x16xf32> to vector<16xf32>
        %mul3A_354 = arith.constant 22.6274166 : f32
        %mul3A_355 = vector.broadcast %mul3A_354 : f32 to vector<16xf32>
        %mul3A_356 = arith.mulf %get3A_353, %mul3A_355 : vector<16xf32>
        %swap3A_357 = arith.index_cast %scan3A_327 : i32 to index
        %swap3A_358 = arith.constant 32 : index
        %swap3A_359 = tpu.vector_load %arg10[%swap3A_357, %swap3A_358] {strides = array<i32>} : memref<16x512xf32, #tpu.memory_space<vmem>>, vector<1x16xf32>,
        %swap3A_360 = vector.shape_cast %swap3A_359 : vector<1x16xf32> to vector<16xf32>
        %swap3A_361 = vector.shape_cast %mul3A_356 : vector<16xf32> to vector<1x16xf32>
        tpu.vector_store %arg10[%swap3A_357, %swap3A_358], %swap3A_361 {strides = array<i32>} : memref<16x512xf32, #tpu.memory_space<vmem>>, vector<1x16xf32>,
        %get3A_362 = arith.index_cast %scan3A_327 : i32 to index
        %get3A_363 = arith.constant 48 : index
        %get3A_364 = tpu.vector_load %arg10[%get3A_362, %get3A_363] {strides = array<i32>} : memref<16x512xf32, #tpu.memory_space<vmem>>, vector<1x16xf32>,
        %get3A_365 = vector.shape_cast %get3A_364 : vector<1x16xf32> to vector<16xf32>
        %mul3A_366 = arith.constant 22.6274166 : f32
        %mul3A_367 = vector.broadcast %mul3A_366 : f32 to vector<16xf32>
        %mul3A_368 = arith.mulf %get3A_365, %mul3A_367 : vector<16xf32>
        %swap3A_369 = arith.index_cast %scan3A_327 : i32 to index
        %swap3A_370 = arith.constant 48 : index
        %swap3A_371 = tpu.vector_load %arg10[%swap3A_369, %swap3A_370] {strides = array<i32>} : memref<16x512xf32, #tpu.memory_space<vmem>>, vector<1x16xf32>,
        %swap3A_372 = vector.shape_cast %swap3A_371 : vector<1x16xf32> to vector<16xf32>
        %swap3A_373 = vector.shape_cast %mul3A_368 : vector<16xf32> to vector<1x16xf32>
        tpu.vector_store %arg10[%swap3A_369, %swap3A_370], %swap3A_373 {strides = array<i32>} : memref<16x512xf32, #tpu.memory_space<vmem>>, vector<1x16xf32>,
        %get3A_374 = arith.index_cast %scan3A_327 : i32 to index
        %get3A_375 = arith.constant 64 : index
        %get3A_376 = tpu.vector_load %arg10[%get3A_374, %get3A_375] {strides = array<i32>} : memref<16x512xf32, #tpu.memory_space<vmem>>, vector<1x16xf32>,
        %get3A_377 = vector.shape_cast %get3A_376 : vector<1x16xf32> to vector<16xf32>
        %mul3A_378 = arith.constant 22.6274166 : f32
        %mul3A_379 = vector.broadcast %mul3A_378 : f32 to vector<16xf32>
        %mul3A_380 = arith.mulf %get3A_377, %mul3A_379 : vector<16xf32>
        %swap3A_381 = arith.index_cast %scan3A_327 : i32 to index
        %swap3A_382 = arith.constant 64 : index
        %swap3A_383 = tpu.vector_load %arg10[%swap3A_381, %swap3A_382] {strides = array<i32>} : memref<16x512xf32, #tpu.memory_space<vmem>>, vector<1x16xf32>,
        %swap3A_384 = vector.shape_cast %swap3A_383 : vector<1x16xf32> to vector<16xf32>
        %swap3A_385 = vector.shape_cast %mul3A_380 : vector<16xf32> to vector<1x16xf32>
        tpu.vector_store %arg10[%swap3A_381, %swap3A_382], %swap3A_385 {strides = array<i32>} : memref<16x512xf32, #tpu.memory_space<vmem>>, vector<1x16xf32>,
        %get3A_386 = arith.index_cast %scan3A_327 : i32 to index
        %get3A_387 = arith.constant 80 : index
        %get3A_388 = tpu.vector_load %arg10[%get3A_386, %get3A_387] {strides = array<i32>} : memref<16x512xf32, #tpu.memory_space<vmem>>, vector<1x16xf32>,
        %get3A_389 = vector.shape_cast %get3A_388 : vector<1x16xf32> to vector<16xf32>
        %mul3A_390 = arith.constant 22.6274166 : f32
        %mul3A_391 = vector.broadcast %mul3A_390 : f32 to vector<16xf32>
        %mul3A_392 = arith.mulf %get3A_389, %mul3A_391 : vector<16xf32>
        %swap3A_393 = arith.index_cast %scan3A_327 : i32 to index
        %swap3A_394 = arith.constant 80 : index
        %swap3A_395 = tpu.vector_load %arg10[%swap3A_393, %swap3A_394] {strides = array<i32>} : memref<16x512xf32, #tpu.memory_space<vmem>>, vector<1x16xf32>,
        %swap3A_396 = vector.shape_cast %swap3A_395 : vector<1x16xf32> to vector<16xf32>
        %swap3A_397 = vector.shape_cast %mul3A_392 : vector<16xf32> to vector<1x16xf32>
        tpu.vector_store %arg10[%swap3A_393, %swap3A_394], %swap3A_397 {strides = array<i32>} : memref<16x512xf32, #tpu.memory_space<vmem>>, vector<1x16xf32>,
        %get3A_398 = arith.index_cast %scan3A_327 : i32 to index
        %get3A_399 = arith.constant 96 : index
        %get3A_400 = tpu.vector_load %arg10[%get3A_398, %get3A_399] {strides = array<i32>} : memref<16x512xf32, #tpu.memory_space<vmem>>, vector<1x16xf32>,
        %get3A_401 = vector.shape_cast %get3A_400 : vector<1x16xf32> to vector<16xf32>
        %mul3A_402 = arith.constant 22.6274166 : f32
        %mul3A_403 = vector.broadcast %mul3A_402 : f32 to vector<16xf32>
        %mul3A_404 = arith.mulf %get3A_401, %mul3A_403 : vector<16xf32>
        %swap3A_405 = arith.index_cast %scan3A_327 : i32 to index
        %swap3A_406 = arith.constant 96 : index
        %swap3A_407 = tpu.vector_load %arg10[%swap3A_405, %swap3A_406] {strides = array<i32>} : memref<16x512xf32, #tpu.memory_space<vmem>>, vector<1x16xf32>,
        %swap3A_408 = vector.shape_cast %swap3A_407 : vector<1x16xf32> to vector<16xf32>
        %swap3A_409 = vector.shape_cast %mul3A_404 : vector<16xf32> to vector<1x16xf32>
        tpu.vector_store %arg10[%swap3A_405, %swap3A_406], %swap3A_409 {strides = array<i32>} : memref<16x512xf32, #tpu.memory_space<vmem>>, vector<1x16xf32>,
        %get3A_410 = arith.index_cast %scan3A_327 : i32 to index
        %get3A_411 = arith.constant 112 : index
        %get3A_412 = tpu.vector_load %arg10[%get3A_410, %get3A_411] {strides = array<i32>} : memref<16x512xf32, #tpu.memory_space<vmem>>, vector<1x16xf32>,
        %get3A_413 = vector.shape_cast %get3A_412 : vector<1x16xf32> to vector<16xf32>
        %mul3A_414 = arith.constant 22.6274166 : f32
        %mul3A_415 = vector.broadcast %mul3A_414 : f32 to vector<16xf32>
        %mul3A_416 = arith.mulf %get3A_413, %mul3A_415 : vector<16xf32>
        %swap3A_417 = arith.index_cast %scan3A_327 : i32 to index
        %swap3A_418 = arith.constant 112 : index
        %swap3A_419 = tpu.vector_load %arg10[%swap3A_417, %swap3A_418] {strides = array<i32>} : memref<16x512xf32, #tpu.memory_space<vmem>>, vector<1x16xf32>,
        %swap3A_420 = vector.shape_cast %swap3A_419 : vector<1x16xf32> to vector<16xf32>
        %swap3A_421 = vector.shape_cast %mul3A_416 : vector<16xf32> to vector<1x16xf32>
        tpu.vector_store %arg10[%swap3A_417, %swap3A_418], %swap3A_421 {strides = array<i32>} : memref<16x512xf32, #tpu.memory_space<vmem>>, vector<1x16xf32>,
        %get3A_422 = arith.index_cast %scan3A_327 : i32 to index
        %get3A_423 = arith.constant 128 : index
        %get3A_424 = tpu.vector_load %arg10[%get3A_422, %get3A_423] {strides = array<i32>} : memref<16x512xf32, #tpu.memory_space<vmem>>, vector<1x16xf32>,
        %get3A_425 = vector.shape_cast %get3A_424 : vector<1x16xf32> to vector<16xf32>
        %mul3A_426 = arith.constant 22.6274166 : f32
        %mul3A_427 = vector.broadcast %mul3A_426 : f32 to vector<16xf32>
        %mul3A_428 = arith.mulf %get3A_425, %mul3A_427 : vector<16xf32>
        %swap3A_429 = arith.index_cast %scan3A_327 : i32 to index
        %swap3A_430 = arith.constant 128 : index
        %swap3A_431 = tpu.vector_load %arg10[%swap3A_429, %swap3A_430] {strides = array<i32>} : memref<16x512xf32, #tpu.memory_space<vmem>>, vector<1x16xf32>,
        %swap3A_432 = vector.shape_cast %swap3A_431 : vector<1x16xf32> to vector<16xf32>
        %swap3A_433 = vector.shape_cast %mul3A_428 : vector<16xf32> to vector<1x16xf32>
        tpu.vector_store %arg10[%swap3A_429, %swap3A_430], %swap3A_433 {strides = array<i32>} : memref<16x512xf32, #tpu.memory_space<vmem>>, vector<1x16xf32>,
        %get3A_434 = arith.index_cast %scan3A_327 : i32 to index
        %get3A_435 = arith.constant 144 : index
        %get3A_436 = tpu.vector_load %arg10[%get3A_434, %get3A_435] {strides = array<i32>} : memref<16x512xf32, #tpu.memory_space<vmem>>, vector<1x16xf32>,
        %get3A_437 = vector.shape_cast %get3A_436 : vector<1x16xf32> to vector<16xf32>
        %mul3A_438 = arith.constant 22.6274166 : f32
        %mul3A_439 = vector.broadcast %mul3A_438 : f32 to vector<16xf32>
        %mul3A_440 = arith.mulf %get3A_437, %mul3A_439 : vector<16xf32>
        %swap3A_441 = arith.index_cast %scan3A_327 : i32 to index
        %swap3A_442 = arith.constant 144 : index
        %swap3A_443 = tpu.vector_load %arg10[%swap3A_441, %swap3A_442] {strides = array<i32>} : memref<16x512xf32, #tpu.memory_space<vmem>>, vector<1x16xf32>,
        %swap3A_444 = vector.shape_cast %swap3A_443 : vector<1x16xf32> to vector<16xf32>
        %swap3A_445 = vector.shape_cast %mul3A_440 : vector<16xf32> to vector<1x16xf32>
        tpu.vector_store %arg10[%swap3A_441, %swap3A_442], %swap3A_445 {strides = array<i32>} : memref<16x512xf32, #tpu.memory_space<vmem>>, vector<1x16xf32>,
        %get3A_446 = arith.index_cast %scan3A_327 : i32 to index
        %get3A_447 = arith.constant 160 : index
        %get3A_448 = tpu.vector_load %arg10[%get3A_446, %get3A_447] {strides = array<i32>} : memref<16x512xf32, #tpu.memory_space<vmem>>, vector<1x16xf32>,
        %get3A_449 = vector.shape_cast %get3A_448 : vector<1x16xf32> to vector<16xf32>
        %mul3A_450 = arith.constant 22.6274166 : f32
        %mul3A_451 = vector.broadcast %mul3A_450 : f32 to vector<16xf32>
        %mul3A_452 = arith.mulf %get3A_449, %mul3A_451 : vector<16xf32>
        %swap3A_453 = arith.index_cast %scan3A_327 : i32 to index
        %swap3A_454 = arith.constant 160 : index
        %swap3A_455 = tpu.vector_load %arg10[%swap3A_453, %swap3A_454] {strides = array<i32>} : memref<16x512xf32, #tpu.memory_space<vmem>>, vector<1x16xf32>,
        %swap3A_456 = vector.shape_cast %swap3A_455 : vector<1x16xf32> to vector<16xf32>
        %swap3A_457 = vector.shape_cast %mul3A_452 : vector<16xf32> to vector<1x16xf32>
        tpu.vector_store %arg10[%swap3A_453, %swap3A_454], %swap3A_457 {strides = array<i32>} : memref<16x512xf32, #tpu.memory_space<vmem>>, vector<1x16xf32>,
        %get3A_458 = arith.index_cast %scan3A_327 : i32 to index
        %get3A_459 = arith.constant 176 : index
        %get3A_460 = tpu.vector_load %arg10[%get3A_458, %get3A_459] {strides = array<i32>} : memref<16x512xf32, #tpu.memory_space<vmem>>, vector<1x16xf32>,
        %get3A_461 = vector.shape_cast %get3A_460 : vector<1x16xf32> to vector<16xf32>
        %mul3A_462 = arith.constant 22.6274166 : f32
        %mul3A_463 = vector.broadcast %mul3A_462 : f32 to vector<16xf32>
        %mul3A_464 = arith.mulf %get3A_461, %mul3A_463 : vector<16xf32>
        %swap3A_465 = arith.index_cast %scan3A_327 : i32 to index
        %swap3A_466 = arith.constant 176 : index
        %swap3A_467 = tpu.vector_load %arg10[%swap3A_465, %swap3A_466] {strides = array<i32>} : memref<16x512xf32, #tpu.memory_space<vmem>>, vector<1x16xf32>,
        %swap3A_468 = vector.shape_cast %swap3A_467 : vector<1x16xf32> to vector<16xf32>
        %swap3A_469 = vector.shape_cast %mul3A_464 : vector<16xf32> to vector<1x16xf32>
        tpu.vector_store %arg10[%swap3A_465, %swap3A_466], %swap3A_469 {strides = array<i32>} : memref<16x512xf32, #tpu.memory_space<vmem>>, vector<1x16xf32>,
        %get3A_470 = arith.index_cast %scan3A_327 : i32 to index
        %get3A_471 = arith.constant 192 : index
        %get3A_472 = tpu.vector_load %arg10[%get3A_470, %get3A_471] {strides = array<i32>} : memref<16x512xf32, #tpu.memory_space<vmem>>, vector<1x16xf32>,
        %get3A_473 = vector.shape_cast %get3A_472 : vector<1x16xf32> to vector<16xf32>
        %mul3A_474 = arith.constant 22.6274166 : f32
        %mul3A_475 = vector.broadcast %mul3A_474 : f32 to vector<16xf32>
        %mul3A_476 = arith.mulf %get3A_473, %mul3A_475 : vector<16xf32>
        %swap3A_477 = arith.index_cast %scan3A_327 : i32 to index
        %swap3A_478 = arith.constant 192 : index
        %swap3A_479 = tpu.vector_load %arg10[%swap3A_477, %swap3A_478] {strides = array<i32>} : memref<16x512xf32, #tpu.memory_space<vmem>>, vector<1x16xf32>,
        %swap3A_480 = vector.shape_cast %swap3A_479 : vector<1x16xf32> to vector<16xf32>
        %swap3A_481 = vector.shape_cast %mul3A_476 : vector<16xf32> to vector<1x16xf32>
        tpu.vector_store %arg10[%swap3A_477, %swap3A_478], %swap3A_481 {strides = array<i32>} : memref<16x512xf32, #tpu.memory_space<vmem>>, vector<1x16xf32>,
        %get3A_482 = arith.index_cast %scan3A_327 : i32 to index
        %get3A_483 = arith.constant 208 : index
        %get3A_484 = tpu.vector_load %arg10[%get3A_482, %get3A_483] {strides = array<i32>} : memref<16x512xf32, #tpu.memory_space<vmem>>, vector<1x16xf32>,
        %get3A_485 = vector.shape_cast %get3A_484 : vector<1x16xf32> to vector<16xf32>
        %mul3A_486 = arith.constant 22.6274166 : f32
        %mul3A_487 = vector.broadcast %mul3A_486 : f32 to vector<16xf32>
        %mul3A_488 = arith.mulf %get3A_485, %mul3A_487 : vector<16xf32>
        %swap3A_489 = arith.index_cast %scan3A_327 : i32 to index
        %swap3A_490 = arith.constant 208 : index
        %swap3A_491 = tpu.vector_load %arg10[%swap3A_489, %swap3A_490] {strides = array<i32>} : memref<16x512xf32, #tpu.memory_space<vmem>>, vector<1x16xf32>,
        %swap3A_492 = vector.shape_cast %swap3A_491 : vector<1x16xf32> to vector<16xf32>
        %swap3A_493 = vector.shape_cast %mul3A_488 : vector<16xf32> to vector<1x16xf32>
        tpu.vector_store %arg10[%swap3A_489, %swap3A_490], %swap3A_493 {strides = array<i32>} : memref<16x512xf32, #tpu.memory_space<vmem>>, vector<1x16xf32>,
        %get3A_494 = arith.index_cast %scan3A_327 : i32 to index
        %get3A_495 = arith.constant 224 : index
        %get3A_496 = tpu.vector_load %arg10[%get3A_494, %get3A_495] {strides = array<i32>} : memref<16x512xf32, #tpu.memory_space<vmem>>, vector<1x16xf32>,
        %get3A_497 = vector.shape_cast %get3A_496 : vector<1x16xf32> to vector<16xf32>
        %mul3A_498 = arith.constant 22.6274166 : f32
        %mul3A_499 = vector.broadcast %mul3A_498 : f32 to vector<16xf32>
        %mul3A_500 = arith.mulf %get3A_497, %mul3A_499 : vector<16xf32>
        %swap3A_501 = arith.index_cast %scan3A_327 : i32 to index
        %swap3A_502 = arith.constant 224 : index
        %swap3A_503 = tpu.vector_load %arg10[%swap3A_501, %swap3A_502] {strides = array<i32>} : memref<16x512xf32, #tpu.memory_space<vmem>>, vector<1x16xf32>,
        %swap3A_504 = vector.shape_cast %swap3A_503 : vector<1x16xf32> to vector<16xf32>
        %swap3A_505 = vector.shape_cast %mul3A_500 : vector<16xf32> to vector<1x16xf32>
        tpu.vector_store %arg10[%swap3A_501, %swap3A_502], %swap3A_505 {strides = array<i32>} : memref<16x512xf32, #tpu.memory_space<vmem>>, vector<1x16xf32>,
        %get3A_506 = arith.index_cast %scan3A_327 : i32 to index
        %get3A_507 = arith.constant 240 : index
        %get3A_508 = tpu.vector_load %arg10[%get3A_506, %get3A_507] {strides = array<i32>} : memref<16x512xf32, #tpu.memory_space<vmem>>, vector<1x16xf32>,
        %get3A_509 = vector.shape_cast %get3A_508 : vector<1x16xf32> to vector<16xf32>
        %mul3A_510 = arith.constant 22.6274166 : f32
        %mul3A_511 = vector.broadcast %mul3A_510 : f32 to vector<16xf32>
        %mul3A_512 = arith.mulf %get3A_509, %mul3A_511 : vector<16xf32>
        %swap3A_513 = arith.index_cast %scan3A_327 : i32 to index
        %swap3A_514 = arith.constant 240 : index
        %swap3A_515 = tpu.vector_load %arg10[%swap3A_513, %swap3A_514] {strides = array<i32>} : memref<16x512xf32, #tpu.memory_space<vmem>>, vector<1x16xf32>,
        %swap3A_516 = vector.shape_cast %swap3A_515 : vector<1x16xf32> to vector<16xf32>
        %swap3A_517 = vector.shape_cast %mul3A_512 : vector<16xf32> to vector<1x16xf32>
        tpu.vector_store %arg10[%swap3A_513, %swap3A_514], %swap3A_517 {strides = array<i32>} : memref<16x512xf32, #tpu.memory_space<vmem>>, vector<1x16xf32>,
        %get3A_518 = arith.index_cast %scan3A_327 : i32 to index
        %get3A_519 = arith.constant 256 : index
        %get3A_520 = tpu.vector_load %arg10[%get3A_518, %get3A_519] {strides = array<i32>} : memref<16x512xf32, #tpu.memory_space<vmem>>, vector<1x16xf32>,
        %get3A_521 = vector.shape_cast %get3A_520 : vector<1x16xf32> to vector<16xf32>
        %mul3A_522 = arith.constant 22.6274166 : f32
        %mul3A_523 = vector.broadcast %mul3A_522 : f32 to vector<16xf32>
        %mul3A_524 = arith.mulf %get3A_521, %mul3A_523 : vector<16xf32>
        %swap3A_525 = arith.index_cast %scan3A_327 : i32 to index
        %swap3A_526 = arith.constant 256 : index
        %swap3A_527 = tpu.vector_load %arg10[%swap3A_525, %swap3A_526] {strides = array<i32>} : memref<16x512xf32, #tpu.memory_space<vmem>>, vector<1x16xf32>,
        %swap3A_528 = vector.shape_cast %swap3A_527 : vector<1x16xf32> to vector<16xf32>
        %swap3A_529 = vector.shape_cast %mul3A_524 : vector<16xf32> to vector<1x16xf32>
        tpu.vector_store %arg10[%swap3A_525, %swap3A_526], %swap3A_529 {strides = array<i32>} : memref<16x512xf32, #tpu.memory_space<vmem>>, vector<1x16xf32>,
        %get3A_530 = arith.index_cast %scan3A_327 : i32 to index
        %get3A_531 = arith.constant 272 : index
        %get3A_532 = tpu.vector_load %arg10[%get3A_530, %get3A_531] {strides = array<i32>} : memref<16x512xf32, #tpu.memory_space<vmem>>, vector<1x16xf32>,
        %get3A_533 = vector.shape_cast %get3A_532 : vector<1x16xf32> to vector<16xf32>
        %mul3A_534 = arith.constant 22.6274166 : f32
        %mul3A_535 = vector.broadcast %mul3A_534 : f32 to vector<16xf32>
        %mul3A_536 = arith.mulf %get3A_533, %mul3A_535 : vector<16xf32>
        %swap3A_537 = arith.index_cast %scan3A_327 : i32 to index
        %swap3A_538 = arith.constant 272 : index
        %swap3A_539 = tpu.vector_load %arg10[%swap3A_537, %swap3A_538] {strides = array<i32>} : memref<16x512xf32, #tpu.memory_space<vmem>>, vector<1x16xf32>,
        %swap3A_540 = vector.shape_cast %swap3A_539 : vector<1x16xf32> to vector<16xf32>
        %swap3A_541 = vector.shape_cast %mul3A_536 : vector<16xf32> to vector<1x16xf32>
        tpu.vector_store %arg10[%swap3A_537, %swap3A_538], %swap3A_541 {strides = array<i32>} : memref<16x512xf32, #tpu.memory_space<vmem>>, vector<1x16xf32>,
        %get3A_542 = arith.index_cast %scan3A_327 : i32 to index
        %get3A_543 = arith.constant 288 : index
        %get3A_544 = tpu.vector_load %arg10[%get3A_542, %get3A_543] {strides = array<i32>} : memref<16x512xf32, #tpu.memory_space<vmem>>, vector<1x16xf32>,
        %get3A_545 = vector.shape_cast %get3A_544 : vector<1x16xf32> to vector<16xf32>
        %mul3A_546 = arith.constant 22.6274166 : f32
        %mul3A_547 = vector.broadcast %mul3A_546 : f32 to vector<16xf32>
        %mul3A_548 = arith.mulf %get3A_545, %mul3A_547 : vector<16xf32>
        %swap3A_549 = arith.index_cast %scan3A_327 : i32 to index
        %swap3A_550 = arith.constant 288 : index
        %swap3A_551 = tpu.vector_load %arg10[%swap3A_549, %swap3A_550] {strides = array<i32>} : memref<16x512xf32, #tpu.memory_space<vmem>>, vector<1x16xf32>,
        %swap3A_552 = vector.shape_cast %swap3A_551 : vector<1x16xf32> to vector<16xf32>
        %swap3A_553 = vector.shape_cast %mul3A_548 : vector<16xf32> to vector<1x16xf32>
        tpu.vector_store %arg10[%swap3A_549, %swap3A_550], %swap3A_553 {strides = array<i32>} : memref<16x512xf32, #tpu.memory_space<vmem>>, vector<1x16xf32>,
        %get3A_554 = arith.index_cast %scan3A_327 : i32 to index
        %get3A_555 = arith.constant 304 : index
        %get3A_556 = tpu.vector_load %arg10[%get3A_554, %get3A_555] {strides = array<i32>} : memref<16x512xf32, #tpu.memory_space<vmem>>, vector<1x16xf32>,
        %get3A_557 = vector.shape_cast %get3A_556 : vector<1x16xf32> to vector<16xf32>
        %mul3A_558 = arith.constant 22.6274166 : f32
        %mul3A_559 = vector.broadcast %mul3A_558 : f32 to vector<16xf32>
        %mul3A_560 = arith.mulf %get3A_557, %mul3A_559 : vector<16xf32>
        %swap3A_561 = arith.index_cast %scan3A_327 : i32 to index
        %swap3A_562 = arith.constant 304 : index
        %swap3A_563 = tpu.vector_load %arg10[%swap3A_561, %swap3A_562] {strides = array<i32>} : memref<16x512xf32, #tpu.memory_space<vmem>>, vector<1x16xf32>,
        %swap3A_564 = vector.shape_cast %swap3A_563 : vector<1x16xf32> to vector<16xf32>
        %swap3A_565 = vector.shape_cast %mul3A_560 : vector<16xf32> to vector<1x16xf32>
        tpu.vector_store %arg10[%swap3A_561, %swap3A_562], %swap3A_565 {strides = array<i32>} : memref<16x512xf32, #tpu.memory_space<vmem>>, vector<1x16xf32>,
        %get3A_566 = arith.index_cast %scan3A_327 : i32 to index
        %get3A_567 = arith.constant 320 : index
        %get3A_568 = tpu.vector_load %arg10[%get3A_566, %get3A_567] {strides = array<i32>} : memref<16x512xf32, #tpu.memory_space<vmem>>, vector<1x16xf32>,
        %get3A_569 = vector.shape_cast %get3A_568 : vector<1x16xf32> to vector<16xf32>
        %mul3A_570 = arith.constant 22.6274166 : f32
        %mul3A_571 = vector.broadcast %mul3A_570 : f32 to vector<16xf32>
        %mul3A_572 = arith.mulf %get3A_569, %mul3A_571 : vector<16xf32>
        %swap3A_573 = arith.index_cast %scan3A_327 : i32 to index
        %swap3A_574 = arith.constant 320 : index
        %swap3A_575 = tpu.vector_load %arg10[%swap3A_573, %swap3A_574] {strides = array<i32>} : memref<16x512xf32, #tpu.memory_space<vmem>>, vector<1x16xf32>,
        %swap3A_576 = vector.shape_cast %swap3A_575 : vector<1x16xf32> to vector<16xf32>
        %swap3A_577 = vector.shape_cast %mul3A_572 : vector<16xf32> to vector<1x16xf32>
        tpu.vector_store %arg10[%swap3A_573, %swap3A_574], %swap3A_577 {strides = array<i32>} : memref<16x512xf32, #tpu.memory_space<vmem>>, vector<1x16xf32>,
        %get3A_578 = arith.index_cast %scan3A_327 : i32 to index
        %get3A_579 = arith.constant 336 : index
        %get3A_580 = tpu.vector_load %arg10[%get3A_578, %get3A_579] {strides = array<i32>} : memref<16x512xf32, #tpu.memory_space<vmem>>, vector<1x16xf32>,
        %get3A_581 = vector.shape_cast %get3A_580 : vector<1x16xf32> to vector<16xf32>
        %mul3A_582 = arith.constant 22.6274166 : f32
        %mul3A_583 = vector.broadcast %mul3A_582 : f32 to vector<16xf32>
        %mul3A_584 = arith.mulf %get3A_581, %mul3A_583 : vector<16xf32>
        %swap3A_585 = arith.index_cast %scan3A_327 : i32 to index
        %swap3A_586 = arith.constant 336 : index
        %swap3A_587 = tpu.vector_load %arg10[%swap3A_585, %swap3A_586] {strides = array<i32>} : memref<16x512xf32, #tpu.memory_space<vmem>>, vector<1x16xf32>,
        %swap3A_588 = vector.shape_cast %swap3A_587 : vector<1x16xf32> to vector<16xf32>
        %swap3A_589 = vector.shape_cast %mul3A_584 : vector<16xf32> to vector<1x16xf32>
        tpu.vector_store %arg10[%swap3A_585, %swap3A_586], %swap3A_589 {strides = array<i32>} : memref<16x512xf32, #tpu.memory_space<vmem>>, vector<1x16xf32>,
        %get3A_590 = arith.index_cast %scan3A_327 : i32 to index
        %get3A_591 = arith.constant 352 : index
        %get3A_592 = tpu.vector_load %arg10[%get3A_590, %get3A_591] {strides = array<i32>} : memref<16x512xf32, #tpu.memory_space<vmem>>, vector<1x16xf32>,
        %get3A_593 = vector.shape_cast %get3A_592 : vector<1x16xf32> to vector<16xf32>
        %mul3A_594 = arith.constant 22.6274166 : f32
        %mul3A_595 = vector.broadcast %mul3A_594 : f32 to vector<16xf32>
        %mul3A_596 = arith.mulf %get3A_593, %mul3A_595 : vector<16xf32>
        %swap3A_597 = arith.index_cast %scan3A_327 : i32 to index
        %swap3A_598 = arith.constant 352 : index
        %swap3A_599 = tpu.vector_load %arg10[%swap3A_597, %swap3A_598] {strides = array<i32>} : memref<16x512xf32, #tpu.memory_space<vmem>>, vector<1x16xf32>,
        %swap3A_600 = vector.shape_cast %swap3A_599 : vector<1x16xf32> to vector<16xf32>
        %swap3A_601 = vector.shape_cast %mul3A_596 : vector<16xf32> to vector<1x16xf32>
        tpu.vector_store %arg10[%swap3A_597, %swap3A_598], %swap3A_601 {strides = array<i32>} : memref<16x512xf32, #tpu.memory_space<vmem>>, vector<1x16xf32>,
        %get3A_602 = arith.index_cast %scan3A_327 : i32 to index
        %get3A_603 = arith.constant 368 : index
        %get3A_604 = tpu.vector_load %arg10[%get3A_602, %get3A_603] {strides = array<i32>} : memref<16x512xf32, #tpu.memory_space<vmem>>, vector<1x16xf32>,
        %get3A_605 = vector.shape_cast %get3A_604 : vector<1x16xf32> to vector<16xf32>
        %mul3A_606 = arith.constant 22.6274166 : f32
        %mul3A_607 = vector.broadcast %mul3A_606 : f32 to vector<16xf32>
        %mul3A_608 = arith.mulf %get3A_605, %mul3A_607 : vector<16xf32>
        %swap3A_609 = arith.index_cast %scan3A_327 : i32 to index
        %swap3A_610 = arith.constant 368 : index
        %swap3A_611 = tpu.vector_load %arg10[%swap3A_609, %swap3A_610] {strides = array<i32>} : memref<16x512xf32, #tpu.memory_space<vmem>>, vector<1x16xf32>,
        %swap3A_612 = vector.shape_cast %swap3A_611 : vector<1x16xf32> to vector<16xf32>
        %swap3A_613 = vector.shape_cast %mul3A_608 : vector<16xf32> to vector<1x16xf32>
        tpu.vector_store %arg10[%swap3A_609, %swap3A_610], %swap3A_613 {strides = array<i32>} : memref<16x512xf32, #tpu.memory_space<vmem>>, vector<1x16xf32>,
        %get3A_614 = arith.index_cast %scan3A_327 : i32 to index
        %get3A_615 = arith.constant 384 : index
        %get3A_616 = tpu.vector_load %arg10[%get3A_614, %get3A_615] {strides = array<i32>} : memref<16x512xf32, #tpu.memory_space<vmem>>, vector<1x16xf32>,
        %get3A_617 = vector.shape_cast %get3A_616 : vector<1x16xf32> to vector<16xf32>
        %mul3A_618 = arith.constant 22.6274166 : f32
        %mul3A_619 = vector.broadcast %mul3A_618 : f32 to vector<16xf32>
        %mul3A_620 = arith.mulf %get3A_617, %mul3A_619 : vector<16xf32>
        %swap3A_621 = arith.index_cast %scan3A_327 : i32 to index
        %swap3A_622 = arith.constant 384 : index
        %swap3A_623 = tpu.vector_load %arg10[%swap3A_621, %swap3A_622] {strides = array<i32>} : memref<16x512xf32, #tpu.memory_space<vmem>>, vector<1x16xf32>,
        %swap3A_624 = vector.shape_cast %swap3A_623 : vector<1x16xf32> to vector<16xf32>
        %swap3A_625 = vector.shape_cast %mul3A_620 : vector<16xf32> to vector<1x16xf32>
        tpu.vector_store %arg10[%swap3A_621, %swap3A_622], %swap3A_625 {strides = array<i32>} : memref<16x512xf32, #tpu.memory_space<vmem>>, vector<1x16xf32>,
        %get3A_626 = arith.index_cast %scan3A_327 : i32 to index
        %get3A_627 = arith.constant 400 : index
        %get3A_628 = tpu.vector_load %arg10[%get3A_626, %get3A_627] {strides = array<i32>} : memref<16x512xf32, #tpu.memory_space<vmem>>, vector<1x16xf32>,
        %get3A_629 = vector.shape_cast %get3A_628 : vector<1x16xf32> to vector<16xf32>
        %mul3A_630 = arith.constant 22.6274166 : f32
        %mul3A_631 = vector.broadcast %mul3A_630 : f32 to vector<16xf32>
        %mul3A_632 = arith.mulf %get3A_629, %mul3A_631 : vector<16xf32>
        %swap3A_633 = arith.index_cast %scan3A_327 : i32 to index
        %swap3A_634 = arith.constant 400 : index
        %swap3A_635 = tpu.vector_load %arg10[%swap3A_633, %swap3A_634] {strides = array<i32>} : memref<16x512xf32, #tpu.memory_space<vmem>>, vector<1x16xf32>,
        %swap3A_636 = vector.shape_cast %swap3A_635 : vector<1x16xf32> to vector<16xf32>
        %swap3A_637 = vector.shape_cast %mul3A_632 : vector<16xf32> to vector<1x16xf32>
        tpu.vector_store %arg10[%swap3A_633, %swap3A_634], %swap3A_637 {strides = array<i32>} : memref<16x512xf32, #tpu.memory_space<vmem>>, vector<1x16xf32>,
        %get3A_638 = arith.index_cast %scan3A_327 : i32 to index
        %get3A_639 = arith.constant 416 : index
        %get3A_640 = tpu.vector_load %arg10[%get3A_638, %get3A_639] {strides = array<i32>} : memref<16x512xf32, #tpu.memory_space<vmem>>, vector<1x16xf32>,
        %get3A_641 = vector.shape_cast %get3A_640 : vector<1x16xf32> to vector<16xf32>
        %mul3A_642 = arith.constant 22.6274166 : f32
        %mul3A_643 = vector.broadcast %mul3A_642 : f32 to vector<16xf32>
        %mul3A_644 = arith.mulf %get3A_641, %mul3A_643 : vector<16xf32>
        %swap3A_645 = arith.index_cast %scan3A_327 : i32 to index
        %swap3A_646 = arith.constant 416 : index
        %swap3A_647 = tpu.vector_load %arg10[%swap3A_645, %swap3A_646] {strides = array<i32>} : memref<16x512xf32, #tpu.memory_space<vmem>>, vector<1x16xf32>,
        %swap3A_648 = vector.shape_cast %swap3A_647 : vector<1x16xf32> to vector<16xf32>
        %swap3A_649 = vector.shape_cast %mul3A_644 : vector<16xf32> to vector<1x16xf32>
        tpu.vector_store %arg10[%swap3A_645, %swap3A_646], %swap3A_649 {strides = array<i32>} : memref<16x512xf32, #tpu.memory_space<vmem>>, vector<1x16xf32>,
        %get3A_650 = arith.index_cast %scan3A_327 : i32 to index
        %get3A_651 = arith.constant 432 : index
        %get3A_652 = tpu.vector_load %arg10[%get3A_650, %get3A_651] {strides = array<i32>} : memref<16x512xf32, #tpu.memory_space<vmem>>, vector<1x16xf32>,
        %get3A_653 = vector.shape_cast %get3A_652 : vector<1x16xf32> to vector<16xf32>
        %mul3A_654 = arith.constant 22.6274166 : f32
        %mul3A_655 = vector.broadcast %mul3A_654 : f32 to vector<16xf32>
        %mul3A_656 = arith.mulf %get3A_653, %mul3A_655 : vector<16xf32>
        %swap3A_657 = arith.index_cast %scan3A_327 : i32 to index
        %swap3A_658 = arith.constant 432 : index
        %swap3A_659 = tpu.vector_load %arg10[%swap3A_657, %swap3A_658] {strides = array<i32>} : memref<16x512xf32, #tpu.memory_space<vmem>>, vector<1x16xf32>,
        %swap3A_660 = vector.shape_cast %swap3A_659 : vector<1x16xf32> to vector<16xf32>
        %swap3A_661 = vector.shape_cast %mul3A_656 : vector<16xf32> to vector<1x16xf32>
        tpu.vector_store %arg10[%swap3A_657, %swap3A_658], %swap3A_661 {strides = array<i32>} : memref<16x512xf32, #tpu.memory_space<vmem>>, vector<1x16xf32>,
        %get3A_662 = arith.index_cast %scan3A_327 : i32 to index
        %get3A_663 = arith.constant 448 : index
        %get3A_664 = tpu.vector_load %arg10[%get3A_662, %get3A_663] {strides = array<i32>} : memref<16x512xf32, #tpu.memory_space<vmem>>, vector<1x16xf32>,
        %get3A_665 = vector.shape_cast %get3A_664 : vector<1x16xf32> to vector<16xf32>
        %mul3A_666 = arith.constant 22.6274166 : f32
        %mul3A_667 = vector.broadcast %mul3A_666 : f32 to vector<16xf32>
        %mul3A_668 = arith.mulf %get3A_665, %mul3A_667 : vector<16xf32>
        %swap3A_669 = arith.index_cast %scan3A_327 : i32 to index
        %swap3A_670 = arith.constant 448 : index
        %swap3A_671 = tpu.vector_load %arg10[%swap3A_669, %swap3A_670] {strides = array<i32>} : memref<16x512xf32, #tpu.memory_space<vmem>>, vector<1x16xf32>,
        %swap3A_672 = vector.shape_cast %swap3A_671 : vector<1x16xf32> to vector<16xf32>
        %swap3A_673 = vector.shape_cast %mul3A_668 : vector<16xf32> to vector<1x16xf32>
        tpu.vector_store %arg10[%swap3A_669, %swap3A_670], %swap3A_673 {strides = array<i32>} : memref<16x512xf32, #tpu.memory_space<vmem>>, vector<1x16xf32>,
        %get3A_674 = arith.index_cast %scan3A_327 : i32 to index
        %get3A_675 = arith.constant 464 : index
        %get3A_676 = tpu.vector_load %arg10[%get3A_674, %get3A_675] {strides = array<i32>} : memref<16x512xf32, #tpu.memory_space<vmem>>, vector<1x16xf32>,
        %get3A_677 = vector.shape_cast %get3A_676 : vector<1x16xf32> to vector<16xf32>
        %mul3A_678 = arith.constant 22.6274166 : f32
        %mul3A_679 = vector.broadcast %mul3A_678 : f32 to vector<16xf32>
        %mul3A_680 = arith.mulf %get3A_677, %mul3A_679 : vector<16xf32>
        %swap3A_681 = arith.index_cast %scan3A_327 : i32 to index
        %swap3A_682 = arith.constant 464 : index
        %swap3A_683 = tpu.vector_load %arg10[%swap3A_681, %swap3A_682] {strides = array<i32>} : memref<16x512xf32, #tpu.memory_space<vmem>>, vector<1x16xf32>,
        %swap3A_684 = vector.shape_cast %swap3A_683 : vector<1x16xf32> to vector<16xf32>
        %swap3A_685 = vector.shape_cast %mul3A_680 : vector<16xf32> to vector<1x16xf32>
        tpu.vector_store %arg10[%swap3A_681, %swap3A_682], %swap3A_685 {strides = array<i32>} : memref<16x512xf32, #tpu.memory_space<vmem>>, vector<1x16xf32>,
        %get3A_686 = arith.index_cast %scan3A_327 : i32 to index
        %get3A_687 = arith.constant 480 : index
        %get3A_688 = tpu.vector_load %arg10[%get3A_686, %get3A_687] {strides = array<i32>} : memref<16x512xf32, #tpu.memory_space<vmem>>, vector<1x16xf32>,
        %get3A_689 = vector.shape_cast %get3A_688 : vector<1x16xf32> to vector<16xf32>
        %mul3A_690 = arith.constant 22.6274166 : f32
        %mul3A_691 = vector.broadcast %mul3A_690 : f32 to vector<16xf32>
        %mul3A_692 = arith.mulf %get3A_689, %mul3A_691 : vector<16xf32>
        %swap3A_693 = arith.index_cast %scan3A_327 : i32 to index
        %swap3A_694 = arith.constant 480 : index
        %swap3A_695 = tpu.vector_load %arg10[%swap3A_693, %swap3A_694] {strides = array<i32>} : memref<16x512xf32, #tpu.memory_space<vmem>>, vector<1x16xf32>,
        %swap3A_696 = vector.shape_cast %swap3A_695 : vector<1x16xf32> to vector<16xf32>
        %swap3A_697 = vector.shape_cast %mul3A_692 : vector<16xf32> to vector<1x16xf32>
        tpu.vector_store %arg10[%swap3A_693, %swap3A_694], %swap3A_697 {strides = array<i32>} : memref<16x512xf32, #tpu.memory_space<vmem>>, vector<1x16xf32>,
        %get3A_698 = arith.index_cast %scan3A_327 : i32 to index
        %get3A_699 = arith.constant 496 : index
        %get3A_700 = tpu.vector_load %arg10[%get3A_698, %get3A_699] {strides = array<i32>} : memref<16x512xf32, #tpu.memory_space<vmem>>, vector<1x16xf32>,
        %get3A_701 = vector.shape_cast %get3A_700 : vector<1x16xf32> to vector<16xf32>
        %mul3A_702 = arith.constant 22.6274166 : f32
        %mul3A_703 = vector.broadcast %mul3A_702 : f32 to vector<16xf32>
        %mul3A_704 = arith.mulf %get3A_701, %mul3A_703 : vector<16xf32>
        %swap3A_705 = arith.index_cast %scan3A_327 : i32 to index
        %swap3A_706 = arith.constant 496 : index
        %swap3A_707 = tpu.vector_load %arg10[%swap3A_705, %swap3A_706] {strides = array<i32>} : memref<16x512xf32, #tpu.memory_space<vmem>>, vector<1x16xf32>,
        %swap3A_708 = vector.shape_cast %swap3A_707 : vector<1x16xf32> to vector<16xf32>
        %swap3A_709 = vector.shape_cast %mul3A_704 : vector<16xf32> to vector<1x16xf32>
        tpu.vector_store %arg10[%swap3A_705, %swap3A_706], %swap3A_709 {strides = array<i32>} : memref<16x512xf32, #tpu.memory_space<vmem>>, vector<1x16xf32>,
      }
      %scan3A_239 = arith.constant 16 : i32
      %mul3A_240 = arith.constant 16 : i32
      %mul3A_241 = arith.muli %add3A_228, %mul3A_240 : i32
      %add3A_242 = arith.addi %mul3A_34, %mul3A_241 : i32
      %dma_start3A_243 = arith.constant 0 : i32
      %dma_start3A_244 = tpu.memref_slice %arg4[%add3A_242, %dma_start3A_243] : memref<16384x512xf32, #tpu.memory_space<hbm>> -> memref<16x512xf32, #tpu.memory_space<hbm>>
      %dma_start3A_245 = arith.constant 0 : i32
      %dma_start3A_246 = tpu.memref_slice %arg4[%add3A_242, %dma_start3A_245] : memref<16384x512xf32, #tpu.memory_space<hbm>> -> memref<16x512xf32, #tpu.memory_space<hbm>>
      tpu.enqueue_dma source(%arg10 : memref<16x512xf32, #tpu.memory_space<vmem>>) target(%dma_start3A_246 : memref<16x512xf32, #tpu.memory_space<hbm>>) target_semaphore(%arg26 : memref<!tpu.dma_semaphore, #tpu.memory_space<semaphore_mem>>)
      %lt3A_247 = arith.constant 3 : i32
      %lt3A_248 = arith.cmpi slt, %scan3A_126, %lt3A_247 : i32
      %convert_element_type3A_249 = arith.extui %lt3A_248 : i1 to i32
      %cond3A_250 = arith.constant 0 : i32
      %cond3A_251 = arith.cmpi ne, %convert_element_type3A_249, %cond3A_250 : i32
      scf.if %cond3A_251 {
        %dma_wait3A_327 = arith.constant 0 : i32
        %dma_wait3A_328 = arith.constant 0 : i32
        %dma_wait3A_329 = tpu.memref_slice %arg4[%dma_wait3A_327, %dma_wait3A_328] : memref<16384x512xf32, #tpu.memory_space<hbm>> -> memref<16x512xf32, #tpu.memory_space<hbm>>
        %dma_wait3A_330 = arith.constant 0 : i32
        %dma_wait3A_331 = arith.constant 0 : i32
        %dma_wait3A_332 = tpu.memref_slice %arg4[%dma_wait3A_330, %dma_wait3A_331] : memref<16384x512xf32, #tpu.memory_space<hbm>> -> memref<16x512xf32, #tpu.memory_space<hbm>>
        tpu.wait_dma2 semaphore(%arg26 : memref<!tpu.dma_semaphore, #tpu.memory_space<semaphore_mem>>) src(%arg10 : memref<16x512xf32, #tpu.memory_space<vmem>>) dst(%dma_wait3A_332 : memref<16x512xf32, #tpu.memory_space<hbm>>)
        %add3A_333 = arith.constant 8 : i32
        %add3A_334 = arith.addi %add3A_228, %add3A_333 : i32
        %mul3A_335 = arith.constant 16 : i32
        %mul3A_336 = arith.muli %add3A_334, %mul3A_335 : i32
        %dma_start3A_337 = tpu.memref_slice %arg5[%mul3A_336] : memref<512xi32, #tpu.memory_space<vmem>> -> memref<16xi32, #tpu.memory_space<vmem>>
        %dma_start3A_338 = arith.constant 0 : i32
        %dma_start3A_339 = arith.constant 0 : i32
        %dma_start3A_340 = tpu.memref_slice %arg3[%dma_start3A_338, %dma_start3A_339] : memref<100000x512xf32, #tpu.memory_space<hbm>> -> memref<100000x512xf32, #tpu.memory_space<hbm>>
        tpu.enqueue_indirect_dma source(%dma_start3A_340 : memref<100000x512xf32, #tpu.memory_space<hbm>>) target(%arg10 : memref<16x512xf32, #tpu.memory_space<vmem>>) offsets(%dma_start3A_337 : memref<16xi32, #tpu.memory_space<vmem>>) semaphore(%arg18 : memref<!tpu.dma_semaphore, #tpu.memory_space<semaphore_mem>>)
      } else {
      }
      %add3A_252 = arith.constant 5 : i32
      %add3A_253 = arith.addi %mul3A_128, %add3A_252 : i32
      %dma_wait3A_254 = arith.constant 0 : i32
      %dma_wait3A_255 = tpu.memref_slice %arg5[%dma_wait3A_254] : memref<512xi32, #tpu.memory_space<vmem>> -> memref<16xi32, #tpu.memory_space<vmem>>
      %dma_wait3A_256 = arith.constant 0 : i32
      %dma_wait3A_257 = arith.constant 0 : i32
      %dma_wait3A_258 = tpu.memref_slice %arg3[%dma_wait3A_256, %dma_wait3A_257] : memref<100000x512xf32, #tpu.memory_space<hbm>> -> memref<100000x512xf32, #tpu.memory_space<hbm>>
      tpu.wait_indirect_dma semaphore(%arg19 : memref<!tpu.dma_semaphore, #tpu.memory_space<semaphore_mem>>) src(%dma_wait3A_258 : memref<100000x512xf32, #tpu.memory_space<hbm>>) dst(%arg11 : memref<16x512xf32, #tpu.memory_space<vmem>>)
      %scan3A_259 = arith.constant 0 : i32
      %scan3A_260 = arith.constant 0 : i32
      %scan3A_261 = arith.constant 16 : i32
      %scan3A_262 = arith.addi %scan3A_260, %scan3A_261 : i32
      %scan3A_263 = arith.constant 1 : i32
      scf.for %scan3A_327 = %scan3A_260 to %scan3A_262 step %scan3A_263  : i32 {
        %get3A = arith.index_cast %scan3A_327 : i32 to index
        %get3A_328 = arith.constant 0 : index
        %get3A_329 = tpu.vector_load %arg11[%get3A, %get3A_328] {strides = array<i32>} : memref<16x512xf32, #tpu.memory_space<vmem>>, vector<1x16xf32>,
        %get3A_330 = vector.shape_cast %get3A_329 : vector<1x16xf32> to vector<16xf32>
        %mul3A_331 = arith.constant 22.6274166 : f32
        %mul3A_332 = vector.broadcast %mul3A_331 : f32 to vector<16xf32>
        %mul3A_333 = arith.mulf %get3A_330, %mul3A_332 : vector<16xf32>
        %swap3A = arith.index_cast %scan3A_327 : i32 to index
        %swap3A_334 = arith.constant 0 : index
        %swap3A_335 = tpu.vector_load %arg11[%swap3A, %swap3A_334] {strides = array<i32>} : memref<16x512xf32, #tpu.memory_space<vmem>>, vector<1x16xf32>,
        %swap3A_336 = vector.shape_cast %swap3A_335 : vector<1x16xf32> to vector<16xf32>
        %swap3A_337 = vector.shape_cast %mul3A_333 : vector<16xf32> to vector<1x16xf32>
        tpu.vector_store %arg11[%swap3A, %swap3A_334], %swap3A_337 {strides = array<i32>} : memref<16x512xf32, #tpu.memory_space<vmem>>, vector<1x16xf32>,
        %get3A_338 = arith.index_cast %scan3A_327 : i32 to index
        %get3A_339 = arith.constant 16 : index
        %get3A_340 = tpu.vector_load %arg11[%get3A_338, %get3A_339] {strides = array<i32>} : memref<16x512xf32, #tpu.memory_space<vmem>>, vector<1x16xf32>,
        %get3A_341 = vector.shape_cast %get3A_340 : vector<1x16xf32> to vector<16xf32>
        %mul3A_342 = arith.constant 22.6274166 : f32
        %mul3A_343 = vector.broadcast %mul3A_342 : f32 to vector<16xf32>
        %mul3A_344 = arith.mulf %get3A_341, %mul3A_343 : vector<16xf32>
        %swap3A_345 = arith.index_cast %scan3A_327 : i32 to index
        %swap3A_346 = arith.constant 16 : index
        %swap3A_347 = tpu.vector_load %arg11[%swap3A_345, %swap3A_346] {strides = array<i32>} : memref<16x512xf32, #tpu.memory_space<vmem>>, vector<1x16xf32>,
        %swap3A_348 = vector.shape_cast %swap3A_347 : vector<1x16xf32> to vector<16xf32>
        %swap3A_349 = vector.shape_cast %mul3A_344 : vector<16xf32> to vector<1x16xf32>
        tpu.vector_store %arg11[%swap3A_345, %swap3A_346], %swap3A_349 {strides = array<i32>} : memref<16x512xf32, #tpu.memory_space<vmem>>, vector<1x16xf32>,
        %get3A_350 = arith.index_cast %scan3A_327 : i32 to index
        %get3A_351 = arith.constant 32 : index
        %get3A_352 = tpu.vector_load %arg11[%get3A_350, %get3A_351] {strides = array<i32>} : memref<16x512xf32, #tpu.memory_space<vmem>>, vector<1x16xf32>,
        %get3A_353 = vector.shape_cast %get3A_352 : vector<1x16xf32> to vector<16xf32>
        %mul3A_354 = arith.constant 22.6274166 : f32
        %mul3A_355 = vector.broadcast %mul3A_354 : f32 to vector<16xf32>
        %mul3A_356 = arith.mulf %get3A_353, %mul3A_355 : vector<16xf32>
        %swap3A_357 = arith.index_cast %scan3A_327 : i32 to index
        %swap3A_358 = arith.constant 32 : index
        %swap3A_359 = tpu.vector_load %arg11[%swap3A_357, %swap3A_358] {strides = array<i32>} : memref<16x512xf32, #tpu.memory_space<vmem>>, vector<1x16xf32>,
        %swap3A_360 = vector.shape_cast %swap3A_359 : vector<1x16xf32> to vector<16xf32>
        %swap3A_361 = vector.shape_cast %mul3A_356 : vector<16xf32> to vector<1x16xf32>
        tpu.vector_store %arg11[%swap3A_357, %swap3A_358], %swap3A_361 {strides = array<i32>} : memref<16x512xf32, #tpu.memory_space<vmem>>, vector<1x16xf32>,
        %get3A_362 = arith.index_cast %scan3A_327 : i32 to index
        %get3A_363 = arith.constant 48 : index
        %get3A_364 = tpu.vector_load %arg11[%get3A_362, %get3A_363] {strides = array<i32>} : memref<16x512xf32, #tpu.memory_space<vmem>>, vector<1x16xf32>,
        %get3A_365 = vector.shape_cast %get3A_364 : vector<1x16xf32> to vector<16xf32>
        %mul3A_366 = arith.constant 22.6274166 : f32
        %mul3A_367 = vector.broadcast %mul3A_366 : f32 to vector<16xf32>
        %mul3A_368 = arith.mulf %get3A_365, %mul3A_367 : vector<16xf32>
        %swap3A_369 = arith.index_cast %scan3A_327 : i32 to index
        %swap3A_370 = arith.constant 48 : index
        %swap3A_371 = tpu.vector_load %arg11[%swap3A_369, %swap3A_370] {strides = array<i32>} : memref<16x512xf32, #tpu.memory_space<vmem>>, vector<1x16xf32>,
        %swap3A_372 = vector.shape_cast %swap3A_371 : vector<1x16xf32> to vector<16xf32>
        %swap3A_373 = vector.shape_cast %mul3A_368 : vector<16xf32> to vector<1x16xf32>
        tpu.vector_store %arg11[%swap3A_369, %swap3A_370], %swap3A_373 {strides = array<i32>} : memref<16x512xf32, #tpu.memory_space<vmem>>, vector<1x16xf32>,
        %get3A_374 = arith.index_cast %scan3A_327 : i32 to index
        %get3A_375 = arith.constant 64 : index
        %get3A_376 = tpu.vector_load %arg11[%get3A_374, %get3A_375] {strides = array<i32>} : memref<16x512xf32, #tpu.memory_space<vmem>>, vector<1x16xf32>,
        %get3A_377 = vector.shape_cast %get3A_376 : vector<1x16xf32> to vector<16xf32>
        %mul3A_378 = arith.constant 22.6274166 : f32
        %mul3A_379 = vector.broadcast %mul3A_378 : f32 to vector<16xf32>
        %mul3A_380 = arith.mulf %get3A_377, %mul3A_379 : vector<16xf32>
        %swap3A_381 = arith.index_cast %scan3A_327 : i32 to index
        %swap3A_382 = arith.constant 64 : index
        %swap3A_383 = tpu.vector_load %arg11[%swap3A_381, %swap3A_382] {strides = array<i32>} : memref<16x512xf32, #tpu.memory_space<vmem>>, vector<1x16xf32>,
        %swap3A_384 = vector.shape_cast %swap3A_383 : vector<1x16xf32> to vector<16xf32>
        %swap3A_385 = vector.shape_cast %mul3A_380 : vector<16xf32> to vector<1x16xf32>
        tpu.vector_store %arg11[%swap3A_381, %swap3A_382], %swap3A_385 {strides = array<i32>} : memref<16x512xf32, #tpu.memory_space<vmem>>, vector<1x16xf32>,
        %get3A_386 = arith.index_cast %scan3A_327 : i32 to index
        %get3A_387 = arith.constant 80 : index
        %get3A_388 = tpu.vector_load %arg11[%get3A_386, %get3A_387] {strides = array<i32>} : memref<16x512xf32, #tpu.memory_space<vmem>>, vector<1x16xf32>,
        %get3A_389 = vector.shape_cast %get3A_388 : vector<1x16xf32> to vector<16xf32>
        %mul3A_390 = arith.constant 22.6274166 : f32
        %mul3A_391 = vector.broadcast %mul3A_390 : f32 to vector<16xf32>
        %mul3A_392 = arith.mulf %get3A_389, %mul3A_391 : vector<16xf32>
        %swap3A_393 = arith.index_cast %scan3A_327 : i32 to index
        %swap3A_394 = arith.constant 80 : index
        %swap3A_395 = tpu.vector_load %arg11[%swap3A_393, %swap3A_394] {strides = array<i32>} : memref<16x512xf32, #tpu.memory_space<vmem>>, vector<1x16xf32>,
        %swap3A_396 = vector.shape_cast %swap3A_395 : vector<1x16xf32> to vector<16xf32>
        %swap3A_397 = vector.shape_cast %mul3A_392 : vector<16xf32> to vector<1x16xf32>
        tpu.vector_store %arg11[%swap3A_393, %swap3A_394], %swap3A_397 {strides = array<i32>} : memref<16x512xf32, #tpu.memory_space<vmem>>, vector<1x16xf32>,
        %get3A_398 = arith.index_cast %scan3A_327 : i32 to index
        %get3A_399 = arith.constant 96 : index
        %get3A_400 = tpu.vector_load %arg11[%get3A_398, %get3A_399] {strides = array<i32>} : memref<16x512xf32, #tpu.memory_space<vmem>>, vector<1x16xf32>,
        %get3A_401 = vector.shape_cast %get3A_400 : vector<1x16xf32> to vector<16xf32>
        %mul3A_402 = arith.constant 22.6274166 : f32
        %mul3A_403 = vector.broadcast %mul3A_402 : f32 to vector<16xf32>
        %mul3A_404 = arith.mulf %get3A_401, %mul3A_403 : vector<16xf32>
        %swap3A_405 = arith.index_cast %scan3A_327 : i32 to index
        %swap3A_406 = arith.constant 96 : index
        %swap3A_407 = tpu.vector_load %arg11[%swap3A_405, %swap3A_406] {strides = array<i32>} : memref<16x512xf32, #tpu.memory_space<vmem>>, vector<1x16xf32>,
        %swap3A_408 = vector.shape_cast %swap3A_407 : vector<1x16xf32> to vector<16xf32>
        %swap3A_409 = vector.shape_cast %mul3A_404 : vector<16xf32> to vector<1x16xf32>
        tpu.vector_store %arg11[%swap3A_405, %swap3A_406], %swap3A_409 {strides = array<i32>} : memref<16x512xf32, #tpu.memory_space<vmem>>, vector<1x16xf32>,
        %get3A_410 = arith.index_cast %scan3A_327 : i32 to index
        %get3A_411 = arith.constant 112 : index
        %get3A_412 = tpu.vector_load %arg11[%get3A_410, %get3A_411] {strides = array<i32>} : memref<16x512xf32, #tpu.memory_space<vmem>>, vector<1x16xf32>,
        %get3A_413 = vector.shape_cast %get3A_412 : vector<1x16xf32> to vector<16xf32>
        %mul3A_414 = arith.constant 22.6274166 : f32
        %mul3A_415 = vector.broadcast %mul3A_414 : f32 to vector<16xf32>
        %mul3A_416 = arith.mulf %get3A_413, %mul3A_415 : vector<16xf32>
        %swap3A_417 = arith.index_cast %scan3A_327 : i32 to index
        %swap3A_418 = arith.constant 112 : index
        %swap3A_419 = tpu.vector_load %arg11[%swap3A_417, %swap3A_418] {strides = array<i32>} : memref<16x512xf32, #tpu.memory_space<vmem>>, vector<1x16xf32>,
        %swap3A_420 = vector.shape_cast %swap3A_419 : vector<1x16xf32> to vector<16xf32>
        %swap3A_421 = vector.shape_cast %mul3A_416 : vector<16xf32> to vector<1x16xf32>
        tpu.vector_store %arg11[%swap3A_417, %swap3A_418], %swap3A_421 {strides = array<i32>} : memref<16x512xf32, #tpu.memory_space<vmem>>, vector<1x16xf32>,
        %get3A_422 = arith.index_cast %scan3A_327 : i32 to index
        %get3A_423 = arith.constant 128 : index
        %get3A_424 = tpu.vector_load %arg11[%get3A_422, %get3A_423] {strides = array<i32>} : memref<16x512xf32, #tpu.memory_space<vmem>>, vector<1x16xf32>,
        %get3A_425 = vector.shape_cast %get3A_424 : vector<1x16xf32> to vector<16xf32>
        %mul3A_426 = arith.constant 22.6274166 : f32
        %mul3A_427 = vector.broadcast %mul3A_426 : f32 to vector<16xf32>
        %mul3A_428 = arith.mulf %get3A_425, %mul3A_427 : vector<16xf32>
        %swap3A_429 = arith.index_cast %scan3A_327 : i32 to index
        %swap3A_430 = arith.constant 128 : index
        %swap3A_431 = tpu.vector_load %arg11[%swap3A_429, %swap3A_430] {strides = array<i32>} : memref<16x512xf32, #tpu.memory_space<vmem>>, vector<1x16xf32>,
        %swap3A_432 = vector.shape_cast %swap3A_431 : vector<1x16xf32> to vector<16xf32>
        %swap3A_433 = vector.shape_cast %mul3A_428 : vector<16xf32> to vector<1x16xf32>
        tpu.vector_store %arg11[%swap3A_429, %swap3A_430], %swap3A_433 {strides = array<i32>} : memref<16x512xf32, #tpu.memory_space<vmem>>, vector<1x16xf32>,
        %get3A_434 = arith.index_cast %scan3A_327 : i32 to index
        %get3A_435 = arith.constant 144 : index
        %get3A_436 = tpu.vector_load %arg11[%get3A_434, %get3A_435] {strides = array<i32>} : memref<16x512xf32, #tpu.memory_space<vmem>>, vector<1x16xf32>,
        %get3A_437 = vector.shape_cast %get3A_436 : vector<1x16xf32> to vector<16xf32>
        %mul3A_438 = arith.constant 22.6274166 : f32
        %mul3A_439 = vector.broadcast %mul3A_438 : f32 to vector<16xf32>
        %mul3A_440 = arith.mulf %get3A_437, %mul3A_439 : vector<16xf32>
        %swap3A_441 = arith.index_cast %scan3A_327 : i32 to index
        %swap3A_442 = arith.constant 144 : index
        %swap3A_443 = tpu.vector_load %arg11[%swap3A_441, %swap3A_442] {strides = array<i32>} : memref<16x512xf32, #tpu.memory_space<vmem>>, vector<1x16xf32>,
        %swap3A_444 = vector.shape_cast %swap3A_443 : vector<1x16xf32> to vector<16xf32>
        %swap3A_445 = vector.shape_cast %mul3A_440 : vector<16xf32> to vector<1x16xf32>
        tpu.vector_store %arg11[%swap3A_441, %swap3A_442], %swap3A_445 {strides = array<i32>} : memref<16x512xf32, #tpu.memory_space<vmem>>, vector<1x16xf32>,
        %get3A_446 = arith.index_cast %scan3A_327 : i32 to index
        %get3A_447 = arith.constant 160 : index
        %get3A_448 = tpu.vector_load %arg11[%get3A_446, %get3A_447] {strides = array<i32>} : memref<16x512xf32, #tpu.memory_space<vmem>>, vector<1x16xf32>,
        %get3A_449 = vector.shape_cast %get3A_448 : vector<1x16xf32> to vector<16xf32>
        %mul3A_450 = arith.constant 22.6274166 : f32
        %mul3A_451 = vector.broadcast %mul3A_450 : f32 to vector<16xf32>
        %mul3A_452 = arith.mulf %get3A_449, %mul3A_451 : vector<16xf32>
        %swap3A_453 = arith.index_cast %scan3A_327 : i32 to index
        %swap3A_454 = arith.constant 160 : index
        %swap3A_455 = tpu.vector_load %arg11[%swap3A_453, %swap3A_454] {strides = array<i32>} : memref<16x512xf32, #tpu.memory_space<vmem>>, vector<1x16xf32>,
        %swap3A_456 = vector.shape_cast %swap3A_455 : vector<1x16xf32> to vector<16xf32>
        %swap3A_457 = vector.shape_cast %mul3A_452 : vector<16xf32> to vector<1x16xf32>
        tpu.vector_store %arg11[%swap3A_453, %swap3A_454], %swap3A_457 {strides = array<i32>} : memref<16x512xf32, #tpu.memory_space<vmem>>, vector<1x16xf32>,
        %get3A_458 = arith.index_cast %scan3A_327 : i32 to index
        %get3A_459 = arith.constant 176 : index
        %get3A_460 = tpu.vector_load %arg11[%get3A_458, %get3A_459] {strides = array<i32>} : memref<16x512xf32, #tpu.memory_space<vmem>>, vector<1x16xf32>,
        %get3A_461 = vector.shape_cast %get3A_460 : vector<1x16xf32> to vector<16xf32>
        %mul3A_462 = arith.constant 22.6274166 : f32
        %mul3A_463 = vector.broadcast %mul3A_462 : f32 to vector<16xf32>
        %mul3A_464 = arith.mulf %get3A_461, %mul3A_463 : vector<16xf32>
        %swap3A_465 = arith.index_cast %scan3A_327 : i32 to index
        %swap3A_466 = arith.constant 176 : index
        %swap3A_467 = tpu.vector_load %arg11[%swap3A_465, %swap3A_466] {strides = array<i32>} : memref<16x512xf32, #tpu.memory_space<vmem>>, vector<1x16xf32>,
        %swap3A_468 = vector.shape_cast %swap3A_467 : vector<1x16xf32> to vector<16xf32>
        %swap3A_469 = vector.shape_cast %mul3A_464 : vector<16xf32> to vector<1x16xf32>
        tpu.vector_store %arg11[%swap3A_465, %swap3A_466], %swap3A_469 {strides = array<i32>} : memref<16x512xf32, #tpu.memory_space<vmem>>, vector<1x16xf32>,
        %get3A_470 = arith.index_cast %scan3A_327 : i32 to index
        %get3A_471 = arith.constant 192 : index
        %get3A_472 = tpu.vector_load %arg11[%get3A_470, %get3A_471] {strides = array<i32>} : memref<16x512xf32, #tpu.memory_space<vmem>>, vector<1x16xf32>,
        %get3A_473 = vector.shape_cast %get3A_472 : vector<1x16xf32> to vector<16xf32>
        %mul3A_474 = arith.constant 22.6274166 : f32
        %mul3A_475 = vector.broadcast %mul3A_474 : f32 to vector<16xf32>
        %mul3A_476 = arith.mulf %get3A_473, %mul3A_475 : vector<16xf32>
        %swap3A_477 = arith.index_cast %scan3A_327 : i32 to index
        %swap3A_478 = arith.constant 192 : index
        %swap3A_479 = tpu.vector_load %arg11[%swap3A_477, %swap3A_478] {strides = array<i32>} : memref<16x512xf32, #tpu.memory_space<vmem>>, vector<1x16xf32>,
        %swap3A_480 = vector.shape_cast %swap3A_479 : vector<1x16xf32> to vector<16xf32>
        %swap3A_481 = vector.shape_cast %mul3A_476 : vector<16xf32> to vector<1x16xf32>
        tpu.vector_store %arg11[%swap3A_477, %swap3A_478], %swap3A_481 {strides = array<i32>} : memref<16x512xf32, #tpu.memory_space<vmem>>, vector<1x16xf32>,
        %get3A_482 = arith.index_cast %scan3A_327 : i32 to index
        %get3A_483 = arith.constant 208 : index
        %get3A_484 = tpu.vector_load %arg11[%get3A_482, %get3A_483] {strides = array<i32>} : memref<16x512xf32, #tpu.memory_space<vmem>>, vector<1x16xf32>,
        %get3A_485 = vector.shape_cast %get3A_484 : vector<1x16xf32> to vector<16xf32>
        %mul3A_486 = arith.constant 22.6274166 : f32
        %mul3A_487 = vector.broadcast %mul3A_486 : f32 to vector<16xf32>
        %mul3A_488 = arith.mulf %get3A_485, %mul3A_487 : vector<16xf32>
        %swap3A_489 = arith.index_cast %scan3A_327 : i32 to index
        %swap3A_490 = arith.constant 208 : index
        %swap3A_491 = tpu.vector_load %arg11[%swap3A_489, %swap3A_490] {strides = array<i32>} : memref<16x512xf32, #tpu.memory_space<vmem>>, vector<1x16xf32>,
        %swap3A_492 = vector.shape_cast %swap3A_491 : vector<1x16xf32> to vector<16xf32>
        %swap3A_493 = vector.shape_cast %mul3A_488 : vector<16xf32> to vector<1x16xf32>
        tpu.vector_store %arg11[%swap3A_489, %swap3A_490], %swap3A_493 {strides = array<i32>} : memref<16x512xf32, #tpu.memory_space<vmem>>, vector<1x16xf32>,
        %get3A_494 = arith.index_cast %scan3A_327 : i32 to index
        %get3A_495 = arith.constant 224 : index
        %get3A_496 = tpu.vector_load %arg11[%get3A_494, %get3A_495] {strides = array<i32>} : memref<16x512xf32, #tpu.memory_space<vmem>>, vector<1x16xf32>,
        %get3A_497 = vector.shape_cast %get3A_496 : vector<1x16xf32> to vector<16xf32>
        %mul3A_498 = arith.constant 22.6274166 : f32
        %mul3A_499 = vector.broadcast %mul3A_498 : f32 to vector<16xf32>
        %mul3A_500 = arith.mulf %get3A_497, %mul3A_499 : vector<16xf32>
        %swap3A_501 = arith.index_cast %scan3A_327 : i32 to index
        %swap3A_502 = arith.constant 224 : index
        %swap3A_503 = tpu.vector_load %arg11[%swap3A_501, %swap3A_502] {strides = array<i32>} : memref<16x512xf32, #tpu.memory_space<vmem>>, vector<1x16xf32>,
        %swap3A_504 = vector.shape_cast %swap3A_503 : vector<1x16xf32> to vector<16xf32>
        %swap3A_505 = vector.shape_cast %mul3A_500 : vector<16xf32> to vector<1x16xf32>
        tpu.vector_store %arg11[%swap3A_501, %swap3A_502], %swap3A_505 {strides = array<i32>} : memref<16x512xf32, #tpu.memory_space<vmem>>, vector<1x16xf32>,
        %get3A_506 = arith.index_cast %scan3A_327 : i32 to index
        %get3A_507 = arith.constant 240 : index
        %get3A_508 = tpu.vector_load %arg11[%get3A_506, %get3A_507] {strides = array<i32>} : memref<16x512xf32, #tpu.memory_space<vmem>>, vector<1x16xf32>,
        %get3A_509 = vector.shape_cast %get3A_508 : vector<1x16xf32> to vector<16xf32>
        %mul3A_510 = arith.constant 22.6274166 : f32
        %mul3A_511 = vector.broadcast %mul3A_510 : f32 to vector<16xf32>
        %mul3A_512 = arith.mulf %get3A_509, %mul3A_511 : vector<16xf32>
        %swap3A_513 = arith.index_cast %scan3A_327 : i32 to index
        %swap3A_514 = arith.constant 240 : index
        %swap3A_515 = tpu.vector_load %arg11[%swap3A_513, %swap3A_514] {strides = array<i32>} : memref<16x512xf32, #tpu.memory_space<vmem>>, vector<1x16xf32>,
        %swap3A_516 = vector.shape_cast %swap3A_515 : vector<1x16xf32> to vector<16xf32>
        %swap3A_517 = vector.shape_cast %mul3A_512 : vector<16xf32> to vector<1x16xf32>
        tpu.vector_store %arg11[%swap3A_513, %swap3A_514], %swap3A_517 {strides = array<i32>} : memref<16x512xf32, #tpu.memory_space<vmem>>, vector<1x16xf32>,
        %get3A_518 = arith.index_cast %scan3A_327 : i32 to index
        %get3A_519 = arith.constant 256 : index
        %get3A_520 = tpu.vector_load %arg11[%get3A_518, %get3A_519] {strides = array<i32>} : memref<16x512xf32, #tpu.memory_space<vmem>>, vector<1x16xf32>,
        %get3A_521 = vector.shape_cast %get3A_520 : vector<1x16xf32> to vector<16xf32>
        %mul3A_522 = arith.constant 22.6274166 : f32
        %mul3A_523 = vector.broadcast %mul3A_522 : f32 to vector<16xf32>
        %mul3A_524 = arith.mulf %get3A_521, %mul3A_523 : vector<16xf32>
        %swap3A_525 = arith.index_cast %scan3A_327 : i32 to index
        %swap3A_526 = arith.constant 256 : index
        %swap3A_527 = tpu.vector_load %arg11[%swap3A_525, %swap3A_526] {strides = array<i32>} : memref<16x512xf32, #tpu.memory_space<vmem>>, vector<1x16xf32>,
        %swap3A_528 = vector.shape_cast %swap3A_527 : vector<1x16xf32> to vector<16xf32>
        %swap3A_529 = vector.shape_cast %mul3A_524 : vector<16xf32> to vector<1x16xf32>
        tpu.vector_store %arg11[%swap3A_525, %swap3A_526], %swap3A_529 {strides = array<i32>} : memref<16x512xf32, #tpu.memory_space<vmem>>, vector<1x16xf32>,
        %get3A_530 = arith.index_cast %scan3A_327 : i32 to index
        %get3A_531 = arith.constant 272 : index
        %get3A_532 = tpu.vector_load %arg11[%get3A_530, %get3A_531] {strides = array<i32>} : memref<16x512xf32, #tpu.memory_space<vmem>>, vector<1x16xf32>,
        %get3A_533 = vector.shape_cast %get3A_532 : vector<1x16xf32> to vector<16xf32>
        %mul3A_534 = arith.constant 22.6274166 : f32
        %mul3A_535 = vector.broadcast %mul3A_534 : f32 to vector<16xf32>
        %mul3A_536 = arith.mulf %get3A_533, %mul3A_535 : vector<16xf32>
        %swap3A_537 = arith.index_cast %scan3A_327 : i32 to index
        %swap3A_538 = arith.constant 272 : index
        %swap3A_539 = tpu.vector_load %arg11[%swap3A_537, %swap3A_538] {strides = array<i32>} : memref<16x512xf32, #tpu.memory_space<vmem>>, vector<1x16xf32>,
        %swap3A_540 = vector.shape_cast %swap3A_539 : vector<1x16xf32> to vector<16xf32>
        %swap3A_541 = vector.shape_cast %mul3A_536 : vector<16xf32> to vector<1x16xf32>
        tpu.vector_store %arg11[%swap3A_537, %swap3A_538], %swap3A_541 {strides = array<i32>} : memref<16x512xf32, #tpu.memory_space<vmem>>, vector<1x16xf32>,
        %get3A_542 = arith.index_cast %scan3A_327 : i32 to index
        %get3A_543 = arith.constant 288 : index
        %get3A_544 = tpu.vector_load %arg11[%get3A_542, %get3A_543] {strides = array<i32>} : memref<16x512xf32, #tpu.memory_space<vmem>>, vector<1x16xf32>,
        %get3A_545 = vector.shape_cast %get3A_544 : vector<1x16xf32> to vector<16xf32>
        %mul3A_546 = arith.constant 22.6274166 : f32
        %mul3A_547 = vector.broadcast %mul3A_546 : f32 to vector<16xf32>
        %mul3A_548 = arith.mulf %get3A_545, %mul3A_547 : vector<16xf32>
        %swap3A_549 = arith.index_cast %scan3A_327 : i32 to index
        %swap3A_550 = arith.constant 288 : index
        %swap3A_551 = tpu.vector_load %arg11[%swap3A_549, %swap3A_550] {strides = array<i32>} : memref<16x512xf32, #tpu.memory_space<vmem>>, vector<1x16xf32>,
        %swap3A_552 = vector.shape_cast %swap3A_551 : vector<1x16xf32> to vector<16xf32>
        %swap3A_553 = vector.shape_cast %mul3A_548 : vector<16xf32> to vector<1x16xf32>
        tpu.vector_store %arg11[%swap3A_549, %swap3A_550], %swap3A_553 {strides = array<i32>} : memref<16x512xf32, #tpu.memory_space<vmem>>, vector<1x16xf32>,
        %get3A_554 = arith.index_cast %scan3A_327 : i32 to index
        %get3A_555 = arith.constant 304 : index
        %get3A_556 = tpu.vector_load %arg11[%get3A_554, %get3A_555] {strides = array<i32>} : memref<16x512xf32, #tpu.memory_space<vmem>>, vector<1x16xf32>,
        %get3A_557 = vector.shape_cast %get3A_556 : vector<1x16xf32> to vector<16xf32>
        %mul3A_558 = arith.constant 22.6274166 : f32
        %mul3A_559 = vector.broadcast %mul3A_558 : f32 to vector<16xf32>
        %mul3A_560 = arith.mulf %get3A_557, %mul3A_559 : vector<16xf32>
        %swap3A_561 = arith.index_cast %scan3A_327 : i32 to index
        %swap3A_562 = arith.constant 304 : index
        %swap3A_563 = tpu.vector_load %arg11[%swap3A_561, %swap3A_562] {strides = array<i32>} : memref<16x512xf32, #tpu.memory_space<vmem>>, vector<1x16xf32>,
        %swap3A_564 = vector.shape_cast %swap3A_563 : vector<1x16xf32> to vector<16xf32>
        %swap3A_565 = vector.shape_cast %mul3A_560 : vector<16xf32> to vector<1x16xf32>
        tpu.vector_store %arg11[%swap3A_561, %swap3A_562], %swap3A_565 {strides = array<i32>} : memref<16x512xf32, #tpu.memory_space<vmem>>, vector<1x16xf32>,
        %get3A_566 = arith.index_cast %scan3A_327 : i32 to index
        %get3A_567 = arith.constant 320 : index
        %get3A_568 = tpu.vector_load %arg11[%get3A_566, %get3A_567] {strides = array<i32>} : memref<16x512xf32, #tpu.memory_space<vmem>>, vector<1x16xf32>,
        %get3A_569 = vector.shape_cast %get3A_568 : vector<1x16xf32> to vector<16xf32>
        %mul3A_570 = arith.constant 22.6274166 : f32
        %mul3A_571 = vector.broadcast %mul3A_570 : f32 to vector<16xf32>
        %mul3A_572 = arith.mulf %get3A_569, %mul3A_571 : vector<16xf32>
        %swap3A_573 = arith.index_cast %scan3A_327 : i32 to index
        %swap3A_574 = arith.constant 320 : index
        %swap3A_575 = tpu.vector_load %arg11[%swap3A_573, %swap3A_574] {strides = array<i32>} : memref<16x512xf32, #tpu.memory_space<vmem>>, vector<1x16xf32>,
        %swap3A_576 = vector.shape_cast %swap3A_575 : vector<1x16xf32> to vector<16xf32>
        %swap3A_577 = vector.shape_cast %mul3A_572 : vector<16xf32> to vector<1x16xf32>
        tpu.vector_store %arg11[%swap3A_573, %swap3A_574], %swap3A_577 {strides = array<i32>} : memref<16x512xf32, #tpu.memory_space<vmem>>, vector<1x16xf32>,
        %get3A_578 = arith.index_cast %scan3A_327 : i32 to index
        %get3A_579 = arith.constant 336 : index
        %get3A_580 = tpu.vector_load %arg11[%get3A_578, %get3A_579] {strides = array<i32>} : memref<16x512xf32, #tpu.memory_space<vmem>>, vector<1x16xf32>,
        %get3A_581 = vector.shape_cast %get3A_580 : vector<1x16xf32> to vector<16xf32>
        %mul3A_582 = arith.constant 22.6274166 : f32
        %mul3A_583 = vector.broadcast %mul3A_582 : f32 to vector<16xf32>
        %mul3A_584 = arith.mulf %get3A_581, %mul3A_583 : vector<16xf32>
        %swap3A_585 = arith.index_cast %scan3A_327 : i32 to index
        %swap3A_586 = arith.constant 336 : index
        %swap3A_587 = tpu.vector_load %arg11[%swap3A_585, %swap3A_586] {strides = array<i32>} : memref<16x512xf32, #tpu.memory_space<vmem>>, vector<1x16xf32>,
        %swap3A_588 = vector.shape_cast %swap3A_587 : vector<1x16xf32> to vector<16xf32>
        %swap3A_589 = vector.shape_cast %mul3A_584 : vector<16xf32> to vector<1x16xf32>
        tpu.vector_store %arg11[%swap3A_585, %swap3A_586], %swap3A_589 {strides = array<i32>} : memref<16x512xf32, #tpu.memory_space<vmem>>, vector<1x16xf32>,
        %get3A_590 = arith.index_cast %scan3A_327 : i32 to index
        %get3A_591 = arith.constant 352 : index
        %get3A_592 = tpu.vector_load %arg11[%get3A_590, %get3A_591] {strides = array<i32>} : memref<16x512xf32, #tpu.memory_space<vmem>>, vector<1x16xf32>,
        %get3A_593 = vector.shape_cast %get3A_592 : vector<1x16xf32> to vector<16xf32>
        %mul3A_594 = arith.constant 22.6274166 : f32
        %mul3A_595 = vector.broadcast %mul3A_594 : f32 to vector<16xf32>
        %mul3A_596 = arith.mulf %get3A_593, %mul3A_595 : vector<16xf32>
        %swap3A_597 = arith.index_cast %scan3A_327 : i32 to index
        %swap3A_598 = arith.constant 352 : index
        %swap3A_599 = tpu.vector_load %arg11[%swap3A_597, %swap3A_598] {strides = array<i32>} : memref<16x512xf32, #tpu.memory_space<vmem>>, vector<1x16xf32>,
        %swap3A_600 = vector.shape_cast %swap3A_599 : vector<1x16xf32> to vector<16xf32>
        %swap3A_601 = vector.shape_cast %mul3A_596 : vector<16xf32> to vector<1x16xf32>
        tpu.vector_store %arg11[%swap3A_597, %swap3A_598], %swap3A_601 {strides = array<i32>} : memref<16x512xf32, #tpu.memory_space<vmem>>, vector<1x16xf32>,
        %get3A_602 = arith.index_cast %scan3A_327 : i32 to index
        %get3A_603 = arith.constant 368 : index
        %get3A_604 = tpu.vector_load %arg11[%get3A_602, %get3A_603] {strides = array<i32>} : memref<16x512xf32, #tpu.memory_space<vmem>>, vector<1x16xf32>,
        %get3A_605 = vector.shape_cast %get3A_604 : vector<1x16xf32> to vector<16xf32>
        %mul3A_606 = arith.constant 22.6274166 : f32
        %mul3A_607 = vector.broadcast %mul3A_606 : f32 to vector<16xf32>
        %mul3A_608 = arith.mulf %get3A_605, %mul3A_607 : vector<16xf32>
        %swap3A_609 = arith.index_cast %scan3A_327 : i32 to index
        %swap3A_610 = arith.constant 368 : index
        %swap3A_611 = tpu.vector_load %arg11[%swap3A_609, %swap3A_610] {strides = array<i32>} : memref<16x512xf32, #tpu.memory_space<vmem>>, vector<1x16xf32>,
        %swap3A_612 = vector.shape_cast %swap3A_611 : vector<1x16xf32> to vector<16xf32>
        %swap3A_613 = vector.shape_cast %mul3A_608 : vector<16xf32> to vector<1x16xf32>
        tpu.vector_store %arg11[%swap3A_609, %swap3A_610], %swap3A_613 {strides = array<i32>} : memref<16x512xf32, #tpu.memory_space<vmem>>, vector<1x16xf32>,
        %get3A_614 = arith.index_cast %scan3A_327 : i32 to index
        %get3A_615 = arith.constant 384 : index
        %get3A_616 = tpu.vector_load %arg11[%get3A_614, %get3A_615] {strides = array<i32>} : memref<16x512xf32, #tpu.memory_space<vmem>>, vector<1x16xf32>,
        %get3A_617 = vector.shape_cast %get3A_616 : vector<1x16xf32> to vector<16xf32>
        %mul3A_618 = arith.constant 22.6274166 : f32
        %mul3A_619 = vector.broadcast %mul3A_618 : f32 to vector<16xf32>
        %mul3A_620 = arith.mulf %get3A_617, %mul3A_619 : vector<16xf32>
        %swap3A_621 = arith.index_cast %scan3A_327 : i32 to index
        %swap3A_622 = arith.constant 384 : index
        %swap3A_623 = tpu.vector_load %arg11[%swap3A_621, %swap3A_622] {strides = array<i32>} : memref<16x512xf32, #tpu.memory_space<vmem>>, vector<1x16xf32>,
        %swap3A_624 = vector.shape_cast %swap3A_623 : vector<1x16xf32> to vector<16xf32>
        %swap3A_625 = vector.shape_cast %mul3A_620 : vector<16xf32> to vector<1x16xf32>
        tpu.vector_store %arg11[%swap3A_621, %swap3A_622], %swap3A_625 {strides = array<i32>} : memref<16x512xf32, #tpu.memory_space<vmem>>, vector<1x16xf32>,
        %get3A_626 = arith.index_cast %scan3A_327 : i32 to index
        %get3A_627 = arith.constant 400 : index
        %get3A_628 = tpu.vector_load %arg11[%get3A_626, %get3A_627] {strides = array<i32>} : memref<16x512xf32, #tpu.memory_space<vmem>>, vector<1x16xf32>,
        %get3A_629 = vector.shape_cast %get3A_628 : vector<1x16xf32> to vector<16xf32>
        %mul3A_630 = arith.constant 22.6274166 : f32
        %mul3A_631 = vector.broadcast %mul3A_630 : f32 to vector<16xf32>
        %mul3A_632 = arith.mulf %get3A_629, %mul3A_631 : vector<16xf32>
        %swap3A_633 = arith.index_cast %scan3A_327 : i32 to index
        %swap3A_634 = arith.constant 400 : index
        %swap3A_635 = tpu.vector_load %arg11[%swap3A_633, %swap3A_634] {strides = array<i32>} : memref<16x512xf32, #tpu.memory_space<vmem>>, vector<1x16xf32>,
        %swap3A_636 = vector.shape_cast %swap3A_635 : vector<1x16xf32> to vector<16xf32>
        %swap3A_637 = vector.shape_cast %mul3A_632 : vector<16xf32> to vector<1x16xf32>
        tpu.vector_store %arg11[%swap3A_633, %swap3A_634], %swap3A_637 {strides = array<i32>} : memref<16x512xf32, #tpu.memory_space<vmem>>, vector<1x16xf32>,
        %get3A_638 = arith.index_cast %scan3A_327 : i32 to index
        %get3A_639 = arith.constant 416 : index
        %get3A_640 = tpu.vector_load %arg11[%get3A_638, %get3A_639] {strides = array<i32>} : memref<16x512xf32, #tpu.memory_space<vmem>>, vector<1x16xf32>,
        %get3A_641 = vector.shape_cast %get3A_640 : vector<1x16xf32> to vector<16xf32>
        %mul3A_642 = arith.constant 22.6274166 : f32
        %mul3A_643 = vector.broadcast %mul3A_642 : f32 to vector<16xf32>
        %mul3A_644 = arith.mulf %get3A_641, %mul3A_643 : vector<16xf32>
        %swap3A_645 = arith.index_cast %scan3A_327 : i32 to index
        %swap3A_646 = arith.constant 416 : index
        %swap3A_647 = tpu.vector_load %arg11[%swap3A_645, %swap3A_646] {strides = array<i32>} : memref<16x512xf32, #tpu.memory_space<vmem>>, vector<1x16xf32>,
        %swap3A_648 = vector.shape_cast %swap3A_647 : vector<1x16xf32> to vector<16xf32>
        %swap3A_649 = vector.shape_cast %mul3A_644 : vector<16xf32> to vector<1x16xf32>
        tpu.vector_store %arg11[%swap3A_645, %swap3A_646], %swap3A_649 {strides = array<i32>} : memref<16x512xf32, #tpu.memory_space<vmem>>, vector<1x16xf32>,
        %get3A_650 = arith.index_cast %scan3A_327 : i32 to index
        %get3A_651 = arith.constant 432 : index
        %get3A_652 = tpu.vector_load %arg11[%get3A_650, %get3A_651] {strides = array<i32>} : memref<16x512xf32, #tpu.memory_space<vmem>>, vector<1x16xf32>,
        %get3A_653 = vector.shape_cast %get3A_652 : vector<1x16xf32> to vector<16xf32>
        %mul3A_654 = arith.constant 22.6274166 : f32
        %mul3A_655 = vector.broadcast %mul3A_654 : f32 to vector<16xf32>
        %mul3A_656 = arith.mulf %get3A_653, %mul3A_655 : vector<16xf32>
        %swap3A_657 = arith.index_cast %scan3A_327 : i32 to index
        %swap3A_658 = arith.constant 432 : index
        %swap3A_659 = tpu.vector_load %arg11[%swap3A_657, %swap3A_658] {strides = array<i32>} : memref<16x512xf32, #tpu.memory_space<vmem>>, vector<1x16xf32>,
        %swap3A_660 = vector.shape_cast %swap3A_659 : vector<1x16xf32> to vector<16xf32>
        %swap3A_661 = vector.shape_cast %mul3A_656 : vector<16xf32> to vector<1x16xf32>
        tpu.vector_store %arg11[%swap3A_657, %swap3A_658], %swap3A_661 {strides = array<i32>} : memref<16x512xf32, #tpu.memory_space<vmem>>, vector<1x16xf32>,
        %get3A_662 = arith.index_cast %scan3A_327 : i32 to index
        %get3A_663 = arith.constant 448 : index
        %get3A_664 = tpu.vector_load %arg11[%get3A_662, %get3A_663] {strides = array<i32>} : memref<16x512xf32, #tpu.memory_space<vmem>>, vector<1x16xf32>,
        %get3A_665 = vector.shape_cast %get3A_664 : vector<1x16xf32> to vector<16xf32>
        %mul3A_666 = arith.constant 22.6274166 : f32
        %mul3A_667 = vector.broadcast %mul3A_666 : f32 to vector<16xf32>
        %mul3A_668 = arith.mulf %get3A_665, %mul3A_667 : vector<16xf32>
        %swap3A_669 = arith.index_cast %scan3A_327 : i32 to index
        %swap3A_670 = arith.constant 448 : index
        %swap3A_671 = tpu.vector_load %arg11[%swap3A_669, %swap3A_670] {strides = array<i32>} : memref<16x512xf32, #tpu.memory_space<vmem>>, vector<1x16xf32>,
        %swap3A_672 = vector.shape_cast %swap3A_671 : vector<1x16xf32> to vector<16xf32>
        %swap3A_673 = vector.shape_cast %mul3A_668 : vector<16xf32> to vector<1x16xf32>
        tpu.vector_store %arg11[%swap3A_669, %swap3A_670], %swap3A_673 {strides = array<i32>} : memref<16x512xf32, #tpu.memory_space<vmem>>, vector<1x16xf32>,
        %get3A_674 = arith.index_cast %scan3A_327 : i32 to index
        %get3A_675 = arith.constant 464 : index
        %get3A_676 = tpu.vector_load %arg11[%get3A_674, %get3A_675] {strides = array<i32>} : memref<16x512xf32, #tpu.memory_space<vmem>>, vector<1x16xf32>,
        %get3A_677 = vector.shape_cast %get3A_676 : vector<1x16xf32> to vector<16xf32>
        %mul3A_678 = arith.constant 22.6274166 : f32
        %mul3A_679 = vector.broadcast %mul3A_678 : f32 to vector<16xf32>
        %mul3A_680 = arith.mulf %get3A_677, %mul3A_679 : vector<16xf32>
        %swap3A_681 = arith.index_cast %scan3A_327 : i32 to index
        %swap3A_682 = arith.constant 464 : index
        %swap3A_683 = tpu.vector_load %arg11[%swap3A_681, %swap3A_682] {strides = array<i32>} : memref<16x512xf32, #tpu.memory_space<vmem>>, vector<1x16xf32>,
        %swap3A_684 = vector.shape_cast %swap3A_683 : vector<1x16xf32> to vector<16xf32>
        %swap3A_685 = vector.shape_cast %mul3A_680 : vector<16xf32> to vector<1x16xf32>
        tpu.vector_store %arg11[%swap3A_681, %swap3A_682], %swap3A_685 {strides = array<i32>} : memref<16x512xf32, #tpu.memory_space<vmem>>, vector<1x16xf32>,
        %get3A_686 = arith.index_cast %scan3A_327 : i32 to index
        %get3A_687 = arith.constant 480 : index
        %get3A_688 = tpu.vector_load %arg11[%get3A_686, %get3A_687] {strides = array<i32>} : memref<16x512xf32, #tpu.memory_space<vmem>>, vector<1x16xf32>,
        %get3A_689 = vector.shape_cast %get3A_688 : vector<1x16xf32> to vector<16xf32>
        %mul3A_690 = arith.constant 22.6274166 : f32
        %mul3A_691 = vector.broadcast %mul3A_690 : f32 to vector<16xf32>
        %mul3A_692 = arith.mulf %get3A_689, %mul3A_691 : vector<16xf32>
        %swap3A_693 = arith.index_cast %scan3A_327 : i32 to index
        %swap3A_694 = arith.constant 480 : index
        %swap3A_695 = tpu.vector_load %arg11[%swap3A_693, %swap3A_694] {strides = array<i32>} : memref<16x512xf32, #tpu.memory_space<vmem>>, vector<1x16xf32>,
        %swap3A_696 = vector.shape_cast %swap3A_695 : vector<1x16xf32> to vector<16xf32>
        %swap3A_697 = vector.shape_cast %mul3A_692 : vector<16xf32> to vector<1x16xf32>
        tpu.vector_store %arg11[%swap3A_693, %swap3A_694], %swap3A_697 {strides = array<i32>} : memref<16x512xf32, #tpu.memory_space<vmem>>, vector<1x16xf32>,
        %get3A_698 = arith.index_cast %scan3A_327 : i32 to index
        %get3A_699 = arith.constant 496 : index
        %get3A_700 = tpu.vector_load %arg11[%get3A_698, %get3A_699] {strides = array<i32>} : memref<16x512xf32, #tpu.memory_space<vmem>>, vector<1x16xf32>,
        %get3A_701 = vector.shape_cast %get3A_700 : vector<1x16xf32> to vector<16xf32>
        %mul3A_702 = arith.constant 22.6274166 : f32
        %mul3A_703 = vector.broadcast %mul3A_702 : f32 to vector<16xf32>
        %mul3A_704 = arith.mulf %get3A_701, %mul3A_703 : vector<16xf32>
        %swap3A_705 = arith.index_cast %scan3A_327 : i32 to index
        %swap3A_706 = arith.constant 496 : index
        %swap3A_707 = tpu.vector_load %arg11[%swap3A_705, %swap3A_706] {strides = array<i32>} : memref<16x512xf32, #tpu.memory_space<vmem>>, vector<1x16xf32>,
        %swap3A_708 = vector.shape_cast %swap3A_707 : vector<1x16xf32> to vector<16xf32>
        %swap3A_709 = vector.shape_cast %mul3A_704 : vector<16xf32> to vector<1x16xf32>
        tpu.vector_store %arg11[%swap3A_705, %swap3A_706], %swap3A_709 {strides = array<i32>} : memref<16x512xf32, #tpu.memory_space<vmem>>, vector<1x16xf32>,
      }
      %scan3A_264 = arith.constant 16 : i32
      %mul3A_265 = arith.constant 16 : i32
      %mul3A_266 = arith.muli %add3A_253, %mul3A_265 : i32
      %add3A_267 = arith.addi %mul3A_34, %mul3A_266 : i32
      %dma_start3A_268 = arith.constant 0 : i32
      %dma_start3A_269 = tpu.memref_slice %arg4[%add3A_267, %dma_start3A_268] : memref<16384x512xf32, #tpu.memory_space<hbm>> -> memref<16x512xf32, #tpu.memory_space<hbm>>
      %dma_start3A_270 = arith.constant 0 : i32
      %dma_start3A_271 = tpu.memref_slice %arg4[%add3A_267, %dma_start3A_270] : memref<16384x512xf32, #tpu.memory_space<hbm>> -> memref<16x512xf32, #tpu.memory_space<hbm>>
      tpu.enqueue_dma source(%arg11 : memref<16x512xf32, #tpu.memory_space<vmem>>) target(%dma_start3A_271 : memref<16x512xf32, #tpu.memory_space<hbm>>) target_semaphore(%arg27 : memref<!tpu.dma_semaphore, #tpu.memory_space<semaphore_mem>>)
      %lt3A_272 = arith.constant 3 : i32
      %lt3A_273 = arith.cmpi slt, %scan3A_126, %lt3A_272 : i32
      %convert_element_type3A_274 = arith.extui %lt3A_273 : i1 to i32
      %cond3A_275 = arith.constant 0 : i32
      %cond3A_276 = arith.cmpi ne, %convert_element_type3A_274, %cond3A_275 : i32
      scf.if %cond3A_276 {
        %dma_wait3A_327 = arith.constant 0 : i32
        %dma_wait3A_328 = arith.constant 0 : i32
        %dma_wait3A_329 = tpu.memref_slice %arg4[%dma_wait3A_327, %dma_wait3A_328] : memref<16384x512xf32, #tpu.memory_space<hbm>> -> memref<16x512xf32, #tpu.memory_space<hbm>>
        %dma_wait3A_330 = arith.constant 0 : i32
        %dma_wait3A_331 = arith.constant 0 : i32
        %dma_wait3A_332 = tpu.memref_slice %arg4[%dma_wait3A_330, %dma_wait3A_331] : memref<16384x512xf32, #tpu.memory_space<hbm>> -> memref<16x512xf32, #tpu.memory_space<hbm>>
        tpu.wait_dma2 semaphore(%arg27 : memref<!tpu.dma_semaphore, #tpu.memory_space<semaphore_mem>>) src(%arg11 : memref<16x512xf32, #tpu.memory_space<vmem>>) dst(%dma_wait3A_332 : memref<16x512xf32, #tpu.memory_space<hbm>>)
        %add3A_333 = arith.constant 8 : i32
        %add3A_334 = arith.addi %add3A_253, %add3A_333 : i32
        %mul3A_335 = arith.constant 16 : i32
        %mul3A_336 = arith.muli %add3A_334, %mul3A_335 : i32
        %dma_start3A_337 = tpu.memref_slice %arg5[%mul3A_336] : memref<512xi32, #tpu.memory_space<vmem>> -> memref<16xi32, #tpu.memory_space<vmem>>
        %dma_start3A_338 = arith.constant 0 : i32
        %dma_start3A_339 = arith.constant 0 : i32
        %dma_start3A_340 = tpu.memref_slice %arg3[%dma_start3A_338, %dma_start3A_339] : memref<100000x512xf32, #tpu.memory_space<hbm>> -> memref<100000x512xf32, #tpu.memory_space<hbm>>
        tpu.enqueue_indirect_dma source(%dma_start3A_340 : memref<100000x512xf32, #tpu.memory_space<hbm>>) target(%arg11 : memref<16x512xf32, #tpu.memory_space<vmem>>) offsets(%dma_start3A_337 : memref<16xi32, #tpu.memory_space<vmem>>) semaphore(%arg19 : memref<!tpu.dma_semaphore, #tpu.memory_space<semaphore_mem>>)
      } else {
      }
      %add3A_277 = arith.constant 6 : i32
      %add3A_278 = arith.addi %mul3A_128, %add3A_277 : i32
      %dma_wait3A_279 = arith.constant 0 : i32
      %dma_wait3A_280 = tpu.memref_slice %arg5[%dma_wait3A_279] : memref<512xi32, #tpu.memory_space<vmem>> -> memref<16xi32, #tpu.memory_space<vmem>>
      %dma_wait3A_281 = arith.constant 0 : i32
      %dma_wait3A_282 = arith.constant 0 : i32
      %dma_wait3A_283 = tpu.memref_slice %arg3[%dma_wait3A_281, %dma_wait3A_282] : memref<100000x512xf32, #tpu.memory_space<hbm>> -> memref<100000x512xf32, #tpu.memory_space<hbm>>
      tpu.wait_indirect_dma semaphore(%arg20 : memref<!tpu.dma_semaphore, #tpu.memory_space<semaphore_mem>>) src(%dma_wait3A_283 : memref<100000x512xf32, #tpu.memory_space<hbm>>) dst(%arg12 : memref<16x512xf32, #tpu.memory_space<vmem>>)
      %scan3A_284 = arith.constant 0 : i32
      %scan3A_285 = arith.constant 0 : i32
      %scan3A_286 = arith.constant 16 : i32
      %scan3A_287 = arith.addi %scan3A_285, %scan3A_286 : i32
      %scan3A_288 = arith.constant 1 : i32
      scf.for %scan3A_327 = %scan3A_285 to %scan3A_287 step %scan3A_288  : i32 {
        %get3A = arith.index_cast %scan3A_327 : i32 to index
        %get3A_328 = arith.constant 0 : index
        %get3A_329 = tpu.vector_load %arg12[%get3A, %get3A_328] {strides = array<i32>} : memref<16x512xf32, #tpu.memory_space<vmem>>, vector<1x16xf32>,
        %get3A_330 = vector.shape_cast %get3A_329 : vector<1x16xf32> to vector<16xf32>
        %mul3A_331 = arith.constant 22.6274166 : f32
        %mul3A_332 = vector.broadcast %mul3A_331 : f32 to vector<16xf32>
        %mul3A_333 = arith.mulf %get3A_330, %mul3A_332 : vector<16xf32>
        %swap3A = arith.index_cast %scan3A_327 : i32 to index
        %swap3A_334 = arith.constant 0 : index
        %swap3A_335 = tpu.vector_load %arg12[%swap3A, %swap3A_334] {strides = array<i32>} : memref<16x512xf32, #tpu.memory_space<vmem>>, vector<1x16xf32>,
        %swap3A_336 = vector.shape_cast %swap3A_335 : vector<1x16xf32> to vector<16xf32>
        %swap3A_337 = vector.shape_cast %mul3A_333 : vector<16xf32> to vector<1x16xf32>
        tpu.vector_store %arg12[%swap3A, %swap3A_334], %swap3A_337 {strides = array<i32>} : memref<16x512xf32, #tpu.memory_space<vmem>>, vector<1x16xf32>,
        %get3A_338 = arith.index_cast %scan3A_327 : i32 to index
        %get3A_339 = arith.constant 16 : index
        %get3A_340 = tpu.vector_load %arg12[%get3A_338, %get3A_339] {strides = array<i32>} : memref<16x512xf32, #tpu.memory_space<vmem>>, vector<1x16xf32>,
        %get3A_341 = vector.shape_cast %get3A_340 : vector<1x16xf32> to vector<16xf32>
        %mul3A_342 = arith.constant 22.6274166 : f32
        %mul3A_343 = vector.broadcast %mul3A_342 : f32 to vector<16xf32>
        %mul3A_344 = arith.mulf %get3A_341, %mul3A_343 : vector<16xf32>
        %swap3A_345 = arith.index_cast %scan3A_327 : i32 to index
        %swap3A_346 = arith.constant 16 : index
        %swap3A_347 = tpu.vector_load %arg12[%swap3A_345, %swap3A_346] {strides = array<i32>} : memref<16x512xf32, #tpu.memory_space<vmem>>, vector<1x16xf32>,
        %swap3A_348 = vector.shape_cast %swap3A_347 : vector<1x16xf32> to vector<16xf32>
        %swap3A_349 = vector.shape_cast %mul3A_344 : vector<16xf32> to vector<1x16xf32>
        tpu.vector_store %arg12[%swap3A_345, %swap3A_346], %swap3A_349 {strides = array<i32>} : memref<16x512xf32, #tpu.memory_space<vmem>>, vector<1x16xf32>,
        %get3A_350 = arith.index_cast %scan3A_327 : i32 to index
        %get3A_351 = arith.constant 32 : index
        %get3A_352 = tpu.vector_load %arg12[%get3A_350, %get3A_351] {strides = array<i32>} : memref<16x512xf32, #tpu.memory_space<vmem>>, vector<1x16xf32>,
        %get3A_353 = vector.shape_cast %get3A_352 : vector<1x16xf32> to vector<16xf32>
        %mul3A_354 = arith.constant 22.6274166 : f32
        %mul3A_355 = vector.broadcast %mul3A_354 : f32 to vector<16xf32>
        %mul3A_356 = arith.mulf %get3A_353, %mul3A_355 : vector<16xf32>
        %swap3A_357 = arith.index_cast %scan3A_327 : i32 to index
        %swap3A_358 = arith.constant 32 : index
        %swap3A_359 = tpu.vector_load %arg12[%swap3A_357, %swap3A_358] {strides = array<i32>} : memref<16x512xf32, #tpu.memory_space<vmem>>, vector<1x16xf32>,
        %swap3A_360 = vector.shape_cast %swap3A_359 : vector<1x16xf32> to vector<16xf32>
        %swap3A_361 = vector.shape_cast %mul3A_356 : vector<16xf32> to vector<1x16xf32>
        tpu.vector_store %arg12[%swap3A_357, %swap3A_358], %swap3A_361 {strides = array<i32>} : memref<16x512xf32, #tpu.memory_space<vmem>>, vector<1x16xf32>,
        %get3A_362 = arith.index_cast %scan3A_327 : i32 to index
        %get3A_363 = arith.constant 48 : index
        %get3A_364 = tpu.vector_load %arg12[%get3A_362, %get3A_363] {strides = array<i32>} : memref<16x512xf32, #tpu.memory_space<vmem>>, vector<1x16xf32>,
        %get3A_365 = vector.shape_cast %get3A_364 : vector<1x16xf32> to vector<16xf32>
        %mul3A_366 = arith.constant 22.6274166 : f32
        %mul3A_367 = vector.broadcast %mul3A_366 : f32 to vector<16xf32>
        %mul3A_368 = arith.mulf %get3A_365, %mul3A_367 : vector<16xf32>
        %swap3A_369 = arith.index_cast %scan3A_327 : i32 to index
        %swap3A_370 = arith.constant 48 : index
        %swap3A_371 = tpu.vector_load %arg12[%swap3A_369, %swap3A_370] {strides = array<i32>} : memref<16x512xf32, #tpu.memory_space<vmem>>, vector<1x16xf32>,
        %swap3A_372 = vector.shape_cast %swap3A_371 : vector<1x16xf32> to vector<16xf32>
        %swap3A_373 = vector.shape_cast %mul3A_368 : vector<16xf32> to vector<1x16xf32>
        tpu.vector_store %arg12[%swap3A_369, %swap3A_370], %swap3A_373 {strides = array<i32>} : memref<16x512xf32, #tpu.memory_space<vmem>>, vector<1x16xf32>,
        %get3A_374 = arith.index_cast %scan3A_327 : i32 to index
        %get3A_375 = arith.constant 64 : index
        %get3A_376 = tpu.vector_load %arg12[%get3A_374, %get3A_375] {strides = array<i32>} : memref<16x512xf32, #tpu.memory_space<vmem>>, vector<1x16xf32>,
        %get3A_377 = vector.shape_cast %get3A_376 : vector<1x16xf32> to vector<16xf32>
        %mul3A_378 = arith.constant 22.6274166 : f32
        %mul3A_379 = vector.broadcast %mul3A_378 : f32 to vector<16xf32>
        %mul3A_380 = arith.mulf %get3A_377, %mul3A_379 : vector<16xf32>
        %swap3A_381 = arith.index_cast %scan3A_327 : i32 to index
        %swap3A_382 = arith.constant 64 : index
        %swap3A_383 = tpu.vector_load %arg12[%swap3A_381, %swap3A_382] {strides = array<i32>} : memref<16x512xf32, #tpu.memory_space<vmem>>, vector<1x16xf32>,
        %swap3A_384 = vector.shape_cast %swap3A_383 : vector<1x16xf32> to vector<16xf32>
        %swap3A_385 = vector.shape_cast %mul3A_380 : vector<16xf32> to vector<1x16xf32>
        tpu.vector_store %arg12[%swap3A_381, %swap3A_382], %swap3A_385 {strides = array<i32>} : memref<16x512xf32, #tpu.memory_space<vmem>>, vector<1x16xf32>,
        %get3A_386 = arith.index_cast %scan3A_327 : i32 to index
        %get3A_387 = arith.constant 80 : index
        %get3A_388 = tpu.vector_load %arg12[%get3A_386, %get3A_387] {strides = array<i32>} : memref<16x512xf32, #tpu.memory_space<vmem>>, vector<1x16xf32>,
        %get3A_389 = vector.shape_cast %get3A_388 : vector<1x16xf32> to vector<16xf32>
        %mul3A_390 = arith.constant 22.6274166 : f32
        %mul3A_391 = vector.broadcast %mul3A_390 : f32 to vector<16xf32>
        %mul3A_392 = arith.mulf %get3A_389, %mul3A_391 : vector<16xf32>
        %swap3A_393 = arith.index_cast %scan3A_327 : i32 to index
        %swap3A_394 = arith.constant 80 : index
        %swap3A_395 = tpu.vector_load %arg12[%swap3A_393, %swap3A_394] {strides = array<i32>} : memref<16x512xf32, #tpu.memory_space<vmem>>, vector<1x16xf32>,
        %swap3A_396 = vector.shape_cast %swap3A_395 : vector<1x16xf32> to vector<16xf32>
        %swap3A_397 = vector.shape_cast %mul3A_392 : vector<16xf32> to vector<1x16xf32>
        tpu.vector_store %arg12[%swap3A_393, %swap3A_394], %swap3A_397 {strides = array<i32>} : memref<16x512xf32, #tpu.memory_space<vmem>>, vector<1x16xf32>,
        %get3A_398 = arith.index_cast %scan3A_327 : i32 to index
        %get3A_399 = arith.constant 96 : index
        %get3A_400 = tpu.vector_load %arg12[%get3A_398, %get3A_399] {strides = array<i32>} : memref<16x512xf32, #tpu.memory_space<vmem>>, vector<1x16xf32>,
        %get3A_401 = vector.shape_cast %get3A_400 : vector<1x16xf32> to vector<16xf32>
        %mul3A_402 = arith.constant 22.6274166 : f32
        %mul3A_403 = vector.broadcast %mul3A_402 : f32 to vector<16xf32>
        %mul3A_404 = arith.mulf %get3A_401, %mul3A_403 : vector<16xf32>
        %swap3A_405 = arith.index_cast %scan3A_327 : i32 to index
        %swap3A_406 = arith.constant 96 : index
        %swap3A_407 = tpu.vector_load %arg12[%swap3A_405, %swap3A_406] {strides = array<i32>} : memref<16x512xf32, #tpu.memory_space<vmem>>, vector<1x16xf32>,
        %swap3A_408 = vector.shape_cast %swap3A_407 : vector<1x16xf32> to vector<16xf32>
        %swap3A_409 = vector.shape_cast %mul3A_404 : vector<16xf32> to vector<1x16xf32>
        tpu.vector_store %arg12[%swap3A_405, %swap3A_406], %swap3A_409 {strides = array<i32>} : memref<16x512xf32, #tpu.memory_space<vmem>>, vector<1x16xf32>,
        %get3A_410 = arith.index_cast %scan3A_327 : i32 to index
        %get3A_411 = arith.constant 112 : index
        %get3A_412 = tpu.vector_load %arg12[%get3A_410, %get3A_411] {strides = array<i32>} : memref<16x512xf32, #tpu.memory_space<vmem>>, vector<1x16xf32>,
        %get3A_413 = vector.shape_cast %get3A_412 : vector<1x16xf32> to vector<16xf32>
        %mul3A_414 = arith.constant 22.6274166 : f32
        %mul3A_415 = vector.broadcast %mul3A_414 : f32 to vector<16xf32>
        %mul3A_416 = arith.mulf %get3A_413, %mul3A_415 : vector<16xf32>
        %swap3A_417 = arith.index_cast %scan3A_327 : i32 to index
        %swap3A_418 = arith.constant 112 : index
        %swap3A_419 = tpu.vector_load %arg12[%swap3A_417, %swap3A_418] {strides = array<i32>} : memref<16x512xf32, #tpu.memory_space<vmem>>, vector<1x16xf32>,
        %swap3A_420 = vector.shape_cast %swap3A_419 : vector<1x16xf32> to vector<16xf32>
        %swap3A_421 = vector.shape_cast %mul3A_416 : vector<16xf32> to vector<1x16xf32>
        tpu.vector_store %arg12[%swap3A_417, %swap3A_418], %swap3A_421 {strides = array<i32>} : memref<16x512xf32, #tpu.memory_space<vmem>>, vector<1x16xf32>,
        %get3A_422 = arith.index_cast %scan3A_327 : i32 to index
        %get3A_423 = arith.constant 128 : index
        %get3A_424 = tpu.vector_load %arg12[%get3A_422, %get3A_423] {strides = array<i32>} : memref<16x512xf32, #tpu.memory_space<vmem>>, vector<1x16xf32>,
        %get3A_425 = vector.shape_cast %get3A_424 : vector<1x16xf32> to vector<16xf32>
        %mul3A_426 = arith.constant 22.6274166 : f32
        %mul3A_427 = vector.broadcast %mul3A_426 : f32 to vector<16xf32>
        %mul3A_428 = arith.mulf %get3A_425, %mul3A_427 : vector<16xf32>
        %swap3A_429 = arith.index_cast %scan3A_327 : i32 to index
        %swap3A_430 = arith.constant 128 : index
        %swap3A_431 = tpu.vector_load %arg12[%swap3A_429, %swap3A_430] {strides = array<i32>} : memref<16x512xf32, #tpu.memory_space<vmem>>, vector<1x16xf32>,
        %swap3A_432 = vector.shape_cast %swap3A_431 : vector<1x16xf32> to vector<16xf32>
        %swap3A_433 = vector.shape_cast %mul3A_428 : vector<16xf32> to vector<1x16xf32>
        tpu.vector_store %arg12[%swap3A_429, %swap3A_430], %swap3A_433 {strides = array<i32>} : memref<16x512xf32, #tpu.memory_space<vmem>>, vector<1x16xf32>,
        %get3A_434 = arith.index_cast %scan3A_327 : i32 to index
        %get3A_435 = arith.constant 144 : index
        %get3A_436 = tpu.vector_load %arg12[%get3A_434, %get3A_435] {strides = array<i32>} : memref<16x512xf32, #tpu.memory_space<vmem>>, vector<1x16xf32>,
        %get3A_437 = vector.shape_cast %get3A_436 : vector<1x16xf32> to vector<16xf32>
        %mul3A_438 = arith.constant 22.6274166 : f32
        %mul3A_439 = vector.broadcast %mul3A_438 : f32 to vector<16xf32>
        %mul3A_440 = arith.mulf %get3A_437, %mul3A_439 : vector<16xf32>
        %swap3A_441 = arith.index_cast %scan3A_327 : i32 to index
        %swap3A_442 = arith.constant 144 : index
        %swap3A_443 = tpu.vector_load %arg12[%swap3A_441, %swap3A_442] {strides = array<i32>} : memref<16x512xf32, #tpu.memory_space<vmem>>, vector<1x16xf32>,
        %swap3A_444 = vector.shape_cast %swap3A_443 : vector<1x16xf32> to vector<16xf32>
        %swap3A_445 = vector.shape_cast %mul3A_440 : vector<16xf32> to vector<1x16xf32>
        tpu.vector_store %arg12[%swap3A_441, %swap3A_442], %swap3A_445 {strides = array<i32>} : memref<16x512xf32, #tpu.memory_space<vmem>>, vector<1x16xf32>,
        %get3A_446 = arith.index_cast %scan3A_327 : i32 to index
        %get3A_447 = arith.constant 160 : index
        %get3A_448 = tpu.vector_load %arg12[%get3A_446, %get3A_447] {strides = array<i32>} : memref<16x512xf32, #tpu.memory_space<vmem>>, vector<1x16xf32>,
        %get3A_449 = vector.shape_cast %get3A_448 : vector<1x16xf32> to vector<16xf32>
        %mul3A_450 = arith.constant 22.6274166 : f32
        %mul3A_451 = vector.broadcast %mul3A_450 : f32 to vector<16xf32>
        %mul3A_452 = arith.mulf %get3A_449, %mul3A_451 : vector<16xf32>
        %swap3A_453 = arith.index_cast %scan3A_327 : i32 to index
        %swap3A_454 = arith.constant 160 : index
        %swap3A_455 = tpu.vector_load %arg12[%swap3A_453, %swap3A_454] {strides = array<i32>} : memref<16x512xf32, #tpu.memory_space<vmem>>, vector<1x16xf32>,
        %swap3A_456 = vector.shape_cast %swap3A_455 : vector<1x16xf32> to vector<16xf32>
        %swap3A_457 = vector.shape_cast %mul3A_452 : vector<16xf32> to vector<1x16xf32>
        tpu.vector_store %arg12[%swap3A_453, %swap3A_454], %swap3A_457 {strides = array<i32>} : memref<16x512xf32, #tpu.memory_space<vmem>>, vector<1x16xf32>,
        %get3A_458 = arith.index_cast %scan3A_327 : i32 to index
        %get3A_459 = arith.constant 176 : index
        %get3A_460 = tpu.vector_load %arg12[%get3A_458, %get3A_459] {strides = array<i32>} : memref<16x512xf32, #tpu.memory_space<vmem>>, vector<1x16xf32>,
        %get3A_461 = vector.shape_cast %get3A_460 : vector<1x16xf32> to vector<16xf32>
        %mul3A_462 = arith.constant 22.6274166 : f32
        %mul3A_463 = vector.broadcast %mul3A_462 : f32 to vector<16xf32>
        %mul3A_464 = arith.mulf %get3A_461, %mul3A_463 : vector<16xf32>
        %swap3A_465 = arith.index_cast %scan3A_327 : i32 to index
        %swap3A_466 = arith.constant 176 : index
        %swap3A_467 = tpu.vector_load %arg12[%swap3A_465, %swap3A_466] {strides = array<i32>} : memref<16x512xf32, #tpu.memory_space<vmem>>, vector<1x16xf32>,
        %swap3A_468 = vector.shape_cast %swap3A_467 : vector<1x16xf32> to vector<16xf32>
        %swap3A_469 = vector.shape_cast %mul3A_464 : vector<16xf32> to vector<1x16xf32>
        tpu.vector_store %arg12[%swap3A_465, %swap3A_466], %swap3A_469 {strides = array<i32>} : memref<16x512xf32, #tpu.memory_space<vmem>>, vector<1x16xf32>,
        %get3A_470 = arith.index_cast %scan3A_327 : i32 to index
        %get3A_471 = arith.constant 192 : index
        %get3A_472 = tpu.vector_load %arg12[%get3A_470, %get3A_471] {strides = array<i32>} : memref<16x512xf32, #tpu.memory_space<vmem>>, vector<1x16xf32>,
        %get3A_473 = vector.shape_cast %get3A_472 : vector<1x16xf32> to vector<16xf32>
        %mul3A_474 = arith.constant 22.6274166 : f32
        %mul3A_475 = vector.broadcast %mul3A_474 : f32 to vector<16xf32>
        %mul3A_476 = arith.mulf %get3A_473, %mul3A_475 : vector<16xf32>
        %swap3A_477 = arith.index_cast %scan3A_327 : i32 to index
        %swap3A_478 = arith.constant 192 : index
        %swap3A_479 = tpu.vector_load %arg12[%swap3A_477, %swap3A_478] {strides = array<i32>} : memref<16x512xf32, #tpu.memory_space<vmem>>, vector<1x16xf32>,
        %swap3A_480 = vector.shape_cast %swap3A_479 : vector<1x16xf32> to vector<16xf32>
        %swap3A_481 = vector.shape_cast %mul3A_476 : vector<16xf32> to vector<1x16xf32>
        tpu.vector_store %arg12[%swap3A_477, %swap3A_478], %swap3A_481 {strides = array<i32>} : memref<16x512xf32, #tpu.memory_space<vmem>>, vector<1x16xf32>,
        %get3A_482 = arith.index_cast %scan3A_327 : i32 to index
        %get3A_483 = arith.constant 208 : index
        %get3A_484 = tpu.vector_load %arg12[%get3A_482, %get3A_483] {strides = array<i32>} : memref<16x512xf32, #tpu.memory_space<vmem>>, vector<1x16xf32>,
        %get3A_485 = vector.shape_cast %get3A_484 : vector<1x16xf32> to vector<16xf32>
        %mul3A_486 = arith.constant 22.6274166 : f32
        %mul3A_487 = vector.broadcast %mul3A_486 : f32 to vector<16xf32>
        %mul3A_488 = arith.mulf %get3A_485, %mul3A_487 : vector<16xf32>
        %swap3A_489 = arith.index_cast %scan3A_327 : i32 to index
        %swap3A_490 = arith.constant 208 : index
        %swap3A_491 = tpu.vector_load %arg12[%swap3A_489, %swap3A_490] {strides = array<i32>} : memref<16x512xf32, #tpu.memory_space<vmem>>, vector<1x16xf32>,
        %swap3A_492 = vector.shape_cast %swap3A_491 : vector<1x16xf32> to vector<16xf32>
        %swap3A_493 = vector.shape_cast %mul3A_488 : vector<16xf32> to vector<1x16xf32>
        tpu.vector_store %arg12[%swap3A_489, %swap3A_490], %swap3A_493 {strides = array<i32>} : memref<16x512xf32, #tpu.memory_space<vmem>>, vector<1x16xf32>,
        %get3A_494 = arith.index_cast %scan3A_327 : i32 to index
        %get3A_495 = arith.constant 224 : index
        %get3A_496 = tpu.vector_load %arg12[%get3A_494, %get3A_495] {strides = array<i32>} : memref<16x512xf32, #tpu.memory_space<vmem>>, vector<1x16xf32>,
        %get3A_497 = vector.shape_cast %get3A_496 : vector<1x16xf32> to vector<16xf32>
        %mul3A_498 = arith.constant 22.6274166 : f32
        %mul3A_499 = vector.broadcast %mul3A_498 : f32 to vector<16xf32>
        %mul3A_500 = arith.mulf %get3A_497, %mul3A_499 : vector<16xf32>
        %swap3A_501 = arith.index_cast %scan3A_327 : i32 to index
        %swap3A_502 = arith.constant 224 : index
        %swap3A_503 = tpu.vector_load %arg12[%swap3A_501, %swap3A_502] {strides = array<i32>} : memref<16x512xf32, #tpu.memory_space<vmem>>, vector<1x16xf32>,
        %swap3A_504 = vector.shape_cast %swap3A_503 : vector<1x16xf32> to vector<16xf32>
        %swap3A_505 = vector.shape_cast %mul3A_500 : vector<16xf32> to vector<1x16xf32>
        tpu.vector_store %arg12[%swap3A_501, %swap3A_502], %swap3A_505 {strides = array<i32>} : memref<16x512xf32, #tpu.memory_space<vmem>>, vector<1x16xf32>,
        %get3A_506 = arith.index_cast %scan3A_327 : i32 to index
        %get3A_507 = arith.constant 240 : index
        %get3A_508 = tpu.vector_load %arg12[%get3A_506, %get3A_507] {strides = array<i32>} : memref<16x512xf32, #tpu.memory_space<vmem>>, vector<1x16xf32>,
        %get3A_509 = vector.shape_cast %get3A_508 : vector<1x16xf32> to vector<16xf32>
        %mul3A_510 = arith.constant 22.6274166 : f32
        %mul3A_511 = vector.broadcast %mul3A_510 : f32 to vector<16xf32>
        %mul3A_512 = arith.mulf %get3A_509, %mul3A_511 : vector<16xf32>
        %swap3A_513 = arith.index_cast %scan3A_327 : i32 to index
        %swap3A_514 = arith.constant 240 : index
        %swap3A_515 = tpu.vector_load %arg12[%swap3A_513, %swap3A_514] {strides = array<i32>} : memref<16x512xf32, #tpu.memory_space<vmem>>, vector<1x16xf32>,
        %swap3A_516 = vector.shape_cast %swap3A_515 : vector<1x16xf32> to vector<16xf32>
        %swap3A_517 = vector.shape_cast %mul3A_512 : vector<16xf32> to vector<1x16xf32>
        tpu.vector_store %arg12[%swap3A_513, %swap3A_514], %swap3A_517 {strides = array<i32>} : memref<16x512xf32, #tpu.memory_space<vmem>>, vector<1x16xf32>,
        %get3A_518 = arith.index_cast %scan3A_327 : i32 to index
        %get3A_519 = arith.constant 256 : index
        %get3A_520 = tpu.vector_load %arg12[%get3A_518, %get3A_519] {strides = array<i32>} : memref<16x512xf32, #tpu.memory_space<vmem>>, vector<1x16xf32>,
        %get3A_521 = vector.shape_cast %get3A_520 : vector<1x16xf32> to vector<16xf32>
        %mul3A_522 = arith.constant 22.6274166 : f32
        %mul3A_523 = vector.broadcast %mul3A_522 : f32 to vector<16xf32>
        %mul3A_524 = arith.mulf %get3A_521, %mul3A_523 : vector<16xf32>
        %swap3A_525 = arith.index_cast %scan3A_327 : i32 to index
        %swap3A_526 = arith.constant 256 : index
        %swap3A_527 = tpu.vector_load %arg12[%swap3A_525, %swap3A_526] {strides = array<i32>} : memref<16x512xf32, #tpu.memory_space<vmem>>, vector<1x16xf32>,
        %swap3A_528 = vector.shape_cast %swap3A_527 : vector<1x16xf32> to vector<16xf32>
        %swap3A_529 = vector.shape_cast %mul3A_524 : vector<16xf32> to vector<1x16xf32>
        tpu.vector_store %arg12[%swap3A_525, %swap3A_526], %swap3A_529 {strides = array<i32>} : memref<16x512xf32, #tpu.memory_space<vmem>>, vector<1x16xf32>,
        %get3A_530 = arith.index_cast %scan3A_327 : i32 to index
        %get3A_531 = arith.constant 272 : index
        %get3A_532 = tpu.vector_load %arg12[%get3A_530, %get3A_531] {strides = array<i32>} : memref<16x512xf32, #tpu.memory_space<vmem>>, vector<1x16xf32>,
        %get3A_533 = vector.shape_cast %get3A_532 : vector<1x16xf32> to vector<16xf32>
        %mul3A_534 = arith.constant 22.6274166 : f32
        %mul3A_535 = vector.broadcast %mul3A_534 : f32 to vector<16xf32>
        %mul3A_536 = arith.mulf %get3A_533, %mul3A_535 : vector<16xf32>
        %swap3A_537 = arith.index_cast %scan3A_327 : i32 to index
        %swap3A_538 = arith.constant 272 : index
        %swap3A_539 = tpu.vector_load %arg12[%swap3A_537, %swap3A_538] {strides = array<i32>} : memref<16x512xf32, #tpu.memory_space<vmem>>, vector<1x16xf32>,
        %swap3A_540 = vector.shape_cast %swap3A_539 : vector<1x16xf32> to vector<16xf32>
        %swap3A_541 = vector.shape_cast %mul3A_536 : vector<16xf32> to vector<1x16xf32>
        tpu.vector_store %arg12[%swap3A_537, %swap3A_538], %swap3A_541 {strides = array<i32>} : memref<16x512xf32, #tpu.memory_space<vmem>>, vector<1x16xf32>,
        %get3A_542 = arith.index_cast %scan3A_327 : i32 to index
        %get3A_543 = arith.constant 288 : index
        %get3A_544 = tpu.vector_load %arg12[%get3A_542, %get3A_543] {strides = array<i32>} : memref<16x512xf32, #tpu.memory_space<vmem>>, vector<1x16xf32>,
        %get3A_545 = vector.shape_cast %get3A_544 : vector<1x16xf32> to vector<16xf32>
        %mul3A_546 = arith.constant 22.6274166 : f32
        %mul3A_547 = vector.broadcast %mul3A_546 : f32 to vector<16xf32>
        %mul3A_548 = arith.mulf %get3A_545, %mul3A_547 : vector<16xf32>
        %swap3A_549 = arith.index_cast %scan3A_327 : i32 to index
        %swap3A_550 = arith.constant 288 : index
        %swap3A_551 = tpu.vector_load %arg12[%swap3A_549, %swap3A_550] {strides = array<i32>} : memref<16x512xf32, #tpu.memory_space<vmem>>, vector<1x16xf32>,
        %swap3A_552 = vector.shape_cast %swap3A_551 : vector<1x16xf32> to vector<16xf32>
        %swap3A_553 = vector.shape_cast %mul3A_548 : vector<16xf32> to vector<1x16xf32>
        tpu.vector_store %arg12[%swap3A_549, %swap3A_550], %swap3A_553 {strides = array<i32>} : memref<16x512xf32, #tpu.memory_space<vmem>>, vector<1x16xf32>,
        %get3A_554 = arith.index_cast %scan3A_327 : i32 to index
        %get3A_555 = arith.constant 304 : index
        %get3A_556 = tpu.vector_load %arg12[%get3A_554, %get3A_555] {strides = array<i32>} : memref<16x512xf32, #tpu.memory_space<vmem>>, vector<1x16xf32>,
        %get3A_557 = vector.shape_cast %get3A_556 : vector<1x16xf32> to vector<16xf32>
        %mul3A_558 = arith.constant 22.6274166 : f32
        %mul3A_559 = vector.broadcast %mul3A_558 : f32 to vector<16xf32>
        %mul3A_560 = arith.mulf %get3A_557, %mul3A_559 : vector<16xf32>
        %swap3A_561 = arith.index_cast %scan3A_327 : i32 to index
        %swap3A_562 = arith.constant 304 : index
        %swap3A_563 = tpu.vector_load %arg12[%swap3A_561, %swap3A_562] {strides = array<i32>} : memref<16x512xf32, #tpu.memory_space<vmem>>, vector<1x16xf32>,
        %swap3A_564 = vector.shape_cast %swap3A_563 : vector<1x16xf32> to vector<16xf32>
        %swap3A_565 = vector.shape_cast %mul3A_560 : vector<16xf32> to vector<1x16xf32>
        tpu.vector_store %arg12[%swap3A_561, %swap3A_562], %swap3A_565 {strides = array<i32>} : memref<16x512xf32, #tpu.memory_space<vmem>>, vector<1x16xf32>,
        %get3A_566 = arith.index_cast %scan3A_327 : i32 to index
        %get3A_567 = arith.constant 320 : index
        %get3A_568 = tpu.vector_load %arg12[%get3A_566, %get3A_567] {strides = array<i32>} : memref<16x512xf32, #tpu.memory_space<vmem>>, vector<1x16xf32>,
        %get3A_569 = vector.shape_cast %get3A_568 : vector<1x16xf32> to vector<16xf32>
        %mul3A_570 = arith.constant 22.6274166 : f32
        %mul3A_571 = vector.broadcast %mul3A_570 : f32 to vector<16xf32>
        %mul3A_572 = arith.mulf %get3A_569, %mul3A_571 : vector<16xf32>
        %swap3A_573 = arith.index_cast %scan3A_327 : i32 to index
        %swap3A_574 = arith.constant 320 : index
        %swap3A_575 = tpu.vector_load %arg12[%swap3A_573, %swap3A_574] {strides = array<i32>} : memref<16x512xf32, #tpu.memory_space<vmem>>, vector<1x16xf32>,
        %swap3A_576 = vector.shape_cast %swap3A_575 : vector<1x16xf32> to vector<16xf32>
        %swap3A_577 = vector.shape_cast %mul3A_572 : vector<16xf32> to vector<1x16xf32>
        tpu.vector_store %arg12[%swap3A_573, %swap3A_574], %swap3A_577 {strides = array<i32>} : memref<16x512xf32, #tpu.memory_space<vmem>>, vector<1x16xf32>,
        %get3A_578 = arith.index_cast %scan3A_327 : i32 to index
        %get3A_579 = arith.constant 336 : index
        %get3A_580 = tpu.vector_load %arg12[%get3A_578, %get3A_579] {strides = array<i32>} : memref<16x512xf32, #tpu.memory_space<vmem>>, vector<1x16xf32>,
        %get3A_581 = vector.shape_cast %get3A_580 : vector<1x16xf32> to vector<16xf32>
        %mul3A_582 = arith.constant 22.6274166 : f32
        %mul3A_583 = vector.broadcast %mul3A_582 : f32 to vector<16xf32>
        %mul3A_584 = arith.mulf %get3A_581, %mul3A_583 : vector<16xf32>
        %swap3A_585 = arith.index_cast %scan3A_327 : i32 to index
        %swap3A_586 = arith.constant 336 : index
        %swap3A_587 = tpu.vector_load %arg12[%swap3A_585, %swap3A_586] {strides = array<i32>} : memref<16x512xf32, #tpu.memory_space<vmem>>, vector<1x16xf32>,
        %swap3A_588 = vector.shape_cast %swap3A_587 : vector<1x16xf32> to vector<16xf32>
        %swap3A_589 = vector.shape_cast %mul3A_584 : vector<16xf32> to vector<1x16xf32>
        tpu.vector_store %arg12[%swap3A_585, %swap3A_586], %swap3A_589 {strides = array<i32>} : memref<16x512xf32, #tpu.memory_space<vmem>>, vector<1x16xf32>,
        %get3A_590 = arith.index_cast %scan3A_327 : i32 to index
        %get3A_591 = arith.constant 352 : index
        %get3A_592 = tpu.vector_load %arg12[%get3A_590, %get3A_591] {strides = array<i32>} : memref<16x512xf32, #tpu.memory_space<vmem>>, vector<1x16xf32>,
        %get3A_593 = vector.shape_cast %get3A_592 : vector<1x16xf32> to vector<16xf32>
        %mul3A_594 = arith.constant 22.6274166 : f32
        %mul3A_595 = vector.broadcast %mul3A_594 : f32 to vector<16xf32>
        %mul3A_596 = arith.mulf %get3A_593, %mul3A_595 : vector<16xf32>
        %swap3A_597 = arith.index_cast %scan3A_327 : i32 to index
        %swap3A_598 = arith.constant 352 : index
        %swap3A_599 = tpu.vector_load %arg12[%swap3A_597, %swap3A_598] {strides = array<i32>} : memref<16x512xf32, #tpu.memory_space<vmem>>, vector<1x16xf32>,
        %swap3A_600 = vector.shape_cast %swap3A_599 : vector<1x16xf32> to vector<16xf32>
        %swap3A_601 = vector.shape_cast %mul3A_596 : vector<16xf32> to vector<1x16xf32>
        tpu.vector_store %arg12[%swap3A_597, %swap3A_598], %swap3A_601 {strides = array<i32>} : memref<16x512xf32, #tpu.memory_space<vmem>>, vector<1x16xf32>,
        %get3A_602 = arith.index_cast %scan3A_327 : i32 to index
        %get3A_603 = arith.constant 368 : index
        %get3A_604 = tpu.vector_load %arg12[%get3A_602, %get3A_603] {strides = array<i32>} : memref<16x512xf32, #tpu.memory_space<vmem>>, vector<1x16xf32>,
        %get3A_605 = vector.shape_cast %get3A_604 : vector<1x16xf32> to vector<16xf32>
        %mul3A_606 = arith.constant 22.6274166 : f32
        %mul3A_607 = vector.broadcast %mul3A_606 : f32 to vector<16xf32>
        %mul3A_608 = arith.mulf %get3A_605, %mul3A_607 : vector<16xf32>
        %swap3A_609 = arith.index_cast %scan3A_327 : i32 to index
        %swap3A_610 = arith.constant 368 : index
        %swap3A_611 = tpu.vector_load %arg12[%swap3A_609, %swap3A_610] {strides = array<i32>} : memref<16x512xf32, #tpu.memory_space<vmem>>, vector<1x16xf32>,
        %swap3A_612 = vector.shape_cast %swap3A_611 : vector<1x16xf32> to vector<16xf32>
        %swap3A_613 = vector.shape_cast %mul3A_608 : vector<16xf32> to vector<1x16xf32>
        tpu.vector_store %arg12[%swap3A_609, %swap3A_610], %swap3A_613 {strides = array<i32>} : memref<16x512xf32, #tpu.memory_space<vmem>>, vector<1x16xf32>,
        %get3A_614 = arith.index_cast %scan3A_327 : i32 to index
        %get3A_615 = arith.constant 384 : index
        %get3A_616 = tpu.vector_load %arg12[%get3A_614, %get3A_615] {strides = array<i32>} : memref<16x512xf32, #tpu.memory_space<vmem>>, vector<1x16xf32>,
        %get3A_617 = vector.shape_cast %get3A_616 : vector<1x16xf32> to vector<16xf32>
        %mul3A_618 = arith.constant 22.6274166 : f32
        %mul3A_619 = vector.broadcast %mul3A_618 : f32 to vector<16xf32>
        %mul3A_620 = arith.mulf %get3A_617, %mul3A_619 : vector<16xf32>
        %swap3A_621 = arith.index_cast %scan3A_327 : i32 to index
        %swap3A_622 = arith.constant 384 : index
        %swap3A_623 = tpu.vector_load %arg12[%swap3A_621, %swap3A_622] {strides = array<i32>} : memref<16x512xf32, #tpu.memory_space<vmem>>, vector<1x16xf32>,
        %swap3A_624 = vector.shape_cast %swap3A_623 : vector<1x16xf32> to vector<16xf32>
        %swap3A_625 = vector.shape_cast %mul3A_620 : vector<16xf32> to vector<1x16xf32>
        tpu.vector_store %arg12[%swap3A_621, %swap3A_622], %swap3A_625 {strides = array<i32>} : memref<16x512xf32, #tpu.memory_space<vmem>>, vector<1x16xf32>,
        %get3A_626 = arith.index_cast %scan3A_327 : i32 to index
        %get3A_627 = arith.constant 400 : index
        %get3A_628 = tpu.vector_load %arg12[%get3A_626, %get3A_627] {strides = array<i32>} : memref<16x512xf32, #tpu.memory_space<vmem>>, vector<1x16xf32>,
        %get3A_629 = vector.shape_cast %get3A_628 : vector<1x16xf32> to vector<16xf32>
        %mul3A_630 = arith.constant 22.6274166 : f32
        %mul3A_631 = vector.broadcast %mul3A_630 : f32 to vector<16xf32>
        %mul3A_632 = arith.mulf %get3A_629, %mul3A_631 : vector<16xf32>
        %swap3A_633 = arith.index_cast %scan3A_327 : i32 to index
        %swap3A_634 = arith.constant 400 : index
        %swap3A_635 = tpu.vector_load %arg12[%swap3A_633, %swap3A_634] {strides = array<i32>} : memref<16x512xf32, #tpu.memory_space<vmem>>, vector<1x16xf32>,
        %swap3A_636 = vector.shape_cast %swap3A_635 : vector<1x16xf32> to vector<16xf32>
        %swap3A_637 = vector.shape_cast %mul3A_632 : vector<16xf32> to vector<1x16xf32>
        tpu.vector_store %arg12[%swap3A_633, %swap3A_634], %swap3A_637 {strides = array<i32>} : memref<16x512xf32, #tpu.memory_space<vmem>>, vector<1x16xf32>,
        %get3A_638 = arith.index_cast %scan3A_327 : i32 to index
        %get3A_639 = arith.constant 416 : index
        %get3A_640 = tpu.vector_load %arg12[%get3A_638, %get3A_639] {strides = array<i32>} : memref<16x512xf32, #tpu.memory_space<vmem>>, vector<1x16xf32>,
        %get3A_641 = vector.shape_cast %get3A_640 : vector<1x16xf32> to vector<16xf32>
        %mul3A_642 = arith.constant 22.6274166 : f32
        %mul3A_643 = vector.broadcast %mul3A_642 : f32 to vector<16xf32>
        %mul3A_644 = arith.mulf %get3A_641, %mul3A_643 : vector<16xf32>
        %swap3A_645 = arith.index_cast %scan3A_327 : i32 to index
        %swap3A_646 = arith.constant 416 : index
        %swap3A_647 = tpu.vector_load %arg12[%swap3A_645, %swap3A_646] {strides = array<i32>} : memref<16x512xf32, #tpu.memory_space<vmem>>, vector<1x16xf32>,
        %swap3A_648 = vector.shape_cast %swap3A_647 : vector<1x16xf32> to vector<16xf32>
        %swap3A_649 = vector.shape_cast %mul3A_644 : vector<16xf32> to vector<1x16xf32>
        tpu.vector_store %arg12[%swap3A_645, %swap3A_646], %swap3A_649 {strides = array<i32>} : memref<16x512xf32, #tpu.memory_space<vmem>>, vector<1x16xf32>,
        %get3A_650 = arith.index_cast %scan3A_327 : i32 to index
        %get3A_651 = arith.constant 432 : index
        %get3A_652 = tpu.vector_load %arg12[%get3A_650, %get3A_651] {strides = array<i32>} : memref<16x512xf32, #tpu.memory_space<vmem>>, vector<1x16xf32>,
        %get3A_653 = vector.shape_cast %get3A_652 : vector<1x16xf32> to vector<16xf32>
        %mul3A_654 = arith.constant 22.6274166 : f32
        %mul3A_655 = vector.broadcast %mul3A_654 : f32 to vector<16xf32>
        %mul3A_656 = arith.mulf %get3A_653, %mul3A_655 : vector<16xf32>
        %swap3A_657 = arith.index_cast %scan3A_327 : i32 to index
        %swap3A_658 = arith.constant 432 : index
        %swap3A_659 = tpu.vector_load %arg12[%swap3A_657, %swap3A_658] {strides = array<i32>} : memref<16x512xf32, #tpu.memory_space<vmem>>, vector<1x16xf32>,
        %swap3A_660 = vector.shape_cast %swap3A_659 : vector<1x16xf32> to vector<16xf32>
        %swap3A_661 = vector.shape_cast %mul3A_656 : vector<16xf32> to vector<1x16xf32>
        tpu.vector_store %arg12[%swap3A_657, %swap3A_658], %swap3A_661 {strides = array<i32>} : memref<16x512xf32, #tpu.memory_space<vmem>>, vector<1x16xf32>,
        %get3A_662 = arith.index_cast %scan3A_327 : i32 to index
        %get3A_663 = arith.constant 448 : index
        %get3A_664 = tpu.vector_load %arg12[%get3A_662, %get3A_663] {strides = array<i32>} : memref<16x512xf32, #tpu.memory_space<vmem>>, vector<1x16xf32>,
        %get3A_665 = vector.shape_cast %get3A_664 : vector<1x16xf32> to vector<16xf32>
        %mul3A_666 = arith.constant 22.6274166 : f32
        %mul3A_667 = vector.broadcast %mul3A_666 : f32 to vector<16xf32>
        %mul3A_668 = arith.mulf %get3A_665, %mul3A_667 : vector<16xf32>
        %swap3A_669 = arith.index_cast %scan3A_327 : i32 to index
        %swap3A_670 = arith.constant 448 : index
        %swap3A_671 = tpu.vector_load %arg12[%swap3A_669, %swap3A_670] {strides = array<i32>} : memref<16x512xf32, #tpu.memory_space<vmem>>, vector<1x16xf32>,
        %swap3A_672 = vector.shape_cast %swap3A_671 : vector<1x16xf32> to vector<16xf32>
        %swap3A_673 = vector.shape_cast %mul3A_668 : vector<16xf32> to vector<1x16xf32>
        tpu.vector_store %arg12[%swap3A_669, %swap3A_670], %swap3A_673 {strides = array<i32>} : memref<16x512xf32, #tpu.memory_space<vmem>>, vector<1x16xf32>,
        %get3A_674 = arith.index_cast %scan3A_327 : i32 to index
        %get3A_675 = arith.constant 464 : index
        %get3A_676 = tpu.vector_load %arg12[%get3A_674, %get3A_675] {strides = array<i32>} : memref<16x512xf32, #tpu.memory_space<vmem>>, vector<1x16xf32>,
        %get3A_677 = vector.shape_cast %get3A_676 : vector<1x16xf32> to vector<16xf32>
        %mul3A_678 = arith.constant 22.6274166 : f32
        %mul3A_679 = vector.broadcast %mul3A_678 : f32 to vector<16xf32>
        %mul3A_680 = arith.mulf %get3A_677, %mul3A_679 : vector<16xf32>
        %swap3A_681 = arith.index_cast %scan3A_327 : i32 to index
        %swap3A_682 = arith.constant 464 : index
        %swap3A_683 = tpu.vector_load %arg12[%swap3A_681, %swap3A_682] {strides = array<i32>} : memref<16x512xf32, #tpu.memory_space<vmem>>, vector<1x16xf32>,
        %swap3A_684 = vector.shape_cast %swap3A_683 : vector<1x16xf32> to vector<16xf32>
        %swap3A_685 = vector.shape_cast %mul3A_680 : vector<16xf32> to vector<1x16xf32>
        tpu.vector_store %arg12[%swap3A_681, %swap3A_682], %swap3A_685 {strides = array<i32>} : memref<16x512xf32, #tpu.memory_space<vmem>>, vector<1x16xf32>,
        %get3A_686 = arith.index_cast %scan3A_327 : i32 to index
        %get3A_687 = arith.constant 480 : index
        %get3A_688 = tpu.vector_load %arg12[%get3A_686, %get3A_687] {strides = array<i32>} : memref<16x512xf32, #tpu.memory_space<vmem>>, vector<1x16xf32>,
        %get3A_689 = vector.shape_cast %get3A_688 : vector<1x16xf32> to vector<16xf32>
        %mul3A_690 = arith.constant 22.6274166 : f32
        %mul3A_691 = vector.broadcast %mul3A_690 : f32 to vector<16xf32>
        %mul3A_692 = arith.mulf %get3A_689, %mul3A_691 : vector<16xf32>
        %swap3A_693 = arith.index_cast %scan3A_327 : i32 to index
        %swap3A_694 = arith.constant 480 : index
        %swap3A_695 = tpu.vector_load %arg12[%swap3A_693, %swap3A_694] {strides = array<i32>} : memref<16x512xf32, #tpu.memory_space<vmem>>, vector<1x16xf32>,
        %swap3A_696 = vector.shape_cast %swap3A_695 : vector<1x16xf32> to vector<16xf32>
        %swap3A_697 = vector.shape_cast %mul3A_692 : vector<16xf32> to vector<1x16xf32>
        tpu.vector_store %arg12[%swap3A_693, %swap3A_694], %swap3A_697 {strides = array<i32>} : memref<16x512xf32, #tpu.memory_space<vmem>>, vector<1x16xf32>,
        %get3A_698 = arith.index_cast %scan3A_327 : i32 to index
        %get3A_699 = arith.constant 496 : index
        %get3A_700 = tpu.vector_load %arg12[%get3A_698, %get3A_699] {strides = array<i32>} : memref<16x512xf32, #tpu.memory_space<vmem>>, vector<1x16xf32>,
        %get3A_701 = vector.shape_cast %get3A_700 : vector<1x16xf32> to vector<16xf32>
        %mul3A_702 = arith.constant 22.6274166 : f32
        %mul3A_703 = vector.broadcast %mul3A_702 : f32 to vector<16xf32>
        %mul3A_704 = arith.mulf %get3A_701, %mul3A_703 : vector<16xf32>
        %swap3A_705 = arith.index_cast %scan3A_327 : i32 to index
        %swap3A_706 = arith.constant 496 : index
        %swap3A_707 = tpu.vector_load %arg12[%swap3A_705, %swap3A_706] {strides = array<i32>} : memref<16x512xf32, #tpu.memory_space<vmem>>, vector<1x16xf32>,
        %swap3A_708 = vector.shape_cast %swap3A_707 : vector<1x16xf32> to vector<16xf32>
        %swap3A_709 = vector.shape_cast %mul3A_704 : vector<16xf32> to vector<1x16xf32>
        tpu.vector_store %arg12[%swap3A_705, %swap3A_706], %swap3A_709 {strides = array<i32>} : memref<16x512xf32, #tpu.memory_space<vmem>>, vector<1x16xf32>,
      }
      %scan3A_289 = arith.constant 16 : i32
      %mul3A_290 = arith.constant 16 : i32
      %mul3A_291 = arith.muli %add3A_278, %mul3A_290 : i32
      %add3A_292 = arith.addi %mul3A_34, %mul3A_291 : i32
      %dma_start3A_293 = arith.constant 0 : i32
      %dma_start3A_294 = tpu.memref_slice %arg4[%add3A_292, %dma_start3A_293] : memref<16384x512xf32, #tpu.memory_space<hbm>> -> memref<16x512xf32, #tpu.memory_space<hbm>>
      %dma_start3A_295 = arith.constant 0 : i32
      %dma_start3A_296 = tpu.memref_slice %arg4[%add3A_292, %dma_start3A_295] : memref<16384x512xf32, #tpu.memory_space<hbm>> -> memref<16x512xf32, #tpu.memory_space<hbm>>
      tpu.enqueue_dma source(%arg12 : memref<16x512xf32, #tpu.memory_space<vmem>>) target(%dma_start3A_296 : memref<16x512xf32, #tpu.memory_space<hbm>>) target_semaphore(%arg28 : memref<!tpu.dma_semaphore, #tpu.memory_space<semaphore_mem>>)
      %lt3A_297 = arith.constant 3 : i32
      %lt3A_298 = arith.cmpi slt, %scan3A_126, %lt3A_297 : i32
      %convert_element_type3A_299 = arith.extui %lt3A_298 : i1 to i32
      %cond3A_300 = arith.constant 0 : i32
      %cond3A_301 = arith.cmpi ne, %convert_element_type3A_299, %cond3A_300 : i32
      scf.if %cond3A_301 {
        %dma_wait3A_327 = arith.constant 0 : i32
        %dma_wait3A_328 = arith.constant 0 : i32
        %dma_wait3A_329 = tpu.memref_slice %arg4[%dma_wait3A_327, %dma_wait3A_328] : memref<16384x512xf32, #tpu.memory_space<hbm>> -> memref<16x512xf32, #tpu.memory_space<hbm>>
        %dma_wait3A_330 = arith.constant 0 : i32
        %dma_wait3A_331 = arith.constant 0 : i32
        %dma_wait3A_332 = tpu.memref_slice %arg4[%dma_wait3A_330, %dma_wait3A_331] : memref<16384x512xf32, #tpu.memory_space<hbm>> -> memref<16x512xf32, #tpu.memory_space<hbm>>
        tpu.wait_dma2 semaphore(%arg28 : memref<!tpu.dma_semaphore, #tpu.memory_space<semaphore_mem>>) src(%arg12 : memref<16x512xf32, #tpu.memory_space<vmem>>) dst(%dma_wait3A_332 : memref<16x512xf32, #tpu.memory_space<hbm>>)
        %add3A_333 = arith.constant 8 : i32
        %add3A_334 = arith.addi %add3A_278, %add3A_333 : i32
        %mul3A_335 = arith.constant 16 : i32
        %mul3A_336 = arith.muli %add3A_334, %mul3A_335 : i32
        %dma_start3A_337 = tpu.memref_slice %arg5[%mul3A_336] : memref<512xi32, #tpu.memory_space<vmem>> -> memref<16xi32, #tpu.memory_space<vmem>>
        %dma_start3A_338 = arith.constant 0 : i32
        %dma_start3A_339 = arith.constant 0 : i32
        %dma_start3A_340 = tpu.memref_slice %arg3[%dma_start3A_338, %dma_start3A_339] : memref<100000x512xf32, #tpu.memory_space<hbm>> -> memref<100000x512xf32, #tpu.memory_space<hbm>>
        tpu.enqueue_indirect_dma source(%dma_start3A_340 : memref<100000x512xf32, #tpu.memory_space<hbm>>) target(%arg12 : memref<16x512xf32, #tpu.memory_space<vmem>>) offsets(%dma_start3A_337 : memref<16xi32, #tpu.memory_space<vmem>>) semaphore(%arg20 : memref<!tpu.dma_semaphore, #tpu.memory_space<semaphore_mem>>)
      } else {
      }
      %add3A_302 = arith.constant 7 : i32
      %add3A_303 = arith.addi %mul3A_128, %add3A_302 : i32
      %dma_wait3A_304 = arith.constant 0 : i32
      %dma_wait3A_305 = tpu.memref_slice %arg5[%dma_wait3A_304] : memref<512xi32, #tpu.memory_space<vmem>> -> memref<16xi32, #tpu.memory_space<vmem>>
      %dma_wait3A_306 = arith.constant 0 : i32
      %dma_wait3A_307 = arith.constant 0 : i32
      %dma_wait3A_308 = tpu.memref_slice %arg3[%dma_wait3A_306, %dma_wait3A_307] : memref<100000x512xf32, #tpu.memory_space<hbm>> -> memref<100000x512xf32, #tpu.memory_space<hbm>>
      tpu.wait_indirect_dma semaphore(%arg21 : memref<!tpu.dma_semaphore, #tpu.memory_space<semaphore_mem>>) src(%dma_wait3A_308 : memref<100000x512xf32, #tpu.memory_space<hbm>>) dst(%arg13 : memref<16x512xf32, #tpu.memory_space<vmem>>)
      %scan3A_309 = arith.constant 0 : i32
      %scan3A_310 = arith.constant 0 : i32
      %scan3A_311 = arith.constant 16 : i32
      %scan3A_312 = arith.addi %scan3A_310, %scan3A_311 : i32
      %scan3A_313 = arith.constant 1 : i32
      scf.for %scan3A_327 = %scan3A_310 to %scan3A_312 step %scan3A_313  : i32 {
        %get3A = arith.index_cast %scan3A_327 : i32 to index
        %get3A_328 = arith.constant 0 : index
        %get3A_329 = tpu.vector_load %arg13[%get3A, %get3A_328] {strides = array<i32>} : memref<16x512xf32, #tpu.memory_space<vmem>>, vector<1x16xf32>,
        %get3A_330 = vector.shape_cast %get3A_329 : vector<1x16xf32> to vector<16xf32>
        %mul3A_331 = arith.constant 22.6274166 : f32
        %mul3A_332 = vector.broadcast %mul3A_331 : f32 to vector<16xf32>
        %mul3A_333 = arith.mulf %get3A_330, %mul3A_332 : vector<16xf32>
        %swap3A = arith.index_cast %scan3A_327 : i32 to index
        %swap3A_334 = arith.constant 0 : index
        %swap3A_335 = tpu.vector_load %arg13[%swap3A, %swap3A_334] {strides = array<i32>} : memref<16x512xf32, #tpu.memory_space<vmem>>, vector<1x16xf32>,
        %swap3A_336 = vector.shape_cast %swap3A_335 : vector<1x16xf32> to vector<16xf32>
        %swap3A_337 = vector.shape_cast %mul3A_333 : vector<16xf32> to vector<1x16xf32>
        tpu.vector_store %arg13[%swap3A, %swap3A_334], %swap3A_337 {strides = array<i32>} : memref<16x512xf32, #tpu.memory_space<vmem>>, vector<1x16xf32>,
        %get3A_338 = arith.index_cast %scan3A_327 : i32 to index
        %get3A_339 = arith.constant 16 : index
        %get3A_340 = tpu.vector_load %arg13[%get3A_338, %get3A_339] {strides = array<i32>} : memref<16x512xf32, #tpu.memory_space<vmem>>, vector<1x16xf32>,
        %get3A_341 = vector.shape_cast %get3A_340 : vector<1x16xf32> to vector<16xf32>
        %mul3A_342 = arith.constant 22.6274166 : f32
        %mul3A_343 = vector.broadcast %mul3A_342 : f32 to vector<16xf32>
        %mul3A_344 = arith.mulf %get3A_341, %mul3A_343 : vector<16xf32>
        %swap3A_345 = arith.index_cast %scan3A_327 : i32 to index
        %swap3A_346 = arith.constant 16 : index
        %swap3A_347 = tpu.vector_load %arg13[%swap3A_345, %swap3A_346] {strides = array<i32>} : memref<16x512xf32, #tpu.memory_space<vmem>>, vector<1x16xf32>,
        %swap3A_348 = vector.shape_cast %swap3A_347 : vector<1x16xf32> to vector<16xf32>
        %swap3A_349 = vector.shape_cast %mul3A_344 : vector<16xf32> to vector<1x16xf32>
        tpu.vector_store %arg13[%swap3A_345, %swap3A_346], %swap3A_349 {strides = array<i32>} : memref<16x512xf32, #tpu.memory_space<vmem>>, vector<1x16xf32>,
        %get3A_350 = arith.index_cast %scan3A_327 : i32 to index
        %get3A_351 = arith.constant 32 : index
        %get3A_352 = tpu.vector_load %arg13[%get3A_350, %get3A_351] {strides = array<i32>} : memref<16x512xf32, #tpu.memory_space<vmem>>, vector<1x16xf32>,
        %get3A_353 = vector.shape_cast %get3A_352 : vector<1x16xf32> to vector<16xf32>
        %mul3A_354 = arith.constant 22.6274166 : f32
        %mul3A_355 = vector.broadcast %mul3A_354 : f32 to vector<16xf32>
        %mul3A_356 = arith.mulf %get3A_353, %mul3A_355 : vector<16xf32>
        %swap3A_357 = arith.index_cast %scan3A_327 : i32 to index
        %swap3A_358 = arith.constant 32 : index
        %swap3A_359 = tpu.vector_load %arg13[%swap3A_357, %swap3A_358] {strides = array<i32>} : memref<16x512xf32, #tpu.memory_space<vmem>>, vector<1x16xf32>,
        %swap3A_360 = vector.shape_cast %swap3A_359 : vector<1x16xf32> to vector<16xf32>
        %swap3A_361 = vector.shape_cast %mul3A_356 : vector<16xf32> to vector<1x16xf32>
        tpu.vector_store %arg13[%swap3A_357, %swap3A_358], %swap3A_361 {strides = array<i32>} : memref<16x512xf32, #tpu.memory_space<vmem>>, vector<1x16xf32>,
        %get3A_362 = arith.index_cast %scan3A_327 : i32 to index
        %get3A_363 = arith.constant 48 : index
        %get3A_364 = tpu.vector_load %arg13[%get3A_362, %get3A_363] {strides = array<i32>} : memref<16x512xf32, #tpu.memory_space<vmem>>, vector<1x16xf32>,
        %get3A_365 = vector.shape_cast %get3A_364 : vector<1x16xf32> to vector<16xf32>
        %mul3A_366 = arith.constant 22.6274166 : f32
        %mul3A_367 = vector.broadcast %mul3A_366 : f32 to vector<16xf32>
        %mul3A_368 = arith.mulf %get3A_365, %mul3A_367 : vector<16xf32>
        %swap3A_369 = arith.index_cast %scan3A_327 : i32 to index
        %swap3A_370 = arith.constant 48 : index
        %swap3A_371 = tpu.vector_load %arg13[%swap3A_369, %swap3A_370] {strides = array<i32>} : memref<16x512xf32, #tpu.memory_space<vmem>>, vector<1x16xf32>,
        %swap3A_372 = vector.shape_cast %swap3A_371 : vector<1x16xf32> to vector<16xf32>
        %swap3A_373 = vector.shape_cast %mul3A_368 : vector<16xf32> to vector<1x16xf32>
        tpu.vector_store %arg13[%swap3A_369, %swap3A_370], %swap3A_373 {strides = array<i32>} : memref<16x512xf32, #tpu.memory_space<vmem>>, vector<1x16xf32>,
        %get3A_374 = arith.index_cast %scan3A_327 : i32 to index
        %get3A_375 = arith.constant 64 : index
        %get3A_376 = tpu.vector_load %arg13[%get3A_374, %get3A_375] {strides = array<i32>} : memref<16x512xf32, #tpu.memory_space<vmem>>, vector<1x16xf32>,
        %get3A_377 = vector.shape_cast %get3A_376 : vector<1x16xf32> to vector<16xf32>
        %mul3A_378 = arith.constant 22.6274166 : f32
        %mul3A_379 = vector.broadcast %mul3A_378 : f32 to vector<16xf32>
        %mul3A_380 = arith.mulf %get3A_377, %mul3A_379 : vector<16xf32>
        %swap3A_381 = arith.index_cast %scan3A_327 : i32 to index
        %swap3A_382 = arith.constant 64 : index
        %swap3A_383 = tpu.vector_load %arg13[%swap3A_381, %swap3A_382] {strides = array<i32>} : memref<16x512xf32, #tpu.memory_space<vmem>>, vector<1x16xf32>,
        %swap3A_384 = vector.shape_cast %swap3A_383 : vector<1x16xf32> to vector<16xf32>
        %swap3A_385 = vector.shape_cast %mul3A_380 : vector<16xf32> to vector<1x16xf32>
        tpu.vector_store %arg13[%swap3A_381, %swap3A_382], %swap3A_385 {strides = array<i32>} : memref<16x512xf32, #tpu.memory_space<vmem>>, vector<1x16xf32>,
        %get3A_386 = arith.index_cast %scan3A_327 : i32 to index
        %get3A_387 = arith.constant 80 : index
        %get3A_388 = tpu.vector_load %arg13[%get3A_386, %get3A_387] {strides = array<i32>} : memref<16x512xf32, #tpu.memory_space<vmem>>, vector<1x16xf32>,
        %get3A_389 = vector.shape_cast %get3A_388 : vector<1x16xf32> to vector<16xf32>
        %mul3A_390 = arith.constant 22.6274166 : f32
        %mul3A_391 = vector.broadcast %mul3A_390 : f32 to vector<16xf32>
        %mul3A_392 = arith.mulf %get3A_389, %mul3A_391 : vector<16xf32>
        %swap3A_393 = arith.index_cast %scan3A_327 : i32 to index
        %swap3A_394 = arith.constant 80 : index
        %swap3A_395 = tpu.vector_load %arg13[%swap3A_393, %swap3A_394] {strides = array<i32>} : memref<16x512xf32, #tpu.memory_space<vmem>>, vector<1x16xf32>,
        %swap3A_396 = vector.shape_cast %swap3A_395 : vector<1x16xf32> to vector<16xf32>
        %swap3A_397 = vector.shape_cast %mul3A_392 : vector<16xf32> to vector<1x16xf32>
        tpu.vector_store %arg13[%swap3A_393, %swap3A_394], %swap3A_397 {strides = array<i32>} : memref<16x512xf32, #tpu.memory_space<vmem>>, vector<1x16xf32>,
        %get3A_398 = arith.index_cast %scan3A_327 : i32 to index
        %get3A_399 = arith.constant 96 : index
        %get3A_400 = tpu.vector_load %arg13[%get3A_398, %get3A_399] {strides = array<i32>} : memref<16x512xf32, #tpu.memory_space<vmem>>, vector<1x16xf32>,
        %get3A_401 = vector.shape_cast %get3A_400 : vector<1x16xf32> to vector<16xf32>
        %mul3A_402 = arith.constant 22.6274166 : f32
        %mul3A_403 = vector.broadcast %mul3A_402 : f32 to vector<16xf32>
        %mul3A_404 = arith.mulf %get3A_401, %mul3A_403 : vector<16xf32>
        %swap3A_405 = arith.index_cast %scan3A_327 : i32 to index
        %swap3A_406 = arith.constant 96 : index
        %swap3A_407 = tpu.vector_load %arg13[%swap3A_405, %swap3A_406] {strides = array<i32>} : memref<16x512xf32, #tpu.memory_space<vmem>>, vector<1x16xf32>,
        %swap3A_408 = vector.shape_cast %swap3A_407 : vector<1x16xf32> to vector<16xf32>
        %swap3A_409 = vector.shape_cast %mul3A_404 : vector<16xf32> to vector<1x16xf32>
        tpu.vector_store %arg13[%swap3A_405, %swap3A_406], %swap3A_409 {strides = array<i32>} : memref<16x512xf32, #tpu.memory_space<vmem>>, vector<1x16xf32>,
        %get3A_410 = arith.index_cast %scan3A_327 : i32 to index
        %get3A_411 = arith.constant 112 : index
        %get3A_412 = tpu.vector_load %arg13[%get3A_410, %get3A_411] {strides = array<i32>} : memref<16x512xf32, #tpu.memory_space<vmem>>, vector<1x16xf32>,
        %get3A_413 = vector.shape_cast %get3A_412 : vector<1x16xf32> to vector<16xf32>
        %mul3A_414 = arith.constant 22.6274166 : f32
        %mul3A_415 = vector.broadcast %mul3A_414 : f32 to vector<16xf32>
        %mul3A_416 = arith.mulf %get3A_413, %mul3A_415 : vector<16xf32>
        %swap3A_417 = arith.index_cast %scan3A_327 : i32 to index
        %swap3A_418 = arith.constant 112 : index
        %swap3A_419 = tpu.vector_load %arg13[%swap3A_417, %swap3A_418] {strides = array<i32>} : memref<16x512xf32, #tpu.memory_space<vmem>>, vector<1x16xf32>,
        %swap3A_420 = vector.shape_cast %swap3A_419 : vector<1x16xf32> to vector<16xf32>
        %swap3A_421 = vector.shape_cast %mul3A_416 : vector<16xf32> to vector<1x16xf32>
        tpu.vector_store %arg13[%swap3A_417, %swap3A_418], %swap3A_421 {strides = array<i32>} : memref<16x512xf32, #tpu.memory_space<vmem>>, vector<1x16xf32>,
        %get3A_422 = arith.index_cast %scan3A_327 : i32 to index
        %get3A_423 = arith.constant 128 : index
        %get3A_424 = tpu.vector_load %arg13[%get3A_422, %get3A_423] {strides = array<i32>} : memref<16x512xf32, #tpu.memory_space<vmem>>, vector<1x16xf32>,
        %get3A_425 = vector.shape_cast %get3A_424 : vector<1x16xf32> to vector<16xf32>
        %mul3A_426 = arith.constant 22.6274166 : f32
        %mul3A_427 = vector.broadcast %mul3A_426 : f32 to vector<16xf32>
        %mul3A_428 = arith.mulf %get3A_425, %mul3A_427 : vector<16xf32>
        %swap3A_429 = arith.index_cast %scan3A_327 : i32 to index
        %swap3A_430 = arith.constant 128 : index
        %swap3A_431 = tpu.vector_load %arg13[%swap3A_429, %swap3A_430] {strides = array<i32>} : memref<16x512xf32, #tpu.memory_space<vmem>>, vector<1x16xf32>,
        %swap3A_432 = vector.shape_cast %swap3A_431 : vector<1x16xf32> to vector<16xf32>
        %swap3A_433 = vector.shape_cast %mul3A_428 : vector<16xf32> to vector<1x16xf32>
        tpu.vector_store %arg13[%swap3A_429, %swap3A_430], %swap3A_433 {strides = array<i32>} : memref<16x512xf32, #tpu.memory_space<vmem>>, vector<1x16xf32>,
        %get3A_434 = arith.index_cast %scan3A_327 : i32 to index
        %get3A_435 = arith.constant 144 : index
        %get3A_436 = tpu.vector_load %arg13[%get3A_434, %get3A_435] {strides = array<i32>} : memref<16x512xf32, #tpu.memory_space<vmem>>, vector<1x16xf32>,
        %get3A_437 = vector.shape_cast %get3A_436 : vector<1x16xf32> to vector<16xf32>
        %mul3A_438 = arith.constant 22.6274166 : f32
        %mul3A_439 = vector.broadcast %mul3A_438 : f32 to vector<16xf32>
        %mul3A_440 = arith.mulf %get3A_437, %mul3A_439 : vector<16xf32>
        %swap3A_441 = arith.index_cast %scan3A_327 : i32 to index
        %swap3A_442 = arith.constant 144 : index
        %swap3A_443 = tpu.vector_load %arg13[%swap3A_441, %swap3A_442] {strides = array<i32>} : memref<16x512xf32, #tpu.memory_space<vmem>>, vector<1x16xf32>,
        %swap3A_444 = vector.shape_cast %swap3A_443 : vector<1x16xf32> to vector<16xf32>
        %swap3A_445 = vector.shape_cast %mul3A_440 : vector<16xf32> to vector<1x16xf32>
        tpu.vector_store %arg13[%swap3A_441, %swap3A_442], %swap3A_445 {strides = array<i32>} : memref<16x512xf32, #tpu.memory_space<vmem>>, vector<1x16xf32>,
        %get3A_446 = arith.index_cast %scan3A_327 : i32 to index
        %get3A_447 = arith.constant 160 : index
        %get3A_448 = tpu.vector_load %arg13[%get3A_446, %get3A_447] {strides = array<i32>} : memref<16x512xf32, #tpu.memory_space<vmem>>, vector<1x16xf32>,
        %get3A_449 = vector.shape_cast %get3A_448 : vector<1x16xf32> to vector<16xf32>
        %mul3A_450 = arith.constant 22.6274166 : f32
        %mul3A_451 = vector.broadcast %mul3A_450 : f32 to vector<16xf32>
        %mul3A_452 = arith.mulf %get3A_449, %mul3A_451 : vector<16xf32>
        %swap3A_453 = arith.index_cast %scan3A_327 : i32 to index
        %swap3A_454 = arith.constant 160 : index
        %swap3A_455 = tpu.vector_load %arg13[%swap3A_453, %swap3A_454] {strides = array<i32>} : memref<16x512xf32, #tpu.memory_space<vmem>>, vector<1x16xf32>,
        %swap3A_456 = vector.shape_cast %swap3A_455 : vector<1x16xf32> to vector<16xf32>
        %swap3A_457 = vector.shape_cast %mul3A_452 : vector<16xf32> to vector<1x16xf32>
        tpu.vector_store %arg13[%swap3A_453, %swap3A_454], %swap3A_457 {strides = array<i32>} : memref<16x512xf32, #tpu.memory_space<vmem>>, vector<1x16xf32>,
        %get3A_458 = arith.index_cast %scan3A_327 : i32 to index
        %get3A_459 = arith.constant 176 : index
        %get3A_460 = tpu.vector_load %arg13[%get3A_458, %get3A_459] {strides = array<i32>} : memref<16x512xf32, #tpu.memory_space<vmem>>, vector<1x16xf32>,
        %get3A_461 = vector.shape_cast %get3A_460 : vector<1x16xf32> to vector<16xf32>
        %mul3A_462 = arith.constant 22.6274166 : f32
        %mul3A_463 = vector.broadcast %mul3A_462 : f32 to vector<16xf32>
        %mul3A_464 = arith.mulf %get3A_461, %mul3A_463 : vector<16xf32>
        %swap3A_465 = arith.index_cast %scan3A_327 : i32 to index
        %swap3A_466 = arith.constant 176 : index
        %swap3A_467 = tpu.vector_load %arg13[%swap3A_465, %swap3A_466] {strides = array<i32>} : memref<16x512xf32, #tpu.memory_space<vmem>>, vector<1x16xf32>,
        %swap3A_468 = vector.shape_cast %swap3A_467 : vector<1x16xf32> to vector<16xf32>
        %swap3A_469 = vector.shape_cast %mul3A_464 : vector<16xf32> to vector<1x16xf32>
        tpu.vector_store %arg13[%swap3A_465, %swap3A_466], %swap3A_469 {strides = array<i32>} : memref<16x512xf32, #tpu.memory_space<vmem>>, vector<1x16xf32>,
        %get3A_470 = arith.index_cast %scan3A_327 : i32 to index
        %get3A_471 = arith.constant 192 : index
        %get3A_472 = tpu.vector_load %arg13[%get3A_470, %get3A_471] {strides = array<i32>} : memref<16x512xf32, #tpu.memory_space<vmem>>, vector<1x16xf32>,
        %get3A_473 = vector.shape_cast %get3A_472 : vector<1x16xf32> to vector<16xf32>
        %mul3A_474 = arith.constant 22.6274166 : f32
        %mul3A_475 = vector.broadcast %mul3A_474 : f32 to vector<16xf32>
        %mul3A_476 = arith.mulf %get3A_473, %mul3A_475 : vector<16xf32>
        %swap3A_477 = arith.index_cast %scan3A_327 : i32 to index
        %swap3A_478 = arith.constant 192 : index
        %swap3A_479 = tpu.vector_load %arg13[%swap3A_477, %swap3A_478] {strides = array<i32>} : memref<16x512xf32, #tpu.memory_space<vmem>>, vector<1x16xf32>,
        %swap3A_480 = vector.shape_cast %swap3A_479 : vector<1x16xf32> to vector<16xf32>
        %swap3A_481 = vector.shape_cast %mul3A_476 : vector<16xf32> to vector<1x16xf32>
        tpu.vector_store %arg13[%swap3A_477, %swap3A_478], %swap3A_481 {strides = array<i32>} : memref<16x512xf32, #tpu.memory_space<vmem>>, vector<1x16xf32>,
        %get3A_482 = arith.index_cast %scan3A_327 : i32 to index
        %get3A_483 = arith.constant 208 : index
        %get3A_484 = tpu.vector_load %arg13[%get3A_482, %get3A_483] {strides = array<i32>} : memref<16x512xf32, #tpu.memory_space<vmem>>, vector<1x16xf32>,
        %get3A_485 = vector.shape_cast %get3A_484 : vector<1x16xf32> to vector<16xf32>
        %mul3A_486 = arith.constant 22.6274166 : f32
        %mul3A_487 = vector.broadcast %mul3A_486 : f32 to vector<16xf32>
        %mul3A_488 = arith.mulf %get3A_485, %mul3A_487 : vector<16xf32>
        %swap3A_489 = arith.index_cast %scan3A_327 : i32 to index
        %swap3A_490 = arith.constant 208 : index
        %swap3A_491 = tpu.vector_load %arg13[%swap3A_489, %swap3A_490] {strides = array<i32>} : memref<16x512xf32, #tpu.memory_space<vmem>>, vector<1x16xf32>,
        %swap3A_492 = vector.shape_cast %swap3A_491 : vector<1x16xf32> to vector<16xf32>
        %swap3A_493 = vector.shape_cast %mul3A_488 : vector<16xf32> to vector<1x16xf32>
        tpu.vector_store %arg13[%swap3A_489, %swap3A_490], %swap3A_493 {strides = array<i32>} : memref<16x512xf32, #tpu.memory_space<vmem>>, vector<1x16xf32>,
        %get3A_494 = arith.index_cast %scan3A_327 : i32 to index
        %get3A_495 = arith.constant 224 : index
        %get3A_496 = tpu.vector_load %arg13[%get3A_494, %get3A_495] {strides = array<i32>} : memref<16x512xf32, #tpu.memory_space<vmem>>, vector<1x16xf32>,
        %get3A_497 = vector.shape_cast %get3A_496 : vector<1x16xf32> to vector<16xf32>
        %mul3A_498 = arith.constant 22.6274166 : f32
        %mul3A_499 = vector.broadcast %mul3A_498 : f32 to vector<16xf32>
        %mul3A_500 = arith.mulf %get3A_497, %mul3A_499 : vector<16xf32>
        %swap3A_501 = arith.index_cast %scan3A_327 : i32 to index
        %swap3A_502 = arith.constant 224 : index
        %swap3A_503 = tpu.vector_load %arg13[%swap3A_501, %swap3A_502] {strides = array<i32>} : memref<16x512xf32, #tpu.memory_space<vmem>>, vector<1x16xf32>,
        %swap3A_504 = vector.shape_cast %swap3A_503 : vector<1x16xf32> to vector<16xf32>
        %swap3A_505 = vector.shape_cast %mul3A_500 : vector<16xf32> to vector<1x16xf32>
        tpu.vector_store %arg13[%swap3A_501, %swap3A_502], %swap3A_505 {strides = array<i32>} : memref<16x512xf32, #tpu.memory_space<vmem>>, vector<1x16xf32>,
        %get3A_506 = arith.index_cast %scan3A_327 : i32 to index
        %get3A_507 = arith.constant 240 : index
        %get3A_508 = tpu.vector_load %arg13[%get3A_506, %get3A_507] {strides = array<i32>} : memref<16x512xf32, #tpu.memory_space<vmem>>, vector<1x16xf32>,
        %get3A_509 = vector.shape_cast %get3A_508 : vector<1x16xf32> to vector<16xf32>
        %mul3A_510 = arith.constant 22.6274166 : f32
        %mul3A_511 = vector.broadcast %mul3A_510 : f32 to vector<16xf32>
        %mul3A_512 = arith.mulf %get3A_509, %mul3A_511 : vector<16xf32>
        %swap3A_513 = arith.index_cast %scan3A_327 : i32 to index
        %swap3A_514 = arith.constant 240 : index
        %swap3A_515 = tpu.vector_load %arg13[%swap3A_513, %swap3A_514] {strides = array<i32>} : memref<16x512xf32, #tpu.memory_space<vmem>>, vector<1x16xf32>,
        %swap3A_516 = vector.shape_cast %swap3A_515 : vector<1x16xf32> to vector<16xf32>
        %swap3A_517 = vector.shape_cast %mul3A_512 : vector<16xf32> to vector<1x16xf32>
        tpu.vector_store %arg13[%swap3A_513, %swap3A_514], %swap3A_517 {strides = array<i32>} : memref<16x512xf32, #tpu.memory_space<vmem>>, vector<1x16xf32>,
        %get3A_518 = arith.index_cast %scan3A_327 : i32 to index
        %get3A_519 = arith.constant 256 : index
        %get3A_520 = tpu.vector_load %arg13[%get3A_518, %get3A_519] {strides = array<i32>} : memref<16x512xf32, #tpu.memory_space<vmem>>, vector<1x16xf32>,
        %get3A_521 = vector.shape_cast %get3A_520 : vector<1x16xf32> to vector<16xf32>
        %mul3A_522 = arith.constant 22.6274166 : f32
        %mul3A_523 = vector.broadcast %mul3A_522 : f32 to vector<16xf32>
        %mul3A_524 = arith.mulf %get3A_521, %mul3A_523 : vector<16xf32>
        %swap3A_525 = arith.index_cast %scan3A_327 : i32 to index
        %swap3A_526 = arith.constant 256 : index
        %swap3A_527 = tpu.vector_load %arg13[%swap3A_525, %swap3A_526] {strides = array<i32>} : memref<16x512xf32, #tpu.memory_space<vmem>>, vector<1x16xf32>,
        %swap3A_528 = vector.shape_cast %swap3A_527 : vector<1x16xf32> to vector<16xf32>
        %swap3A_529 = vector.shape_cast %mul3A_524 : vector<16xf32> to vector<1x16xf32>
        tpu.vector_store %arg13[%swap3A_525, %swap3A_526], %swap3A_529 {strides = array<i32>} : memref<16x512xf32, #tpu.memory_space<vmem>>, vector<1x16xf32>,
        %get3A_530 = arith.index_cast %scan3A_327 : i32 to index
        %get3A_531 = arith.constant 272 : index
        %get3A_532 = tpu.vector_load %arg13[%get3A_530, %get3A_531] {strides = array<i32>} : memref<16x512xf32, #tpu.memory_space<vmem>>, vector<1x16xf32>,
        %get3A_533 = vector.shape_cast %get3A_532 : vector<1x16xf32> to vector<16xf32>
        %mul3A_534 = arith.constant 22.6274166 : f32
        %mul3A_535 = vector.broadcast %mul3A_534 : f32 to vector<16xf32>
        %mul3A_536 = arith.mulf %get3A_533, %mul3A_535 : vector<16xf32>
        %swap3A_537 = arith.index_cast %scan3A_327 : i32 to index
        %swap3A_538 = arith.constant 272 : index
        %swap3A_539 = tpu.vector_load %arg13[%swap3A_537, %swap3A_538] {strides = array<i32>} : memref<16x512xf32, #tpu.memory_space<vmem>>, vector<1x16xf32>,
        %swap3A_540 = vector.shape_cast %swap3A_539 : vector<1x16xf32> to vector<16xf32>
        %swap3A_541 = vector.shape_cast %mul3A_536 : vector<16xf32> to vector<1x16xf32>
        tpu.vector_store %arg13[%swap3A_537, %swap3A_538], %swap3A_541 {strides = array<i32>} : memref<16x512xf32, #tpu.memory_space<vmem>>, vector<1x16xf32>,
        %get3A_542 = arith.index_cast %scan3A_327 : i32 to index
        %get3A_543 = arith.constant 288 : index
        %get3A_544 = tpu.vector_load %arg13[%get3A_542, %get3A_543] {strides = array<i32>} : memref<16x512xf32, #tpu.memory_space<vmem>>, vector<1x16xf32>,
        %get3A_545 = vector.shape_cast %get3A_544 : vector<1x16xf32> to vector<16xf32>
        %mul3A_546 = arith.constant 22.6274166 : f32
        %mul3A_547 = vector.broadcast %mul3A_546 : f32 to vector<16xf32>
        %mul3A_548 = arith.mulf %get3A_545, %mul3A_547 : vector<16xf32>
        %swap3A_549 = arith.index_cast %scan3A_327 : i32 to index
        %swap3A_550 = arith.constant 288 : index
        %swap3A_551 = tpu.vector_load %arg13[%swap3A_549, %swap3A_550] {strides = array<i32>} : memref<16x512xf32, #tpu.memory_space<vmem>>, vector<1x16xf32>,
        %swap3A_552 = vector.shape_cast %swap3A_551 : vector<1x16xf32> to vector<16xf32>
        %swap3A_553 = vector.shape_cast %mul3A_548 : vector<16xf32> to vector<1x16xf32>
        tpu.vector_store %arg13[%swap3A_549, %swap3A_550], %swap3A_553 {strides = array<i32>} : memref<16x512xf32, #tpu.memory_space<vmem>>, vector<1x16xf32>,
        %get3A_554 = arith.index_cast %scan3A_327 : i32 to index
        %get3A_555 = arith.constant 304 : index
        %get3A_556 = tpu.vector_load %arg13[%get3A_554, %get3A_555] {strides = array<i32>} : memref<16x512xf32, #tpu.memory_space<vmem>>, vector<1x16xf32>,
        %get3A_557 = vector.shape_cast %get3A_556 : vector<1x16xf32> to vector<16xf32>
        %mul3A_558 = arith.constant 22.6274166 : f32
        %mul3A_559 = vector.broadcast %mul3A_558 : f32 to vector<16xf32>
        %mul3A_560 = arith.mulf %get3A_557, %mul3A_559 : vector<16xf32>
        %swap3A_561 = arith.index_cast %scan3A_327 : i32 to index
        %swap3A_562 = arith.constant 304 : index
        %swap3A_563 = tpu.vector_load %arg13[%swap3A_561, %swap3A_562] {strides = array<i32>} : memref<16x512xf32, #tpu.memory_space<vmem>>, vector<1x16xf32>,
        %swap3A_564 = vector.shape_cast %swap3A_563 : vector<1x16xf32> to vector<16xf32>
        %swap3A_565 = vector.shape_cast %mul3A_560 : vector<16xf32> to vector<1x16xf32>
        tpu.vector_store %arg13[%swap3A_561, %swap3A_562], %swap3A_565 {strides = array<i32>} : memref<16x512xf32, #tpu.memory_space<vmem>>, vector<1x16xf32>,
        %get3A_566 = arith.index_cast %scan3A_327 : i32 to index
        %get3A_567 = arith.constant 320 : index
        %get3A_568 = tpu.vector_load %arg13[%get3A_566, %get3A_567] {strides = array<i32>} : memref<16x512xf32, #tpu.memory_space<vmem>>, vector<1x16xf32>,
        %get3A_569 = vector.shape_cast %get3A_568 : vector<1x16xf32> to vector<16xf32>
        %mul3A_570 = arith.constant 22.6274166 : f32
        %mul3A_571 = vector.broadcast %mul3A_570 : f32 to vector<16xf32>
        %mul3A_572 = arith.mulf %get3A_569, %mul3A_571 : vector<16xf32>
        %swap3A_573 = arith.index_cast %scan3A_327 : i32 to index
        %swap3A_574 = arith.constant 320 : index
        %swap3A_575 = tpu.vector_load %arg13[%swap3A_573, %swap3A_574] {strides = array<i32>} : memref<16x512xf32, #tpu.memory_space<vmem>>, vector<1x16xf32>,
        %swap3A_576 = vector.shape_cast %swap3A_575 : vector<1x16xf32> to vector<16xf32>
        %swap3A_577 = vector.shape_cast %mul3A_572 : vector<16xf32> to vector<1x16xf32>
        tpu.vector_store %arg13[%swap3A_573, %swap3A_574], %swap3A_577 {strides = array<i32>} : memref<16x512xf32, #tpu.memory_space<vmem>>, vector<1x16xf32>,
        %get3A_578 = arith.index_cast %scan3A_327 : i32 to index
        %get3A_579 = arith.constant 336 : index
        %get3A_580 = tpu.vector_load %arg13[%get3A_578, %get3A_579] {strides = array<i32>} : memref<16x512xf32, #tpu.memory_space<vmem>>, vector<1x16xf32>,
        %get3A_581 = vector.shape_cast %get3A_580 : vector<1x16xf32> to vector<16xf32>
        %mul3A_582 = arith.constant 22.6274166 : f32
        %mul3A_583 = vector.broadcast %mul3A_582 : f32 to vector<16xf32>
        %mul3A_584 = arith.mulf %get3A_581, %mul3A_583 : vector<16xf32>
        %swap3A_585 = arith.index_cast %scan3A_327 : i32 to index
        %swap3A_586 = arith.constant 336 : index
        %swap3A_587 = tpu.vector_load %arg13[%swap3A_585, %swap3A_586] {strides = array<i32>} : memref<16x512xf32, #tpu.memory_space<vmem>>, vector<1x16xf32>,
        %swap3A_588 = vector.shape_cast %swap3A_587 : vector<1x16xf32> to vector<16xf32>
        %swap3A_589 = vector.shape_cast %mul3A_584 : vector<16xf32> to vector<1x16xf32>
        tpu.vector_store %arg13[%swap3A_585, %swap3A_586], %swap3A_589 {strides = array<i32>} : memref<16x512xf32, #tpu.memory_space<vmem>>, vector<1x16xf32>,
        %get3A_590 = arith.index_cast %scan3A_327 : i32 to index
        %get3A_591 = arith.constant 352 : index
        %get3A_592 = tpu.vector_load %arg13[%get3A_590, %get3A_591] {strides = array<i32>} : memref<16x512xf32, #tpu.memory_space<vmem>>, vector<1x16xf32>,
        %get3A_593 = vector.shape_cast %get3A_592 : vector<1x16xf32> to vector<16xf32>
        %mul3A_594 = arith.constant 22.6274166 : f32
        %mul3A_595 = vector.broadcast %mul3A_594 : f32 to vector<16xf32>
        %mul3A_596 = arith.mulf %get3A_593, %mul3A_595 : vector<16xf32>
        %swap3A_597 = arith.index_cast %scan3A_327 : i32 to index
        %swap3A_598 = arith.constant 352 : index
        %swap3A_599 = tpu.vector_load %arg13[%swap3A_597, %swap3A_598] {strides = array<i32>} : memref<16x512xf32, #tpu.memory_space<vmem>>, vector<1x16xf32>,
        %swap3A_600 = vector.shape_cast %swap3A_599 : vector<1x16xf32> to vector<16xf32>
        %swap3A_601 = vector.shape_cast %mul3A_596 : vector<16xf32> to vector<1x16xf32>
        tpu.vector_store %arg13[%swap3A_597, %swap3A_598], %swap3A_601 {strides = array<i32>} : memref<16x512xf32, #tpu.memory_space<vmem>>, vector<1x16xf32>,
        %get3A_602 = arith.index_cast %scan3A_327 : i32 to index
        %get3A_603 = arith.constant 368 : index
        %get3A_604 = tpu.vector_load %arg13[%get3A_602, %get3A_603] {strides = array<i32>} : memref<16x512xf32, #tpu.memory_space<vmem>>, vector<1x16xf32>,
        %get3A_605 = vector.shape_cast %get3A_604 : vector<1x16xf32> to vector<16xf32>
        %mul3A_606 = arith.constant 22.6274166 : f32
        %mul3A_607 = vector.broadcast %mul3A_606 : f32 to vector<16xf32>
        %mul3A_608 = arith.mulf %get3A_605, %mul3A_607 : vector<16xf32>
        %swap3A_609 = arith.index_cast %scan3A_327 : i32 to index
        %swap3A_610 = arith.constant 368 : index
        %swap3A_611 = tpu.vector_load %arg13[%swap3A_609, %swap3A_610] {strides = array<i32>} : memref<16x512xf32, #tpu.memory_space<vmem>>, vector<1x16xf32>,
        %swap3A_612 = vector.shape_cast %swap3A_611 : vector<1x16xf32> to vector<16xf32>
        %swap3A_613 = vector.shape_cast %mul3A_608 : vector<16xf32> to vector<1x16xf32>
        tpu.vector_store %arg13[%swap3A_609, %swap3A_610], %swap3A_613 {strides = array<i32>} : memref<16x512xf32, #tpu.memory_space<vmem>>, vector<1x16xf32>,
        %get3A_614 = arith.index_cast %scan3A_327 : i32 to index
        %get3A_615 = arith.constant 384 : index
        %get3A_616 = tpu.vector_load %arg13[%get3A_614, %get3A_615] {strides = array<i32>} : memref<16x512xf32, #tpu.memory_space<vmem>>, vector<1x16xf32>,
        %get3A_617 = vector.shape_cast %get3A_616 : vector<1x16xf32> to vector<16xf32>
        %mul3A_618 = arith.constant 22.6274166 : f32
        %mul3A_619 = vector.broadcast %mul3A_618 : f32 to vector<16xf32>
        %mul3A_620 = arith.mulf %get3A_617, %mul3A_619 : vector<16xf32>
        %swap3A_621 = arith.index_cast %scan3A_327 : i32 to index
        %swap3A_622 = arith.constant 384 : index
        %swap3A_623 = tpu.vector_load %arg13[%swap3A_621, %swap3A_622] {strides = array<i32>} : memref<16x512xf32, #tpu.memory_space<vmem>>, vector<1x16xf32>,
        %swap3A_624 = vector.shape_cast %swap3A_623 : vector<1x16xf32> to vector<16xf32>
        %swap3A_625 = vector.shape_cast %mul3A_620 : vector<16xf32> to vector<1x16xf32>
        tpu.vector_store %arg13[%swap3A_621, %swap3A_622], %swap3A_625 {strides = array<i32>} : memref<16x512xf32, #tpu.memory_space<vmem>>, vector<1x16xf32>,
        %get3A_626 = arith.index_cast %scan3A_327 : i32 to index
        %get3A_627 = arith.constant 400 : index
        %get3A_628 = tpu.vector_load %arg13[%get3A_626, %get3A_627] {strides = array<i32>} : memref<16x512xf32, #tpu.memory_space<vmem>>, vector<1x16xf32>,
        %get3A_629 = vector.shape_cast %get3A_628 : vector<1x16xf32> to vector<16xf32>
        %mul3A_630 = arith.constant 22.6274166 : f32
        %mul3A_631 = vector.broadcast %mul3A_630 : f32 to vector<16xf32>
        %mul3A_632 = arith.mulf %get3A_629, %mul3A_631 : vector<16xf32>
        %swap3A_633 = arith.index_cast %scan3A_327 : i32 to index
        %swap3A_634 = arith.constant 400 : index
        %swap3A_635 = tpu.vector_load %arg13[%swap3A_633, %swap3A_634] {strides = array<i32>} : memref<16x512xf32, #tpu.memory_space<vmem>>, vector<1x16xf32>,
        %swap3A_636 = vector.shape_cast %swap3A_635 : vector<1x16xf32> to vector<16xf32>
        %swap3A_637 = vector.shape_cast %mul3A_632 : vector<16xf32> to vector<1x16xf32>
        tpu.vector_store %arg13[%swap3A_633, %swap3A_634], %swap3A_637 {strides = array<i32>} : memref<16x512xf32, #tpu.memory_space<vmem>>, vector<1x16xf32>,
        %get3A_638 = arith.index_cast %scan3A_327 : i32 to index
        %get3A_639 = arith.constant 416 : index
        %get3A_640 = tpu.vector_load %arg13[%get3A_638, %get3A_639] {strides = array<i32>} : memref<16x512xf32, #tpu.memory_space<vmem>>, vector<1x16xf32>,
        %get3A_641 = vector.shape_cast %get3A_640 : vector<1x16xf32> to vector<16xf32>
        %mul3A_642 = arith.constant 22.6274166 : f32
        %mul3A_643 = vector.broadcast %mul3A_642 : f32 to vector<16xf32>
        %mul3A_644 = arith.mulf %get3A_641, %mul3A_643 : vector<16xf32>
        %swap3A_645 = arith.index_cast %scan3A_327 : i32 to index
        %swap3A_646 = arith.constant 416 : index
        %swap3A_647 = tpu.vector_load %arg13[%swap3A_645, %swap3A_646] {strides = array<i32>} : memref<16x512xf32, #tpu.memory_space<vmem>>, vector<1x16xf32>,
        %swap3A_648 = vector.shape_cast %swap3A_647 : vector<1x16xf32> to vector<16xf32>
        %swap3A_649 = vector.shape_cast %mul3A_644 : vector<16xf32> to vector<1x16xf32>
        tpu.vector_store %arg13[%swap3A_645, %swap3A_646], %swap3A_649 {strides = array<i32>} : memref<16x512xf32, #tpu.memory_space<vmem>>, vector<1x16xf32>,
        %get3A_650 = arith.index_cast %scan3A_327 : i32 to index
        %get3A_651 = arith.constant 432 : index
        %get3A_652 = tpu.vector_load %arg13[%get3A_650, %get3A_651] {strides = array<i32>} : memref<16x512xf32, #tpu.memory_space<vmem>>, vector<1x16xf32>,
        %get3A_653 = vector.shape_cast %get3A_652 : vector<1x16xf32> to vector<16xf32>
        %mul3A_654 = arith.constant 22.6274166 : f32
        %mul3A_655 = vector.broadcast %mul3A_654 : f32 to vector<16xf32>
        %mul3A_656 = arith.mulf %get3A_653, %mul3A_655 : vector<16xf32>
        %swap3A_657 = arith.index_cast %scan3A_327 : i32 to index
        %swap3A_658 = arith.constant 432 : index
        %swap3A_659 = tpu.vector_load %arg13[%swap3A_657, %swap3A_658] {strides = array<i32>} : memref<16x512xf32, #tpu.memory_space<vmem>>, vector<1x16xf32>,
        %swap3A_660 = vector.shape_cast %swap3A_659 : vector<1x16xf32> to vector<16xf32>
        %swap3A_661 = vector.shape_cast %mul3A_656 : vector<16xf32> to vector<1x16xf32>
        tpu.vector_store %arg13[%swap3A_657, %swap3A_658], %swap3A_661 {strides = array<i32>} : memref<16x512xf32, #tpu.memory_space<vmem>>, vector<1x16xf32>,
        %get3A_662 = arith.index_cast %scan3A_327 : i32 to index
        %get3A_663 = arith.constant 448 : index
        %get3A_664 = tpu.vector_load %arg13[%get3A_662, %get3A_663] {strides = array<i32>} : memref<16x512xf32, #tpu.memory_space<vmem>>, vector<1x16xf32>,
        %get3A_665 = vector.shape_cast %get3A_664 : vector<1x16xf32> to vector<16xf32>
        %mul3A_666 = arith.constant 22.6274166 : f32
        %mul3A_667 = vector.broadcast %mul3A_666 : f32 to vector<16xf32>
        %mul3A_668 = arith.mulf %get3A_665, %mul3A_667 : vector<16xf32>
        %swap3A_669 = arith.index_cast %scan3A_327 : i32 to index
        %swap3A_670 = arith.constant 448 : index
        %swap3A_671 = tpu.vector_load %arg13[%swap3A_669, %swap3A_670] {strides = array<i32>} : memref<16x512xf32, #tpu.memory_space<vmem>>, vector<1x16xf32>,
        %swap3A_672 = vector.shape_cast %swap3A_671 : vector<1x16xf32> to vector<16xf32>
        %swap3A_673 = vector.shape_cast %mul3A_668 : vector<16xf32> to vector<1x16xf32>
        tpu.vector_store %arg13[%swap3A_669, %swap3A_670], %swap3A_673 {strides = array<i32>} : memref<16x512xf32, #tpu.memory_space<vmem>>, vector<1x16xf32>,
        %get3A_674 = arith.index_cast %scan3A_327 : i32 to index
        %get3A_675 = arith.constant 464 : index
        %get3A_676 = tpu.vector_load %arg13[%get3A_674, %get3A_675] {strides = array<i32>} : memref<16x512xf32, #tpu.memory_space<vmem>>, vector<1x16xf32>,
        %get3A_677 = vector.shape_cast %get3A_676 : vector<1x16xf32> to vector<16xf32>
        %mul3A_678 = arith.constant 22.6274166 : f32
        %mul3A_679 = vector.broadcast %mul3A_678 : f32 to vector<16xf32>
        %mul3A_680 = arith.mulf %get3A_677, %mul3A_679 : vector<16xf32>
        %swap3A_681 = arith.index_cast %scan3A_327 : i32 to index
        %swap3A_682 = arith.constant 464 : index
        %swap3A_683 = tpu.vector_load %arg13[%swap3A_681, %swap3A_682] {strides = array<i32>} : memref<16x512xf32, #tpu.memory_space<vmem>>, vector<1x16xf32>,
        %swap3A_684 = vector.shape_cast %swap3A_683 : vector<1x16xf32> to vector<16xf32>
        %swap3A_685 = vector.shape_cast %mul3A_680 : vector<16xf32> to vector<1x16xf32>
        tpu.vector_store %arg13[%swap3A_681, %swap3A_682], %swap3A_685 {strides = array<i32>} : memref<16x512xf32, #tpu.memory_space<vmem>>, vector<1x16xf32>,
        %get3A_686 = arith.index_cast %scan3A_327 : i32 to index
        %get3A_687 = arith.constant 480 : index
        %get3A_688 = tpu.vector_load %arg13[%get3A_686, %get3A_687] {strides = array<i32>} : memref<16x512xf32, #tpu.memory_space<vmem>>, vector<1x16xf32>,
        %get3A_689 = vector.shape_cast %get3A_688 : vector<1x16xf32> to vector<16xf32>
        %mul3A_690 = arith.constant 22.6274166 : f32
        %mul3A_691 = vector.broadcast %mul3A_690 : f32 to vector<16xf32>
        %mul3A_692 = arith.mulf %get3A_689, %mul3A_691 : vector<16xf32>
        %swap3A_693 = arith.index_cast %scan3A_327 : i32 to index
        %swap3A_694 = arith.constant 480 : index
        %swap3A_695 = tpu.vector_load %arg13[%swap3A_693, %swap3A_694] {strides = array<i32>} : memref<16x512xf32, #tpu.memory_space<vmem>>, vector<1x16xf32>,
        %swap3A_696 = vector.shape_cast %swap3A_695 : vector<1x16xf32> to vector<16xf32>
        %swap3A_697 = vector.shape_cast %mul3A_692 : vector<16xf32> to vector<1x16xf32>
        tpu.vector_store %arg13[%swap3A_693, %swap3A_694], %swap3A_697 {strides = array<i32>} : memref<16x512xf32, #tpu.memory_space<vmem>>, vector<1x16xf32>,
        %get3A_698 = arith.index_cast %scan3A_327 : i32 to index
        %get3A_699 = arith.constant 496 : index
        %get3A_700 = tpu.vector_load %arg13[%get3A_698, %get3A_699] {strides = array<i32>} : memref<16x512xf32, #tpu.memory_space<vmem>>, vector<1x16xf32>,
        %get3A_701 = vector.shape_cast %get3A_700 : vector<1x16xf32> to vector<16xf32>
        %mul3A_702 = arith.constant 22.6274166 : f32
        %mul3A_703 = vector.broadcast %mul3A_702 : f32 to vector<16xf32>
        %mul3A_704 = arith.mulf %get3A_701, %mul3A_703 : vector<16xf32>
        %swap3A_705 = arith.index_cast %scan3A_327 : i32 to index
        %swap3A_706 = arith.constant 496 : index
        %swap3A_707 = tpu.vector_load %arg13[%swap3A_705, %swap3A_706] {strides = array<i32>} : memref<16x512xf32, #tpu.memory_space<vmem>>, vector<1x16xf32>,
        %swap3A_708 = vector.shape_cast %swap3A_707 : vector<1x16xf32> to vector<16xf32>
        %swap3A_709 = vector.shape_cast %mul3A_704 : vector<16xf32> to vector<1x16xf32>
        tpu.vector_store %arg13[%swap3A_705, %swap3A_706], %swap3A_709 {strides = array<i32>} : memref<16x512xf32, #tpu.memory_space<vmem>>, vector<1x16xf32>,
      }
      %scan3A_314 = arith.constant 16 : i32
      %mul3A_315 = arith.constant 16 : i32
      %mul3A_316 = arith.muli %add3A_303, %mul3A_315 : i32
      %add3A_317 = arith.addi %mul3A_34, %mul3A_316 : i32
      %dma_start3A_318 = arith.constant 0 : i32
      %dma_start3A_319 = tpu.memref_slice %arg4[%add3A_317, %dma_start3A_318] : memref<16384x512xf32, #tpu.memory_space<hbm>> -> memref<16x512xf32, #tpu.memory_space<hbm>>
      %dma_start3A_320 = arith.constant 0 : i32
      %dma_start3A_321 = tpu.memref_slice %arg4[%add3A_317, %dma_start3A_320] : memref<16384x512xf32, #tpu.memory_space<hbm>> -> memref<16x512xf32, #tpu.memory_space<hbm>>
      tpu.enqueue_dma source(%arg13 : memref<16x512xf32, #tpu.memory_space<vmem>>) target(%dma_start3A_321 : memref<16x512xf32, #tpu.memory_space<hbm>>) target_semaphore(%arg29 : memref<!tpu.dma_semaphore, #tpu.memory_space<semaphore_mem>>)
      %lt3A_322 = arith.constant 3 : i32
      %lt3A_323 = arith.cmpi slt, %scan3A_126, %lt3A_322 : i32
      %convert_element_type3A_324 = arith.extui %lt3A_323 : i1 to i32
      %cond3A_325 = arith.constant 0 : i32
      %cond3A_326 = arith.cmpi ne, %convert_element_type3A_324, %cond3A_325 : i32
      scf.if %cond3A_326 {
        %dma_wait3A_327 = arith.constant 0 : i32
        %dma_wait3A_328 = arith.constant 0 : i32
        %dma_wait3A_329 = tpu.memref_slice %arg4[%dma_wait3A_327, %dma_wait3A_328] : memref<16384x512xf32, #tpu.memory_space<hbm>> -> memref<16x512xf32, #tpu.memory_space<hbm>>
        %dma_wait3A_330 = arith.constant 0 : i32
        %dma_wait3A_331 = arith.constant 0 : i32
        %dma_wait3A_332 = tpu.memref_slice %arg4[%dma_wait3A_330, %dma_wait3A_331] : memref<16384x512xf32, #tpu.memory_space<hbm>> -> memref<16x512xf32, #tpu.memory_space<hbm>>
        tpu.wait_dma2 semaphore(%arg29 : memref<!tpu.dma_semaphore, #tpu.memory_space<semaphore_mem>>) src(%arg13 : memref<16x512xf32, #tpu.memory_space<vmem>>) dst(%dma_wait3A_332 : memref<16x512xf32, #tpu.memory_space<hbm>>)
        %add3A_333 = arith.constant 8 : i32
        %add3A_334 = arith.addi %add3A_303, %add3A_333 : i32
        %mul3A_335 = arith.constant 16 : i32
        %mul3A_336 = arith.muli %add3A_334, %mul3A_335 : i32
        %dma_start3A_337 = tpu.memref_slice %arg5[%mul3A_336] : memref<512xi32, #tpu.memory_space<vmem>> -> memref<16xi32, #tpu.memory_space<vmem>>
        %dma_start3A_338 = arith.constant 0 : i32
        %dma_start3A_339 = arith.constant 0 : i32
        %dma_start3A_340 = tpu.memref_slice %arg3[%dma_start3A_338, %dma_start3A_339] : memref<100000x512xf32, #tpu.memory_space<hbm>> -> memref<100000x512xf32, #tpu.memory_space<hbm>>
        tpu.enqueue_indirect_dma source(%dma_start3A_340 : memref<100000x512xf32, #tpu.memory_space<hbm>>) target(%arg13 : memref<16x512xf32, #tpu.memory_space<vmem>>) offsets(%dma_start3A_337 : memref<16xi32, #tpu.memory_space<vmem>>) semaphore(%arg21 : memref<!tpu.dma_semaphore, #tpu.memory_space<semaphore_mem>>)
      } else {
      }
    }
    %scan3A_78 = arith.constant 4 : i32
    %dma_wait3A = arith.constant 0 : i32
    %dma_wait3A_79 = arith.constant 0 : i32
    %dma_wait3A_80 = tpu.memref_slice %arg4[%dma_wait3A, %dma_wait3A_79] : memref<16384x512xf32, #tpu.memory_space<hbm>> -> memref<16x512xf32, #tpu.memory_space<hbm>>
    %dma_wait3A_81 = arith.constant 0 : i32
    %dma_wait3A_82 = arith.constant 0 : i32
    %dma_wait3A_83 = tpu.memref_slice %arg4[%dma_wait3A_81, %dma_wait3A_82] : memref<16384x512xf32, #tpu.memory_space<hbm>> -> memref<16x512xf32, #tpu.memory_space<hbm>>
    tpu.wait_dma2 semaphore(%arg22 : memref<!tpu.dma_semaphore, #tpu.memory_space<semaphore_mem>>) src(%arg6 : memref<16x512xf32, #tpu.memory_space<vmem>>) dst(%dma_wait3A_83 : memref<16x512xf32, #tpu.memory_space<hbm>>)
    %dma_wait3A_84 = arith.constant 0 : i32
    %dma_wait3A_85 = arith.constant 0 : i32
    %dma_wait3A_86 = tpu.memref_slice %arg4[%dma_wait3A_84, %dma_wait3A_85] : memref<16384x512xf32, #tpu.memory_space<hbm>> -> memref<16x512xf32, #tpu.memory_space<hbm>>
    %dma_wait3A_87 = arith.constant 0 : i32
    %dma_wait3A_88 = arith.constant 0 : i32
    %dma_wait3A_89 = tpu.memref_slice %arg4[%dma_wait3A_87, %dma_wait3A_88] : memref<16384x512xf32, #tpu.memory_space<hbm>> -> memref<16x512xf32, #tpu.memory_space<hbm>>
    tpu.wait_dma2 semaphore(%arg23 : memref<!tpu.dma_semaphore, #tpu.memory_space<semaphore_mem>>) src(%arg7 : memref<16x512xf32, #tpu.memory_space<vmem>>) dst(%dma_wait3A_89 : memref<16x512xf32, #tpu.memory_space<hbm>>)
    %dma_wait3A_90 = arith.constant 0 : i32
    %dma_wait3A_91 = arith.constant 0 : i32
    %dma_wait3A_92 = tpu.memref_slice %arg4[%dma_wait3A_90, %dma_wait3A_91] : memref<16384x512xf32, #tpu.memory_space<hbm>> -> memref<16x512xf32, #tpu.memory_space<hbm>>
    %dma_wait3A_93 = arith.constant 0 : i32
    %dma_wait3A_94 = arith.constant 0 : i32
    %dma_wait3A_95 = tpu.memref_slice %arg4[%dma_wait3A_93, %dma_wait3A_94] : memref<16384x512xf32, #tpu.memory_space<hbm>> -> memref<16x512xf32, #tpu.memory_space<hbm>>
    tpu.wait_dma2 semaphore(%arg24 : memref<!tpu.dma_semaphore, #tpu.memory_space<semaphore_mem>>) src(%arg8 : memref<16x512xf32, #tpu.memory_space<vmem>>) dst(%dma_wait3A_95 : memref<16x512xf32, #tpu.memory_space<hbm>>)
    %dma_wait3A_96 = arith.constant 0 : i32
    %dma_wait3A_97 = arith.constant 0 : i32
    %dma_wait3A_98 = tpu.memref_slice %arg4[%dma_wait3A_96, %dma_wait3A_97] : memref<16384x512xf32, #tpu.memory_space<hbm>> -> memref<16x512xf32, #tpu.memory_space<hbm>>
    %dma_wait3A_99 = arith.constant 0 : i32
    %dma_wait3A_100 = arith.constant 0 : i32
    %dma_wait3A_101 = tpu.memref_slice %arg4[%dma_wait3A_99, %dma_wait3A_100] : memref<16384x512xf32, #tpu.memory_space<hbm>> -> memref<16x512xf32, #tpu.memory_space<hbm>>
    tpu.wait_dma2 semaphore(%arg25 : memref<!tpu.dma_semaphore, #tpu.memory_space<semaphore_mem>>) src(%arg9 : memref<16x512xf32, #tpu.memory_space<vmem>>) dst(%dma_wait3A_101 : memref<16x512xf32, #tpu.memory_space<hbm>>)
    %dma_wait3A_102 = arith.constant 0 : i32
    %dma_wait3A_103 = arith.constant 0 : i32
    %dma_wait3A_104 = tpu.memref_slice %arg4[%dma_wait3A_102, %dma_wait3A_103] : memref<16384x512xf32, #tpu.memory_space<hbm>> -> memref<16x512xf32, #tpu.memory_space<hbm>>
    %dma_wait3A_105 = arith.constant 0 : i32
    %dma_wait3A_106 = arith.constant 0 : i32
    %dma_wait3A_107 = tpu.memref_slice %arg4[%dma_wait3A_105, %dma_wait3A_106] : memref<16384x512xf32, #tpu.memory_space<hbm>> -> memref<16x512xf32, #tpu.memory_space<hbm>>
    tpu.wait_dma2 semaphore(%arg26 : memref<!tpu.dma_semaphore, #tpu.memory_space<semaphore_mem>>) src(%arg10 : memref<16x512xf32, #tpu.memory_space<vmem>>) dst(%dma_wait3A_107 : memref<16x512xf32, #tpu.memory_space<hbm>>)
    %dma_wait3A_108 = arith.constant 0 : i32
    %dma_wait3A_109 = arith.constant 0 : i32
    %dma_wait3A_110 = tpu.memref_slice %arg4[%dma_wait3A_108, %dma_wait3A_109] : memref<16384x512xf32, #tpu.memory_space<hbm>> -> memref<16x512xf32, #tpu.memory_space<hbm>>
    %dma_wait3A_111 = arith.constant 0 : i32
    %dma_wait3A_112 = arith.constant 0 : i32
    %dma_wait3A_113 = tpu.memref_slice %arg4[%dma_wait3A_111, %dma_wait3A_112] : memref<16384x512xf32, #tpu.memory_space<hbm>> -> memref<16x512xf32, #tpu.memory_space<hbm>>
    tpu.wait_dma2 semaphore(%arg27 : memref<!tpu.dma_semaphore, #tpu.memory_space<semaphore_mem>>) src(%arg11 : memref<16x512xf32, #tpu.memory_space<vmem>>) dst(%dma_wait3A_113 : memref<16x512xf32, #tpu.memory_space<hbm>>)
    %dma_wait3A_114 = arith.constant 0 : i32
    %dma_wait3A_115 = arith.constant 0 : i32
    %dma_wait3A_116 = tpu.memref_slice %arg4[%dma_wait3A_114, %dma_wait3A_115] : memref<16384x512xf32, #tpu.memory_space<hbm>> -> memref<16x512xf32, #tpu.memory_space<hbm>>
    %dma_wait3A_117 = arith.constant 0 : i32
    %dma_wait3A_118 = arith.constant 0 : i32
    %dma_wait3A_119 = tpu.memref_slice %arg4[%dma_wait3A_117, %dma_wait3A_118] : memref<16384x512xf32, #tpu.memory_space<hbm>> -> memref<16x512xf32, #tpu.memory_space<hbm>>
    tpu.wait_dma2 semaphore(%arg28 : memref<!tpu.dma_semaphore, #tpu.memory_space<semaphore_mem>>) src(%arg12 : memref<16x512xf32, #tpu.memory_space<vmem>>) dst(%dma_wait3A_119 : memref<16x512xf32, #tpu.memory_space<hbm>>)
    %dma_wait3A_120 = arith.constant 0 : i32
    %dma_wait3A_121 = arith.constant 0 : i32
    %dma_wait3A_122 = tpu.memref_slice %arg4[%dma_wait3A_120, %dma_wait3A_121] : memref<16384x512xf32, #tpu.memory_space<hbm>> -> memref<16x512xf32, #tpu.memory_space<hbm>>
    %dma_wait3A_123 = arith.constant 0 : i32
    %dma_wait3A_124 = arith.constant 0 : i32
    %dma_wait3A_125 = tpu.memref_slice %arg4[%dma_wait3A_123, %dma_wait3A_124] : memref<16384x512xf32, #tpu.memory_space<hbm>> -> memref<16x512xf32, #tpu.memory_space<hbm>>
    tpu.wait_dma2 semaphore(%arg29 : memref<!tpu.dma_semaphore, #tpu.memory_space<semaphore_mem>>) src(%arg13 : memref<16x512xf32, #tpu.memory_space<vmem>>) dst(%dma_wait3A_125 : memref<16x512xf32, #tpu.memory_space<hbm>>)
    return
  }
}

</mosaic_0001>

<sc_bundles>
// kernel: kernel.3.cloned.1.call-start
scs
__scs_entry_jumppad:
0x0: {  	(pc) =	sbr.rel $0x88, $3  }
0x1: {  	(tag) =	ssettag $0x0;
	lr =	simm.s32 $0x1  }
0x2: {  	[smem:$0x3F9F] =	sst lr;
	_ =	strace $0xD0000000  }
0x3: {  	_ = 	snop  }
0x4: {  	_ = 	snop  }
0x5: {  	_ = 	snop  }
0x6: {  	_ = 	snop  }
0x7: {  	_ = 	snop  }
__scs_overlays_trampoline_lowered:
0x8: {  	[smem:$0x3FAE] =	sst s0  }
0x9: {  	[smem:$0x3FAF] =	sst s1  }
0xa: {  	[smem:$0x3FB0] =	sst s2  }
0xb: {  	[smem:$0x3FB1] =	sst s3  }
0xc: {  	[smem:$0x3FB2] =	sst s4  }
0xd: {  	[smem:$0x3FB3] =	sst s5  }
0xe: {  	[smem:$0x3FB4] =	sst s6  }
0xf: {  	[smem:$0x3FB5] =	sst s7  }
0x10: {  	[smem:$0x3FB6] =	sst s8  }
0x11: {  	[smem:$0x3FB7] =	sst s9;
	s0 =	simm.s32 @!p0 $0x0  }
0x12: {  	s1 =	sld [smem:$0x3F9D];
	s0 =	simm.s32 @p0 $0x1  }
0x13: {  	[smem:$0x3FB8] =	sst s0;
	s0 =	simm.s32 @!p1 $0x0  }
0x14: {  	s2 =	sld [smem:$0x3F9C];
	s0 =	simm.s32 @p1 $0x1  }
0x15: {  	[smem:$0x3FB9] =	sst s0;
	s0 =	simm.s32 @!p2 $0x0  }
0x16: {  	s3 =	sld [smem:$0x3FDB];
	s0 =	simm.s32 @p2 $0x1  }
0x17: {  	s4 =	simm.s32 $0x1BF5;
	[smem:$0x3FBB] =	sst s0  }
0x18: {  	s0 =	sld [smem:$0x3F9E];
	_ =	swait.ge [sflag:s4], $0x0  }
0x19: {  	s7 =	sld [smem:$0x3F9F]  }
0x1a: {  	s8 =	sadd.s32 $0xFFFFE003, lr  }
0x1b: {  	s9 =	sadd.s32 $0xFFFFFEF7, lr;
	s5 =	simm.s32 $0xFFFFFFFF;
	p2 =	slt.u32 s8, $0xFFFFF086  }
0x1c: {  	p1 =	slt.u32 s9, $0xF7A;
	s5 =	simm.s32 @!p2 $0x0  }
0x1d: {  	s5 =	simm.s32 @p1 $0x1;
	p0 =	seq.s32 s7, s2  }
0x1e: {  	s7 =	smul.u32 @!p0 $0xF7A, s2;
	p2 =	seq.s32 @!p0 s5, $0x0  }
0x1f: {  	s9 =	smul.u32 $0xF7A, s1;
	s8 =	simm.s32 @!p0 $0x1BF5;
	p2 =	por !p2, p0  }
0x20: {  	[sflag:s8] =	ssyncset.s32 @!p0 $0xFFFFF086;
	s6 =	sadd.s32 @!p0 s3, s7;
	s7 =	simm.s32 @!p0 $0x108  }
0x21: {  	s3 =	sadd.s32 s3, s9;
	s6 =	sadd.s32 @!p0 $0x88, s6;
	s7 =	simm.s32 @p2 $0x1082  }
0x22: {  	[simem:s7], [sflag:s8] =	dma.local @!p0 [hbm:s6], $0xF7A  }
0x23: {  	s9 =	sor.u32 $0xD0000000, s2;
	s6 =	simm.s32 $0x108;
	_ =	swait.ge @!p0 [sflag:s8], $0x0  }
0x24: {  	s3 =	sadd.s32 $0x88, s3;
	s6 =	simm.s32 @!p1 $0x1082;
	[sflag:s4] =	ssyncset.s32 $0xFFFFF086  }
0x25: {  	[simem:s6], [sflag:s4] =	dma.local [hbm:s3], $0xF7A  }
0x26: {  	[smem:$0x3F9F] =	sst s1;
	(tag) =	ssettag s2;
	_ =	strace s9  }
0x27: {  	s1 =	sld [smem:$0x3FAF]  }
0x28: {  	s2 =	sld [smem:$0x3FB0]  }
0x29: {  	s4 =	sld [smem:$0x3FB2]  }
0x2a: {  	p0 =	seq.s32 s5, $0x0;
	s5 =	sld [smem:$0x3FB3]  }
0x2b: {  	s6 =	sld [smem:$0x3FB4]  }
0x2c: {  	s7 =	sld [smem:$0x3FB5]  }
0x2d: {  	s3 =	simm.s32 $0x108;
	s8 =	sld [smem:$0x3FB6]  }
0x2e: {  	s3 =	simm.s32 @!p0 $0x1082;
	s9 =	sld [smem:$0x3FB7]  }
0x2f: {  	lr =	sadd.s32 s0, s3;
	s0 =	sld [smem:$0x3FAE]  }
0x30: {  	s3 =	sld [smem:$0x3FB1]  }
0x31: {  	[smem:$0x3FBA] =	sst s10  }
0x32: {  	s10 =	sld [smem:$0x3FB8];
	_ =	sdelay $0x3  }
0x33: {  	p0 =	seq.s32 s10, $0x1;
	s10 =	sld [smem:$0x3FBA];
	_ =	sdelay $0x3  }
0x34: {  	[smem:$0x3FBA] =	sst s10  }
0x35: {  	s10 =	sld [smem:$0x3FB9];
	_ =	sdelay $0x3  }
0x36: {  	p1 =	seq.s32 s10, $0x1;
	s10 =	sld [smem:$0x3FBA];
	_ =	sdelay $0x3  }
0x37: {  	[smem:$0x3FBA] =	sst s10  }
0x38: {  	s10 =	sld [smem:$0x3FBB]  }
0x39: {  	_ = 	snop;
	(pc) =	sbr.ind lr, $3  }
0x3a: {  	_ = 	snop  }
0x3b: {  	_ = 	snop  }
0x3c: {  	p2 =	seq.s32 s10, $0x1;
	s10 =	sld [smem:$0x3FBA]  }
0x3d: {  	_ =	shalt  }
0x3e: {  	_ =	shalt  }
0x3f: {  	_ =	shalt  }
0x40: {  	_ =	shalt  }
0x41: {  	_ =	shalt  }
0x42: {  	_ =	shalt  }
0x43: {  	_ =	shalt  }
0x44: {  	_ =	shalt  }
0x45: {  	_ =	shalt  }
0x46: {  	_ =	shalt  }
0x47: {  	_ =	shalt  }
0x48: {  	_ =	shalt  }
0x49: {  	_ =	shalt  }
0x4a: {  	_ =	shalt  }
0x4b: {  	_ =	shalt  }
0x4c: {  	_ =	shalt  }
0x4d: {  	_ =	shalt  }
0x4e: {  	_ =	shalt  }
0x4f: {  	_ =	shalt  }
0x50: {  	_ =	shalt  }
0x51: {  	_ =	shalt  }
0x52: {  	_ =	shalt  }
0x53: {  	_ =	shalt  }
0x54: {  	_ =	shalt  }
0x55: {  	_ =	shalt  }
0x56: {  	_ =	shalt  }
0x57: {  	_ =	shalt  }
0x58: {  	_ =	shalt  }
0x59: {  	_ =	shalt  }
0x5a: {  	_ =	shalt  }
0x5b: {  	_ =	shalt  }
0x5c: {  	_ =	shalt  }
0x5d: {  	_ =	shalt  }
0x5e: {  	_ =	shalt  }
0x5f: {  	_ =	shalt  }
0x60: {  	_ =	shalt  }
0x61: {  	_ =	shalt  }
0x62: {  	_ =	shalt  }
0x63: {  	_ =	shalt  }
0x64: {  	_ =	shalt  }
0x65: {  	_ =	shalt  }
0x66: {  	_ =	shalt  }
0x67: {  	_ =	shalt  }
0x68: {  	_ =	shalt  }
0x69: {  	_ =	shalt  }
0x6a: {  	_ =	shalt  }
0x6b: {  	_ =	shalt  }
0x6c: {  	_ =	shalt  }
0x6d: {  	_ =	shalt  }
0x6e: {  	_ =	shalt  }
0x6f: {  	_ =	shalt  }
0x70: {  	_ =	shalt  }
0x71: {  	_ =	shalt  }
0x72: {  	_ =	shalt  }
0x73: {  	_ =	shalt  }
0x74: {  	_ =	shalt  }
0x75: {  	_ =	shalt  }
0x76: {  	_ =	shalt  }
0x77: {  	_ =	shalt  }
0x78: {  	_ =	shalt  }
0x79: {  	_ =	shalt  }
0x7a: {  	_ =	shalt  }
0x7b: {  	_ =	shalt  }
0x7c: {  	_ =	shalt  }
0x7d: {  	_ =	shalt  }
0x7e: {  	_ =	shalt  }
0x7f: {  	_ =	shalt  }
0x80: {  	_ =	shalt  }
0x81: {  	_ =	shalt  }
0x82: {  	_ =	shalt  }
0x83: {  	_ =	shalt  }
0x84: {  	_ =	shalt  }
0x85: {  	_ =	shalt  }
0x86: {  	_ =	shalt  }
0x87: {  	_ =	shalt  }
.Lfunc_end0:
.L_simem_size_0:
called_computation_lowered:
.L_overlay_start_0:
0x88: {  	s2 =	sld [smem:$0x3FD9]  }
0x89: {  	s3 =	sld [smem:$0x3FFE];
	_ =	sdelay $0x1  }
0x8a: {  	s1 =	srdreg.scid  }
0x8b: {  	s0 =	sand.u32 $0x1, s1  }
0x8c: {  	s18 =	sshll.u32 s0, $0xA;
	s2 =	sadd.s32 s3, s2  }
0x8d: {  	s2 =	sadd.s32 s2, s18  }
0x8e: {  	[smem:$0x3FC6] =	sst s2  }
0x8f: {  	_ = 	snop  }
0x90: {  	s2 =	sld [smem:$0x3FC9]  }
0x91: {  	s19 =	sld [smem:$0x3FC8]  }
0x92: {  	s4 =	sld [smem:$0x3FD0];
	(tm) =	ssettm $0x1  }
0x93: {  	s5 =	sld [smem:$0x3FFB];
	_ =	sdelay $0x3  }
0x94: {  	_ =	strace s5  }
0x95: {  	s5 =	sld [smem:$0x3FFC];
	_ =	sdelay $0x3  }
0x96: {  	_ =	strace s5  }
0x97: {  	s5 =	sld [smem:$0x3FFD];
	_ =	sdelay $0x3  }
0x98: {  	_ =	strace s5  }
0x99: {  	_ =	strace $0x8FFFFFFF  }
0x9a: {  	s20 =	sld [smem:$0x3FDB];
	_ =	sdelay $0x1  }
0x9b: {  	s6 =	simm.s32 $_scs_section_size  }
0x9c: {  	s7 =	simm.s32 $_size__tile_overlayer_lowered;
	s8 =	simm.s32 $_tile_overlayer_lowered  }
0x9d: {  	s23 =	simm.s32 $0x1BFF;
	s22 =	sshll.u32 s8, $0x1;
	s5 =	sadd.s32 s6, s20  }
0x9e: {  	s9 =	simm.s32 $0x0;
	s21 =	sshll.u32 s7, $0x1;
	s7 =	sadd.s32 s22, s5  }
0x9f: {  	[timem:s9], [sflag:s23] =	dma.local [hbm:s7], s21  }
0xa0: {  	_ =	swait.ge [sflag:s23], s21  }
0xa1: {  	s6 =	ssub.s32 $0x0, s21;
	[sflag:s23] =	ssyncset.done $0x0  }
0xa2: {  	[sflag:s23] =	ssyncadd.s32 s6;
	_ =	sdelay $0x1  }
0xa3: {  	s24 =	simm.s32 $0x1B8B  }
0xa4: {  	_ =	swait.ge [sflag:s24], $0x1  }
0xa5: {  	[sflag:s24] =	ssyncset.done $0x0  }
0xa6: {  	s25 =	simm.s32 $0x1B8E;
	[sflag:s24] =	ssyncadd.s32 $0xFFFFFFFF  }
0xa7: {  	s26 =	simm.s32 $execute0_lowered;
	[smem:$0x3FD2] =	sst s25  }
0xa8: {  	s6 =	sshll.u32 s26, $0x1;
	_ =	strace $0x80000046;
	[dreg:$0x1] =	wrdreg $0xFFFFFFFF  }
0xa9: {  	s28 =	simm.s32 $_size_execute0_lowered;
	s5 =	sadd.s32 s5, s6;
	[dreg:$0x0] =	wrdreg $0x0  }
0xaa: {  	s6 =	sshll.u32 s28, $0x1;
	[dreg:$0x2] =	wrdreg s5  }
0xab: {  	[dreg:$0x3] =	wrdreg s6  }
0xac: {  	[dreg:$0x4] =	wrdreg $0xC0  }
0xad: {  	_ =	task [dreg:s9], $0x5FFFF  }
0xae: {  	[dreg:$0x1] =	wrdreg $0xFFFFFFFF  }
0xaf: {  	[dreg:$0x0] =	wrdreg $0x60  }
0xb0: {  	[dreg:$0x2] =	wrdreg s2  }
0xb1: {  	[dreg:$0x3] =	wrdreg s19  }
0xb2: {  	[dreg:$0x4] =	wrdreg s4  }
0xb3: {  	[dreg:$0x5] =	wrdreg $0x9  }
0xb4: {  	_ =	task.clear_ibuf [dreg:s9], $0x6FFFF;
	_ =	strace $0x90000046  }
0xb5: {  	s29 =	simm.s32 $0x9;
	_ =	strace $0x80000048  }
0xb6: {  	_ =	swait.ge [sflag:s29], $0x1  }
0xb7: {  	[sflag:s29] =	ssyncadd.s32 $0xFFFFFFFF  }
0xb8: {  	_ =	strace $0x90000048  }
0xb9: {  	_ =	sfence  }
0xba: {  	s30 =	sld [smem:$0x0];
	_ =	sdelay $0x2  }
0xbb: {  	s31 =	sshll.u32 s1, $0xD;
	s1 =	sshrl.u32 s1, $0x2  }
0xbc: {  	s3 =	sand.u32 $0x4000, s31;
	s1 =	sadd.s32 s1, s30  }
0xbd: {  	s0 =	sor.u32 s3, s0;
	s1 =	sshll.u32 s1, $0x11  }
0xbe: {  	s0 =	sor.u32 s1, s0  }
0xbf: {  	s0 =	sadd.s32 $0x8F2B, s0  }
0xc0: {  	[sflag:s0] =	ssyncadd.remote.s32 $0x1  }
0xc1: {  	_ =	sfence.sel $0xFFFF  }
0xc2: {  	[dreg:$0x0] =	wrdreg $0xFFFFFFFF;
	(pc) =	sbr.abs _section_cstart, $3  }
0xc3: {  	[dreg:$0x1] =	wrdreg $0xFFFFFFFF  }
0xc4: {  	_ =	task.clear_ibuf [dreg:s9], $0x2FFFF;
	_ =	strace $0x9FFFFFFF  }
0xc5: {  	(tm) =	ssettm $0x7FFFFFFF  }
tec
execute0_lowered:
.L_overlay_start_1:
0x0: {  	(tag) =	ssettag $0x1  }
0x1: {  	s0 =	srdreg.scid;
	s3 =	rddreg [dreg:$0x0]  }
0x2: {  	s2 =	stileid.u32;
	s9 =	rddreg [dreg:$0x2]  }
0x3: {  	s6 =	simm.s32 $0x1;
	s4 =	simm.s32 $0x0;
	s12 =	simm.s32 $0x200  }
0x4: {  	s17 =	simm.s32 $0x2200;
	s21 =	simm.s32 $0x4200;
	s25 =	simm.s32 $0x6200  }
0x5: {  	s30 =	simm.s32 $0x8200;
	s11 =	simm.s32 $0xA200;
	s18 =	simm.s32 $0xC200  }
0x6: {  	s23 =	simm.s32 $0xE200;
	s29 =	simm.s32 $0x2;
	s0 =	sand.u32 $0x1, s0  }
0x7: {  	s31 =	simm.s32 $0x3;
	s14 =	simm.s32 $0x6;
	s1 =	sshll.u32 s0, $0x4  }
0x8: {  	s15 =	simm.s32 $0x7;
	s5 =	sand.u32 $0x7, s2;
	s1 =	sor.u32 s2, s1  }
0x9: {  	s16 =	simm.s32 $0x8;
	p1 =	sne.s32 s5, $0x0;
	p0 =	seq.s32 s1, $0x0  }
0xa: {  	s20 =	simm.s32 $0x10;
	[smem:$0x7FF] =	sst s4;
	p0 =	por !p1, !p0  }
0xb: {  	s0 =	ssub.s32 $0x2, s0;
	s5 =	sshll.u32 s5, $0xB;
	p0 =	por !p0, !p0  }
0xc: {  	s2 =	rddreg [dreg:$0x1];
	s7 =	sshrl.u32 s1, $0x3;
	s6 =	simm.s32 @!p0 $0x0  }
0xd: {  	_ =	strace $0x80000047;
	s8 =	sshrl.u32 s0, $0x1;
	s6 =	ssub.s32 s7, s6  }
0xe: {  	s0 =	ssub.s32 s0, s8;
	s8 =	sadd.s32 $0x100, s2;
	s7 =	sshll.u32 s6, $0xC  }
0xf: {  	s0 =	smax.u32 s0, $0x1;
	s6 =	sshll.u32 s6, $0x7;
	s7 =	sand.u32 $0xFFFFC000, s7  }
.Ltmp0:
0x10: {  	s6 =	sand.u32 $0x180, s6;
	s7 =	sor.u32 s5, s7;
	(pc) =	sbr.rel .LBB2_1-.Ltmp0, $4  }
0x11: {  	[dreg:$0x5] =	wrdreg s0;
	s0 =	simm.s32 $0x5;
	s7 =	sor.u32 s6, s7  }
0x12: {  	v2 =	vlaneseq.u32;
	s5 =	sshll.u32 s1, $0x9;
	s1 =	sshll.u32 s1, $0xF;
	s7 =	sshrl.u32 s7, $0x3  }
0x13: {  	vm0 =	vmmov $0xffff;
	v1 =	vshrl.u32 v2, $0x3;
	s6 =	simm.s32 $0x1;
	s9 =	sadd.s32 s9, s1;
	s3 =	sadd.s32 s3, s7  }
0x14: {  	v0 =	vand.u32 $0x7, v2;
	v2 =	vor.u32 $0x8, v2;
	v1 =	vmul.u32 $0x8, v1;
	s1 =	simm.s32 $0x4;
	s7 =	simm.s32 $0x0;
	[dreg:$0x4] =	wrdreg s3  }
.LBB2_20:
0x15: {  	s3 =	simm.s32 $0x9  }
0x16: {  	_ =	swait.ge [sflag:s3], $0x2000  }
0x17: {  	[sflag:s3] =	ssyncset.done $0x0  }
0x18: {  	s10 =	simm.s32 $0xA;
	[sflag:s3] =	ssyncadd.s32 $0xFFFFE000  }
0x19: {  	_ =	swait.ge [sflag:s10], $0x2000  }
0x1a: {  	[sflag:s10] =	ssyncset.done $0x0  }
0x1b: {  	s13 =	simm.s32 $0xB;
	[sflag:s10] =	ssyncadd.s32 $0xFFFFE000  }
0x1c: {  	_ =	swait.ge [sflag:s13], $0x2000  }
0x1d: {  	[sflag:s13] =	ssyncset.done $0x0  }
0x1e: {  	s19 =	simm.s32 $0xC;
	[sflag:s13] =	ssyncadd.s32 $0xFFFFE000  }
0x1f: {  	_ =	swait.ge [sflag:s19], $0x2000  }
0x20: {  	[sflag:s19] =	ssyncset.done $0x0  }
0x21: {  	s22 =	simm.s32 $0xD;
	[sflag:s19] =	ssyncadd.s32 $0xFFFFE000  }
0x22: {  	_ =	swait.ge [sflag:s22], $0x2000  }
0x23: {  	[sflag:s22] =	ssyncset.done $0x0  }
0x24: {  	s24 =	simm.s32 $0xE;
	[sflag:s22] =	ssyncadd.s32 $0xFFFFE000  }
0x25: {  	_ =	swait.ge [sflag:s24], $0x2000  }
0x26: {  	[sflag:s24] =	ssyncset.done $0x0  }
0x27: {  	s26 =	simm.s32 $0xF;
	[sflag:s24] =	ssyncadd.s32 $0xFFFFE000  }
0x28: {  	_ =	swait.ge [sflag:s26], $0x2000  }
0x29: {  	[sflag:s26] =	ssyncset.done $0x0  }
0x2a: {  	[sflag:s26] =	ssyncadd.s32 $0xFFFFE000  }
0x2b: {  	_ =	swait.ge [sflag:s20], $0x2000  }
0x2c: {  	s7 =	rddreg [dreg:$0x6]  }
0x2d: {  	s28 =	rddreg [dreg:$0x5];
	s7 =	sadd.s32 $0x1, s7  }
0x2e: {  	p0 =	sne.s32 s7, s28  }
.Ltmp1:
0x2f: {  	_ = 	snop;
	(pc) =	sbr.rel @!p0 .LBB2_21-.Ltmp1, $3  }
0x30: {  	_ =	sdelay $0x1  }
0x31: {  	[sflag:s20] =	ssyncset.done $0x0  }
0x32: {  	[sflag:s20] =	ssyncadd.s32 $0xFFFFE000  }
.LBB2_1:
0x33: {  	[dreg:$0x6] =	wrdreg s7  }
0x34: {  	s3 =	rddreg [dreg:$0x4];
	s26 =	simm.s32 $0x80;
	s28 =	simm.s32 $0x11  }
0x35: {  	[tilespmem:s4], [sflag:$0x11] =	stream.strided.gather [hbm4b:s3+s26], $0x200, s12, s26, $0x38;
	[tilespmem:$0x10200] =	vst v63  }
0x36: {  	_ =	swait.ge [sflag:s28], $0x200  }
0x37: {  	[sflag:s28] =	ssyncset.done $0x0  }
0x38: {  	[sflag:s28] =	ssyncadd.s32 $0xFFFFFE00  }
0x39: {  	v3 =	vld [tilespmem:$0x0];
	_ =	sdelay $0x4  }
0x3a: {  	v4 =	vshll.u32 v3, $0x2  }
0x3b: {  	v3 =	vand.u32 $0x7, v3;
	v4 =	vand.u32 $0xFFFFFFE0, v4  }
0x3c: {  	v3 =	vor.u32 v3, v4  }
0x3d: {  	v4 =	vperm.xlane v3, v0;
	_ =	sdelay $0x1  }
0x3e: {  	v4 =	vadd.s32 v1, v4;
	_ =	sdelay $0x1  }
0x3f: {  	v3 =	vperm.xlane v3, v2;
	_ =	sdelay $0x1  }
0x40: {  	v3 =	vadd.s32 v1, v3  }
0x41: {  	[tilespmem:s12], [sflag:$0x1] =	stream.indirect_vreg.gather [hbm4b:s2+s4], $0x80, v4, vm0, $0xb8;
	[tilespmem:$0x10200] =	vst v63  }
0x42: {  	s7 =	simm.s32 $0xA00  }
0x43: {  	[tilespmem:s7], [sflag:$0x1] =	stream.indirect_vreg.gather [hbm4b:s8+s4], $0x80, v4, vm0, $0xb8;
	[tilespmem:$0x10200] =	vst v63  }
0x44: {  	s10 =	simm.s32 $0x1200  }
0x45: {  	[tilespmem:s10], [sflag:$0x1] =	stream.indirect_vreg.gather [hbm4b:s2+s4], $0x80, v3, vm0, $0xb8;
	[tilespmem:$0x10200] =	vst v63  }
0x46: {  	s13 =	simm.s32 $0x1A00  }
0x47: {  	[tilespmem:s13], [sflag:$0x1] =	stream.indirect_vreg.gather [hbm4b:s8+s4], $0x80, v3, vm0, $0xb8;
	[tilespmem:$0x10200] =	vst v63  }
0x48: {  	v3 =	vld [tilespmem:$0x10];
	_ =	sdelay $0x4  }
0x49: {  	v57 =	vshll.u32 v3, $0x2  }
0x4a: {  	v3 =	vand.u32 $0x7, v3;
	v4 =	vand.u32 $0xFFFFFFE0, v57  }
0x4b: {  	v3 =	vor.u32 v3, v4  }
0x4c: {  	v4 =	vperm.xlane v3, v0;
	_ =	sdelay $0x1  }
0x4d: {  	v4 =	vadd.s32 v1, v4;
	_ =	sdelay $0x1  }
0x4e: {  	v3 =	vperm.xlane v3, v2;
	_ =	sdelay $0x1  }
0x4f: {  	v3 =	vadd.s32 v1, v3  }
0x50: {  	[tilespmem:s17], [sflag:$0x2] =	stream.indirect_vreg.gather [hbm4b:s2+s4], $0x80, v4, vm0, $0xb8;
	[tilespmem:$0x10200] =	vst v63  }
0x51: {  	s19 =	simm.s32 $0x2A00  }
0x52: {  	[tilespmem:s19], [sflag:$0x2] =	stream.indirect_vreg.gather [hbm4b:s8+s4], $0x80, v4, vm0, $0xb8;
	[tilespmem:$0x10200] =	vst v63  }
0x53: {  	s22 =	simm.s32 $0x3200  }
0x54: {  	[tilespmem:s22], [sflag:$0x2] =	stream.indirect_vreg.gather [hbm4b:s2+s4], $0x80, v3, vm0, $0xb8;
	[tilespmem:$0x10200] =	vst v63  }
0x55: {  	s24 =	simm.s32 $0x3A00  }
0x56: {  	[tilespmem:s24], [sflag:$0x2] =	stream.indirect_vreg.gather [hbm4b:s8+s4], $0x80, v3, vm0, $0xb8;
	[tilespmem:$0x10200] =	vst v63  }
0x57: {  	v3 =	vld [tilespmem:$0x20];
	_ =	sdelay $0x4  }
0x58: {  	v58 =	vshll.u32 v3, $0x2  }
0x59: {  	v3 =	vand.u32 $0x7, v3;
	v4 =	vand.u32 $0xFFFFFFE0, v58  }
0x5a: {  	v3 =	vor.u32 v3, v4  }
0x5b: {  	v4 =	vperm.xlane v3, v0;
	_ =	sdelay $0x1  }
0x5c: {  	v4 =	vadd.s32 v1, v4;
	_ =	sdelay $0x1  }
0x5d: {  	v3 =	vperm.xlane v3, v2;
	_ =	sdelay $0x1  }
0x5e: {  	v3 =	vadd.s32 v1, v3  }
0x5f: {  	[tilespmem:s21], [sflag:$0x3] =	stream.indirect_vreg.gather [hbm4b:s2+s4], $0x80, v4, vm0, $0xb8;
	[tilespmem:$0x10200] =	vst v63  }
0x60: {  	s26 =	simm.s32 $0x4A00  }
0x61: {  	[tilespmem:s26], [sflag:$0x3] =	stream.indirect_vreg.gather [hbm4b:s8+s4], $0x80, v4, vm0, $0xb8;
	[tilespmem:$0x10200] =	vst v63  }
0x62: {  	s28 =	simm.s32 $0x5200  }
0x63: {  	[tilespmem:s28], [sflag:$0x3] =	stream.indirect_vreg.gather [hbm4b:s2+s4], $0x80, v3, vm0, $0xb8;
	[tilespmem:$0x10200] =	vst v63  }
0x64: {  	s7 =	simm.s32 $0x5A00  }
0x65: {  	[tilespmem:s7], [sflag:$0x3] =	stream.indirect_vreg.gather [hbm4b:s8+s4], $0x80, v3, vm0, $0xb8;
	[tilespmem:$0x10200] =	vst v63  }
0x66: {  	v3 =	vld [tilespmem:$0x30];
	_ =	sdelay $0x4  }
0x67: {  	v59 =	vshll.u32 v3, $0x2  }
0x68: {  	v3 =	vand.u32 $0x7, v3;
	v4 =	vand.u32 $0xFFFFFFE0, v59  }
0x69: {  	v3 =	vor.u32 v3, v4  }
0x6a: {  	v4 =	vperm.xlane v3, v0;
	_ =	sdelay $0x1  }
0x6b: {  	v4 =	vadd.s32 v1, v4;
	_ =	sdelay $0x1  }
0x6c: {  	v3 =	vperm.xlane v3, v2;
	_ =	sdelay $0x1  }
0x6d: {  	v3 =	vadd.s32 v1, v3  }
0x6e: {  	[tilespmem:s25], [sflag:$0x4] =	stream.indirect_vreg.gather [hbm4b:s2+s4], $0x80, v4, vm0, $0xb8;
	[tilespmem:$0x10200] =	vst v63  }
0x6f: {  	s10 =	simm.s32 $0x6A00  }
0x70: {  	[tilespmem:s10], [sflag:$0x4] =	stream.indirect_vreg.gather [hbm4b:s8+s4], $0x80, v4, vm0, $0xb8;
	[tilespmem:$0x10200] =	vst v63  }
0x71: {  	s13 =	simm.s32 $0x7200  }
0x72: {  	[tilespmem:s13], [sflag:$0x4] =	stream.indirect_vreg.gather [hbm4b:s2+s4], $0x80, v3, vm0, $0xb8;
	[tilespmem:$0x10200] =	vst v63  }
0x73: {  	s19 =	simm.s32 $0x7A00  }
0x74: {  	[tilespmem:s19], [sflag:$0x4] =	stream.indirect_vreg.gather [hbm4b:s8+s4], $0x80, v3, vm0, $0xb8;
	[tilespmem:$0x10200] =	vst v63  }
0x75: {  	v3 =	vld [tilespmem:$0x40];
	_ =	sdelay $0x4  }
0x76: {  	v60 =	vshll.u32 v3, $0x2  }
0x77: {  	v3 =	vand.u32 $0x7, v3;
	v4 =	vand.u32 $0xFFFFFFE0, v60  }
0x78: {  	v3 =	vor.u32 v3, v4  }
0x79: {  	v4 =	vperm.xlane v3, v0;
	_ =	sdelay $0x1  }
0x7a: {  	v4 =	vadd.s32 v1, v4;
	_ =	sdelay $0x1  }
0x7b: {  	v3 =	vperm.xlane v3, v2;
	_ =	sdelay $0x1  }
0x7c: {  	v3 =	vadd.s32 v1, v3  }
0x7d: {  	[tilespmem:s30], [sflag:$0x5] =	stream.indirect_vreg.gather [hbm4b:s2+s4], $0x80, v4, vm0, $0xb8;
	[tilespmem:$0x10200] =	vst v63  }
0x7e: {  	s22 =	simm.s32 $0x8A00  }
0x7f: {  	[tilespmem:s22], [sflag:$0x5] =	stream.indirect_vreg.gather [hbm4b:s8+s4], $0x80, v4, vm0, $0xb8;
	[tilespmem:$0x10200] =	vst v63  }
0x80: {  	s24 =	simm.s32 $0x9200  }
0x81: {  	[tilespmem:s24], [sflag:$0x5] =	stream.indirect_vreg.gather [hbm4b:s2+s4], $0x80, v3, vm0, $0xb8;
	[tilespmem:$0x10200] =	vst v63  }
0x82: {  	s26 =	simm.s32 $0x9A00  }
0x83: {  	[tilespmem:s26], [sflag:$0x5] =	stream.indirect_vreg.gather [hbm4b:s8+s4], $0x80, v3, vm0, $0xb8;
	[tilespmem:$0x10200] =	vst v63  }
0x84: {  	v3 =	vld [tilespmem:$0x50];
	_ =	sdelay $0x4  }
0x85: {  	v61 =	vshll.u32 v3, $0x2  }
0x86: {  	v3 =	vand.u32 $0x7, v3;
	v4 =	vand.u32 $0xFFFFFFE0, v61  }
0x87: {  	v3 =	vor.u32 v3, v4  }
0x88: {  	v4 =	vperm.xlane v3, v0;
	_ =	sdelay $0x1  }
0x89: {  	v4 =	vadd.s32 v1, v4;
	_ =	sdelay $0x1  }
0x8a: {  	v3 =	vperm.xlane v3, v2;
	_ =	sdelay $0x1  }
0x8b: {  	v3 =	vadd.s32 v1, v3  }
0x8c: {  	[tilespmem:s11], [sflag:$0x6] =	stream.indirect_vreg.gather [hbm4b:s2+s4], $0x80, v4, vm0, $0xb8;
	[tilespmem:$0x10200] =	vst v63  }
0x8d: {  	s28 =	simm.s32 $0xAA00  }
0x8e: {  	[tilespmem:s28], [sflag:$0x6] =	stream.indirect_vreg.gather [hbm4b:s8+s4], $0x80, v4, vm0, $0xb8;
	[tilespmem:$0x10200] =	vst v63  }
0x8f: {  	s7 =	simm.s32 $0xB200  }
0x90: {  	[tilespmem:s7], [sflag:$0x6] =	stream.indirect_vreg.gather [hbm4b:s2+s4], $0x80, v3, vm0, $0xb8;
	[tilespmem:$0x10200] =	vst v63  }
0x91: {  	s10 =	simm.s32 $0xBA00  }
0x92: {  	[tilespmem:s10], [sflag:$0x6] =	stream.indirect_vreg.gather [hbm4b:s8+s4], $0x80, v3, vm0, $0xb8;
	[tilespmem:$0x10200] =	vst v63  }
0x93: {  	v3 =	vld [tilespmem:$0x60];
	_ =	sdelay $0x4  }
0x94: {  	v62 =	vshll.u32 v3, $0x2  }
0x95: {  	v3 =	vand.u32 $0x7, v3;
	v4 =	vand.u32 $0xFFFFFFE0, v62  }
0x96: {  	v3 =	vor.u32 v3, v4  }
0x97: {  	v4 =	vperm.xlane v3, v0;
	_ =	sdelay $0x1  }
0x98: {  	v4 =	vadd.s32 v1, v4;
	_ =	sdelay $0x1  }
0x99: {  	v3 =	vperm.xlane v3, v2;
	_ =	sdelay $0x1  }
0x9a: {  	v3 =	vadd.s32 v1, v3  }
0x9b: {  	[tilespmem:s18], [sflag:$0x7] =	stream.indirect_vreg.gather [hbm4b:s2+s4], $0x80, v4, vm0, $0xb8;
	[tilespmem:$0x10200] =	vst v63  }
0x9c: {  	s13 =	simm.s32 $0xCA00  }
0x9d: {  	[tilespmem:s13], [sflag:$0x7] =	stream.indirect_vreg.gather [hbm4b:s8+s4], $0x80, v4, vm0, $0xb8;
	[tilespmem:$0x10200] =	vst v63  }
0x9e: {  	s19 =	simm.s32 $0xD200  }
0x9f: {  	[tilespmem:s19], [sflag:$0x7] =	stream.indirect_vreg.gather [hbm4b:s2+s4], $0x80, v3, vm0, $0xb8;
	[tilespmem:$0x10200] =	vst v63  }
0xa0: {  	s22 =	simm.s32 $0xDA00  }
0xa1: {  	[tilespmem:s22], [sflag:$0x7] =	stream.indirect_vreg.gather [hbm4b:s8+s4], $0x80, v3, vm0, $0xb8;
	[tilespmem:$0x10200] =	vst v63  }
0xa2: {  	v3 =	vld [tilespmem:$0x70];
	_ =	sdelay $0x4  }
0xa3: {  	v63 =	vshll.u32 v3, $0x2  }
0xa4: {  	v3 =	vand.u32 $0x7, v3;
	v4 =	vand.u32 $0xFFFFFFE0, v63  }
0xa5: {  	v3 =	vor.u32 v3, v4  }
0xa6: {  	v4 =	vperm.xlane v3, v0;
	_ =	sdelay $0x1  }
0xa7: {  	v4 =	vadd.s32 v1, v4;
	_ =	sdelay $0x1  }
0xa8: {  	v3 =	vperm.xlane v3, v2;
	_ =	sdelay $0x1  }
0xa9: {  	v3 =	vadd.s32 v1, v3  }
0xaa: {  	[tilespmem:s23], [sflag:$0x8] =	stream.indirect_vreg.gather [hbm4b:s2+s4], $0x80, v4, vm0, $0xb8;
	[tilespmem:$0x10200] =	vst v63  }
0xab: {  	s24 =	simm.s32 $0xEA00  }
0xac: {  	[tilespmem:s24], [sflag:$0x8] =	stream.indirect_vreg.gather [hbm4b:s8+s4], $0x80, v4, vm0, $0xb8;
	[tilespmem:$0x10200] =	vst v63  }
0xad: {  	s26 =	simm.s32 $0xF200  }
0xae: {  	[tilespmem:s26], [sflag:$0x8] =	stream.indirect_vreg.gather [hbm4b:s2+s4], $0x80, v3, vm0, $0xb8;
	[tilespmem:$0x10200] =	vst v63  }
0xaf: {  	s28 =	simm.s32 $0xFA00;
	s7 =	simm.s32 $0x0  }
0xb0: {  	[tilespmem:s28], [sflag:$0x8] =	stream.indirect_vreg.gather [hbm4b:s8+s4], $0x80, v3, vm0, $0xb8;
	[tilespmem:$0x10200] =	vst v63  }
.LBB2_2:
0xb1: {  	_ =	swait.ge [sflag:s6], $0x2000;
	s3 =	simm.s32 $0x0  }
0xb2: {  	[sflag:s6] =	ssyncset.done $0x0;
	s10 =	sand.u32 $0x1000, s3;
	s3 =	sand.u32 $0x380, s3  }
0xb3: {  	[sflag:s6] =	ssyncadd.s32 $0xFFFFE000;
	s10 =	sor.u32 s3, s10  }
0xb4: {  	v3 =	vld [tilespmem:s10+$0x670]  }
0xb5: {  	v4 =	vld [tilespmem:s10+$0xA00]  }
0xb6: {  	v5 =	vld [tilespmem:s10+$0xA10]  }
0xb7: {  	v6 =	vld [tilespmem:s10+$0x660]  }
0xb8: {  	v7 =	vld [tilespmem:s10+$0x650]  }
0xb9: {  	v8 =	vld [tilespmem:s10+$0xA20]  }
0xba: {  	v9 =	vld [tilespmem:s10+$0x640]  }
0xbb: {  	v10 =	vld [tilespmem:s10+$0xE70]  }
0xbc: {  	v11 =	vld [tilespmem:s10+$0xE10]  }
0xbd: {  	v12 =	vld [tilespmem:s10+$0xE50]  }
0xbe: {  	v16 =	vld [tilespmem:s10+$0xA30]  }
0xbf: {  	v17 =	vld [tilespmem:s10+$0xA40]  }
0xc0: {  	v14 =	vld [tilespmem:s10+$0xE00]  }
0xc1: {  	v13 =	vld [tilespmem:s10+$0xE40]  }
0xc2: {  	v15 =	vld [tilespmem:s10+$0x630];
	v11 =	vmul.f32 $2.262741660e+01, v11  }
0xc3: {  	v18 =	vld [tilespmem:s10+$0x620];
	v10 =	vmul.f32 $2.262741660e+01, v10  }
0xc4: {  	v19 =	vld [tilespmem:s10+$0x610];
	v12 =	vmul.f32 $2.262741660e+01, v12;
	[tilespmem:s10+$0xE10] =	vst v11  }
0xc5: {  	v24 =	vld [tilespmem:s10+$0x200];
	v14 =	vmul.f32 $2.262741660e+01, v14;
	[tilespmem:s10+$0xE70] =	vst v10  }
0xc6: {  	v10 =	vld [tilespmem:s10+$0xE20];
	v11 =	vmul.f32 $2.262741660e+01, v13;
	[tilespmem:s10+$0xE50] =	vst v12  }
0xc7: {  	v15 =	vmul.f32 $2.262741660e+01, v15;
	v13 =	vld [tilespmem:s10+$0x600];
	[tilespmem:s10+$0xE00] =	vst v14  }
0xc8: {  	v12 =	vld [tilespmem:s10+$0x270];
	[tilespmem:s10+$0xE40] =	vst v11;
	v11 =	vmul.f32 $2.262741660e+01, v18  }
0xc9: {  	v20 =	vld [tilespmem:s10+$0x260];
	[tilespmem:s10+$0x630] =	vst v15;
	v18 =	vmul.f32 $2.262741660e+01, v9;
	v9 =	vmul.f32 $2.262741660e+01, v19  }
0xca: {  	v22 =	vld [tilespmem:s10+$0xA60];
	v21 =	vmul.f32 $2.262741660e+01, v7;
	[tilespmem:s10+$0x620] =	vst v11;
	v11 =	vmul.f32 $2.262741660e+01, v6  }
0xcb: {  	v19 =	vld [tilespmem:s10+$0xA50];
	[tilespmem:s10+$0x610] =	vst v9;
	v9 =	vmul.f32 $2.262741660e+01, v8;
	v8 =	vmul.f32 $2.262741660e+01, v24  }
0xcc: {  	v23 =	vld [tilespmem:s10+$0xA70];
	[tilespmem:s10+$0x650] =	vst v21;
	v7 =	vmul.f32 $2.262741660e+01, v10;
	v6 =	vmul.f32 $2.262741660e+01, v13  }
0xcd: {  	v14 =	vld [tilespmem:s10+$0x210];
	[tilespmem:s10+$0x640] =	vst v18;
	v10 =	vmul.f32 $2.262741660e+01, v3;
	v3 =	vmul.f32 $2.262741660e+01, v12  }
0xce: {  	v15 =	vld [tilespmem:s10+$0x240];
	v12 =	vmul.f32 $2.262741660e+01, v4;
	v4 =	vmul.f32 $2.262741660e+01, v20;
	[tilespmem:s10+$0xE20] =	vst v7  }
0xcf: {  	v13 =	vmul.f32 $2.262741660e+01, v5;
	[tilespmem:s10+$0x270] =	vst v3;
	v3 =	vmul.f32 $2.262741660e+01, v16;
	v16 =	vld [tilespmem:s10+$0x220]  }
0xd0: {  	[tilespmem:s10+$0x600] =	vst v6;
	v7 =	vmul.f32 $2.262741660e+01, v17;
	v5 =	vmul.f32 $2.262741660e+01, v19;
	v17 =	vld [tilespmem:s10+$0x230]  }
0xd1: {  	s13 =	simm.s32 $0x200;
	s3 =	simm.s32 $0x80;
	v18 =	vld [tilespmem:s10+$0xE30];
	[tilespmem:s10+$0x260] =	vst v4;
	v6 =	vmul.f32 $2.262741660e+01, v22;
	v4 =	vmul.f32 $2.262741660e+01, v23  }
.LBB2_3:
0xd2: {  	s19 =	sand.u32 $0x1000, s13;
	s22 =	sand.u32 $0x380, s3;
	v14 =	vmul.f32 $2.262741660e+01, v14;
	[tilespmem:s10+$0x660] =	vst v11;
	v11 =	vld [tilespmem:s10+$0xE60]  }
0xd3: {  	p0 =	sne.s32 s13, $0x1E00;
	s13 =	sadd.s32 $0x200, s13;
	s19 =	sor.u32 s22, s19;
	v15 =	vmul.f32 $2.262741660e+01, v15;
	v19 =	vld [tilespmem:s10+$0x250];
	[tilespmem:s10+$0x670] =	vst v10  }
0xd4: {  	v10 =	vld [tilespmem:s19+$0x670];
	v16 =	vmul.f32 $2.262741660e+01, v16;
	[tilespmem:s10+$0xA00] =	vst v12  }
0xd5: {  	v12 =	vld [tilespmem:s19+$0xA00];
	v17 =	vmul.f32 $2.262741660e+01, v17;
	[tilespmem:s10+$0xA10] =	vst v13  }
0xd6: {  	v13 =	vld [tilespmem:s19+$0xA10];
	[tilespmem:s10+$0x220] =	vst v16;
	v16 =	vmul.f32 $2.262741660e+01, v18  }
0xd7: {  	v18 =	vld [tilespmem:s19+$0x660];
	[tilespmem:s10+$0x230] =	vst v17;
	v11 =	vmul.f32 $2.262741660e+01, v11  }
0xd8: {  	v17 =	vld [tilespmem:s19+$0x650];
	v19 =	vmul.f32 $2.262741660e+01, v19;
	[tilespmem:s10+$0xA20] =	vst v9  }
0xd9: {  	v9 =	vld [tilespmem:s19+$0xA20];
	[tilespmem:s10+$0xE30] =	vst v16  }
0xda: {  	v16 =	vld [tilespmem:s19+$0x640];
	[tilespmem:s10+$0x250] =	vst v19  }
0xdb: {  	v19 =	vld [tilespmem:s19+$0xE70];
	[tilespmem:s10+$0x240] =	vst v15  }
0xdc: {  	v15 =	vld [tilespmem:s19+$0xE10];
	[tilespmem:s10+$0xE60] =	vst v11  }
0xdd: {  	v11 =	vld [tilespmem:s19+$0xE50];
	[tilespmem:s10+$0xA30] =	vst v3  }
0xde: {  	v3 =	vld [tilespmem:s19+$0xA30];
	[tilespmem:s10+$0xA40] =	vst v7  }
0xdf: {  	v7 =	vld [tilespmem:s19+$0xA40];
	[tilespmem:s10+$0x210] =	vst v14  }
0xe0: {  	v14 =	vld [tilespmem:s19+$0xE40];
	[tilespmem:s10+$0xA50] =	vst v5  }
0xe1: {  	v19 =	vmul.f32 $2.262741660e+01, v19;
	v5 =	vld [tilespmem:s19+$0xE00];
	[tilespmem:s10+$0xA60] =	vst v6  }
0xe2: {  	v6 =	vld [tilespmem:s19+$0x630];
	[tilespmem:s10+$0x200] =	vst v8  }
0xe3: {  	v15 =	vmul.f32 $2.262741660e+01, v15;
	v8 =	vld [tilespmem:s19+$0x620];
	[tilespmem:s10+$0xA70] =	vst v4;
	s10 =	smov.u32 s19  }
0xe4: {  	v11 =	vmul.f32 $2.262741660e+01, v11;
	v4 =	vld [tilespmem:s10+$0x610];
	[tilespmem:s10+$0xE70] =	vst v19  }
0xe5: {  	v19 =	vmul.f32 $2.262741660e+01, v16;
	[tilespmem:s10+$0xE10] =	vst v15;
	v15 =	vld [tilespmem:s10+$0xE20];
	v14 =	vmul.f32 $2.262741660e+01, v14  }
0xe6: {  	v20 =	vmul.f32 $2.262741660e+01, v17;
	v16 =	vld [tilespmem:s10+$0x600];
	v5 =	vmul.f32 $2.262741660e+01, v5;
	[tilespmem:s10+$0xE50] =	vst v11  }
0xe7: {  	v11 =	vmul.f32 $2.262741660e+01, v18;
	v17 =	vld [tilespmem:s10+$0x270];
	v6 =	vmul.f32 $2.262741660e+01, v6;
	[tilespmem:s10+$0xE40] =	vst v14  }
0xe8: {  	v10 =	vmul.f32 $2.262741660e+01, v10;
	v18 =	vld [tilespmem:s10+$0x260];
	v8 =	vmul.f32 $2.262741660e+01, v8;
	[tilespmem:s10+$0xE00] =	vst v5  }
0xe9: {  	v12 =	vmul.f32 $2.262741660e+01, v12;
	v4 =	vmul.f32 $2.262741660e+01, v4;
	[tilespmem:s10+$0x630] =	vst v6;
	v5 =	vld [tilespmem:s10+$0xA50]  }
0xea: {  	v13 =	vmul.f32 $2.262741660e+01, v13;
	[tilespmem:s10+$0x620] =	vst v8;
	v6 =	vld [tilespmem:s10+$0xA60];
	v8 =	vmul.f32 $2.262741660e+01, v15  }
0xeb: {  	v9 =	vmul.f32 $2.262741660e+01, v9;
	v15 =	vmul.f32 $2.262741660e+01, v16;
	[tilespmem:s10+$0x610] =	vst v4;
	v4 =	vld [tilespmem:s10+$0xA70]  }
0xec: {  	v3 =	vmul.f32 $2.262741660e+01, v3;
	v21 =	vld [tilespmem:s10+$0x200];
	v16 =	vmul.f32 $2.262741660e+01, v17;
	[tilespmem:s10+$0xE20] =	vst v8  }
.Ltmp2:
0xed: {  	v7 =	vmul.f32 $2.262741660e+01, v7;
	v14 =	vld [tilespmem:s10+$0x210];
	v8 =	vmul.f32 $2.262741660e+01, v18;
	[tilespmem:s10+$0x600] =	vst v15;
	(pc) =	sbr.rel @p0 .LBB2_3-.Ltmp2, $4  }
0xee: {  	v15 =	vld [tilespmem:s10+$0x240];
	[tilespmem:s10+$0x270] =	vst v16;
	v5 =	vmul.f32 $2.262741660e+01, v5  }
0xef: {  	v16 =	vld [tilespmem:s10+$0x220];
	[tilespmem:s10+$0x260] =	vst v8;
	v6 =	vmul.f32 $2.262741660e+01, v6  }
0xf0: {  	v17 =	vld [tilespmem:s10+$0x230];
	[tilespmem:s10+$0x640] =	vst v19;
	v4 =	vmul.f32 $2.262741660e+01, v4  }
0xf1: {  	s3 =	sadd.s32 $0x80, s3;
	v8 =	vmul.f32 $2.262741660e+01, v21;
	[tilespmem:s10+$0x650] =	vst v20;
	v18 =	vld [tilespmem:s10+$0xE30]  }
0xf2: {  	[tilespmem:s10+$0x660] =	vst v11  }
0xf3: {  	[tilespmem:s10+$0x670] =	vst v10  }
0xf4: {  	[tilespmem:s10+$0xA00] =	vst v12  }
0xf5: {  	[tilespmem:s10+$0xA10] =	vst v13  }
0xf6: {  	[tilespmem:s10+$0xA20] =	vst v9  }
0xf7: {  	[tilespmem:s10+$0xA30] =	vst v3  }
0xf8: {  	[tilespmem:s10+$0xA40] =	vst v7  }
0xf9: {  	[tilespmem:s10+$0xA50] =	vst v5  }
0xfa: {  	[tilespmem:s10+$0xA60] =	vst v6  }
0xfb: {  	v11 =	vld [tilespmem:s10+$0x250];
	[tilespmem:s10+$0xA70] =	vst v4;
	v9 =	vmul.f32 $2.262741660e+01, v15  }
0xfc: {  	v12 =	vld [tilespmem:s10+$0xE60];
	[tilespmem:s10+$0x200] =	vst v8;
	v10 =	vmul.f32 $2.262741660e+01, v16  }
0xfd: {  	v16 =	vmul.f32 $2.262741660e+01, v17;
	[tilespmem:s10+$0x240] =	vst v9  }
0xfe: {  	v9 =	vmul.f32 $2.262741660e+01, v14;
	[tilespmem:s10+$0x220] =	vst v10  }
0xff: {  	v10 =	vmul.f32 $2.262741660e+01, v18;
	[tilespmem:s10+$0x230] =	vst v16  }
0x100: {  	v11 =	vmul.f32 $2.262741660e+01, v11;
	[tilespmem:s10+$0x210] =	vst v9  }
0x101: {  	[tilespmem:s10+$0xE30] =	vst v10;
	v10 =	vmul.f32 $2.262741660e+01, v12  }
0x102: {  	s3 =	sshll.u32 s7, $0xD;
	[tilespmem:s10+$0x250] =	vst v11  }
0x103: {  	p0 =	seq.s32 s7, $0x3;
	s3 =	sadd.s32 s3, s9;
	[tilespmem:s10+$0xE60] =	vst v10  }
0x104: {  	[hbm4b:s3+s4] =	stream.linear.scatter [tilespmem:s12], [sflag:$0x9], $0x2000, $0x38;
	[tilespmem:$0x10200] =	vst v63  }
0x105: {  	s3 =	simm.s32 @!p0 $0x9  }
0x106: {  	_ =	swait.ge @!p0 [sflag:s3], $0x2000  }
0x107: {  	s10 =	sshll.u32 @!p0 s7, $0x7;
	[sflag:s3] =	ssyncset.done @!p0 $0x0  }
0x108: {  	s13 =	sand.u32 @!p0 $0x3FFFFF80, s10;
	[sflag:s3] =	ssyncadd.s32 @!p0 $0xFFFFE000  }
0x109: {  	v3 =	vld @!p0 [tilespmem:s13+$0x80];
	_ =	sdelay $0x4  }
0x10a: {  	v4 =	vshll.u32 @!p0 v3, $0x2  }
0x10b: {  	v5 =	vlaneseq.u32 @!p0;
	v3 =	vand.u32 @!p0 $0x7, v3;
	v4 =	vand.u32 @!p0 $0xFFFFFFE0, v4  }
0x10c: {  	v6 =	vshrl.u32 @!p0 v5, $0x3;
	v3 =	vor.u32 @!p0 v3, v4;
	v4 =	vand.u32 @!p0 $0x7, v5  }
0x10d: {  	v6 =	vmul.u32 @!p0 $0x8, v6;
	v4 =	vperm.xlane @!p0 v3, v4;
	_ =	sdelay $0x1  }
0x10e: {  	v4 =	vadd.s32 @!p0 v6, v4  }
0x10f: {  	v5 =	vor.u32 @!p0 $0x8, v5  }
0x110: {  	v3 =	vperm.xlane @!p0 v3, v5;
	_ =	sdelay $0x1  }
0x111: {  	vm1 =	vmmov @!p0 $0xffff;
	s10 =	simm.s32 @!p0 $0x200;
	s3 =	simm.s32 @!p0 $0x0;
	v3 =	vadd.s32 @!p0 v6, v3  }
0x112: {  	[tilespmem:s10], [sflag:$0x1] =	stream.indirect_vreg.gather @!p0 [hbm4b:s2+s3], $0x80, v4, vm1, $0xb8;
	[tilespmem:$0x10200] =	vst v63  }
0x113: {  	s10 =	simm.s32 @!p0 $0xA00  }
0x114: {  	[tilespmem:s10], [sflag:$0x1] =	stream.indirect_vreg.gather @!p0 [hbm4b:s8+s3], $0x80, v4, vm1, $0xb8;
	[tilespmem:$0x10200] =	vst v63  }
0x115: {  	s10 =	simm.s32 @!p0 $0x1200  }
0x116: {  	[tilespmem:s10], [sflag:$0x1] =	stream.indirect_vreg.gather @!p0 [hbm4b:s2+s3], $0x80, v3, vm1, $0xb8;
	[tilespmem:$0x10200] =	vst v63  }
0x117: {  	s10 =	simm.s32 @!p0 $0x1A00  }
0x118: {  	[tilespmem:s10], [sflag:$0x1] =	stream.indirect_vreg.gather @!p0 [hbm4b:s8+s3], $0x80, v3, vm1, $0xb8;
	[tilespmem:$0x10200] =	vst v63  }
0x119: {  	s26 =	simm.s32 $0x0;
	_ =	swait.ge [sflag:s29], $0x2000  }
0x11a: {  	s28 =	sand.u32 $0x1000, s26;
	s3 =	sand.u32 $0x380, s26;
	[sflag:s29] =	ssyncset.done $0x0  }
0x11b: {  	s22 =	sor.u32 s3, s28;
	[sflag:s29] =	ssyncadd.s32 $0xFFFFE000  }
0x11c: {  	v3 =	vld [tilespmem:s22+$0x2670]  }
0x11d: {  	v4 =	vld [tilespmem:s22+$0x2A00]  }
0x11e: {  	v5 =	vld [tilespmem:s22+$0x2A10]  }
0x11f: {  	v6 =	vld [tilespmem:s22+$0x2660]  }
0x120: {  	v7 =	vld [tilespmem:s22+$0x2650]  }
0x121: {  	v8 =	vld [tilespmem:s22+$0x2A20]  }
0x122: {  	v9 =	vld [tilespmem:s22+$0x2640]  }
0x123: {  	v10 =	vld [tilespmem:s22+$0x2E70]  }
0x124: {  	v11 =	vld [tilespmem:s22+$0x2E10]  }
0x125: {  	v12 =	vld [tilespmem:s22+$0x2E50]  }
0x126: {  	v16 =	vld [tilespmem:s22+$0x2A30]  }
0x127: {  	v17 =	vld [tilespmem:s22+$0x2A40]  }
0x128: {  	v14 =	vld [tilespmem:s22+$0x2E00]  }
0x129: {  	v13 =	vld [tilespmem:s22+$0x2E40]  }
0x12a: {  	v15 =	vld [tilespmem:s22+$0x2630];
	v11 =	vmul.f32 $2.262741660e+01, v11  }
0x12b: {  	v18 =	vld [tilespmem:s22+$0x2620];
	v10 =	vmul.f32 $2.262741660e+01, v10  }
0x12c: {  	v19 =	vld [tilespmem:s22+$0x2610];
	v12 =	vmul.f32 $2.262741660e+01, v12;
	[tilespmem:s22+$0x2E10] =	vst v11  }
0x12d: {  	v20 =	vld [tilespmem:s22+$0x2260];
	v14 =	vmul.f32 $2.262741660e+01, v14;
	[tilespmem:s22+$0x2E70] =	vst v10  }
0x12e: {  	v24 =	vld [tilespmem:s22+$0x2200];
	v11 =	vmul.f32 $2.262741660e+01, v13;
	[tilespmem:s22+$0x2E50] =	vst v12  }
0x12f: {  	v15 =	vmul.f32 $2.262741660e+01, v15;
	v10 =	vld [tilespmem:s22+$0x2E20];
	[tilespmem:s22+$0x2E00] =	vst v14  }
0x130: {  	v13 =	vld [tilespmem:s22+$0x2600];
	[tilespmem:s22+$0x2E40] =	vst v11;
	v11 =	vmul.f32 $2.262741660e+01, v18  }
0x131: {  	v12 =	vld [tilespmem:s22+$0x2270];
	[tilespmem:s22+$0x2630] =	vst v15;
	v18 =	vmul.f32 $2.262741660e+01, v9;
	v9 =	vmul.f32 $2.262741660e+01, v19  }
0x132: {  	v22 =	vld [tilespmem:s22+$0x2A60];
	v21 =	vmul.f32 $2.262741660e+01, v7;
	v20 =	vmul.f32 $2.262741660e+01, v20;
	[tilespmem:s22+$0x2620] =	vst v11  }
0x133: {  	v23 =	vld [tilespmem:s22+$0x2A70];
	v11 =	vmul.f32 $2.262741660e+01, v6;
	[tilespmem:s22+$0x2610] =	vst v9;
	v9 =	vmul.f32 $2.262741660e+01, v8  }
0x134: {  	[tilespmem:s22+$0x2260] =	vst v20;
	v19 =	vld [tilespmem:s22+$0x2A50];
	v8 =	vmul.f32 $2.262741660e+01, v24;
	v7 =	vmul.f32 $2.262741660e+01, v10  }
0x135: {  	v14 =	vld [tilespmem:s22+$0x2210];
	[tilespmem:s22+$0x2650] =	vst v21;
	v6 =	vmul.f32 $2.262741660e+01, v13;
	v10 =	vmul.f32 $2.262741660e+01, v3  }
0x136: {  	v15 =	vld [tilespmem:s22+$0x2240];
	[tilespmem:s22+$0x2640] =	vst v18;
	v3 =	vmul.f32 $2.262741660e+01, v12;
	v12 =	vmul.f32 $2.262741660e+01, v4  }
0x137: {  	v13 =	vmul.f32 $2.262741660e+01, v5;
	v4 =	vmul.f32 $2.262741660e+01, v16;
	v16 =	vld [tilespmem:s22+$0x2220];
	[tilespmem:s22+$0x2E20] =	vst v7  }
0x138: {  	v5 =	vmul.f32 $2.262741660e+01, v22;
	[tilespmem:s22+$0x2600] =	vst v6;
	v7 =	vmul.f32 $2.262741660e+01, v17;
	v17 =	vld [tilespmem:s22+$0x2230]  }
0x139: {  	s10 =	simm.s32 $0x200;
	s3 =	simm.s32 $0x80;
	v18 =	vld [tilespmem:s22+$0x2E30];
	[tilespmem:s22+$0x2270] =	vst v3;
	v6 =	vmul.f32 $2.262741660e+01, v19;
	v3 =	vmul.f32 $2.262741660e+01, v23  }
.LBB2_5:
0x13a: {  	s19 =	sand.u32 $0x1000, s10;
	s24 =	sand.u32 $0x380, s3;
	v14 =	vmul.f32 $2.262741660e+01, v14;
	[tilespmem:s22+$0x2660] =	vst v11;
	v11 =	vld [tilespmem:s22+$0x2E60]  }
0x13b: {  	p1 =	sne.s32 s10, $0x1E00;
	s10 =	sadd.s32 $0x200, s10;
	s19 =	sor.u32 s24, s19;
	v15 =	vmul.f32 $2.262741660e+01, v15;
	v19 =	vld [tilespmem:s22+$0x2250];
	[tilespmem:s22+$0x2670] =	vst v10  }
0x13c: {  	v10 =	vld [tilespmem:s19+$0x2670];
	v16 =	vmul.f32 $2.262741660e+01, v16;
	[tilespmem:s22+$0x2A00] =	vst v12  }
0x13d: {  	v12 =	vld [tilespmem:s19+$0x2A00];
	v17 =	vmul.f32 $2.262741660e+01, v17;
	[tilespmem:s22+$0x2A10] =	vst v13  }
0x13e: {  	v13 =	vld [tilespmem:s19+$0x2A10];
	[tilespmem:s22+$0x2220] =	vst v16;
	v16 =	vmul.f32 $2.262741660e+01, v18  }
0x13f: {  	v18 =	vld [tilespmem:s19+$0x2660];
	[tilespmem:s22+$0x2230] =	vst v17;
	v11 =	vmul.f32 $2.262741660e+01, v11  }
0x140: {  	v17 =	vld [tilespmem:s19+$0x2650];
	v19 =	vmul.f32 $2.262741660e+01, v19;
	[tilespmem:s22+$0x2A20] =	vst v9  }
0x141: {  	v9 =	vld [tilespmem:s19+$0x2A20];
	[tilespmem:s22+$0x2E30] =	vst v16  }
0x142: {  	v16 =	vld [tilespmem:s19+$0x2640];
	[tilespmem:s22+$0x2250] =	vst v19  }
0x143: {  	v19 =	vld [tilespmem:s19+$0x2E70];
	[tilespmem:s22+$0x2240] =	vst v15  }
0x144: {  	v15 =	vld [tilespmem:s19+$0x2E10];
	[tilespmem:s22+$0x2E60] =	vst v11  }
0x145: {  	v11 =	vld [tilespmem:s19+$0x2E50];
	[tilespmem:s22+$0x2A30] =	vst v4  }
0x146: {  	v4 =	vld [tilespmem:s19+$0x2A30];
	[tilespmem:s22+$0x2A40] =	vst v7  }
0x147: {  	v7 =	vld [tilespmem:s19+$0x2A40];
	[tilespmem:s22+$0x2210] =	vst v14  }
0x148: {  	v14 =	vld [tilespmem:s19+$0x2E40];
	[tilespmem:s22+$0x2A50] =	vst v6  }
0x149: {  	v19 =	vmul.f32 $2.262741660e+01, v19;
	v6 =	vld [tilespmem:s19+$0x2E00];
	[tilespmem:s22+$0x2A60] =	vst v5  }
0x14a: {  	v5 =	vld [tilespmem:s19+$0x2630];
	[tilespmem:s22+$0x2200] =	vst v8  }
0x14b: {  	v15 =	vmul.f32 $2.262741660e+01, v15;
	v8 =	vld [tilespmem:s19+$0x2620];
	[tilespmem:s22+$0x2A70] =	vst v3;
	s22 =	smov.u32 s19  }
0x14c: {  	v11 =	vmul.f32 $2.262741660e+01, v11;
	v3 =	vld [tilespmem:s22+$0x2610];
	[tilespmem:s22+$0x2E70] =	vst v19  }
0x14d: {  	v19 =	vmul.f32 $2.262741660e+01, v16;
	[tilespmem:s22+$0x2E10] =	vst v15;
	v15 =	vld [tilespmem:s22+$0x2E20];
	v14 =	vmul.f32 $2.262741660e+01, v14  }
0x14e: {  	v20 =	vmul.f32 $2.262741660e+01, v17;
	v16 =	vld [tilespmem:s22+$0x2600];
	v6 =	vmul.f32 $2.262741660e+01, v6;
	[tilespmem:s22+$0x2E50] =	vst v11  }
0x14f: {  	v11 =	vmul.f32 $2.262741660e+01, v18;
	v17 =	vld [tilespmem:s22+$0x2270];
	v5 =	vmul.f32 $2.262741660e+01, v5;
	[tilespmem:s22+$0x2E40] =	vst v14  }
0x150: {  	v10 =	vmul.f32 $2.262741660e+01, v10;
	v18 =	vld [tilespmem:s22+$0x2260];
	v8 =	vmul.f32 $2.262741660e+01, v8;
	[tilespmem:s22+$0x2E00] =	vst v6  }
0x151: {  	v12 =	vmul.f32 $2.262741660e+01, v12;
	v3 =	vmul.f32 $2.262741660e+01, v3;
	[tilespmem:s22+$0x2630] =	vst v5;
	v5 =	vld [tilespmem:s22+$0x2A50]  }
0x152: {  	v13 =	vmul.f32 $2.262741660e+01, v13;
	[tilespmem:s22+$0x2620] =	vst v8;
	v8 =	vld [tilespmem:s22+$0x2A60];
	v6 =	vmul.f32 $2.262741660e+01, v15  }
0x153: {  	v9 =	vmul.f32 $2.262741660e+01, v9;
	v15 =	vmul.f32 $2.262741660e+01, v16;
	[tilespmem:s22+$0x2610] =	vst v3;
	v3 =	vld [tilespmem:s22+$0x2A70]  }
0x154: {  	v4 =	vmul.f32 $2.262741660e+01, v4;
	v21 =	vld [tilespmem:s22+$0x2200];
	v16 =	vmul.f32 $2.262741660e+01, v17;
	[tilespmem:s22+$0x2E20] =	vst v6  }
.Ltmp3:
0x155: {  	v7 =	vmul.f32 $2.262741660e+01, v7;
	v14 =	vld [tilespmem:s22+$0x2210];
	v17 =	vmul.f32 $2.262741660e+01, v18;
	[tilespmem:s22+$0x2600] =	vst v15;
	(pc) =	sbr.rel @p1 .LBB2_5-.Ltmp3, $4  }
0x156: {  	v15 =	vld [tilespmem:s22+$0x2240];
	[tilespmem:s22+$0x2270] =	vst v16;
	v6 =	vmul.f32 $2.262741660e+01, v5  }
0x157: {  	v16 =	vld [tilespmem:s22+$0x2220];
	[tilespmem:s22+$0x2260] =	vst v17;
	v5 =	vmul.f32 $2.262741660e+01, v8  }
0x158: {  	v17 =	vld [tilespmem:s22+$0x2230];
	[tilespmem:s22+$0x2640] =	vst v19;
	v3 =	vmul.f32 $2.262741660e+01, v3  }
0x159: {  	s3 =	sadd.s32 $0x80, s3;
	v8 =	vmul.f32 $2.262741660e+01, v21;
	[tilespmem:s22+$0x2650] =	vst v20;
	v18 =	vld [tilespmem:s22+$0x2E30]  }
0x15a: {  	[tilespmem:s22+$0x2660] =	vst v11  }
0x15b: {  	[tilespmem:s22+$0x2670] =	vst v10  }
0x15c: {  	[tilespmem:s22+$0x2A00] =	vst v12  }
0x15d: {  	[tilespmem:s22+$0x2A10] =	vst v13  }
0x15e: {  	[tilespmem:s22+$0x2A20] =	vst v9  }
0x15f: {  	[tilespmem:s22+$0x2A30] =	vst v4  }
0x160: {  	[tilespmem:s22+$0x2A40] =	vst v7  }
0x161: {  	[tilespmem:s22+$0x2A50] =	vst v6  }
0x162: {  	[tilespmem:s22+$0x2A60] =	vst v5  }
0x163: {  	v11 =	vld [tilespmem:s22+$0x2250];
	[tilespmem:s22+$0x2A70] =	vst v3;
	v9 =	vmul.f32 $2.262741660e+01, v15  }
0x164: {  	v12 =	vld [tilespmem:s22+$0x2E60];
	[tilespmem:s22+$0x2200] =	vst v8;
	v10 =	vmul.f32 $2.262741660e+01, v16  }
0x165: {  	v16 =	vmul.f32 $2.262741660e+01, v17;
	[tilespmem:s22+$0x2240] =	vst v9  }
0x166: {  	v9 =	vmul.f32 $2.262741660e+01, v14;
	[tilespmem:s22+$0x2220] =	vst v10  }
0x167: {  	s10 =	sshll.u32 s7, $0x7;
	v10 =	vmul.f32 $2.262741660e+01, v18;
	[tilespmem:s22+$0x2230] =	vst v16  }
0x168: {  	s3 =	sadd.s32 s10, s5;
	v11 =	vmul.f32 $2.262741660e+01, v11;
	[tilespmem:s22+$0x2210] =	vst v9  }
0x169: {  	s19 =	rddreg [dreg:$0x2];
	s3 =	sshll.u32 s3, $0x6;
	[tilespmem:s22+$0x2E30] =	vst v10;
	v10 =	vmul.f32 $2.262741660e+01, v12  }
0x16a: {  	s19 =	sadd.s32 s19, s3;
	[tilespmem:s22+$0x2250] =	vst v11  }
0x16b: {  	s3 =	sadd.s32 $0x400, s19;
	[tilespmem:s22+$0x2E60] =	vst v10  }
0x16c: {  	[hbm4b:s3+s4] =	stream.linear.scatter [tilespmem:s17], [sflag:$0xA], $0x2000, $0x38;
	[tilespmem:$0x10200] =	vst v63  }
0x16d: {  	s3 =	simm.s32 @!p0 $0xA  }
0x16e: {  	_ =	swait.ge @!p0 [sflag:s3], $0x2000  }
0x16f: {  	[sflag:s3] =	ssyncset.done @!p0 $0x0  }
0x170: {  	[sflag:s3] =	ssyncadd.s32 @!p0 $0xFFFFE000  }
0x171: {  	v3 =	vld @!p0 [tilespmem:s13+$0x90];
	_ =	sdelay $0x4  }
0x172: {  	v4 =	vshll.u32 @!p0 v3, $0x2  }
0x173: {  	v5 =	vlaneseq.u32 @!p0;
	v3 =	vand.u32 @!p0 $0x7, v3;
	v4 =	vand.u32 @!p0 $0xFFFFFFE0, v4  }
0x174: {  	v6 =	vshrl.u32 @!p0 v5, $0x3;
	v3 =	vor.u32 @!p0 v3, v4;
	v4 =	vand.u32 @!p0 $0x7, v5  }
0x175: {  	v6 =	vmul.u32 @!p0 $0x8, v6;
	v4 =	vperm.xlane @!p0 v3, v4;
	_ =	sdelay $0x1  }
0x176: {  	v4 =	vadd.s32 @!p0 v6, v4  }
0x177: {  	v5 =	vor.u32 @!p0 $0x8, v5  }
0x178: {  	v3 =	vperm.xlane @!p0 v3, v5;
	_ =	sdelay $0x1  }
0x179: {  	s22 =	simm.s32 @!p0 $0x2200;
	s3 =	simm.s32 @!p0 $0x0;
	v3 =	vadd.s32 @!p0 v6, v3  }
0x17a: {  	[tilespmem:s22], [sflag:$0x2] =	stream.indirect_vreg.gather @!p0 [hbm4b:s2+s3], $0x80, v4, vm1, $0xb8;
	[tilespmem:$0x10200] =	vst v63  }
0x17b: {  	s22 =	simm.s32 @!p0 $0x2A00  }
0x17c: {  	[tilespmem:s22], [sflag:$0x2] =	stream.indirect_vreg.gather @!p0 [hbm4b:s8+s3], $0x80, v4, vm1, $0xb8;
	[tilespmem:$0x10200] =	vst v63  }
0x17d: {  	s22 =	simm.s32 @!p0 $0x3200  }
0x17e: {  	[tilespmem:s22], [sflag:$0x2] =	stream.indirect_vreg.gather @!p0 [hbm4b:s2+s3], $0x80, v3, vm1, $0xb8;
	[tilespmem:$0x10200] =	vst v63  }
0x17f: {  	s22 =	simm.s32 @!p0 $0x3A00  }
0x180: {  	[tilespmem:s22], [sflag:$0x2] =	stream.indirect_vreg.gather @!p0 [hbm4b:s8+s3], $0x80, v3, vm1, $0xb8;
	[tilespmem:$0x10200] =	vst v63  }
0x181: {  	s26 =	simm.s32 $0x0;
	_ =	swait.ge [sflag:s31], $0x2000  }
0x182: {  	s28 =	sand.u32 $0x1000, s26;
	s3 =	sand.u32 $0x380, s26;
	[sflag:s31] =	ssyncset.done $0x0  }
0x183: {  	s22 =	sor.u32 s3, s28;
	[sflag:s31] =	ssyncadd.s32 $0xFFFFE000  }
0x184: {  	v3 =	vld [tilespmem:s22+$0x4670]  }
0x185: {  	v4 =	vld [tilespmem:s22+$0x4A00]  }
0x186: {  	v5 =	vld [tilespmem:s22+$0x4A10]  }
0x187: {  	v6 =	vld [tilespmem:s22+$0x4660]  }
0x188: {  	v7 =	vld [tilespmem:s22+$0x4650]  }
0x189: {  	v8 =	vld [tilespmem:s22+$0x4A20]  }
0x18a: {  	v9 =	vld [tilespmem:s22+$0x4640]  }
0x18b: {  	v10 =	vld [tilespmem:s22+$0x4E70]  }
0x18c: {  	v11 =	vld [tilespmem:s22+$0x4E10]  }
0x18d: {  	v12 =	vld [tilespmem:s22+$0x4E50]  }
0x18e: {  	v16 =	vld [tilespmem:s22+$0x4A30]  }
0x18f: {  	v17 =	vld [tilespmem:s22+$0x4A40]  }
0x190: {  	v14 =	vld [tilespmem:s22+$0x4E00]  }
0x191: {  	v13 =	vld [tilespmem:s22+$0x4E40]  }
0x192: {  	v15 =	vld [tilespmem:s22+$0x4630];
	v11 =	vmul.f32 $2.262741660e+01, v11  }
0x193: {  	v18 =	vld [tilespmem:s22+$0x4620];
	v10 =	vmul.f32 $2.262741660e+01, v10  }
0x194: {  	v19 =	vld [tilespmem:s22+$0x4610];
	v12 =	vmul.f32 $2.262741660e+01, v12;
	[tilespmem:s22+$0x4E10] =	vst v11  }
0x195: {  	v24 =	vld [tilespmem:s22+$0x4200];
	v14 =	vmul.f32 $2.262741660e+01, v14;
	[tilespmem:s22+$0x4E70] =	vst v10  }
0x196: {  	v10 =	vld [tilespmem:s22+$0x4E20];
	v11 =	vmul.f32 $2.262741660e+01, v13;
	[tilespmem:s22+$0x4E50] =	vst v12  }
0x197: {  	v15 =	vmul.f32 $2.262741660e+01, v15;
	v13 =	vld [tilespmem:s22+$0x4600];
	[tilespmem:s22+$0x4E00] =	vst v14  }
0x198: {  	v12 =	vld [tilespmem:s22+$0x4270];
	[tilespmem:s22+$0x4E40] =	vst v11;
	v11 =	vmul.f32 $2.262741660e+01, v18  }
0x199: {  	v20 =	vld [tilespmem:s22+$0x4260];
	[tilespmem:s22+$0x4630] =	vst v15;
	v18 =	vmul.f32 $2.262741660e+01, v9;
	v9 =	vmul.f32 $2.262741660e+01, v19  }
0x19a: {  	v22 =	vld [tilespmem:s22+$0x4A60];
	v21 =	vmul.f32 $2.262741660e+01, v7;
	[tilespmem:s22+$0x4620] =	vst v11;
	v11 =	vmul.f32 $2.262741660e+01, v6  }
0x19b: {  	v19 =	vld [tilespmem:s22+$0x4A50];
	[tilespmem:s22+$0x4610] =	vst v9;
	v9 =	vmul.f32 $2.262741660e+01, v8;
	v8 =	vmul.f32 $2.262741660e+01, v24  }
0x19c: {  	v23 =	vld [tilespmem:s22+$0x4A70];
	[tilespmem:s22+$0x4650] =	vst v21;
	v7 =	vmul.f32 $2.262741660e+01, v10;
	v6 =	vmul.f32 $2.262741660e+01, v13  }
0x19d: {  	v14 =	vld [tilespmem:s22+$0x4210];
	[tilespmem:s22+$0x4640] =	vst v18;
	v10 =	vmul.f32 $2.262741660e+01, v3;
	v3 =	vmul.f32 $2.262741660e+01, v12  }
0x19e: {  	v15 =	vld [tilespmem:s22+$0x4240];
	v12 =	vmul.f32 $2.262741660e+01, v4;
	v4 =	vmul.f32 $2.262741660e+01, v20;
	[tilespmem:s22+$0x4E20] =	vst v7  }
0x19f: {  	v13 =	vmul.f32 $2.262741660e+01, v5;
	[tilespmem:s22+$0x4270] =	vst v3;
	v3 =	vmul.f32 $2.262741660e+01, v16;
	v16 =	vld [tilespmem:s22+$0x4220]  }
0x1a0: {  	[tilespmem:s22+$0x4600] =	vst v6;
	v7 =	vmul.f32 $2.262741660e+01, v17;
	v5 =	vmul.f32 $2.262741660e+01, v19;
	v17 =	vld [tilespmem:s22+$0x4230]  }
0x1a1: {  	s24 =	simm.s32 $0x80;
	s3 =	simm.s32 $0x200;
	v18 =	vld [tilespmem:s22+$0x4E30];
	[tilespmem:s22+$0x4260] =	vst v4;
	v6 =	vmul.f32 $2.262741660e+01, v22;
	v4 =	vmul.f32 $2.262741660e+01, v23  }
.LBB2_7:
0x1a2: {  	s26 =	sand.u32 $0x1000, s3;
	s28 =	sand.u32 $0x380, s24;
	v14 =	vmul.f32 $2.262741660e+01, v14;
	[tilespmem:s22+$0x4660] =	vst v11;
	v11 =	vld [tilespmem:s22+$0x4E60]  }
0x1a3: {  	p1 =	sne.s32 s3, $0x1E00;
	s3 =	sadd.s32 $0x200, s3;
	s26 =	sor.u32 s28, s26;
	v15 =	vmul.f32 $2.262741660e+01, v15;
	v19 =	vld [tilespmem:s22+$0x4250];
	[tilespmem:s22+$0x4670] =	vst v10  }
0x1a4: {  	v10 =	vld [tilespmem:s26+$0x4670];
	v16 =	vmul.f32 $2.262741660e+01, v16;
	[tilespmem:s22+$0x4A00] =	vst v12  }
0x1a5: {  	v12 =	vld [tilespmem:s26+$0x4A00];
	v17 =	vmul.f32 $2.262741660e+01, v17;
	[tilespmem:s22+$0x4A10] =	vst v13  }
0x1a6: {  	v13 =	vld [tilespmem:s26+$0x4A10];
	[tilespmem:s22+$0x4220] =	vst v16;
	v16 =	vmul.f32 $2.262741660e+01, v18  }
0x1a7: {  	v18 =	vld [tilespmem:s26+$0x4660];
	[tilespmem:s22+$0x4230] =	vst v17;
	v11 =	vmul.f32 $2.262741660e+01, v11  }
0x1a8: {  	v17 =	vld [tilespmem:s26+$0x4650];
	v19 =	vmul.f32 $2.262741660e+01, v19;
	[tilespmem:s22+$0x4A20] =	vst v9  }
0x1a9: {  	v9 =	vld [tilespmem:s26+$0x4A20];
	[tilespmem:s22+$0x4E30] =	vst v16  }
0x1aa: {  	v16 =	vld [tilespmem:s26+$0x4640];
	[tilespmem:s22+$0x4250] =	vst v19  }
0x1ab: {  	v19 =	vld [tilespmem:s26+$0x4E70];
	[tilespmem:s22+$0x4240] =	vst v15  }
0x1ac: {  	v15 =	vld [tilespmem:s26+$0x4E10];
	[tilespmem:s22+$0x4E60] =	vst v11  }
0x1ad: {  	v11 =	vld [tilespmem:s26+$0x4E50];
	[tilespmem:s22+$0x4A30] =	vst v3  }
0x1ae: {  	v3 =	vld [tilespmem:s26+$0x4A30];
	[tilespmem:s22+$0x4A40] =	vst v7  }
0x1af: {  	v7 =	vld [tilespmem:s26+$0x4A40];
	[tilespmem:s22+$0x4210] =	vst v14  }
0x1b0: {  	v14 =	vld [tilespmem:s26+$0x4E40];
	[tilespmem:s22+$0x4A50] =	vst v5  }
0x1b1: {  	v19 =	vmul.f32 $2.262741660e+01, v19;
	v5 =	vld [tilespmem:s26+$0x4E00];
	[tilespmem:s22+$0x4A60] =	vst v6  }
0x1b2: {  	v6 =	vld [tilespmem:s26+$0x4630];
	[tilespmem:s22+$0x4200] =	vst v8  }
0x1b3: {  	v15 =	vmul.f32 $2.262741660e+01, v15;
	v8 =	vld [tilespmem:s26+$0x4620];
	[tilespmem:s22+$0x4A70] =	vst v4;
	s22 =	smov.u32 s26  }
0x1b4: {  	v11 =	vmul.f32 $2.262741660e+01, v11;
	v4 =	vld [tilespmem:s22+$0x4610];
	[tilespmem:s22+$0x4E70] =	vst v19  }
0x1b5: {  	v19 =	vmul.f32 $2.262741660e+01, v16;
	[tilespmem:s22+$0x4E10] =	vst v15;
	v15 =	vld [tilespmem:s22+$0x4E20];
	v14 =	vmul.f32 $2.262741660e+01, v14  }
0x1b6: {  	v20 =	vmul.f32 $2.262741660e+01, v17;
	v16 =	vld [tilespmem:s22+$0x4600];
	v5 =	vmul.f32 $2.262741660e+01, v5;
	[tilespmem:s22+$0x4E50] =	vst v11  }
0x1b7: {  	v11 =	vmul.f32 $2.262741660e+01, v18;
	v17 =	vld [tilespmem:s22+$0x4270];
	v6 =	vmul.f32 $2.262741660e+01, v6;
	[tilespmem:s22+$0x4E40] =	vst v14  }
0x1b8: {  	v10 =	vmul.f32 $2.262741660e+01, v10;
	v18 =	vld [tilespmem:s22+$0x4260];
	v8 =	vmul.f32 $2.262741660e+01, v8;
	[tilespmem:s22+$0x4E00] =	vst v5  }
0x1b9: {  	v12 =	vmul.f32 $2.262741660e+01, v12;
	v4 =	vmul.f32 $2.262741660e+01, v4;
	[tilespmem:s22+$0x4630] =	vst v6;
	v5 =	vld [tilespmem:s22+$0x4A50]  }
0x1ba: {  	v13 =	vmul.f32 $2.262741660e+01, v13;
	[tilespmem:s22+$0x4620] =	vst v8;
	v6 =	vld [tilespmem:s22+$0x4A60];
	v8 =	vmul.f32 $2.262741660e+01, v15  }
0x1bb: {  	v9 =	vmul.f32 $2.262741660e+01, v9;
	v15 =	vmul.f32 $2.262741660e+01, v16;
	[tilespmem:s22+$0x4610] =	vst v4;
	v4 =	vld [tilespmem:s22+$0x4A70]  }
0x1bc: {  	v3 =	vmul.f32 $2.262741660e+01, v3;
	v21 =	vld [tilespmem:s22+$0x4200];
	v16 =	vmul.f32 $2.262741660e+01, v17;
	[tilespmem:s22+$0x4E20] =	vst v8  }
.Ltmp4:
0x1bd: {  	v7 =	vmul.f32 $2.262741660e+01, v7;
	v14 =	vld [tilespmem:s22+$0x4210];
	v8 =	vmul.f32 $2.262741660e+01, v18;
	[tilespmem:s22+$0x4600] =	vst v15;
	(pc) =	sbr.rel @p1 .LBB2_7-.Ltmp4, $4  }
0x1be: {  	v15 =	vld [tilespmem:s22+$0x4240];
	[tilespmem:s22+$0x4270] =	vst v16;
	v5 =	vmul.f32 $2.262741660e+01, v5  }
0x1bf: {  	v16 =	vld [tilespmem:s22+$0x4220];
	[tilespmem:s22+$0x4260] =	vst v8;
	v6 =	vmul.f32 $2.262741660e+01, v6  }
0x1c0: {  	v17 =	vld [tilespmem:s22+$0x4230];
	[tilespmem:s22+$0x4640] =	vst v19;
	v4 =	vmul.f32 $2.262741660e+01, v4  }
0x1c1: {  	s24 =	sadd.s32 $0x80, s24;
	v8 =	vmul.f32 $2.262741660e+01, v21;
	[tilespmem:s22+$0x4650] =	vst v20;
	v18 =	vld [tilespmem:s22+$0x4E30]  }
0x1c2: {  	[tilespmem:s22+$0x4660] =	vst v11  }
0x1c3: {  	[tilespmem:s22+$0x4670] =	vst v10  }
0x1c4: {  	[tilespmem:s22+$0x4A00] =	vst v12  }
0x1c5: {  	[tilespmem:s22+$0x4A10] =	vst v13  }
0x1c6: {  	[tilespmem:s22+$0x4A20] =	vst v9  }
0x1c7: {  	[tilespmem:s22+$0x4A30] =	vst v3  }
0x1c8: {  	[tilespmem:s22+$0x4A40] =	vst v7  }
0x1c9: {  	[tilespmem:s22+$0x4A50] =	vst v5  }
0x1ca: {  	[tilespmem:s22+$0x4A60] =	vst v6  }
0x1cb: {  	v11 =	vld [tilespmem:s22+$0x4250];
	[tilespmem:s22+$0x4A70] =	vst v4;
	v9 =	vmul.f32 $2.262741660e+01, v15  }
0x1cc: {  	v12 =	vld [tilespmem:s22+$0x4E60];
	[tilespmem:s22+$0x4200] =	vst v8;
	v10 =	vmul.f32 $2.262741660e+01, v16  }
0x1cd: {  	v16 =	vmul.f32 $2.262741660e+01, v17;
	[tilespmem:s22+$0x4240] =	vst v9  }
0x1ce: {  	v9 =	vmul.f32 $2.262741660e+01, v14;
	[tilespmem:s22+$0x4220] =	vst v10  }
0x1cf: {  	v10 =	vmul.f32 $2.262741660e+01, v18;
	[tilespmem:s22+$0x4230] =	vst v16  }
0x1d0: {  	v11 =	vmul.f32 $2.262741660e+01, v11;
	[tilespmem:s22+$0x4210] =	vst v9  }
0x1d1: {  	[tilespmem:s22+$0x4E30] =	vst v10;
	v10 =	vmul.f32 $2.262741660e+01, v12  }
0x1d2: {  	[tilespmem:s22+$0x4250] =	vst v11  }
0x1d3: {  	s3 =	sadd.s32 $0x800, s19;
	[tilespmem:s22+$0x4E60] =	vst v10  }
0x1d4: {  	[hbm4b:s3+s4] =	stream.linear.scatter [tilespmem:s21], [sflag:$0xB], $0x2000, $0x38;
	[tilespmem:$0x10200] =	vst v63  }
0x1d5: {  	s3 =	simm.s32 @!p0 $0xB  }
0x1d6: {  	_ =	swait.ge @!p0 [sflag:s3], $0x2000  }
0x1d7: {  	[sflag:s3] =	ssyncset.done @!p0 $0x0  }
0x1d8: {  	[sflag:s3] =	ssyncadd.s32 @!p0 $0xFFFFE000  }
0x1d9: {  	v3 =	vld @!p0 [tilespmem:s13+$0xA0];
	_ =	sdelay $0x4  }
0x1da: {  	v4 =	vshll.u32 @!p0 v3, $0x2  }
0x1db: {  	v5 =	vlaneseq.u32 @!p0;
	v3 =	vand.u32 @!p0 $0x7, v3;
	v4 =	vand.u32 @!p0 $0xFFFFFFE0, v4  }
0x1dc: {  	v6 =	vshrl.u32 @!p0 v5, $0x3;
	v3 =	vor.u32 @!p0 v3, v4;
	v4 =	vand.u32 @!p0 $0x7, v5  }
0x1dd: {  	v6 =	vmul.u32 @!p0 $0x8, v6;
	v4 =	vperm.xlane @!p0 v3, v4;
	_ =	sdelay $0x1  }
0x1de: {  	v4 =	vadd.s32 @!p0 v6, v4  }
0x1df: {  	v5 =	vor.u32 @!p0 $0x8, v5  }
0x1e0: {  	v3 =	vperm.xlane @!p0 v3, v5;
	_ =	sdelay $0x1  }
0x1e1: {  	s22 =	simm.s32 @!p0 $0x4200;
	s3 =	simm.s32 @!p0 $0x0;
	v3 =	vadd.s32 @!p0 v6, v3  }
0x1e2: {  	[tilespmem:s22], [sflag:$0x3] =	stream.indirect_vreg.gather @!p0 [hbm4b:s2+s3], $0x80, v4, vm1, $0xb8;
	[tilespmem:$0x10200] =	vst v63  }
0x1e3: {  	s22 =	simm.s32 @!p0 $0x4A00  }
0x1e4: {  	[tilespmem:s22], [sflag:$0x3] =	stream.indirect_vreg.gather @!p0 [hbm4b:s8+s3], $0x80, v4, vm1, $0xb8;
	[tilespmem:$0x10200] =	vst v63  }
0x1e5: {  	s22 =	simm.s32 @!p0 $0x5200  }
0x1e6: {  	[tilespmem:s22], [sflag:$0x3] =	stream.indirect_vreg.gather @!p0 [hbm4b:s2+s3], $0x80, v3, vm1, $0xb8;
	[tilespmem:$0x10200] =	vst v63  }
0x1e7: {  	s22 =	simm.s32 @!p0 $0x5A00  }
0x1e8: {  	[tilespmem:s22], [sflag:$0x3] =	stream.indirect_vreg.gather @!p0 [hbm4b:s8+s3], $0x80, v3, vm1, $0xb8;
	[tilespmem:$0x10200] =	vst v63  }
0x1e9: {  	s26 =	simm.s32 $0x0;
	_ =	swait.ge [sflag:s1], $0x2000  }
0x1ea: {  	s28 =	sand.u32 $0x1000, s26;
	s3 =	sand.u32 $0x380, s26;
	[sflag:s1] =	ssyncset.done $0x0  }
0x1eb: {  	s22 =	sor.u32 s3, s28;
	[sflag:s1] =	ssyncadd.s32 $0xFFFFE000  }
0x1ec: {  	v3 =	vld [tilespmem:s22+$0x6670]  }
0x1ed: {  	v4 =	vld [tilespmem:s22+$0x6A00]  }
0x1ee: {  	v5 =	vld [tilespmem:s22+$0x6A10]  }
0x1ef: {  	v6 =	vld [tilespmem:s22+$0x6660]  }
0x1f0: {  	v7 =	vld [tilespmem:s22+$0x6650]  }
0x1f1: {  	v8 =	vld [tilespmem:s22+$0x6A20]  }
0x1f2: {  	v9 =	vld [tilespmem:s22+$0x6640]  }
0x1f3: {  	v10 =	vld [tilespmem:s22+$0x6E70]  }
0x1f4: {  	v11 =	vld [tilespmem:s22+$0x6E10]  }
0x1f5: {  	v12 =	vld [tilespmem:s22+$0x6E50]  }
0x1f6: {  	v16 =	vld [tilespmem:s22+$0x6A30]  }
0x1f7: {  	v17 =	vld [tilespmem:s22+$0x6A40]  }
0x1f8: {  	v14 =	vld [tilespmem:s22+$0x6E00]  }
0x1f9: {  	v13 =	vld [tilespmem:s22+$0x6E40]  }
0x1fa: {  	v15 =	vld [tilespmem:s22+$0x6630];
	v11 =	vmul.f32 $2.262741660e+01, v11  }
0x1fb: {  	v18 =	vld [tilespmem:s22+$0x6620];
	v10 =	vmul.f32 $2.262741660e+01, v10  }
0x1fc: {  	v19 =	vld [tilespmem:s22+$0x6610];
	v12 =	vmul.f32 $2.262741660e+01, v12;
	[tilespmem:s22+$0x6E10] =	vst v11  }
0x1fd: {  	v24 =	vld [tilespmem:s22+$0x6200];
	v14 =	vmul.f32 $2.262741660e+01, v14;
	[tilespmem:s22+$0x6E70] =	vst v10  }
0x1fe: {  	v10 =	vld [tilespmem:s22+$0x6E20];
	v11 =	vmul.f32 $2.262741660e+01, v13;
	[tilespmem:s22+$0x6E50] =	vst v12  }
0x1ff: {  	v15 =	vmul.f32 $2.262741660e+01, v15;
	v13 =	vld [tilespmem:s22+$0x6600];
	[tilespmem:s22+$0x6E00] =	vst v14  }
0x200: {  	v12 =	vld [tilespmem:s22+$0x6270];
	[tilespmem:s22+$0x6E40] =	vst v11;
	v11 =	vmul.f32 $2.262741660e+01, v18  }
0x201: {  	v20 =	vld [tilespmem:s22+$0x6260];
	[tilespmem:s22+$0x6630] =	vst v15;
	v18 =	vmul.f32 $2.262741660e+01, v9;
	v9 =	vmul.f32 $2.262741660e+01, v19  }
0x202: {  	v22 =	vld [tilespmem:s22+$0x6A60];
	v21 =	vmul.f32 $2.262741660e+01, v7;
	[tilespmem:s22+$0x6620] =	vst v11;
	v11 =	vmul.f32 $2.262741660e+01, v6  }
0x203: {  	v19 =	vld [tilespmem:s22+$0x6A50];
	[tilespmem:s22+$0x6610] =	vst v9;
	v9 =	vmul.f32 $2.262741660e+01, v8;
	v8 =	vmul.f32 $2.262741660e+01, v24  }
0x204: {  	v23 =	vld [tilespmem:s22+$0x6A70];
	[tilespmem:s22+$0x6650] =	vst v21;
	v7 =	vmul.f32 $2.262741660e+01, v10;
	v6 =	vmul.f32 $2.262741660e+01, v13  }
0x205: {  	v14 =	vld [tilespmem:s22+$0x6210];
	[tilespmem:s22+$0x6640] =	vst v18;
	v10 =	vmul.f32 $2.262741660e+01, v3;
	v3 =	vmul.f32 $2.262741660e+01, v12  }
0x206: {  	v15 =	vld [tilespmem:s22+$0x6240];
	v12 =	vmul.f32 $2.262741660e+01, v4;
	v4 =	vmul.f32 $2.262741660e+01, v20;
	[tilespmem:s22+$0x6E20] =	vst v7  }
0x207: {  	v13 =	vmul.f32 $2.262741660e+01, v5;
	[tilespmem:s22+$0x6270] =	vst v3;
	v3 =	vmul.f32 $2.262741660e+01, v16;
	v16 =	vld [tilespmem:s22+$0x6220]  }
0x208: {  	[tilespmem:s22+$0x6600] =	vst v6;
	v7 =	vmul.f32 $2.262741660e+01, v17;
	v5 =	vmul.f32 $2.262741660e+01, v19;
	v17 =	vld [tilespmem:s22+$0x6230]  }
0x209: {  	s24 =	simm.s32 $0x80;
	s3 =	simm.s32 $0x200;
	v18 =	vld [tilespmem:s22+$0x6E30];
	[tilespmem:s22+$0x6260] =	vst v4;
	v6 =	vmul.f32 $2.262741660e+01, v22;
	v4 =	vmul.f32 $2.262741660e+01, v23  }
.LBB2_9:
0x20a: {  	s26 =	sand.u32 $0x1000, s3;
	s28 =	sand.u32 $0x380, s24;
	v14 =	vmul.f32 $2.262741660e+01, v14;
	[tilespmem:s22+$0x6660] =	vst v11;
	v11 =	vld [tilespmem:s22+$0x6E60]  }
0x20b: {  	p1 =	sne.s32 s3, $0x1E00;
	s3 =	sadd.s32 $0x200, s3;
	s26 =	sor.u32 s28, s26;
	v15 =	vmul.f32 $2.262741660e+01, v15;
	v19 =	vld [tilespmem:s22+$0x6250];
	[tilespmem:s22+$0x6670] =	vst v10  }
0x20c: {  	v10 =	vld [tilespmem:s26+$0x6670];
	v16 =	vmul.f32 $2.262741660e+01, v16;
	[tilespmem:s22+$0x6A00] =	vst v12  }
0x20d: {  	v12 =	vld [tilespmem:s26+$0x6A00];
	v17 =	vmul.f32 $2.262741660e+01, v17;
	[tilespmem:s22+$0x6A10] =	vst v13  }
0x20e: {  	v13 =	vld [tilespmem:s26+$0x6A10];
	[tilespmem:s22+$0x6220] =	vst v16;
	v16 =	vmul.f32 $2.262741660e+01, v18  }
0x20f: {  	v18 =	vld [tilespmem:s26+$0x6660];
	[tilespmem:s22+$0x6230] =	vst v17;
	v11 =	vmul.f32 $2.262741660e+01, v11  }
0x210: {  	v17 =	vld [tilespmem:s26+$0x6650];
	v19 =	vmul.f32 $2.262741660e+01, v19;
	[tilespmem:s22+$0x6A20] =	vst v9  }
0x211: {  	v9 =	vld [tilespmem:s26+$0x6A20];
	[tilespmem:s22+$0x6E30] =	vst v16  }
0x212: {  	v16 =	vld [tilespmem:s26+$0x6640];
	[tilespmem:s22+$0x6250] =	vst v19  }
0x213: {  	v19 =	vld [tilespmem:s26+$0x6E70];
	[tilespmem:s22+$0x6240] =	vst v15  }
0x214: {  	v15 =	vld [tilespmem:s26+$0x6E10];
	[tilespmem:s22+$0x6E60] =	vst v11  }
0x215: {  	v11 =	vld [tilespmem:s26+$0x6E50];
	[tilespmem:s22+$0x6A30] =	vst v3  }
0x216: {  	v3 =	vld [tilespmem:s26+$0x6A30];
	[tilespmem:s22+$0x6A40] =	vst v7  }
0x217: {  	v7 =	vld [tilespmem:s26+$0x6A40];
	[tilespmem:s22+$0x6210] =	vst v14  }
0x218: {  	v14 =	vld [tilespmem:s26+$0x6E40];
	[tilespmem:s22+$0x6A50] =	vst v5  }
0x219: {  	v19 =	vmul.f32 $2.262741660e+01, v19;
	v5 =	vld [tilespmem:s26+$0x6E00];
	[tilespmem:s22+$0x6A60] =	vst v6  }
0x21a: {  	v6 =	vld [tilespmem:s26+$0x6630];
	[tilespmem:s22+$0x6200] =	vst v8  }
0x21b: {  	v15 =	vmul.f32 $2.262741660e+01, v15;
	v8 =	vld [tilespmem:s26+$0x6620];
	[tilespmem:s22+$0x6A70] =	vst v4;
	s22 =	smov.u32 s26  }
0x21c: {  	v11 =	vmul.f32 $2.262741660e+01, v11;
	v4 =	vld [tilespmem:s22+$0x6610];
	[tilespmem:s22+$0x6E70] =	vst v19  }
0x21d: {  	v19 =	vmul.f32 $2.262741660e+01, v16;
	[tilespmem:s22+$0x6E10] =	vst v15;
	v15 =	vld [tilespmem:s22+$0x6E20];
	v14 =	vmul.f32 $2.262741660e+01, v14  }
0x21e: {  	v20 =	vmul.f32 $2.262741660e+01, v17;
	v16 =	vld [tilespmem:s22+$0x6600];
	v5 =	vmul.f32 $2.262741660e+01, v5;
	[tilespmem:s22+$0x6E50] =	vst v11  }
0x21f: {  	v11 =	vmul.f32 $2.262741660e+01, v18;
	v17 =	vld [tilespmem:s22+$0x6270];
	v6 =	vmul.f32 $2.262741660e+01, v6;
	[tilespmem:s22+$0x6E40] =	vst v14  }
0x220: {  	v10 =	vmul.f32 $2.262741660e+01, v10;
	v18 =	vld [tilespmem:s22+$0x6260];
	v8 =	vmul.f32 $2.262741660e+01, v8;
	[tilespmem:s22+$0x6E00] =	vst v5  }
0x221: {  	v12 =	vmul.f32 $2.262741660e+01, v12;
	v4 =	vmul.f32 $2.262741660e+01, v4;
	[tilespmem:s22+$0x6630] =	vst v6;
	v5 =	vld [tilespmem:s22+$0x6A50]  }
0x222: {  	v13 =	vmul.f32 $2.262741660e+01, v13;
	[tilespmem:s22+$0x6620] =	vst v8;
	v6 =	vld [tilespmem:s22+$0x6A60];
	v8 =	vmul.f32 $2.262741660e+01, v15  }
0x223: {  	v9 =	vmul.f32 $2.262741660e+01, v9;
	v15 =	vmul.f32 $2.262741660e+01, v16;
	[tilespmem:s22+$0x6610] =	vst v4;
	v4 =	vld [tilespmem:s22+$0x6A70]  }
0x224: {  	v3 =	vmul.f32 $2.262741660e+01, v3;
	v21 =	vld [tilespmem:s22+$0x6200];
	v16 =	vmul.f32 $2.262741660e+01, v17;
	[tilespmem:s22+$0x6E20] =	vst v8  }
.Ltmp5:
0x225: {  	v7 =	vmul.f32 $2.262741660e+01, v7;
	v14 =	vld [tilespmem:s22+$0x6210];
	v8 =	vmul.f32 $2.262741660e+01, v18;
	[tilespmem:s22+$0x6600] =	vst v15;
	(pc) =	sbr.rel @p1 .LBB2_9-.Ltmp5, $4  }
0x226: {  	v15 =	vld [tilespmem:s22+$0x6240];
	[tilespmem:s22+$0x6270] =	vst v16;
	v5 =	vmul.f32 $2.262741660e+01, v5  }
0x227: {  	v16 =	vld [tilespmem:s22+$0x6220];
	[tilespmem:s22+$0x6260] =	vst v8;
	v6 =	vmul.f32 $2.262741660e+01, v6  }
0x228: {  	v17 =	vld [tilespmem:s22+$0x6230];
	[tilespmem:s22+$0x6640] =	vst v19;
	v4 =	vmul.f32 $2.262741660e+01, v4  }
0x229: {  	s24 =	sadd.s32 $0x80, s24;
	v8 =	vmul.f32 $2.262741660e+01, v21;
	[tilespmem:s22+$0x6650] =	vst v20;
	v18 =	vld [tilespmem:s22+$0x6E30]  }
0x22a: {  	[tilespmem:s22+$0x6660] =	vst v11  }
0x22b: {  	[tilespmem:s22+$0x6670] =	vst v10  }
0x22c: {  	[tilespmem:s22+$0x6A00] =	vst v12  }
0x22d: {  	[tilespmem:s22+$0x6A10] =	vst v13  }
0x22e: {  	[tilespmem:s22+$0x6A20] =	vst v9  }
0x22f: {  	[tilespmem:s22+$0x6A30] =	vst v3  }
0x230: {  	[tilespmem:s22+$0x6A40] =	vst v7  }
0x231: {  	[tilespmem:s22+$0x6A50] =	vst v5  }
0x232: {  	[tilespmem:s22+$0x6A60] =	vst v6  }
0x233: {  	v11 =	vld [tilespmem:s22+$0x6250];
	[tilespmem:s22+$0x6A70] =	vst v4;
	v9 =	vmul.f32 $2.262741660e+01, v15  }
0x234: {  	v12 =	vld [tilespmem:s22+$0x6E60];
	[tilespmem:s22+$0x6200] =	vst v8;
	v10 =	vmul.f32 $2.262741660e+01, v16  }
0x235: {  	v16 =	vmul.f32 $2.262741660e+01, v17;
	[tilespmem:s22+$0x6240] =	vst v9  }
0x236: {  	v9 =	vmul.f32 $2.262741660e+01, v14;
	[tilespmem:s22+$0x6220] =	vst v10  }
0x237: {  	v10 =	vmul.f32 $2.262741660e+01, v18;
	[tilespmem:s22+$0x6230] =	vst v16  }
0x238: {  	v11 =	vmul.f32 $2.262741660e+01, v11;
	[tilespmem:s22+$0x6210] =	vst v9  }
0x239: {  	[tilespmem:s22+$0x6E30] =	vst v10;
	v10 =	vmul.f32 $2.262741660e+01, v12  }
0x23a: {  	[tilespmem:s22+$0x6250] =	vst v11  }
0x23b: {  	s3 =	sadd.s32 $0xC00, s19;
	[tilespmem:s22+$0x6E60] =	vst v10  }
0x23c: {  	[hbm4b:s3+s4] =	stream.linear.scatter [tilespmem:s25], [sflag:$0xC], $0x2000, $0x38;
	[tilespmem:$0x10200] =	vst v63  }
0x23d: {  	s3 =	simm.s32 @!p0 $0xC  }
0x23e: {  	_ =	swait.ge @!p0 [sflag:s3], $0x2000  }
0x23f: {  	[sflag:s3] =	ssyncset.done @!p0 $0x0  }
0x240: {  	[sflag:s3] =	ssyncadd.s32 @!p0 $0xFFFFE000  }
0x241: {  	v3 =	vld @!p0 [tilespmem:s13+$0xB0];
	_ =	sdelay $0x4  }
0x242: {  	v4 =	vshll.u32 @!p0 v3, $0x2  }
0x243: {  	v5 =	vlaneseq.u32 @!p0;
	v3 =	vand.u32 @!p0 $0x7, v3;
	v4 =	vand.u32 @!p0 $0xFFFFFFE0, v4  }
0x244: {  	v6 =	vshrl.u32 @!p0 v5, $0x3;
	v3 =	vor.u32 @!p0 v3, v4;
	v4 =	vand.u32 @!p0 $0x7, v5  }
0x245: {  	v6 =	vmul.u32 @!p0 $0x8, v6;
	v4 =	vperm.xlane @!p0 v3, v4;
	_ =	sdelay $0x1  }
0x246: {  	v4 =	vadd.s32 @!p0 v6, v4  }
0x247: {  	v5 =	vor.u32 @!p0 $0x8, v5  }
0x248: {  	v3 =	vperm.xlane @!p0 v3, v5;
	_ =	sdelay $0x1  }
0x249: {  	s22 =	simm.s32 @!p0 $0x6200;
	s3 =	simm.s32 @!p0 $0x0;
	v3 =	vadd.s32 @!p0 v6, v3  }
0x24a: {  	[tilespmem:s22], [sflag:$0x4] =	stream.indirect_vreg.gather @!p0 [hbm4b:s2+s3], $0x80, v4, vm1, $0xb8;
	[tilespmem:$0x10200] =	vst v63  }
0x24b: {  	s22 =	simm.s32 @!p0 $0x6A00  }
0x24c: {  	[tilespmem:s22], [sflag:$0x4] =	stream.indirect_vreg.gather @!p0 [hbm4b:s8+s3], $0x80, v4, vm1, $0xb8;
	[tilespmem:$0x10200] =	vst v63  }
0x24d: {  	s22 =	simm.s32 @!p0 $0x7200  }
0x24e: {  	[tilespmem:s22], [sflag:$0x4] =	stream.indirect_vreg.gather @!p0 [hbm4b:s2+s3], $0x80, v3, vm1, $0xb8;
	[tilespmem:$0x10200] =	vst v63  }
0x24f: {  	s22 =	simm.s32 @!p0 $0x7A00  }
0x250: {  	[tilespmem:s22], [sflag:$0x4] =	stream.indirect_vreg.gather @!p0 [hbm4b:s8+s3], $0x80, v3, vm1, $0xb8;
	[tilespmem:$0x10200] =	vst v63  }
0x251: {  	s26 =	simm.s32 $0x0;
	_ =	swait.ge [sflag:s0], $0x2000  }
0x252: {  	s28 =	sand.u32 $0x1000, s26;
	s3 =	sand.u32 $0x380, s26;
	[sflag:s0] =	ssyncset.done $0x0  }
0x253: {  	s22 =	sor.u32 s3, s28;
	[sflag:s0] =	ssyncadd.s32 $0xFFFFE000  }
0x254: {  	v3 =	vld [tilespmem:s22+$0x8670]  }
0x255: {  	v4 =	vld [tilespmem:s22+$0x8A00]  }
0x256: {  	v5 =	vld [tilespmem:s22+$0x8A10]  }
0x257: {  	v6 =	vld [tilespmem:s22+$0x8660]  }
0x258: {  	v7 =	vld [tilespmem:s22+$0x8650]  }
0x259: {  	v8 =	vld [tilespmem:s22+$0x8A20]  }
0x25a: {  	v9 =	vld [tilespmem:s22+$0x8640]  }
0x25b: {  	v10 =	vld [tilespmem:s22+$0x8E70]  }
0x25c: {  	v11 =	vld [tilespmem:s22+$0x8E10]  }
0x25d: {  	v12 =	vld [tilespmem:s22+$0x8E50]  }
0x25e: {  	v16 =	vld [tilespmem:s22+$0x8A30]  }
0x25f: {  	v17 =	vld [tilespmem:s22+$0x8A40]  }
0x260: {  	v14 =	vld [tilespmem:s22+$0x8E00]  }
0x261: {  	v13 =	vld [tilespmem:s22+$0x8E40]  }
0x262: {  	v15 =	vld [tilespmem:s22+$0x8630];
	v11 =	vmul.f32 $2.262741660e+01, v11  }
0x263: {  	v18 =	vld [tilespmem:s22+$0x8620];
	v10 =	vmul.f32 $2.262741660e+01, v10  }
0x264: {  	v19 =	vld [tilespmem:s22+$0x8610];
	v12 =	vmul.f32 $2.262741660e+01, v12;
	[tilespmem:s22+$0x8E10] =	vst v11  }
0x265: {  	v24 =	vld [tilespmem:s22+$0x8200];
	v14 =	vmul.f32 $2.262741660e+01, v14;
	[tilespmem:s22+$0x8E70] =	vst v10  }
0x266: {  	v10 =	vld [tilespmem:s22+$0x8E20];
	v11 =	vmul.f32 $2.262741660e+01, v13;
	[tilespmem:s22+$0x8E50] =	vst v12  }
0x267: {  	v15 =	vmul.f32 $2.262741660e+01, v15;
	v13 =	vld [tilespmem:s22+$0x8600];
	[tilespmem:s22+$0x8E00] =	vst v14  }
0x268: {  	v12 =	vld [tilespmem:s22+$0x8270];
	[tilespmem:s22+$0x8E40] =	vst v11;
	v11 =	vmul.f32 $2.262741660e+01, v18  }
0x269: {  	v20 =	vld [tilespmem:s22+$0x8260];
	[tilespmem:s22+$0x8630] =	vst v15;
	v18 =	vmul.f32 $2.262741660e+01, v9;
	v9 =	vmul.f32 $2.262741660e+01, v19  }
0x26a: {  	v22 =	vld [tilespmem:s22+$0x8A60];
	v21 =	vmul.f32 $2.262741660e+01, v7;
	[tilespmem:s22+$0x8620] =	vst v11;
	v11 =	vmul.f32 $2.262741660e+01, v6  }
0x26b: {  	v19 =	vld [tilespmem:s22+$0x8A50];
	[tilespmem:s22+$0x8610] =	vst v9;
	v9 =	vmul.f32 $2.262741660e+01, v8;
	v8 =	vmul.f32 $2.262741660e+01, v24  }
0x26c: {  	v23 =	vld [tilespmem:s22+$0x8A70];
	[tilespmem:s22+$0x8650] =	vst v21;
	v7 =	vmul.f32 $2.262741660e+01, v10;
	v6 =	vmul.f32 $2.262741660e+01, v13  }
0x26d: {  	v14 =	vld [tilespmem:s22+$0x8210];
	[tilespmem:s22+$0x8640] =	vst v18;
	v10 =	vmul.f32 $2.262741660e+01, v3;
	v3 =	vmul.f32 $2.262741660e+01, v12  }
0x26e: {  	v15 =	vld [tilespmem:s22+$0x8240];
	v12 =	vmul.f32 $2.262741660e+01, v4;
	v4 =	vmul.f32 $2.262741660e+01, v20;
	[tilespmem:s22+$0x8E20] =	vst v7  }
0x26f: {  	v13 =	vmul.f32 $2.262741660e+01, v5;
	[tilespmem:s22+$0x8270] =	vst v3;
	v3 =	vmul.f32 $2.262741660e+01, v16;
	v16 =	vld [tilespmem:s22+$0x8220]  }
0x270: {  	[tilespmem:s22+$0x8600] =	vst v6;
	v7 =	vmul.f32 $2.262741660e+01, v17;
	v5 =	vmul.f32 $2.262741660e+01, v19;
	v17 =	vld [tilespmem:s22+$0x8230]  }
0x271: {  	s24 =	simm.s32 $0x80;
	s3 =	simm.s32 $0x200;
	v18 =	vld [tilespmem:s22+$0x8E30];
	[tilespmem:s22+$0x8260] =	vst v4;
	v6 =	vmul.f32 $2.262741660e+01, v22;
	v4 =	vmul.f32 $2.262741660e+01, v23  }
.LBB2_11:
0x272: {  	s26 =	sand.u32 $0x1000, s3;
	s28 =	sand.u32 $0x380, s24;
	v14 =	vmul.f32 $2.262741660e+01, v14;
	[tilespmem:s22+$0x8660] =	vst v11;
	v11 =	vld [tilespmem:s22+$0x8E60]  }
0x273: {  	p1 =	sne.s32 s3, $0x1E00;
	s3 =	sadd.s32 $0x200, s3;
	s26 =	sor.u32 s28, s26;
	v15 =	vmul.f32 $2.262741660e+01, v15;
	v19 =	vld [tilespmem:s22+$0x8250];
	[tilespmem:s22+$0x8670] =	vst v10  }
0x274: {  	v10 =	vld [tilespmem:s26+$0x8670];
	v16 =	vmul.f32 $2.262741660e+01, v16;
	[tilespmem:s22+$0x8A00] =	vst v12  }
0x275: {  	v12 =	vld [tilespmem:s26+$0x8A00];
	v17 =	vmul.f32 $2.262741660e+01, v17;
	[tilespmem:s22+$0x8A10] =	vst v13  }
0x276: {  	v13 =	vld [tilespmem:s26+$0x8A10];
	[tilespmem:s22+$0x8220] =	vst v16;
	v16 =	vmul.f32 $2.262741660e+01, v18  }
0x277: {  	v18 =	vld [tilespmem:s26+$0x8660];
	[tilespmem:s22+$0x8230] =	vst v17;
	v11 =	vmul.f32 $2.262741660e+01, v11  }
0x278: {  	v17 =	vld [tilespmem:s26+$0x8650];
	v19 =	vmul.f32 $2.262741660e+01, v19;
	[tilespmem:s22+$0x8A20] =	vst v9  }
0x279: {  	v9 =	vld [tilespmem:s26+$0x8A20];
	[tilespmem:s22+$0x8E30] =	vst v16  }
0x27a: {  	v16 =	vld [tilespmem:s26+$0x8640];
	[tilespmem:s22+$0x8250] =	vst v19  }
0x27b: {  	v19 =	vld [tilespmem:s26+$0x8E70];
	[tilespmem:s22+$0x8240] =	vst v15  }
0x27c: {  	v15 =	vld [tilespmem:s26+$0x8E10];
	[tilespmem:s22+$0x8E60] =	vst v11  }
0x27d: {  	v11 =	vld [tilespmem:s26+$0x8E50];
	[tilespmem:s22+$0x8A30] =	vst v3  }
0x27e: {  	v3 =	vld [tilespmem:s26+$0x8A30];
	[tilespmem:s22+$0x8A40] =	vst v7  }
0x27f: {  	v7 =	vld [tilespmem:s26+$0x8A40];
	[tilespmem:s22+$0x8210] =	vst v14  }
0x280: {  	v14 =	vld [tilespmem:s26+$0x8E40];
	[tilespmem:s22+$0x8A50] =	vst v5  }
0x281: {  	v19 =	vmul.f32 $2.262741660e+01, v19;
	v5 =	vld [tilespmem:s26+$0x8E00];
	[tilespmem:s22+$0x8A60] =	vst v6  }
0x282: {  	v6 =	vld [tilespmem:s26+$0x8630];
	[tilespmem:s22+$0x8200] =	vst v8  }
0x283: {  	v15 =	vmul.f32 $2.262741660e+01, v15;
	v8 =	vld [tilespmem:s26+$0x8620];
	[tilespmem:s22+$0x8A70] =	vst v4;
	s22 =	smov.u32 s26  }
0x284: {  	v11 =	vmul.f32 $2.262741660e+01, v11;
	v4 =	vld [tilespmem:s22+$0x8610];
	[tilespmem:s22+$0x8E70] =	vst v19  }
0x285: {  	v19 =	vmul.f32 $2.262741660e+01, v16;
	[tilespmem:s22+$0x8E10] =	vst v15;
	v15 =	vld [tilespmem:s22+$0x8E20];
	v14 =	vmul.f32 $2.262741660e+01, v14  }
0x286: {  	v20 =	vmul.f32 $2.262741660e+01, v17;
	v16 =	vld [tilespmem:s22+$0x8600];
	v5 =	vmul.f32 $2.262741660e+01, v5;
	[tilespmem:s22+$0x8E50] =	vst v11  }
0x287: {  	v11 =	vmul.f32 $2.262741660e+01, v18;
	v17 =	vld [tilespmem:s22+$0x8270];
	v6 =	vmul.f32 $2.262741660e+01, v6;
	[tilespmem:s22+$0x8E40] =	vst v14  }
0x288: {  	v10 =	vmul.f32 $2.262741660e+01, v10;
	v18 =	vld [tilespmem:s22+$0x8260];
	v8 =	vmul.f32 $2.262741660e+01, v8;
	[tilespmem:s22+$0x8E00] =	vst v5  }
0x289: {  	v12 =	vmul.f32 $2.262741660e+01, v12;
	v4 =	vmul.f32 $2.262741660e+01, v4;
	[tilespmem:s22+$0x8630] =	vst v6;
	v5 =	vld [tilespmem:s22+$0x8A50]  }
0x28a: {  	v13 =	vmul.f32 $2.262741660e+01, v13;
	[tilespmem:s22+$0x8620] =	vst v8;
	v6 =	vld [tilespmem:s22+$0x8A60];
	v8 =	vmul.f32 $2.262741660e+01, v15  }
0x28b: {  	v9 =	vmul.f32 $2.262741660e+01, v9;
	v15 =	vmul.f32 $2.262741660e+01, v16;
	[tilespmem:s22+$0x8610] =	vst v4;
	v4 =	vld [tilespmem:s22+$0x8A70]  }
0x28c: {  	v3 =	vmul.f32 $2.262741660e+01, v3;
	v21 =	vld [tilespmem:s22+$0x8200];
	v16 =	vmul.f32 $2.262741660e+01, v17;
	[tilespmem:s22+$0x8E20] =	vst v8  }
.Ltmp6:
0x28d: {  	v7 =	vmul.f32 $2.262741660e+01, v7;
	v14 =	vld [tilespmem:s22+$0x8210];
	v8 =	vmul.f32 $2.262741660e+01, v18;
	[tilespmem:s22+$0x8600] =	vst v15;
	(pc) =	sbr.rel @p1 .LBB2_11-.Ltmp6, $4  }
0x28e: {  	v15 =	vld [tilespmem:s22+$0x8240];
	[tilespmem:s22+$0x8270] =	vst v16;
	v5 =	vmul.f32 $2.262741660e+01, v5  }
0x28f: {  	v16 =	vld [tilespmem:s22+$0x8220];
	[tilespmem:s22+$0x8260] =	vst v8;
	v6 =	vmul.f32 $2.262741660e+01, v6  }
0x290: {  	v17 =	vld [tilespmem:s22+$0x8230];
	[tilespmem:s22+$0x8640] =	vst v19;
	v4 =	vmul.f32 $2.262741660e+01, v4  }
0x291: {  	s24 =	sadd.s32 $0x80, s24;
	v8 =	vmul.f32 $2.262741660e+01, v21;
	[tilespmem:s22+$0x8650] =	vst v20;
	v18 =	vld [tilespmem:s22+$0x8E30]  }
0x292: {  	[tilespmem:s22+$0x8660] =	vst v11  }
0x293: {  	[tilespmem:s22+$0x8670] =	vst v10  }
0x294: {  	[tilespmem:s22+$0x8A00] =	vst v12  }
0x295: {  	[tilespmem:s22+$0x8A10] =	vst v13  }
0x296: {  	[tilespmem:s22+$0x8A20] =	vst v9  }
0x297: {  	[tilespmem:s22+$0x8A30] =	vst v3  }
0x298: {  	[tilespmem:s22+$0x8A40] =	vst v7  }
0x299: {  	[tilespmem:s22+$0x8A50] =	vst v5  }
0x29a: {  	[tilespmem:s22+$0x8A60] =	vst v6  }
0x29b: {  	v11 =	vld [tilespmem:s22+$0x8250];
	[tilespmem:s22+$0x8A70] =	vst v4;
	v9 =	vmul.f32 $2.262741660e+01, v15  }
0x29c: {  	v12 =	vld [tilespmem:s22+$0x8E60];
	[tilespmem:s22+$0x8200] =	vst v8;
	v10 =	vmul.f32 $2.262741660e+01, v16  }
0x29d: {  	v16 =	vmul.f32 $2.262741660e+01, v17;
	[tilespmem:s22+$0x8240] =	vst v9  }
0x29e: {  	v9 =	vmul.f32 $2.262741660e+01, v14;
	[tilespmem:s22+$0x8220] =	vst v10  }
0x29f: {  	v10 =	vmul.f32 $2.262741660e+01, v18;
	[tilespmem:s22+$0x8230] =	vst v16  }
0x2a0: {  	v11 =	vmul.f32 $2.262741660e+01, v11;
	[tilespmem:s22+$0x8210] =	vst v9  }
0x2a1: {  	[tilespmem:s22+$0x8E30] =	vst v10;
	v10 =	vmul.f32 $2.262741660e+01, v12  }
0x2a2: {  	[tilespmem:s22+$0x8250] =	vst v11  }
0x2a3: {  	s3 =	sadd.s32 $0x1000, s19;
	[tilespmem:s22+$0x8E60] =	vst v10  }
0x2a4: {  	[hbm4b:s3+s4] =	stream.linear.scatter [tilespmem:s30], [sflag:$0xD], $0x2000, $0x38;
	[tilespmem:$0x10200] =	vst v63  }
0x2a5: {  	s3 =	simm.s32 @!p0 $0xD  }
0x2a6: {  	_ =	swait.ge @!p0 [sflag:s3], $0x2000  }
0x2a7: {  	[sflag:s3] =	ssyncset.done @!p0 $0x0  }
0x2a8: {  	[sflag:s3] =	ssyncadd.s32 @!p0 $0xFFFFE000  }
0x2a9: {  	v3 =	vld @!p0 [tilespmem:s13+$0xC0];
	_ =	sdelay $0x4  }
0x2aa: {  	v4 =	vshll.u32 @!p0 v3, $0x2  }
0x2ab: {  	v5 =	vlaneseq.u32 @!p0;
	v3 =	vand.u32 @!p0 $0x7, v3;
	v4 =	vand.u32 @!p0 $0xFFFFFFE0, v4  }
0x2ac: {  	v6 =	vshrl.u32 @!p0 v5, $0x3;
	v3 =	vor.u32 @!p0 v3, v4;
	v4 =	vand.u32 @!p0 $0x7, v5  }
0x2ad: {  	v6 =	vmul.u32 @!p0 $0x8, v6;
	v4 =	vperm.xlane @!p0 v3, v4;
	_ =	sdelay $0x1  }
0x2ae: {  	v4 =	vadd.s32 @!p0 v6, v4  }
0x2af: {  	v5 =	vor.u32 @!p0 $0x8, v5  }
0x2b0: {  	v3 =	vperm.xlane @!p0 v3, v5;
	_ =	sdelay $0x1  }
0x2b1: {  	s22 =	simm.s32 @!p0 $0x8200;
	s3 =	simm.s32 @!p0 $0x0;
	v3 =	vadd.s32 @!p0 v6, v3  }
0x2b2: {  	[tilespmem:s22], [sflag:$0x5] =	stream.indirect_vreg.gather @!p0 [hbm4b:s2+s3], $0x80, v4, vm1, $0xb8;
	[tilespmem:$0x10200] =	vst v63  }
0x2b3: {  	s22 =	simm.s32 @!p0 $0x8A00  }
0x2b4: {  	[tilespmem:s22], [sflag:$0x5] =	stream.indirect_vreg.gather @!p0 [hbm4b:s8+s3], $0x80, v4, vm1, $0xb8;
	[tilespmem:$0x10200] =	vst v63  }
0x2b5: {  	s22 =	simm.s32 @!p0 $0x9200  }
0x2b6: {  	[tilespmem:s22], [sflag:$0x5] =	stream.indirect_vreg.gather @!p0 [hbm4b:s2+s3], $0x80, v3, vm1, $0xb8;
	[tilespmem:$0x10200] =	vst v63  }
0x2b7: {  	s22 =	simm.s32 @!p0 $0x9A00  }
0x2b8: {  	[tilespmem:s22], [sflag:$0x5] =	stream.indirect_vreg.gather @!p0 [hbm4b:s8+s3], $0x80, v3, vm1, $0xb8;
	[tilespmem:$0x10200] =	vst v63  }
0x2b9: {  	s26 =	simm.s32 $0x0;
	_ =	swait.ge [sflag:s14], $0x2000  }
0x2ba: {  	s28 =	sand.u32 $0x1000, s26;
	s3 =	sand.u32 $0x380, s26;
	[sflag:s14] =	ssyncset.done $0x0  }
0x2bb: {  	s22 =	sor.u32 s3, s28;
	[sflag:s14] =	ssyncadd.s32 $0xFFFFE000  }
0x2bc: {  	v3 =	vld [tilespmem:s22+$0xA670]  }
0x2bd: {  	v4 =	vld [tilespmem:s22+$0xAA00]  }
0x2be: {  	v5 =	vld [tilespmem:s22+$0xAA10]  }
0x2bf: {  	v6 =	vld [tilespmem:s22+$0xA660]  }
0x2c0: {  	v7 =	vld [tilespmem:s22+$0xA650]  }
0x2c1: {  	v8 =	vld [tilespmem:s22+$0xAA20]  }
0x2c2: {  	v9 =	vld [tilespmem:s22+$0xA640]  }
0x2c3: {  	v10 =	vld [tilespmem:s22+$0xAE70]  }
0x2c4: {  	v11 =	vld [tilespmem:s22+$0xAE10]  }
0x2c5: {  	v12 =	vld [tilespmem:s22+$0xAE50]  }
0x2c6: {  	v16 =	vld [tilespmem:s22+$0xAA30]  }
0x2c7: {  	v17 =	vld [tilespmem:s22+$0xAA40]  }
0x2c8: {  	v14 =	vld [tilespmem:s22+$0xAE00]  }
0x2c9: {  	v13 =	vld [tilespmem:s22+$0xAE40]  }
0x2ca: {  	v15 =	vld [tilespmem:s22+$0xA630];
	v11 =	vmul.f32 $2.262741660e+01, v11  }
0x2cb: {  	v18 =	vld [tilespmem:s22+$0xA620];
	v10 =	vmul.f32 $2.262741660e+01, v10  }
0x2cc: {  	v19 =	vld [tilespmem:s22+$0xA610];
	v12 =	vmul.f32 $2.262741660e+01, v12;
	[tilespmem:s22+$0xAE10] =	vst v11  }
0x2cd: {  	v24 =	vld [tilespmem:s22+$0xA200];
	v14 =	vmul.f32 $2.262741660e+01, v14;
	[tilespmem:s22+$0xAE70] =	vst v10  }
0x2ce: {  	v10 =	vld [tilespmem:s22+$0xAE20];
	v11 =	vmul.f32 $2.262741660e+01, v13;
	[tilespmem:s22+$0xAE50] =	vst v12  }
0x2cf: {  	v15 =	vmul.f32 $2.262741660e+01, v15;
	v13 =	vld [tilespmem:s22+$0xA600];
	[tilespmem:s22+$0xAE00] =	vst v14  }
0x2d0: {  	v12 =	vld [tilespmem:s22+$0xA270];
	[tilespmem:s22+$0xAE40] =	vst v11;
	v11 =	vmul.f32 $2.262741660e+01, v18  }
0x2d1: {  	v20 =	vld [tilespmem:s22+$0xA260];
	[tilespmem:s22+$0xA630] =	vst v15;
	v18 =	vmul.f32 $2.262741660e+01, v9;
	v9 =	vmul.f32 $2.262741660e+01, v19  }
0x2d2: {  	v22 =	vld [tilespmem:s22+$0xAA60];
	v21 =	vmul.f32 $2.262741660e+01, v7;
	[tilespmem:s22+$0xA620] =	vst v11;
	v11 =	vmul.f32 $2.262741660e+01, v6  }
0x2d3: {  	v19 =	vld [tilespmem:s22+$0xAA50];
	[tilespmem:s22+$0xA610] =	vst v9;
	v9 =	vmul.f32 $2.262741660e+01, v8;
	v8 =	vmul.f32 $2.262741660e+01, v24  }
0x2d4: {  	v23 =	vld [tilespmem:s22+$0xAA70];
	[tilespmem:s22+$0xA650] =	vst v21;
	v7 =	vmul.f32 $2.262741660e+01, v10;
	v6 =	vmul.f32 $2.262741660e+01, v13  }
0x2d5: {  	v14 =	vld [tilespmem:s22+$0xA210];
	[tilespmem:s22+$0xA640] =	vst v18;
	v10 =	vmul.f32 $2.262741660e+01, v3;
	v3 =	vmul.f32 $2.262741660e+01, v12  }
0x2d6: {  	v15 =	vld [tilespmem:s22+$0xA240];
	v12 =	vmul.f32 $2.262741660e+01, v4;
	v4 =	vmul.f32 $2.262741660e+01, v20;
	[tilespmem:s22+$0xAE20] =	vst v7  }
0x2d7: {  	v13 =	vmul.f32 $2.262741660e+01, v5;
	[tilespmem:s22+$0xA270] =	vst v3;
	v3 =	vmul.f32 $2.262741660e+01, v16;
	v16 =	vld [tilespmem:s22+$0xA220]  }
0x2d8: {  	[tilespmem:s22+$0xA600] =	vst v6;
	v7 =	vmul.f32 $2.262741660e+01, v17;
	v5 =	vmul.f32 $2.262741660e+01, v19;
	v17 =	vld [tilespmem:s22+$0xA230]  }
0x2d9: {  	s24 =	simm.s32 $0x80;
	s3 =	simm.s32 $0x200;
	v18 =	vld [tilespmem:s22+$0xAE30];
	[tilespmem:s22+$0xA260] =	vst v4;
	v6 =	vmul.f32 $2.262741660e+01, v22;
	v4 =	vmul.f32 $2.262741660e+01, v23  }
.LBB2_13:
0x2da: {  	s26 =	sand.u32 $0x1000, s3;
	s28 =	sand.u32 $0x380, s24;
	v14 =	vmul.f32 $2.262741660e+01, v14;
	[tilespmem:s22+$0xA660] =	vst v11;
	v11 =	vld [tilespmem:s22+$0xAE60]  }
0x2db: {  	p1 =	sne.s32 s3, $0x1E00;
	s3 =	sadd.s32 $0x200, s3;
	s26 =	sor.u32 s28, s26;
	v15 =	vmul.f32 $2.262741660e+01, v15;
	v19 =	vld [tilespmem:s22+$0xA250];
	[tilespmem:s22+$0xA670] =	vst v10  }
0x2dc: {  	v10 =	vld [tilespmem:s26+$0xA670];
	v16 =	vmul.f32 $2.262741660e+01, v16;
	[tilespmem:s22+$0xAA00] =	vst v12  }
0x2dd: {  	v12 =	vld [tilespmem:s26+$0xAA00];
	v17 =	vmul.f32 $2.262741660e+01, v17;
	[tilespmem:s22+$0xAA10] =	vst v13  }
0x2de: {  	v13 =	vld [tilespmem:s26+$0xAA10];
	[tilespmem:s22+$0xA220] =	vst v16;
	v16 =	vmul.f32 $2.262741660e+01, v18  }
0x2df: {  	v18 =	vld [tilespmem:s26+$0xA660];
	[tilespmem:s22+$0xA230] =	vst v17;
	v11 =	vmul.f32 $2.262741660e+01, v11  }
0x2e0: {  	v17 =	vld [tilespmem:s26+$0xA650];
	v19 =	vmul.f32 $2.262741660e+01, v19;
	[tilespmem:s22+$0xAA20] =	vst v9  }
0x2e1: {  	v9 =	vld [tilespmem:s26+$0xAA20];
	[tilespmem:s22+$0xAE30] =	vst v16  }
0x2e2: {  	v16 =	vld [tilespmem:s26+$0xA640];
	[tilespmem:s22+$0xA250] =	vst v19  }
0x2e3: {  	v19 =	vld [tilespmem:s26+$0xAE70];
	[tilespmem:s22+$0xA240] =	vst v15  }
0x2e4: {  	v15 =	vld [tilespmem:s26+$0xAE10];
	[tilespmem:s22+$0xAE60] =	vst v11  }
0x2e5: {  	v11 =	vld [tilespmem:s26+$0xAE50];
	[tilespmem:s22+$0xAA30] =	vst v3  }
0x2e6: {  	v3 =	vld [tilespmem:s26+$0xAA30];
	[tilespmem:s22+$0xAA40] =	vst v7  }
0x2e7: {  	v7 =	vld [tilespmem:s26+$0xAA40];
	[tilespmem:s22+$0xA210] =	vst v14  }
0x2e8: {  	v14 =	vld [tilespmem:s26+$0xAE40];
	[tilespmem:s22+$0xAA50] =	vst v5  }
0x2e9: {  	v19 =	vmul.f32 $2.262741660e+01, v19;
	v5 =	vld [tilespmem:s26+$0xAE00];
	[tilespmem:s22+$0xAA60] =	vst v6  }
0x2ea: {  	v6 =	vld [tilespmem:s26+$0xA630];
	[tilespmem:s22+$0xA200] =	vst v8  }
0x2eb: {  	v15 =	vmul.f32 $2.262741660e+01, v15;
	v8 =	vld [tilespmem:s26+$0xA620];
	[tilespmem:s22+$0xAA70] =	vst v4;
	s22 =	smov.u32 s26  }
0x2ec: {  	v11 =	vmul.f32 $2.262741660e+01, v11;
	v4 =	vld [tilespmem:s22+$0xA610];
	[tilespmem:s22+$0xAE70] =	vst v19  }
0x2ed: {  	v19 =	vmul.f32 $2.262741660e+01, v16;
	[tilespmem:s22+$0xAE10] =	vst v15;
	v15 =	vld [tilespmem:s22+$0xAE20];
	v14 =	vmul.f32 $2.262741660e+01, v14  }
0x2ee: {  	v20 =	vmul.f32 $2.262741660e+01, v17;
	v16 =	vld [tilespmem:s22+$0xA600];
	v5 =	vmul.f32 $2.262741660e+01, v5;
	[tilespmem:s22+$0xAE50] =	vst v11  }
0x2ef: {  	v11 =	vmul.f32 $2.262741660e+01, v18;
	v17 =	vld [tilespmem:s22+$0xA270];
	v6 =	vmul.f32 $2.262741660e+01, v6;
	[tilespmem:s22+$0xAE40] =	vst v14  }
0x2f0: {  	v10 =	vmul.f32 $2.262741660e+01, v10;
	v18 =	vld [tilespmem:s22+$0xA260];
	v8 =	vmul.f32 $2.262741660e+01, v8;
	[tilespmem:s22+$0xAE00] =	vst v5  }
0x2f1: {  	v12 =	vmul.f32 $2.262741660e+01, v12;
	v4 =	vmul.f32 $2.262741660e+01, v4;
	[tilespmem:s22+$0xA630] =	vst v6;
	v5 =	vld [tilespmem:s22+$0xAA50]  }
0x2f2: {  	v13 =	vmul.f32 $2.262741660e+01, v13;
	[tilespmem:s22+$0xA620] =	vst v8;
	v6 =	vld [tilespmem:s22+$0xAA60];
	v8 =	vmul.f32 $2.262741660e+01, v15  }
0x2f3: {  	v9 =	vmul.f32 $2.262741660e+01, v9;
	v15 =	vmul.f32 $2.262741660e+01, v16;
	[tilespmem:s22+$0xA610] =	vst v4;
	v4 =	vld [tilespmem:s22+$0xAA70]  }
0x2f4: {  	v3 =	vmul.f32 $2.262741660e+01, v3;
	v21 =	vld [tilespmem:s22+$0xA200];
	v16 =	vmul.f32 $2.262741660e+01, v17;
	[tilespmem:s22+$0xAE20] =	vst v8  }
.Ltmp7:
0x2f5: {  	v7 =	vmul.f32 $2.262741660e+01, v7;
	v14 =	vld [tilespmem:s22+$0xA210];
	v8 =	vmul.f32 $2.262741660e+01, v18;
	[tilespmem:s22+$0xA600] =	vst v15;
	(pc) =	sbr.rel @p1 .LBB2_13-.Ltmp7, $4  }
0x2f6: {  	v15 =	vld [tilespmem:s22+$0xA240];
	[tilespmem:s22+$0xA270] =	vst v16;
	v5 =	vmul.f32 $2.262741660e+01, v5  }
0x2f7: {  	v16 =	vld [tilespmem:s22+$0xA220];
	[tilespmem:s22+$0xA260] =	vst v8;
	v6 =	vmul.f32 $2.262741660e+01, v6  }
0x2f8: {  	v17 =	vld [tilespmem:s22+$0xA230];
	[tilespmem:s22+$0xA640] =	vst v19;
	v4 =	vmul.f32 $2.262741660e+01, v4  }
0x2f9: {  	s24 =	sadd.s32 $0x80, s24;
	v8 =	vmul.f32 $2.262741660e+01, v21;
	[tilespmem:s22+$0xA650] =	vst v20;
	v18 =	vld [tilespmem:s22+$0xAE30]  }
0x2fa: {  	[tilespmem:s22+$0xA660] =	vst v11  }
0x2fb: {  	[tilespmem:s22+$0xA670] =	vst v10  }
0x2fc: {  	[tilespmem:s22+$0xAA00] =	vst v12  }
0x2fd: {  	[tilespmem:s22+$0xAA10] =	vst v13  }
0x2fe: {  	[tilespmem:s22+$0xAA20] =	vst v9  }
0x2ff: {  	[tilespmem:s22+$0xAA30] =	vst v3  }
0x300: {  	[tilespmem:s22+$0xAA40] =	vst v7  }
0x301: {  	[tilespmem:s22+$0xAA50] =	vst v5  }
0x302: {  	[tilespmem:s22+$0xAA60] =	vst v6  }
0x303: {  	v11 =	vld [tilespmem:s22+$0xA250];
	[tilespmem:s22+$0xAA70] =	vst v4;
	v9 =	vmul.f32 $2.262741660e+01, v15  }
0x304: {  	v12 =	vld [tilespmem:s22+$0xAE60];
	[tilespmem:s22+$0xA200] =	vst v8;
	v10 =	vmul.f32 $2.262741660e+01, v16  }
0x305: {  	v16 =	vmul.f32 $2.262741660e+01, v17;
	[tilespmem:s22+$0xA240] =	vst v9  }
0x306: {  	v9 =	vmul.f32 $2.262741660e+01, v14;
	[tilespmem:s22+$0xA220] =	vst v10  }
0x307: {  	v10 =	vmul.f32 $2.262741660e+01, v18;
	[tilespmem:s22+$0xA230] =	vst v16  }
0x308: {  	v11 =	vmul.f32 $2.262741660e+01, v11;
	[tilespmem:s22+$0xA210] =	vst v9  }
0x309: {  	[tilespmem:s22+$0xAE30] =	vst v10;
	v10 =	vmul.f32 $2.262741660e+01, v12  }
0x30a: {  	[tilespmem:s22+$0xA250] =	vst v11  }
0x30b: {  	s3 =	sadd.s32 $0x1400, s19;
	[tilespmem:s22+$0xAE60] =	vst v10  }
0x30c: {  	[hbm4b:s3+s4] =	stream.linear.scatter [tilespmem:s11], [sflag:$0xE], $0x2000, $0x38;
	[tilespmem:$0x10200] =	vst v63  }
0x30d: {  	s3 =	simm.s32 @!p0 $0xE  }
0x30e: {  	_ =	swait.ge @!p0 [sflag:s3], $0x2000  }
0x30f: {  	[sflag:s3] =	ssyncset.done @!p0 $0x0  }
0x310: {  	[sflag:s3] =	ssyncadd.s32 @!p0 $0xFFFFE000  }
0x311: {  	v3 =	vld @!p0 [tilespmem:s13+$0xD0];
	_ =	sdelay $0x4  }
0x312: {  	v4 =	vshll.u32 @!p0 v3, $0x2  }
0x313: {  	v5 =	vlaneseq.u32 @!p0;
	v3 =	vand.u32 @!p0 $0x7, v3;
	v4 =	vand.u32 @!p0 $0xFFFFFFE0, v4  }
0x314: {  	v6 =	vshrl.u32 @!p0 v5, $0x3;
	v3 =	vor.u32 @!p0 v3, v4;
	v4 =	vand.u32 @!p0 $0x7, v5  }
0x315: {  	v6 =	vmul.u32 @!p0 $0x8, v6;
	v4 =	vperm.xlane @!p0 v3, v4;
	_ =	sdelay $0x1  }
0x316: {  	v4 =	vadd.s32 @!p0 v6, v4  }
0x317: {  	v5 =	vor.u32 @!p0 $0x8, v5  }
0x318: {  	v3 =	vperm.xlane @!p0 v3, v5;
	_ =	sdelay $0x1  }
0x319: {  	s22 =	simm.s32 @!p0 $0xA200;
	s3 =	simm.s32 @!p0 $0x0;
	v3 =	vadd.s32 @!p0 v6, v3  }
0x31a: {  	[tilespmem:s22], [sflag:$0x6] =	stream.indirect_vreg.gather @!p0 [hbm4b:s2+s3], $0x80, v4, vm1, $0xb8;
	[tilespmem:$0x10200] =	vst v63  }
0x31b: {  	s22 =	simm.s32 @!p0 $0xAA00  }
0x31c: {  	[tilespmem:s22], [sflag:$0x6] =	stream.indirect_vreg.gather @!p0 [hbm4b:s8+s3], $0x80, v4, vm1, $0xb8;
	[tilespmem:$0x10200] =	vst v63  }
0x31d: {  	s22 =	simm.s32 @!p0 $0xB200  }
0x31e: {  	[tilespmem:s22], [sflag:$0x6] =	stream.indirect_vreg.gather @!p0 [hbm4b:s2+s3], $0x80, v3, vm1, $0xb8;
	[tilespmem:$0x10200] =	vst v63  }
0x31f: {  	s22 =	simm.s32 @!p0 $0xBA00  }
0x320: {  	[tilespmem:s22], [sflag:$0x6] =	stream.indirect_vreg.gather @!p0 [hbm4b:s8+s3], $0x80, v3, vm1, $0xb8;
	[tilespmem:$0x10200] =	vst v63  }
0x321: {  	s26 =	simm.s32 $0x0;
	_ =	swait.ge [sflag:s15], $0x2000  }
0x322: {  	s28 =	sand.u32 $0x1000, s26;
	s3 =	sand.u32 $0x380, s26;
	[sflag:s15] =	ssyncset.done $0x0  }
0x323: {  	s22 =	sor.u32 s3, s28;
	[sflag:s15] =	ssyncadd.s32 $0xFFFFE000  }
0x324: {  	v3 =	vld [tilespmem:s22+$0xC670]  }
0x325: {  	v4 =	vld [tilespmem:s22+$0xCA00]  }
0x326: {  	v5 =	vld [tilespmem:s22+$0xCA10]  }
0x327: {  	v6 =	vld [tilespmem:s22+$0xC660]  }
0x328: {  	v7 =	vld [tilespmem:s22+$0xC650]  }
0x329: {  	v8 =	vld [tilespmem:s22+$0xCA20]  }
0x32a: {  	v9 =	vld [tilespmem:s22+$0xC640]  }
0x32b: {  	v10 =	vld [tilespmem:s22+$0xCE70]  }
0x32c: {  	v11 =	vld [tilespmem:s22+$0xCE10]  }
0x32d: {  	v12 =	vld [tilespmem:s22+$0xCE50]  }
0x32e: {  	v16 =	vld [tilespmem:s22+$0xCA30]  }
0x32f: {  	v17 =	vld [tilespmem:s22+$0xCA40]  }
0x330: {  	v14 =	vld [tilespmem:s22+$0xCE00]  }
0x331: {  	v13 =	vld [tilespmem:s22+$0xCE40]  }
0x332: {  	v15 =	vld [tilespmem:s22+$0xC630];
	v11 =	vmul.f32 $2.262741660e+01, v11  }
0x333: {  	v18 =	vld [tilespmem:s22+$0xC620];
	v10 =	vmul.f32 $2.262741660e+01, v10  }
0x334: {  	v19 =	vld [tilespmem:s22+$0xC610];
	v12 =	vmul.f32 $2.262741660e+01, v12;
	[tilespmem:s22+$0xCE10] =	vst v11  }
0x335: {  	v24 =	vld [tilespmem:s22+$0xC200];
	v14 =	vmul.f32 $2.262741660e+01, v14;
	[tilespmem:s22+$0xCE70] =	vst v10  }
0x336: {  	v10 =	vld [tilespmem:s22+$0xCE20];
	v11 =	vmul.f32 $2.262741660e+01, v13;
	[tilespmem:s22+$0xCE50] =	vst v12  }
0x337: {  	v15 =	vmul.f32 $2.262741660e+01, v15;
	v13 =	vld [tilespmem:s22+$0xC600];
	[tilespmem:s22+$0xCE00] =	vst v14  }
0x338: {  	v12 =	vld [tilespmem:s22+$0xC270];
	[tilespmem:s22+$0xCE40] =	vst v11;
	v11 =	vmul.f32 $2.262741660e+01, v18  }
0x339: {  	v20 =	vld [tilespmem:s22+$0xC260];
	[tilespmem:s22+$0xC630] =	vst v15;
	v18 =	vmul.f32 $2.262741660e+01, v9;
	v9 =	vmul.f32 $2.262741660e+01, v19  }
0x33a: {  	v22 =	vld [tilespmem:s22+$0xCA60];
	v21 =	vmul.f32 $2.262741660e+01, v7;
	[tilespmem:s22+$0xC620] =	vst v11;
	v11 =	vmul.f32 $2.262741660e+01, v6  }
0x33b: {  	v19 =	vld [tilespmem:s22+$0xCA50];
	[tilespmem:s22+$0xC610] =	vst v9;
	v9 =	vmul.f32 $2.262741660e+01, v8;
	v8 =	vmul.f32 $2.262741660e+01, v24  }
0x33c: {  	v23 =	vld [tilespmem:s22+$0xCA70];
	[tilespmem:s22+$0xC650] =	vst v21;
	v7 =	vmul.f32 $2.262741660e+01, v10;
	v6 =	vmul.f32 $2.262741660e+01, v13  }
0x33d: {  	v14 =	vld [tilespmem:s22+$0xC210];
	[tilespmem:s22+$0xC640] =	vst v18;
	v10 =	vmul.f32 $2.262741660e+01, v3;
	v3 =	vmul.f32 $2.262741660e+01, v12  }
0x33e: {  	v15 =	vld [tilespmem:s22+$0xC240];
	v12 =	vmul.f32 $2.262741660e+01, v4;
	v4 =	vmul.f32 $2.262741660e+01, v20;
	[tilespmem:s22+$0xCE20] =	vst v7  }
0x33f: {  	v13 =	vmul.f32 $2.262741660e+01, v5;
	[tilespmem:s22+$0xC270] =	vst v3;
	v3 =	vmul.f32 $2.262741660e+01, v16;
	v16 =	vld [tilespmem:s22+$0xC220]  }
0x340: {  	[tilespmem:s22+$0xC600] =	vst v6;
	v7 =	vmul.f32 $2.262741660e+01, v17;
	v5 =	vmul.f32 $2.262741660e+01, v19;
	v17 =	vld [tilespmem:s22+$0xC230]  }
0x341: {  	s24 =	simm.s32 $0x80;
	s3 =	simm.s32 $0x200;
	v18 =	vld [tilespmem:s22+$0xCE30];
	[tilespmem:s22+$0xC260] =	vst v4;
	v6 =	vmul.f32 $2.262741660e+01, v22;
	v4 =	vmul.f32 $2.262741660e+01, v23  }
.LBB2_15:
0x342: {  	s26 =	sand.u32 $0x1000, s3;
	s28 =	sand.u32 $0x380, s24;
	v14 =	vmul.f32 $2.262741660e+01, v14;
	[tilespmem:s22+$0xC660] =	vst v11;
	v11 =	vld [tilespmem:s22+$0xCE60]  }
0x343: {  	p1 =	sne.s32 s3, $0x1E00;
	s3 =	sadd.s32 $0x200, s3;
	s26 =	sor.u32 s28, s26;
	v15 =	vmul.f32 $2.262741660e+01, v15;
	v19 =	vld [tilespmem:s22+$0xC250];
	[tilespmem:s22+$0xC670] =	vst v10  }
0x344: {  	v10 =	vld [tilespmem:s26+$0xC670];
	v16 =	vmul.f32 $2.262741660e+01, v16;
	[tilespmem:s22+$0xCA00] =	vst v12  }
0x345: {  	v12 =	vld [tilespmem:s26+$0xCA00];
	v17 =	vmul.f32 $2.262741660e+01, v17;
	[tilespmem:s22+$0xCA10] =	vst v13  }
0x346: {  	v13 =	vld [tilespmem:s26+$0xCA10];
	[tilespmem:s22+$0xC220] =	vst v16;
	v16 =	vmul.f32 $2.262741660e+01, v18  }
0x347: {  	v18 =	vld [tilespmem:s26+$0xC660];
	[tilespmem:s22+$0xC230] =	vst v17;
	v11 =	vmul.f32 $2.262741660e+01, v11  }
0x348: {  	v17 =	vld [tilespmem:s26+$0xC650];
	v19 =	vmul.f32 $2.262741660e+01, v19;
	[tilespmem:s22+$0xCA20] =	vst v9  }
0x349: {  	v9 =	vld [tilespmem:s26+$0xCA20];
	[tilespmem:s22+$0xCE30] =	vst v16  }
0x34a: {  	v16 =	vld [tilespmem:s26+$0xC640];
	[tilespmem:s22+$0xC250] =	vst v19  }
0x34b: {  	v19 =	vld [tilespmem:s26+$0xCE70];
	[tilespmem:s22+$0xC240] =	vst v15  }
0x34c: {  	v15 =	vld [tilespmem:s26+$0xCE10];
	[tilespmem:s22+$0xCE60] =	vst v11  }
0x34d: {  	v11 =	vld [tilespmem:s26+$0xCE50];
	[tilespmem:s22+$0xCA30] =	vst v3  }
0x34e: {  	v3 =	vld [tilespmem:s26+$0xCA30];
	[tilespmem:s22+$0xCA40] =	vst v7  }
0x34f: {  	v7 =	vld [tilespmem:s26+$0xCA40];
	[tilespmem:s22+$0xC210] =	vst v14  }
0x350: {  	v14 =	vld [tilespmem:s26+$0xCE40];
	[tilespmem:s22+$0xCA50] =	vst v5  }
0x351: {  	v19 =	vmul.f32 $2.262741660e+01, v19;
	v5 =	vld [tilespmem:s26+$0xCE00];
	[tilespmem:s22+$0xCA60] =	vst v6  }
0x352: {  	v6 =	vld [tilespmem:s26+$0xC630];
	[tilespmem:s22+$0xC200] =	vst v8  }
0x353: {  	v15 =	vmul.f32 $2.262741660e+01, v15;
	v8 =	vld [tilespmem:s26+$0xC620];
	[tilespmem:s22+$0xCA70] =	vst v4;
	s22 =	smov.u32 s26  }
0x354: {  	v11 =	vmul.f32 $2.262741660e+01, v11;
	v4 =	vld [tilespmem:s22+$0xC610];
	[tilespmem:s22+$0xCE70] =	vst v19  }
0x355: {  	v19 =	vmul.f32 $2.262741660e+01, v16;
	[tilespmem:s22+$0xCE10] =	vst v15;
	v15 =	vld [tilespmem:s22+$0xCE20];
	v14 =	vmul.f32 $2.262741660e+01, v14  }
0x356: {  	v20 =	vmul.f32 $2.262741660e+01, v17;
	v16 =	vld [tilespmem:s22+$0xC600];
	v5 =	vmul.f32 $2.262741660e+01, v5;
	[tilespmem:s22+$0xCE50] =	vst v11  }
0x357: {  	v11 =	vmul.f32 $2.262741660e+01, v18;
	v17 =	vld [tilespmem:s22+$0xC270];
	v6 =	vmul.f32 $2.262741660e+01, v6;
	[tilespmem:s22+$0xCE40] =	vst v14  }
0x358: {  	v10 =	vmul.f32 $2.262741660e+01, v10;
	v18 =	vld [tilespmem:s22+$0xC260];
	v8 =	vmul.f32 $2.262741660e+01, v8;
	[tilespmem:s22+$0xCE00] =	vst v5  }
0x359: {  	v12 =	vmul.f32 $2.262741660e+01, v12;
	v4 =	vmul.f32 $2.262741660e+01, v4;
	[tilespmem:s22+$0xC630] =	vst v6;
	v5 =	vld [tilespmem:s22+$0xCA50]  }
0x35a: {  	v13 =	vmul.f32 $2.262741660e+01, v13;
	[tilespmem:s22+$0xC620] =	vst v8;
	v6 =	vld [tilespmem:s22+$0xCA60];
	v8 =	vmul.f32 $2.262741660e+01, v15  }
0x35b: {  	v9 =	vmul.f32 $2.262741660e+01, v9;
	v15 =	vmul.f32 $2.262741660e+01, v16;
	[tilespmem:s22+$0xC610] =	vst v4;
	v4 =	vld [tilespmem:s22+$0xCA70]  }
0x35c: {  	v3 =	vmul.f32 $2.262741660e+01, v3;
	v21 =	vld [tilespmem:s22+$0xC200];
	v16 =	vmul.f32 $2.262741660e+01, v17;
	[tilespmem:s22+$0xCE20] =	vst v8  }
.Ltmp8:
0x35d: {  	v7 =	vmul.f32 $2.262741660e+01, v7;
	v14 =	vld [tilespmem:s22+$0xC210];
	v8 =	vmul.f32 $2.262741660e+01, v18;
	[tilespmem:s22+$0xC600] =	vst v15;
	(pc) =	sbr.rel @p1 .LBB2_15-.Ltmp8, $4  }
0x35e: {  	v15 =	vld [tilespmem:s22+$0xC240];
	[tilespmem:s22+$0xC270] =	vst v16;
	v5 =	vmul.f32 $2.262741660e+01, v5  }
0x35f: {  	v16 =	vld [tilespmem:s22+$0xC220];
	[tilespmem:s22+$0xC260] =	vst v8;
	v6 =	vmul.f32 $2.262741660e+01, v6  }
0x360: {  	v17 =	vld [tilespmem:s22+$0xC230];
	[tilespmem:s22+$0xC640] =	vst v19;
	v4 =	vmul.f32 $2.262741660e+01, v4  }
0x361: {  	s24 =	sadd.s32 $0x80, s24;
	v8 =	vmul.f32 $2.262741660e+01, v21;
	[tilespmem:s22+$0xC650] =	vst v20;
	v18 =	vld [tilespmem:s22+$0xCE30]  }
0x362: {  	[tilespmem:s22+$0xC660] =	vst v11  }
0x363: {  	[tilespmem:s22+$0xC670] =	vst v10  }
0x364: {  	[tilespmem:s22+$0xCA00] =	vst v12  }
0x365: {  	[tilespmem:s22+$0xCA10] =	vst v13  }
0x366: {  	[tilespmem:s22+$0xCA20] =	vst v9  }
0x367: {  	[tilespmem:s22+$0xCA30] =	vst v3  }
0x368: {  	[tilespmem:s22+$0xCA40] =	vst v7  }
0x369: {  	[tilespmem:s22+$0xCA50] =	vst v5  }
0x36a: {  	[tilespmem:s22+$0xCA60] =	vst v6  }
0x36b: {  	v11 =	vld [tilespmem:s22+$0xC250];
	[tilespmem:s22+$0xCA70] =	vst v4;
	v9 =	vmul.f32 $2.262741660e+01, v15  }
0x36c: {  	v12 =	vld [tilespmem:s22+$0xCE60];
	[tilespmem:s22+$0xC200] =	vst v8;
	v10 =	vmul.f32 $2.262741660e+01, v16  }
0x36d: {  	v16 =	vmul.f32 $2.262741660e+01, v17;
	[tilespmem:s22+$0xC240] =	vst v9  }
0x36e: {  	v9 =	vmul.f32 $2.262741660e+01, v14;
	[tilespmem:s22+$0xC220] =	vst v10  }
0x36f: {  	v10 =	vmul.f32 $2.262741660e+01, v18;
	[tilespmem:s22+$0xC230] =	vst v16  }
0x370: {  	v11 =	vmul.f32 $2.262741660e+01, v11;
	[tilespmem:s22+$0xC210] =	vst v9  }
0x371: {  	[tilespmem:s22+$0xCE30] =	vst v10;
	v10 =	vmul.f32 $2.262741660e+01, v12  }
0x372: {  	[tilespmem:s22+$0xC250] =	vst v11  }
0x373: {  	s3 =	sadd.s32 $0x1800, s19;
	[tilespmem:s22+$0xCE60] =	vst v10  }
0x374: {  	[hbm4b:s3+s4] =	stream.linear.scatter [tilespmem:s18], [sflag:$0xF], $0x2000, $0x38;
	[tilespmem:$0x10200] =	vst v63  }
0x375: {  	s3 =	simm.s32 @!p0 $0xF  }
0x376: {  	_ =	swait.ge @!p0 [sflag:s3], $0x2000  }
0x377: {  	[sflag:s3] =	ssyncset.done @!p0 $0x0  }
0x378: {  	[sflag:s3] =	ssyncadd.s32 @!p0 $0xFFFFE000  }
0x379: {  	v3 =	vld @!p0 [tilespmem:s13+$0xE0];
	_ =	sdelay $0x4  }
0x37a: {  	v4 =	vshll.u32 @!p0 v3, $0x2  }
0x37b: {  	v5 =	vlaneseq.u32 @!p0;
	v3 =	vand.u32 @!p0 $0x7, v3;
	v4 =	vand.u32 @!p0 $0xFFFFFFE0, v4  }
0x37c: {  	v6 =	vshrl.u32 @!p0 v5, $0x3;
	v3 =	vor.u32 @!p0 v3, v4;
	v4 =	vand.u32 @!p0 $0x7, v5  }
0x37d: {  	v6 =	vmul.u32 @!p0 $0x8, v6;
	v4 =	vperm.xlane @!p0 v3, v4;
	_ =	sdelay $0x1  }
0x37e: {  	v4 =	vadd.s32 @!p0 v6, v4  }
0x37f: {  	v5 =	vor.u32 @!p0 $0x8, v5  }
0x380: {  	v3 =	vperm.xlane @!p0 v3, v5;
	_ =	sdelay $0x1  }
0x381: {  	s3 =	simm.s32 @!p0 $0x0;
	s13 =	simm.s32 @!p0 $0xC200;
	v3 =	vadd.s32 @!p0 v6, v3  }
0x382: {  	[tilespmem:s13], [sflag:$0x7] =	stream.indirect_vreg.gather @!p0 [hbm4b:s2+s3], $0x80, v4, vm1, $0xb8;
	[tilespmem:$0x10200] =	vst v63  }
0x383: {  	s13 =	simm.s32 @!p0 $0xCA00  }
0x384: {  	[tilespmem:s13], [sflag:$0x7] =	stream.indirect_vreg.gather @!p0 [hbm4b:s8+s3], $0x80, v4, vm1, $0xb8;
	[tilespmem:$0x10200] =	vst v63  }
0x385: {  	s13 =	simm.s32 @!p0 $0xD200  }
0x386: {  	[tilespmem:s13], [sflag:$0x7] =	stream.indirect_vreg.gather @!p0 [hbm4b:s2+s3], $0x80, v3, vm1, $0xb8;
	[tilespmem:$0x10200] =	vst v63  }
0x387: {  	s13 =	simm.s32 @!p0 $0xDA00  }
0x388: {  	[tilespmem:s13], [sflag:$0x7] =	stream.indirect_vreg.gather @!p0 [hbm4b:s8+s3], $0x80, v3, vm1, $0xb8;
	[tilespmem:$0x10200] =	vst v63  }
0x389: {  	s26 =	simm.s32 $0x0;
	_ =	swait.ge [sflag:s16], $0x2000  }
0x38a: {  	s28 =	sand.u32 $0x1000, s26;
	s3 =	sand.u32 $0x380, s26;
	[sflag:s16] =	ssyncset.done $0x0  }
0x38b: {  	s13 =	sor.u32 s3, s28;
	[sflag:s16] =	ssyncadd.s32 $0xFFFFE000  }
0x38c: {  	v3 =	vld [tilespmem:s13+$0xE670]  }
0x38d: {  	v4 =	vld [tilespmem:s13+$0xEA00]  }
0x38e: {  	v5 =	vld [tilespmem:s13+$0xEA10]  }
0x38f: {  	v6 =	vld [tilespmem:s13+$0xE660]  }
0x390: {  	v7 =	vld [tilespmem:s13+$0xE650]  }
0x391: {  	v8 =	vld [tilespmem:s13+$0xEA20]  }
0x392: {  	v9 =	vld [tilespmem:s13+$0xE640]  }
0x393: {  	v10 =	vld [tilespmem:s13+$0xEE70]  }
0x394: {  	v11 =	vld [tilespmem:s13+$0xEE10]  }
0x395: {  	v12 =	vld [tilespmem:s13+$0xEE50]  }
0x396: {  	v16 =	vld [tilespmem:s13+$0xEA30]  }
0x397: {  	v17 =	vld [tilespmem:s13+$0xEA40]  }
0x398: {  	v14 =	vld [tilespmem:s13+$0xEE00]  }
0x399: {  	v13 =	vld [tilespmem:s13+$0xEE40]  }
0x39a: {  	v15 =	vld [tilespmem:s13+$0xE630];
	v11 =	vmul.f32 $2.262741660e+01, v11  }
0x39b: {  	v18 =	vld [tilespmem:s13+$0xE620];
	v10 =	vmul.f32 $2.262741660e+01, v10  }
0x39c: {  	v19 =	vld [tilespmem:s13+$0xE610];
	v12 =	vmul.f32 $2.262741660e+01, v12;
	[tilespmem:s13+$0xEE10] =	vst v11  }
0x39d: {  	v24 =	vld [tilespmem:s13+$0xE200];
	v14 =	vmul.f32 $2.262741660e+01, v14;
	[tilespmem:s13+$0xEE70] =	vst v10  }
0x39e: {  	v10 =	vld [tilespmem:s13+$0xEE20];
	v11 =	vmul.f32 $2.262741660e+01, v13;
	[tilespmem:s13+$0xEE50] =	vst v12  }
0x39f: {  	v15 =	vmul.f32 $2.262741660e+01, v15;
	v13 =	vld [tilespmem:s13+$0xE600];
	[tilespmem:s13+$0xEE00] =	vst v14  }
0x3a0: {  	v12 =	vld [tilespmem:s13+$0xE270];
	[tilespmem:s13+$0xEE40] =	vst v11;
	v11 =	vmul.f32 $2.262741660e+01, v18  }
0x3a1: {  	v20 =	vld [tilespmem:s13+$0xE260];
	[tilespmem:s13+$0xE630] =	vst v15;
	v18 =	vmul.f32 $2.262741660e+01, v9;
	v9 =	vmul.f32 $2.262741660e+01, v19  }
0x3a2: {  	v22 =	vld [tilespmem:s13+$0xEA60];
	v21 =	vmul.f32 $2.262741660e+01, v7;
	[tilespmem:s13+$0xE620] =	vst v11;
	v11 =	vmul.f32 $2.262741660e+01, v6  }
0x3a3: {  	v19 =	vld [tilespmem:s13+$0xEA50];
	[tilespmem:s13+$0xE610] =	vst v9;
	v9 =	vmul.f32 $2.262741660e+01, v8;
	v8 =	vmul.f32 $2.262741660e+01, v24  }
0x3a4: {  	v23 =	vld [tilespmem:s13+$0xEA70];
	[tilespmem:s13+$0xE650] =	vst v21;
	v7 =	vmul.f32 $2.262741660e+01, v10;
	v6 =	vmul.f32 $2.262741660e+01, v13  }
0x3a5: {  	v14 =	vld [tilespmem:s13+$0xE210];
	[tilespmem:s13+$0xE640] =	vst v18;
	v10 =	vmul.f32 $2.262741660e+01, v3;
	v3 =	vmul.f32 $2.262741660e+01, v12  }
0x3a6: {  	v15 =	vld [tilespmem:s13+$0xE240];
	v12 =	vmul.f32 $2.262741660e+01, v4;
	v4 =	vmul.f32 $2.262741660e+01, v20;
	[tilespmem:s13+$0xEE20] =	vst v7  }
0x3a7: {  	v13 =	vmul.f32 $2.262741660e+01, v5;
	[tilespmem:s13+$0xE270] =	vst v3;
	v3 =	vmul.f32 $2.262741660e+01, v16;
	v16 =	vld [tilespmem:s13+$0xE220]  }
0x3a8: {  	[tilespmem:s13+$0xE600] =	vst v6;
	v7 =	vmul.f32 $2.262741660e+01, v17;
	v5 =	vmul.f32 $2.262741660e+01, v19;
	v17 =	vld [tilespmem:s13+$0xE230]  }
0x3a9: {  	s22 =	simm.s32 $0x80;
	s3 =	simm.s32 $0x200;
	v18 =	vld [tilespmem:s13+$0xEE30];
	[tilespmem:s13+$0xE260] =	vst v4;
	v6 =	vmul.f32 $2.262741660e+01, v22;
	v4 =	vmul.f32 $2.262741660e+01, v23  }
.LBB2_17:
0x3aa: {  	s24 =	sand.u32 $0x1000, s3;
	s26 =	sand.u32 $0x380, s22;
	v14 =	vmul.f32 $2.262741660e+01, v14;
	[tilespmem:s13+$0xE660] =	vst v11;
	v11 =	vld [tilespmem:s13+$0xEE60]  }
0x3ab: {  	p1 =	sne.s32 s3, $0x1E00;
	s3 =	sadd.s32 $0x200, s3;
	s24 =	sor.u32 s26, s24;
	v15 =	vmul.f32 $2.262741660e+01, v15;
	v19 =	vld [tilespmem:s13+$0xE250];
	[tilespmem:s13+$0xE670] =	vst v10  }
0x3ac: {  	v10 =	vld [tilespmem:s24+$0xE670];
	v16 =	vmul.f32 $2.262741660e+01, v16;
	[tilespmem:s13+$0xEA00] =	vst v12  }
0x3ad: {  	v12 =	vld [tilespmem:s24+$0xEA00];
	v17 =	vmul.f32 $2.262741660e+01, v17;
	[tilespmem:s13+$0xEA10] =	vst v13  }
0x3ae: {  	v13 =	vld [tilespmem:s24+$0xEA10];
	[tilespmem:s13+$0xE220] =	vst v16;
	v16 =	vmul.f32 $2.262741660e+01, v18  }
0x3af: {  	v18 =	vld [tilespmem:s24+$0xE660];
	[tilespmem:s13+$0xE230] =	vst v17;
	v11 =	vmul.f32 $2.262741660e+01, v11  }
0x3b0: {  	v17 =	vld [tilespmem:s24+$0xE650];
	v19 =	vmul.f32 $2.262741660e+01, v19;
	[tilespmem:s13+$0xEA20] =	vst v9  }
0x3b1: {  	v9 =	vld [tilespmem:s24+$0xEA20];
	[tilespmem:s13+$0xEE30] =	vst v16  }
0x3b2: {  	v16 =	vld [tilespmem:s24+$0xE640];
	[tilespmem:s13+$0xE250] =	vst v19  }
0x3b3: {  	v19 =	vld [tilespmem:s24+$0xEE70];
	[tilespmem:s13+$0xE240] =	vst v15  }
0x3b4: {  	v15 =	vld [tilespmem:s24+$0xEE10];
	[tilespmem:s13+$0xEE60] =	vst v11  }
0x3b5: {  	v11 =	vld [tilespmem:s24+$0xEE50];
	[tilespmem:s13+$0xEA30] =	vst v3  }
0x3b6: {  	v3 =	vld [tilespmem:s24+$0xEA30];
	[tilespmem:s13+$0xEA40] =	vst v7  }
0x3b7: {  	v7 =	vld [tilespmem:s24+$0xEA40];
	[tilespmem:s13+$0xE210] =	vst v14  }
0x3b8: {  	v14 =	vld [tilespmem:s24+$0xEE40];
	[tilespmem:s13+$0xEA50] =	vst v5  }
0x3b9: {  	v19 =	vmul.f32 $2.262741660e+01, v19;
	v5 =	vld [tilespmem:s24+$0xEE00];
	[tilespmem:s13+$0xEA60] =	vst v6  }
0x3ba: {  	v6 =	vld [tilespmem:s24+$0xE630];
	[tilespmem:s13+$0xE200] =	vst v8  }
0x3bb: {  	v15 =	vmul.f32 $2.262741660e+01, v15;
	v8 =	vld [tilespmem:s24+$0xE620];
	[tilespmem:s13+$0xEA70] =	vst v4;
	s13 =	smov.u32 s24  }
0x3bc: {  	v11 =	vmul.f32 $2.262741660e+01, v11;
	v4 =	vld [tilespmem:s13+$0xE610];
	[tilespmem:s13+$0xEE70] =	vst v19  }
0x3bd: {  	v19 =	vmul.f32 $2.262741660e+01, v16;
	[tilespmem:s13+$0xEE10] =	vst v15;
	v15 =	vld [tilespmem:s13+$0xEE20];
	v14 =	vmul.f32 $2.262741660e+01, v14  }
0x3be: {  	v20 =	vmul.f32 $2.262741660e+01, v17;
	v16 =	vld [tilespmem:s13+$0xE600];
	v5 =	vmul.f32 $2.262741660e+01, v5;
	[tilespmem:s13+$0xEE50] =	vst v11  }
0x3bf: {  	v11 =	vmul.f32 $2.262741660e+01, v18;
	v17 =	vld [tilespmem:s13+$0xE270];
	v6 =	vmul.f32 $2.262741660e+01, v6;
	[tilespmem:s13+$0xEE40] =	vst v14  }
0x3c0: {  	v10 =	vmul.f32 $2.262741660e+01, v10;
	v18 =	vld [tilespmem:s13+$0xE260];
	v8 =	vmul.f32 $2.262741660e+01, v8;
	[tilespmem:s13+$0xEE00] =	vst v5  }
0x3c1: {  	v12 =	vmul.f32 $2.262741660e+01, v12;
	v4 =	vmul.f32 $2.262741660e+01, v4;
	[tilespmem:s13+$0xE630] =	vst v6;
	v5 =	vld [tilespmem:s13+$0xEA50]  }
0x3c2: {  	v13 =	vmul.f32 $2.262741660e+01, v13;
	[tilespmem:s13+$0xE620] =	vst v8;
	v6 =	vld [tilespmem:s13+$0xEA60];
	v8 =	vmul.f32 $2.262741660e+01, v15  }
0x3c3: {  	v9 =	vmul.f32 $2.262741660e+01, v9;
	v15 =	vmul.f32 $2.262741660e+01, v16;
	[tilespmem:s13+$0xE610] =	vst v4;
	v4 =	vld [tilespmem:s13+$0xEA70]  }
0x3c4: {  	v3 =	vmul.f32 $2.262741660e+01, v3;
	v21 =	vld [tilespmem:s13+$0xE200];
	v16 =	vmul.f32 $2.262741660e+01, v17;
	[tilespmem:s13+$0xEE20] =	vst v8  }
.Ltmp9:
0x3c5: {  	v7 =	vmul.f32 $2.262741660e+01, v7;
	v14 =	vld [tilespmem:s13+$0xE210];
	v8 =	vmul.f32 $2.262741660e+01, v18;
	[tilespmem:s13+$0xE600] =	vst v15;
	(pc) =	sbr.rel @p1 .LBB2_17-.Ltmp9, $4  }
0x3c6: {  	v15 =	vld [tilespmem:s13+$0xE240];
	[tilespmem:s13+$0xE270] =	vst v16;
	v5 =	vmul.f32 $2.262741660e+01, v5  }
0x3c7: {  	v16 =	vld [tilespmem:s13+$0xE220];
	[tilespmem:s13+$0xE260] =	vst v8;
	v6 =	vmul.f32 $2.262741660e+01, v6  }
0x3c8: {  	v17 =	vld [tilespmem:s13+$0xE230];
	[tilespmem:s13+$0xE640] =	vst v19;
	v4 =	vmul.f32 $2.262741660e+01, v4  }
0x3c9: {  	s22 =	sadd.s32 $0x80, s22;
	v8 =	vmul.f32 $2.262741660e+01, v21;
	[tilespmem:s13+$0xE650] =	vst v20;
	v18 =	vld [tilespmem:s13+$0xEE30]  }
0x3ca: {  	[tilespmem:s13+$0xE660] =	vst v11  }
0x3cb: {  	[tilespmem:s13+$0xE670] =	vst v10  }
0x3cc: {  	[tilespmem:s13+$0xEA00] =	vst v12  }
0x3cd: {  	[tilespmem:s13+$0xEA10] =	vst v13  }
0x3ce: {  	[tilespmem:s13+$0xEA20] =	vst v9  }
0x3cf: {  	[tilespmem:s13+$0xEA30] =	vst v3  }
0x3d0: {  	[tilespmem:s13+$0xEA40] =	vst v7  }
0x3d1: {  	[tilespmem:s13+$0xEA50] =	vst v5  }
0x3d2: {  	[tilespmem:s13+$0xEA60] =	vst v6  }
0x3d3: {  	v56 =	vld [tilespmem:s13+$0xE250];
	v63 =	vmul.f32 $2.262741660e+01, v14;
	[tilespmem:s13+$0xEA70] =	vst v4  }
0x3d4: {  	v58 =	vld [tilespmem:s13+$0xEE60];
	v61 =	vmul.f32 $2.262741660e+01, v15;
	[tilespmem:s13+$0xE200] =	vst v8  }
0x3d5: {  	v57 =	vmul.f32 $2.262741660e+01, v16;
	[tilespmem:s13+$0xE210] =	vst v63  }
0x3d6: {  	v59 =	vmul.f32 $2.262741660e+01, v17;
	[tilespmem:s13+$0xE240] =	vst v61  }
0x3d7: {  	[tilespmem:s13+$0xE220] =	vst v57;
	v60 =	vmul.f32 $2.262741660e+01, v18  }
.Ltmp10:
0x3d8: {  	[tilespmem:s13+$0xE230] =	vst v59;
	v11 =	vmul.f32 $2.262741660e+01, v56;
	(pc) =	sbr.rel @p0 .LBB2_20-.Ltmp10, $4  }
0x3d9: {  	v62 =	vmul.f32 $2.262741660e+01, v58;
	[tilespmem:s13+$0xEE30] =	vst v60  }
0x3da: {  	[tilespmem:s13+$0xE250] =	vst v11  }
0x3db: {  	s3 =	sadd.s32 $0x1C00, s19;
	[tilespmem:s13+$0xEE60] =	vst v62  }
0x3dc: {  	[hbm4b:s3+s4] =	stream.linear.scatter [tilespmem:s23], [sflag:$0x10], $0x2000, $0x38;
	[tilespmem:$0x10200] =	vst v63  }
0x3dd: {  	_ =	swait.ge [sflag:s20], $0x2000  }
0x3de: {  	[sflag:s20] =	ssyncset.done $0x0  }
0x3df: {  	s3 =	sand.u32 $0x3FFFFF80, s10;
	[sflag:s20] =	ssyncadd.s32 $0xFFFFE000  }
0x3e0: {  	v3 =	vld [tilespmem:s3+$0xF0];
	_ =	sdelay $0x4  }
0x3e1: {  	v4 =	vshll.u32 v3, $0x2  }
0x3e2: {  	v3 =	vand.u32 $0x7, v3;
	v4 =	vand.u32 $0xFFFFFFE0, v4  }
0x3e3: {  	v3 =	vor.u32 v3, v4  }
0x3e4: {  	v4 =	vperm.xlane v3, v0;
	_ =	sdelay $0x1  }
0x3e5: {  	v4 =	vadd.s32 v1, v4;
	_ =	sdelay $0x2  }
0x3e6: {  	v3 =	vperm.xlane v3, v2;
	_ =	sdelay $0x1  }
0x3e7: {  	v3 =	vadd.s32 v1, v3;
	[tilespmem:s23], [sflag:$0x8] =	stream.indirect_vreg.gather [hbm4b:s2+s4], $0x80, v4, vm0, $0xb8;
	[tilespmem:$0x10200] =	vst v63  }
0x3e8: {  	s24 =	simm.s32 $0xEA00  }
0x3e9: {  	[tilespmem:s24], [sflag:$0x8] =	stream.indirect_vreg.gather [hbm4b:s8+s4], $0x80, v4, vm0, $0xb8;
	[tilespmem:$0x10200] =	vst v63  }
.Ltmp11:
0x3ea: {  	_ = 	snop;
	(pc) =	sbr.rel .LBB2_2-.Ltmp11, $4  }
0x3eb: {  	s26 =	simm.s32 $0xF200  }
0x3ec: {  	[tilespmem:s26], [sflag:$0x8] =	stream.indirect_vreg.gather [hbm4b:s2+s4], $0x80, v3, vm0, $0xb8;
	[tilespmem:$0x10200] =	vst v63  }
0x3ed: {  	s28 =	simm.s32 $0xFA00;
	s7 =	sadd.s32 $0x1, s7  }
0x3ee: {  	[tilespmem:s28], [sflag:$0x8] =	stream.indirect_vreg.gather [hbm4b:s8+s4], $0x80, v3, vm0, $0xb8;
	[tilespmem:$0x10200] =	vst v63  }
.LBB2_21:
0x3ef: {  	_ =	sfence.sel $0x180000  }
0x3f0: {  	[bflag:$0x0] =	sbarrier.arrive $0xFFFF  }
0x3f1: {  	_ =	strace $0x90000047  }
0x3f2: {  	s0 =	stileid.u32;
	[bflag:$0x2] =	sbarrier.arrive $0xFFFF  }
0x3f3: {  	p0 =	sne.s32 s0, $0x0;
	s0 =	rddreg [dreg:$0x3]  }
0x3f4: {  	s0 =	sadd.s32 @!p0 $0x100000, s0  }
0x3f5: {  	[sflag:s0] =	ssyncadd.tile.s32 @!p0 $0x1;
	_ =	shalt  }
.Lfunc_end2:
_tile_overlayer_lowered:
.L_overlay_start_2:
0x3f6: {  	(tag) =	ssettag $0x2  }
0x3f7: {  	s0 =	rddreg [dreg:$0x0];
	s2 =	stileid.u32  }
0x3f8: {  	s1 =	rddreg [dreg:$0x1];
	p0 =	sne.s32 s2, $0x0  }
0x3f9: {  	s3 =	rddreg [dreg:$0x2];
	[bflag:$0x3] =	sbarrier.arrive $0xFFFF;
	s2 =	simm.s32 @!p0 $0x1C11  }
0x3fa: {  	[timem:s3], [sflag:s2] =	dma.local @!p0 [hbm:s0], s1  }
0x3fb: {  	s0 =	simm.s32 @!p0 $0x11  }
0x3fc: {  	_ =	swait.ge @!p0 [sflag:s0], s1  }
0x3fd: {  	s1 =	ssub.s32 @!p0 $0x0, s1;
	[sflag:s0] =	ssyncset.done @!p0 $0x0  }
0x3fe: {  	[sflag:s0] =	ssyncadd.s32 @!p0 s1  }
0x3ff: {  	[bflag:$0x3] =	sbarrier.arrive $0xFFFF  }
0x400: {  	_ =	shalt  }

</sc_bundles>
